<compile_context>
chip_gen: v7x
topology: tpu7x:2x2x1
jax: 0.10.2.dev20260603
libtpu: 0.0.44.dev20260713+nightly
codegen_flags: <defaults>
</compile_context>

<pallas_src>
import functools

import jax
import jax.numpy as jnp
from jax import lax
from jax.experimental import pallas as pl
from jax.experimental.pallas import tpu as pltpu
from jax.experimental.pallas import tpu_sc as plsc

_NUM_SCALES = 16
_DIM = 64
_LANES = 16
_GROUPS = _DIM // _LANES

_NC = 2
_NS = 16
_NW = _NC * _NS

_CHUNK = 400


_NBUF = 2


def _sc_body(x_hbm, p_hbm, emb_hbm, out_hbm,
             buf0, buf1, idx0, idx1, table, sout0, sout1):
    bufs = (buf0, buf1)
    idxs = (idx0, idx1)
    souts = (sout0, sout1)

    n_rows = x_hbm.shape[0]
    rows_per_w = n_rows // _NW
    n_chunks = rows_per_w // _CHUNK

    wid = lax.axis_index("s") * _NC + lax.axis_index("c")
    w_base = wid * rows_per_w

    def start_out(g, b):
        start = w_base + g * _CHUNK
        pltpu.async_copy(bufs[b], out_hbm.at[pl.ds(start, _CHUNK)], souts[b])

    def wait_out(b):
        pltpu.make_async_copy(
            bufs[b], out_hbm.at[pl.ds(0, _CHUNK)], souts[b]).wait()

    def compute(b):
        buf, idxbuf = bufs[b], idxs[b]

        @plsc.parallel_loop(0, _CHUNK // _LANES, unroll=1)
        def row_body(rb):
            r0 = rb * _LANES
            pvec = idxbuf[pl.ds(r0, _LANES)]
            for i in range(_LANES):
                p = pvec[i]
                ins = [buf[r0 + i, pl.ds(q * _LANES, _LANES)]
                       for q in range(_GROUPS)]
                embs = [table[p, pl.ds(q * _LANES, _LANES)]
                        for q in range(_GROUPS)]
                sums = [a + c for a, c in zip(ins, embs)]
                for q in range(_GROUPS):
                    buf[r0 + i, pl.ds(q * _LANES, _LANES)] = sums[q]

    pltpu.sync_copy(emb_hbm, table)

    def outer(go, carry):
        for b in range(_NBUF):
            g = go * _NBUF + b

            @pl.when(go > 0)
            def _():
                wait_out(b)

            start = w_base + g * _CHUNK
            pltpu.sync_copy(x_hbm.at[pl.ds(start, _CHUNK)], bufs[b])
            pltpu.sync_copy(p_hbm.at[pl.ds(start, _CHUNK)], idxs[b])
            compute(b)
            start_out(g, b)
        return carry

    lax.fori_loop(0, n_chunks // _NBUF, outer, 0)

    for b in range(_NBUF):
        wait_out(b)


def kernel(inputs, inputs_scale_positions, scale_emb):
    b, l, d = inputs.shape
    n = b * l
    x = inputs.reshape(n, d)
    p = inputs_scale_positions.reshape(n)

    mesh = plsc.VectorSubcoreMesh(core_axis_name="c", subcore_axis_name="s")
    run = pl.kernel(
        _sc_body,
        mesh=mesh,
        compiler_params=pltpu.CompilerParams(use_tc_tiling_on_sc=True),
        out_type=jax.ShapeDtypeStruct((n, d), jnp.float32),
        scratch_types=(
            [pltpu.VMEM((_CHUNK, d), jnp.float32) for _ in range(_NBUF)]
            + [pltpu.VMEM((_CHUNK,), jnp.int32) for _ in range(_NBUF)]
            + [pltpu.VMEM((_NUM_SCALES, d), jnp.float32)]
            + [pltpu.SemaphoreType.DMA for _ in range(_NBUF)]
        ),
    )
    out = run(x, p, scale_emb)
    return out.reshape(b, l, d)

# --- scband reference (transcript-rebuilt; emitter-appended) ---
"""Pipeline reference for scband-add-scale-embs-57294863729339 (READ-ONLY COPY).

The authoritative reference and input builder live on the scoring server;
editing this copy changes nothing except your own understanding.
"""

import jax, jax.numpy as jnp
import numpy as np

NUM_SCALES = 16
DIM = 64
B = 4096
L = 200

def setup_inputs(seed: int = 0) -> dict:
    key = jax.random.key(seed)
    k1, k2, k3 = jax.random.split(key, 3)
    inputs = jax.random.normal(k1, (B, L, DIM), dtype=jnp.float32)
    inputs_scale_positions = jax.random.randint(k2, (B, L), 0, NUM_SCALES, dtype=jnp.int32)
    scale_emb = jax.random.normal(k3, (NUM_SCALES, DIM), dtype=jnp.float32) * 0.02
    return {"inputs": inputs, "inputs_scale_positions": inputs_scale_positions, "scale_emb": scale_emb}

def reference(inputs, inputs_scale_positions, scale_emb):
    # gather scale embeddings by position then add (embedding lookup -> SparseCore gather)
    gathered = jnp.take(scale_emb, inputs_scale_positions, axis=0)
    return inputs + gathered

if __name__ == "__main__":
    import jax
    _d = setup_inputs()
    print(jax.jit(kernel)(*tuple(_d.values())))

</pallas_src>

<mosaic_0001>
#map = affine_map<(d0, d1) -> (0, 0)>
#map1 = affine_map<(d0, d1) -> (0)>
module attributes {stable_mosaic.version = 14 : i64} {
  func.func @_sc_body(%arg0: i32, %arg1: i32, %arg2: memref<819200x64xf32, #tpu.memory_space<hbm>>, %arg3: memref<819200xi32, #tpu.memory_space<hbm>>, %arg4: memref<16x64xf32, #tpu.memory_space<hbm>>, %arg5: memref<819200x64xf32, #tpu.memory_space<hbm>>, %arg6: memref<400x64xf32, #tpu.memory_space<vmem>>, %arg7: memref<400x64xf32, #tpu.memory_space<vmem>>, %arg8: memref<400xi32, #tpu.memory_space<vmem>>, %arg9: memref<400xi32, #tpu.memory_space<vmem>>, %arg10: memref<16x64xf32, #tpu.memory_space<vmem>>, %arg11: memref<!tpu.dma_semaphore, #tpu.memory_space<semaphore_mem>>, %arg12: memref<!tpu.dma_semaphore, #tpu.memory_space<semaphore_mem>>) attributes {dimension_semantics = [#tpu.dimension_semantics<core_parallel>, #tpu.dimension_semantics<subcore_parallel>], iteration_bounds = array<i64: 2, 16>, scalar_prefetch = 0 : i64, scratch_operands = 7 : i64, tpu.core_type = #tpu.core_type<sc_vector_subcore>, window_params = [{transform_indices = #map}, {transform_indices = #map1}, {transform_indices = #map}, {transform_indices = #map}]} {
    %mul3A = arith.constant 2 : i32
    %mul3A_0 = arith.muli %arg1, %mul3A : i32
    %add3A = arith.addi %mul3A_0, %arg0 : i32
    %mul3A_1 = arith.constant 25600 : i32
    %mul3A_2 = arith.muli %add3A, %mul3A_1 : i32
    "tpu.region"() ({
      %run_scoped3A = tpu.sem_alloc : memref<!tpu.dma_semaphore, #tpu.memory_space<semaphore_mem>>
      tpu.enqueue_dma source(%arg4 : memref<16x64xf32, #tpu.memory_space<hbm>>) target(%arg10 : memref<16x64xf32, #tpu.memory_space<vmem>>) target_semaphore(%run_scoped3A : memref<!tpu.dma_semaphore, #tpu.memory_space<semaphore_mem>>)
      tpu.wait_dma2 semaphore(%run_scoped3A : memref<!tpu.dma_semaphore, #tpu.memory_space<semaphore_mem>>) src(%arg4 : memref<16x64xf32, #tpu.memory_space<hbm>>) dst(%arg10 : memref<16x64xf32, #tpu.memory_space<vmem>>)
      tpu.yield
    }) : () -> ()
    %scan3A = arith.constant 0 : i32
    %scan3A_3 = arith.constant 0 : i32
    %scan3A_4 = arith.constant 32 : i32
    %scan3A_5 = arith.addi %scan3A_3, %scan3A_4 : i32
    %scan3A_6 = arith.constant 1 : i32
    scf.for %scan3A_19 = %scan3A_3 to %scan3A_5 step %scan3A_6  : i32 {
      %mul3A_20 = arith.constant 2 : i32
      %mul3A_21 = arith.muli %scan3A_19, %mul3A_20 : i32
      %add3A_22 = arith.constant 0 : i32
      %add3A_23 = arith.addi %mul3A_21, %add3A_22 : i32
      %gt3A = arith.constant 0 : i32
      %gt3A_24 = arith.cmpi sgt, %scan3A_19, %gt3A : i32
      %convert_element_type3A = arith.extui %gt3A_24 : i1 to i32
      %cond3A = arith.constant 0 : i32
      %cond3A_25 = arith.cmpi ne, %convert_element_type3A, %cond3A : i32
      scf.if %cond3A_25 {
        %dma_wait3A_59 = arith.constant 0 : i32
        %dma_wait3A_60 = arith.constant 0 : i32
        %dma_wait3A_61 = tpu.memref_slice %arg5[%dma_wait3A_59, %dma_wait3A_60] : memref<819200x64xf32, #tpu.memory_space<hbm>> -> memref<400x64xf32, #tpu.memory_space<hbm>>
        %dma_wait3A_62 = arith.constant 0 : i32
        %dma_wait3A_63 = arith.constant 0 : i32
        %dma_wait3A_64 = tpu.memref_slice %arg5[%dma_wait3A_62, %dma_wait3A_63] : memref<819200x64xf32, #tpu.memory_space<hbm>> -> memref<400x64xf32, #tpu.memory_space<hbm>>
        tpu.wait_dma2 semaphore(%arg11 : memref<!tpu.dma_semaphore, #tpu.memory_space<semaphore_mem>>) src(%arg6 : memref<400x64xf32, #tpu.memory_space<vmem>>) dst(%dma_wait3A_64 : memref<400x64xf32, #tpu.memory_space<hbm>>)
      } else {
      }
      %mul3A_26 = arith.constant 400 : i32
      %mul3A_27 = arith.muli %add3A_23, %mul3A_26 : i32
      %add3A_28 = arith.addi %mul3A_2, %mul3A_27 : i32
      "tpu.region"() ({
        %run_scoped3A = tpu.sem_alloc : memref<!tpu.dma_semaphore, #tpu.memory_space<semaphore_mem>>
        %dma_start3A_59 = arith.constant 0 : i32
        %dma_start3A_60 = tpu.memref_slice %arg2[%add3A_28, %dma_start3A_59] : memref<819200x64xf32, #tpu.memory_space<hbm>> -> memref<400x64xf32, #tpu.memory_space<hbm>>
        %dma_start3A_61 = arith.constant 0 : i32
        %dma_start3A_62 = tpu.memref_slice %arg2[%add3A_28, %dma_start3A_61] : memref<819200x64xf32, #tpu.memory_space<hbm>> -> memref<400x64xf32, #tpu.memory_space<hbm>>
        tpu.enqueue_dma source(%dma_start3A_62 : memref<400x64xf32, #tpu.memory_space<hbm>>) target(%arg6 : memref<400x64xf32, #tpu.memory_space<vmem>>) target_semaphore(%run_scoped3A : memref<!tpu.dma_semaphore, #tpu.memory_space<semaphore_mem>>)
        %dma_wait3A_63 = arith.constant 0 : i32
        %dma_wait3A_64 = tpu.memref_slice %arg2[%add3A_28, %dma_wait3A_63] : memref<819200x64xf32, #tpu.memory_space<hbm>> -> memref<400x64xf32, #tpu.memory_space<hbm>>
        %dma_wait3A_65 = arith.constant 0 : i32
        %dma_wait3A_66 = tpu.memref_slice %arg2[%add3A_28, %dma_wait3A_65] : memref<819200x64xf32, #tpu.memory_space<hbm>> -> memref<400x64xf32, #tpu.memory_space<hbm>>
        tpu.wait_dma2 semaphore(%run_scoped3A : memref<!tpu.dma_semaphore, #tpu.memory_space<semaphore_mem>>) src(%dma_wait3A_66 : memref<400x64xf32, #tpu.memory_space<hbm>>) dst(%arg6 : memref<400x64xf32, #tpu.memory_space<vmem>>)
        tpu.yield
      }) : () -> ()
      "tpu.region"() ({
        %run_scoped3A = tpu.sem_alloc : memref<!tpu.dma_semaphore, #tpu.memory_space<semaphore_mem>>
        %dma_start3A_59 = tpu.memref_slice %arg3[%add3A_28] : memref<819200xi32, #tpu.memory_space<hbm>> -> memref<400xi32, #tpu.memory_space<hbm>>
        %dma_start3A_60 = tpu.memref_slice %arg3[%add3A_28] : memref<819200xi32, #tpu.memory_space<hbm>> -> memref<400xi32, #tpu.memory_space<hbm>>
        tpu.enqueue_dma source(%dma_start3A_60 : memref<400xi32, #tpu.memory_space<hbm>>) target(%arg8 : memref<400xi32, #tpu.memory_space<vmem>>) target_semaphore(%run_scoped3A : memref<!tpu.dma_semaphore, #tpu.memory_space<semaphore_mem>>)
        %dma_wait3A_61 = tpu.memref_slice %arg3[%add3A_28] : memref<819200xi32, #tpu.memory_space<hbm>> -> memref<400xi32, #tpu.memory_space<hbm>>
        %dma_wait3A_62 = tpu.memref_slice %arg3[%add3A_28] : memref<819200xi32, #tpu.memory_space<hbm>> -> memref<400xi32, #tpu.memory_space<hbm>>
        tpu.wait_dma2 semaphore(%run_scoped3A : memref<!tpu.dma_semaphore, #tpu.memory_space<semaphore_mem>>) src(%dma_wait3A_62 : memref<400xi32, #tpu.memory_space<hbm>>) dst(%arg8 : memref<400xi32, #tpu.memory_space<vmem>>)
        tpu.yield
      }) : () -> ()
      %parallel_loop3A = arith.constant 0 : i32
      %parallel_loop3A_29 = arith.constant 25 : i32
      %parallel_loop3A_30 = arith.constant 1 : i32
      scf.for %parallel_loop3A_59 = %parallel_loop3A to %parallel_loop3A_29 step %parallel_loop3A_30  : i32 {
        %parallel_loop3A_60 = arith.constant 16 : i32
        %parallel_loop3A_61 = arith.muli %parallel_loop3A_59, %parallel_loop3A_60 : i32
        %parallel_loop3A_62 = arith.index_cast %parallel_loop3A_61 : i32 to index
        %parallel_loop3A_63 = tpu.vector_load %arg8[%parallel_loop3A_62] {strides = array<i32>} : memref<400xi32, #tpu.memory_space<vmem>>, vector<16xi32>,
        %parallel_loop3A_64 = vector.shape_cast %parallel_loop3A_63 : vector<16xi32> to vector<16xi32>
        %parallel_loop3A_65 = vector.extract_strided_slice %parallel_loop3A_64 {offsets = [0], sizes = [1], strides = [1]} : vector<16xi32> to vector<1xi32>
        %parallel_loop3A_66 = vector.extract %parallel_loop3A_65[0] : i32 from vector<1xi32>
        %parallel_loop3A_67 = arith.constant 0 : i32
        %parallel_loop3A_68 = arith.addi %parallel_loop3A_61, %parallel_loop3A_67 : i32
        %parallel_loop3A_69 = arith.index_cast %parallel_loop3A_68 : i32 to index
        %parallel_loop3A_70 = arith.constant 0 : index
        %parallel_loop3A_71 = tpu.vector_load %arg6[%parallel_loop3A_69, %parallel_loop3A_70] {strides = array<i32>} : memref<400x64xf32, #tpu.memory_space<vmem>>, vector<1x16xf32>,
        %parallel_loop3A_72 = vector.shape_cast %parallel_loop3A_71 : vector<1x16xf32> to vector<16xf32>
        %parallel_loop3A_73 = arith.constant 0 : i32
        %parallel_loop3A_74 = arith.addi %parallel_loop3A_61, %parallel_loop3A_73 : i32
        %parallel_loop3A_75 = arith.index_cast %parallel_loop3A_74 : i32 to index
        %parallel_loop3A_76 = arith.constant 16 : index
        %parallel_loop3A_77 = tpu.vector_load %arg6[%parallel_loop3A_75, %parallel_loop3A_76] {strides = array<i32>} : memref<400x64xf32, #tpu.memory_space<vmem>>, vector<1x16xf32>,
        %parallel_loop3A_78 = vector.shape_cast %parallel_loop3A_77 : vector<1x16xf32> to vector<16xf32>
        %parallel_loop3A_79 = arith.constant 0 : i32
        %parallel_loop3A_80 = arith.addi %parallel_loop3A_61, %parallel_loop3A_79 : i32
        %parallel_loop3A_81 = arith.index_cast %parallel_loop3A_80 : i32 to index
        %parallel_loop3A_82 = arith.constant 32 : index
        %parallel_loop3A_83 = tpu.vector_load %arg6[%parallel_loop3A_81, %parallel_loop3A_82] {strides = array<i32>} : memref<400x64xf32, #tpu.memory_space<vmem>>, vector<1x16xf32>,
        %parallel_loop3A_84 = vector.shape_cast %parallel_loop3A_83 : vector<1x16xf32> to vector<16xf32>
        %parallel_loop3A_85 = arith.constant 0 : i32
        %parallel_loop3A_86 = arith.addi %parallel_loop3A_61, %parallel_loop3A_85 : i32
        %parallel_loop3A_87 = arith.index_cast %parallel_loop3A_86 : i32 to index
        %parallel_loop3A_88 = arith.constant 48 : index
        %parallel_loop3A_89 = tpu.vector_load %arg6[%parallel_loop3A_87, %parallel_loop3A_88] {strides = array<i32>} : memref<400x64xf32, #tpu.memory_space<vmem>>, vector<1x16xf32>,
        %parallel_loop3A_90 = vector.shape_cast %parallel_loop3A_89 : vector<1x16xf32> to vector<16xf32>
        %parallel_loop3A_91 = arith.index_cast %parallel_loop3A_66 : i32 to index
        %parallel_loop3A_92 = arith.constant 0 : index
        %parallel_loop3A_93 = tpu.vector_load %arg10[%parallel_loop3A_91, %parallel_loop3A_92] {strides = array<i32>} : memref<16x64xf32, #tpu.memory_space<vmem>>, vector<1x16xf32>,
        %parallel_loop3A_94 = vector.shape_cast %parallel_loop3A_93 : vector<1x16xf32> to vector<16xf32>
        %parallel_loop3A_95 = arith.index_cast %parallel_loop3A_66 : i32 to index
        %parallel_loop3A_96 = arith.constant 16 : index
        %parallel_loop3A_97 = tpu.vector_load %arg10[%parallel_loop3A_95, %parallel_loop3A_96] {strides = array<i32>} : memref<16x64xf32, #tpu.memory_space<vmem>>, vector<1x16xf32>,
        %parallel_loop3A_98 = vector.shape_cast %parallel_loop3A_97 : vector<1x16xf32> to vector<16xf32>
        %parallel_loop3A_99 = arith.index_cast %parallel_loop3A_66 : i32 to index
        %parallel_loop3A_100 = arith.constant 32 : index
        %parallel_loop3A_101 = tpu.vector_load %arg10[%parallel_loop3A_99, %parallel_loop3A_100] {strides = array<i32>} : memref<16x64xf32, #tpu.memory_space<vmem>>, vector<1x16xf32>,
        %parallel_loop3A_102 = vector.shape_cast %parallel_loop3A_101 : vector<1x16xf32> to vector<16xf32>
        %parallel_loop3A_103 = arith.index_cast %parallel_loop3A_66 : i32 to index
        %parallel_loop3A_104 = arith.constant 48 : index
        %parallel_loop3A_105 = tpu.vector_load %arg10[%parallel_loop3A_103, %parallel_loop3A_104] {strides = array<i32>} : memref<16x64xf32, #tpu.memory_space<vmem>>, vector<1x16xf32>,
        %parallel_loop3A_106 = vector.shape_cast %parallel_loop3A_105 : vector<1x16xf32> to vector<16xf32>
        %parallel_loop3A_107 = arith.addf %parallel_loop3A_72, %parallel_loop3A_94 : vector<16xf32>
        %parallel_loop3A_108 = arith.addf %parallel_loop3A_78, %parallel_loop3A_98 : vector<16xf32>
        %parallel_loop3A_109 = arith.addf %parallel_loop3A_84, %parallel_loop3A_102 : vector<16xf32>
        %parallel_loop3A_110 = arith.addf %parallel_loop3A_90, %parallel_loop3A_106 : vector<16xf32>
        %parallel_loop3A_111 = arith.constant 0 : i32
        %parallel_loop3A_112 = arith.addi %parallel_loop3A_61, %parallel_loop3A_111 : i32
        %parallel_loop3A_113 = arith.index_cast %parallel_loop3A_112 : i32 to index
        %parallel_loop3A_114 = arith.constant 0 : index
        %parallel_loop3A_115 = tpu.vector_load %arg6[%parallel_loop3A_113, %parallel_loop3A_114] {strides = array<i32>} : memref<400x64xf32, #tpu.memory_space<vmem>>, vector<1x16xf32>,
        %parallel_loop3A_116 = vector.shape_cast %parallel_loop3A_115 : vector<1x16xf32> to vector<16xf32>
        %parallel_loop3A_117 = vector.shape_cast %parallel_loop3A_107 : vector<16xf32> to vector<1x16xf32>
        tpu.vector_store %arg6[%parallel_loop3A_113, %parallel_loop3A_114], %parallel_loop3A_117 {strides = array<i32>} : memref<400x64xf32, #tpu.memory_space<vmem>>, vector<1x16xf32>,
        %parallel_loop3A_118 = arith.constant 0 : i32
        %parallel_loop3A_119 = arith.addi %parallel_loop3A_61, %parallel_loop3A_118 : i32
        %parallel_loop3A_120 = arith.index_cast %parallel_loop3A_119 : i32 to index
        %parallel_loop3A_121 = arith.constant 16 : index
        %parallel_loop3A_122 = tpu.vector_load %arg6[%parallel_loop3A_120, %parallel_loop3A_121] {strides = array<i32>} : memref<400x64xf32, #tpu.memory_space<vmem>>, vector<1x16xf32>,
        %parallel_loop3A_123 = vector.shape_cast %parallel_loop3A_122 : vector<1x16xf32> to vector<16xf32>
        %parallel_loop3A_124 = vector.shape_cast %parallel_loop3A_108 : vector<16xf32> to vector<1x16xf32>
        tpu.vector_store %arg6[%parallel_loop3A_120, %parallel_loop3A_121], %parallel_loop3A_124 {strides = array<i32>} : memref<400x64xf32, #tpu.memory_space<vmem>>, vector<1x16xf32>,
        %parallel_loop3A_125 = arith.constant 0 : i32
        %parallel_loop3A_126 = arith.addi %parallel_loop3A_61, %parallel_loop3A_125 : i32
        %parallel_loop3A_127 = arith.index_cast %parallel_loop3A_126 : i32 to index
        %parallel_loop3A_128 = arith.constant 32 : index
        %parallel_loop3A_129 = tpu.vector_load %arg6[%parallel_loop3A_127, %parallel_loop3A_128] {strides = array<i32>} : memref<400x64xf32, #tpu.memory_space<vmem>>, vector<1x16xf32>,
        %parallel_loop3A_130 = vector.shape_cast %parallel_loop3A_129 : vector<1x16xf32> to vector<16xf32>
        %parallel_loop3A_131 = vector.shape_cast %parallel_loop3A_109 : vector<16xf32> to vector<1x16xf32>
        tpu.vector_store %arg6[%parallel_loop3A_127, %parallel_loop3A_128], %parallel_loop3A_131 {strides = array<i32>} : memref<400x64xf32, #tpu.memory_space<vmem>>, vector<1x16xf32>,
        %parallel_loop3A_132 = arith.constant 0 : i32
        %parallel_loop3A_133 = arith.addi %parallel_loop3A_61, %parallel_loop3A_132 : i32
        %parallel_loop3A_134 = arith.index_cast %parallel_loop3A_133 : i32 to index
        %parallel_loop3A_135 = arith.constant 48 : index
        %parallel_loop3A_136 = tpu.vector_load %arg6[%parallel_loop3A_134, %parallel_loop3A_135] {strides = array<i32>} : memref<400x64xf32, #tpu.memory_space<vmem>>, vector<1x16xf32>,
        %parallel_loop3A_137 = vector.shape_cast %parallel_loop3A_136 : vector<1x16xf32> to vector<16xf32>
        %parallel_loop3A_138 = vector.shape_cast %parallel_loop3A_110 : vector<16xf32> to vector<1x16xf32>
        tpu.vector_store %arg6[%parallel_loop3A_134, %parallel_loop3A_135], %parallel_loop3A_138 {strides = array<i32>} : memref<400x64xf32, #tpu.memory_space<vmem>>, vector<1x16xf32>,
        %parallel_loop3A_139 = vector.extract_strided_slice %parallel_loop3A_64 {offsets = [1], sizes = [1], strides = [1]} : vector<16xi32> to vector<1xi32>
        %parallel_loop3A_140 = vector.extract %parallel_loop3A_139[0] : i32 from vector<1xi32>
        %parallel_loop3A_141 = arith.constant 1 : i32
        %parallel_loop3A_142 = arith.addi %parallel_loop3A_61, %parallel_loop3A_141 : i32
        %parallel_loop3A_143 = arith.index_cast %parallel_loop3A_142 : i32 to index
        %parallel_loop3A_144 = arith.constant 0 : index
        %parallel_loop3A_145 = tpu.vector_load %arg6[%parallel_loop3A_143, %parallel_loop3A_144] {strides = array<i32>} : memref<400x64xf32, #tpu.memory_space<vmem>>, vector<1x16xf32>,
        %parallel_loop3A_146 = vector.shape_cast %parallel_loop3A_145 : vector<1x16xf32> to vector<16xf32>
        %parallel_loop3A_147 = arith.constant 1 : i32
        %parallel_loop3A_148 = arith.addi %parallel_loop3A_61, %parallel_loop3A_147 : i32
        %parallel_loop3A_149 = arith.index_cast %parallel_loop3A_148 : i32 to index
        %parallel_loop3A_150 = arith.constant 16 : index
        %parallel_loop3A_151 = tpu.vector_load %arg6[%parallel_loop3A_149, %parallel_loop3A_150] {strides = array<i32>} : memref<400x64xf32, #tpu.memory_space<vmem>>, vector<1x16xf32>,
        %parallel_loop3A_152 = vector.shape_cast %parallel_loop3A_151 : vector<1x16xf32> to vector<16xf32>
        %parallel_loop3A_153 = arith.constant 1 : i32
        %parallel_loop3A_154 = arith.addi %parallel_loop3A_61, %parallel_loop3A_153 : i32
        %parallel_loop3A_155 = arith.index_cast %parallel_loop3A_154 : i32 to index
        %parallel_loop3A_156 = arith.constant 32 : index
        %parallel_loop3A_157 = tpu.vector_load %arg6[%parallel_loop3A_155, %parallel_loop3A_156] {strides = array<i32>} : memref<400x64xf32, #tpu.memory_space<vmem>>, vector<1x16xf32>,
        %parallel_loop3A_158 = vector.shape_cast %parallel_loop3A_157 : vector<1x16xf32> to vector<16xf32>
        %parallel_loop3A_159 = arith.constant 1 : i32
        %parallel_loop3A_160 = arith.addi %parallel_loop3A_61, %parallel_loop3A_159 : i32
        %parallel_loop3A_161 = arith.index_cast %parallel_loop3A_160 : i32 to index
        %parallel_loop3A_162 = arith.constant 48 : index
        %parallel_loop3A_163 = tpu.vector_load %arg6[%parallel_loop3A_161, %parallel_loop3A_162] {strides = array<i32>} : memref<400x64xf32, #tpu.memory_space<vmem>>, vector<1x16xf32>,
        %parallel_loop3A_164 = vector.shape_cast %parallel_loop3A_163 : vector<1x16xf32> to vector<16xf32>
        %parallel_loop3A_165 = arith.index_cast %parallel_loop3A_140 : i32 to index
        %parallel_loop3A_166 = arith.constant 0 : index
        %parallel_loop3A_167 = tpu.vector_load %arg10[%parallel_loop3A_165, %parallel_loop3A_166] {strides = array<i32>} : memref<16x64xf32, #tpu.memory_space<vmem>>, vector<1x16xf32>,
        %parallel_loop3A_168 = vector.shape_cast %parallel_loop3A_167 : vector<1x16xf32> to vector<16xf32>
        %parallel_loop3A_169 = arith.index_cast %parallel_loop3A_140 : i32 to index
        %parallel_loop3A_170 = arith.constant 16 : index
        %parallel_loop3A_171 = tpu.vector_load %arg10[%parallel_loop3A_169, %parallel_loop3A_170] {strides = array<i32>} : memref<16x64xf32, #tpu.memory_space<vmem>>, vector<1x16xf32>,
        %parallel_loop3A_172 = vector.shape_cast %parallel_loop3A_171 : vector<1x16xf32> to vector<16xf32>
        %parallel_loop3A_173 = arith.index_cast %parallel_loop3A_140 : i32 to index
        %parallel_loop3A_174 = arith.constant 32 : index
        %parallel_loop3A_175 = tpu.vector_load %arg10[%parallel_loop3A_173, %parallel_loop3A_174] {strides = array<i32>} : memref<16x64xf32, #tpu.memory_space<vmem>>, vector<1x16xf32>,
        %parallel_loop3A_176 = vector.shape_cast %parallel_loop3A_175 : vector<1x16xf32> to vector<16xf32>
        %parallel_loop3A_177 = arith.index_cast %parallel_loop3A_140 : i32 to index
        %parallel_loop3A_178 = arith.constant 48 : index
        %parallel_loop3A_179 = tpu.vector_load %arg10[%parallel_loop3A_177, %parallel_loop3A_178] {strides = array<i32>} : memref<16x64xf32, #tpu.memory_space<vmem>>, vector<1x16xf32>,
        %parallel_loop3A_180 = vector.shape_cast %parallel_loop3A_179 : vector<1x16xf32> to vector<16xf32>
        %parallel_loop3A_181 = arith.addf %parallel_loop3A_146, %parallel_loop3A_168 : vector<16xf32>
        %parallel_loop3A_182 = arith.addf %parallel_loop3A_152, %parallel_loop3A_172 : vector<16xf32>
        %parallel_loop3A_183 = arith.addf %parallel_loop3A_158, %parallel_loop3A_176 : vector<16xf32>
        %parallel_loop3A_184 = arith.addf %parallel_loop3A_164, %parallel_loop3A_180 : vector<16xf32>
        %parallel_loop3A_185 = arith.constant 1 : i32
        %parallel_loop3A_186 = arith.addi %parallel_loop3A_61, %parallel_loop3A_185 : i32
        %parallel_loop3A_187 = arith.index_cast %parallel_loop3A_186 : i32 to index
        %parallel_loop3A_188 = arith.constant 0 : index
        %parallel_loop3A_189 = tpu.vector_load %arg6[%parallel_loop3A_187, %parallel_loop3A_188] {strides = array<i32>} : memref<400x64xf32, #tpu.memory_space<vmem>>, vector<1x16xf32>,
        %parallel_loop3A_190 = vector.shape_cast %parallel_loop3A_189 : vector<1x16xf32> to vector<16xf32>
        %parallel_loop3A_191 = vector.shape_cast %parallel_loop3A_181 : vector<16xf32> to vector<1x16xf32>
        tpu.vector_store %arg6[%parallel_loop3A_187, %parallel_loop3A_188], %parallel_loop3A_191 {strides = array<i32>} : memref<400x64xf32, #tpu.memory_space<vmem>>, vector<1x16xf32>,
        %parallel_loop3A_192 = arith.constant 1 : i32
        %parallel_loop3A_193 = arith.addi %parallel_loop3A_61, %parallel_loop3A_192 : i32
        %parallel_loop3A_194 = arith.index_cast %parallel_loop3A_193 : i32 to index
        %parallel_loop3A_195 = arith.constant 16 : index
        %parallel_loop3A_196 = tpu.vector_load %arg6[%parallel_loop3A_194, %parallel_loop3A_195] {strides = array<i32>} : memref<400x64xf32, #tpu.memory_space<vmem>>, vector<1x16xf32>,
        %parallel_loop3A_197 = vector.shape_cast %parallel_loop3A_196 : vector<1x16xf32> to vector<16xf32>
        %parallel_loop3A_198 = vector.shape_cast %parallel_loop3A_182 : vector<16xf32> to vector<1x16xf32>
        tpu.vector_store %arg6[%parallel_loop3A_194, %parallel_loop3A_195], %parallel_loop3A_198 {strides = array<i32>} : memref<400x64xf32, #tpu.memory_space<vmem>>, vector<1x16xf32>,
        %parallel_loop3A_199 = arith.constant 1 : i32
        %parallel_loop3A_200 = arith.addi %parallel_loop3A_61, %parallel_loop3A_199 : i32
        %parallel_loop3A_201 = arith.index_cast %parallel_loop3A_200 : i32 to index
        %parallel_loop3A_202 = arith.constant 32 : index
        %parallel_loop3A_203 = tpu.vector_load %arg6[%parallel_loop3A_201, %parallel_loop3A_202] {strides = array<i32>} : memref<400x64xf32, #tpu.memory_space<vmem>>, vector<1x16xf32>,
        %parallel_loop3A_204 = vector.shape_cast %parallel_loop3A_203 : vector<1x16xf32> to vector<16xf32>
        %parallel_loop3A_205 = vector.shape_cast %parallel_loop3A_183 : vector<16xf32> to vector<1x16xf32>
        tpu.vector_store %arg6[%parallel_loop3A_201, %parallel_loop3A_202], %parallel_loop3A_205 {strides = array<i32>} : memref<400x64xf32, #tpu.memory_space<vmem>>, vector<1x16xf32>,
        %parallel_loop3A_206 = arith.constant 1 : i32
        %parallel_loop3A_207 = arith.addi %parallel_loop3A_61, %parallel_loop3A_206 : i32
        %parallel_loop3A_208 = arith.index_cast %parallel_loop3A_207 : i32 to index
        %parallel_loop3A_209 = arith.constant 48 : index
        %parallel_loop3A_210 = tpu.vector_load %arg6[%parallel_loop3A_208, %parallel_loop3A_209] {strides = array<i32>} : memref<400x64xf32, #tpu.memory_space<vmem>>, vector<1x16xf32>,
        %parallel_loop3A_211 = vector.shape_cast %parallel_loop3A_210 : vector<1x16xf32> to vector<16xf32>
        %parallel_loop3A_212 = vector.shape_cast %parallel_loop3A_184 : vector<16xf32> to vector<1x16xf32>
        tpu.vector_store %arg6[%parallel_loop3A_208, %parallel_loop3A_209], %parallel_loop3A_212 {strides = array<i32>} : memref<400x64xf32, #tpu.memory_space<vmem>>, vector<1x16xf32>,
        %parallel_loop3A_213 = vector.extract_strided_slice %parallel_loop3A_64 {offsets = [2], sizes = [1], strides = [1]} : vector<16xi32> to vector<1xi32>
        %parallel_loop3A_214 = vector.extract %parallel_loop3A_213[0] : i32 from vector<1xi32>
        %parallel_loop3A_215 = arith.constant 2 : i32
        %parallel_loop3A_216 = arith.addi %parallel_loop3A_61, %parallel_loop3A_215 : i32
        %parallel_loop3A_217 = arith.index_cast %parallel_loop3A_216 : i32 to index
        %parallel_loop3A_218 = arith.constant 0 : index
        %parallel_loop3A_219 = tpu.vector_load %arg6[%parallel_loop3A_217, %parallel_loop3A_218] {strides = array<i32>} : memref<400x64xf32, #tpu.memory_space<vmem>>, vector<1x16xf32>,
        %parallel_loop3A_220 = vector.shape_cast %parallel_loop3A_219 : vector<1x16xf32> to vector<16xf32>
        %parallel_loop3A_221 = arith.constant 2 : i32
        %parallel_loop3A_222 = arith.addi %parallel_loop3A_61, %parallel_loop3A_221 : i32
        %parallel_loop3A_223 = arith.index_cast %parallel_loop3A_222 : i32 to index
        %parallel_loop3A_224 = arith.constant 16 : index
        %parallel_loop3A_225 = tpu.vector_load %arg6[%parallel_loop3A_223, %parallel_loop3A_224] {strides = array<i32>} : memref<400x64xf32, #tpu.memory_space<vmem>>, vector<1x16xf32>,
        %parallel_loop3A_226 = vector.shape_cast %parallel_loop3A_225 : vector<1x16xf32> to vector<16xf32>
        %parallel_loop3A_227 = arith.constant 2 : i32
        %parallel_loop3A_228 = arith.addi %parallel_loop3A_61, %parallel_loop3A_227 : i32
        %parallel_loop3A_229 = arith.index_cast %parallel_loop3A_228 : i32 to index
        %parallel_loop3A_230 = arith.constant 32 : index
        %parallel_loop3A_231 = tpu.vector_load %arg6[%parallel_loop3A_229, %parallel_loop3A_230] {strides = array<i32>} : memref<400x64xf32, #tpu.memory_space<vmem>>, vector<1x16xf32>,
        %parallel_loop3A_232 = vector.shape_cast %parallel_loop3A_231 : vector<1x16xf32> to vector<16xf32>
        %parallel_loop3A_233 = arith.constant 2 : i32
        %parallel_loop3A_234 = arith.addi %parallel_loop3A_61, %parallel_loop3A_233 : i32
        %parallel_loop3A_235 = arith.index_cast %parallel_loop3A_234 : i32 to index
        %parallel_loop3A_236 = arith.constant 48 : index
        %parallel_loop3A_237 = tpu.vector_load %arg6[%parallel_loop3A_235, %parallel_loop3A_236] {strides = array<i32>} : memref<400x64xf32, #tpu.memory_space<vmem>>, vector<1x16xf32>,
        %parallel_loop3A_238 = vector.shape_cast %parallel_loop3A_237 : vector<1x16xf32> to vector<16xf32>
        %parallel_loop3A_239 = arith.index_cast %parallel_loop3A_214 : i32 to index
        %parallel_loop3A_240 = arith.constant 0 : index
        %parallel_loop3A_241 = tpu.vector_load %arg10[%parallel_loop3A_239, %parallel_loop3A_240] {strides = array<i32>} : memref<16x64xf32, #tpu.memory_space<vmem>>, vector<1x16xf32>,
        %parallel_loop3A_242 = vector.shape_cast %parallel_loop3A_241 : vector<1x16xf32> to vector<16xf32>
        %parallel_loop3A_243 = arith.index_cast %parallel_loop3A_214 : i32 to index
        %parallel_loop3A_244 = arith.constant 16 : index
        %parallel_loop3A_245 = tpu.vector_load %arg10[%parallel_loop3A_243, %parallel_loop3A_244] {strides = array<i32>} : memref<16x64xf32, #tpu.memory_space<vmem>>, vector<1x16xf32>,
        %parallel_loop3A_246 = vector.shape_cast %parallel_loop3A_245 : vector<1x16xf32> to vector<16xf32>
        %parallel_loop3A_247 = arith.index_cast %parallel_loop3A_214 : i32 to index
        %parallel_loop3A_248 = arith.constant 32 : index
        %parallel_loop3A_249 = tpu.vector_load %arg10[%parallel_loop3A_247, %parallel_loop3A_248] {strides = array<i32>} : memref<16x64xf32, #tpu.memory_space<vmem>>, vector<1x16xf32>,
        %parallel_loop3A_250 = vector.shape_cast %parallel_loop3A_249 : vector<1x16xf32> to vector<16xf32>
        %parallel_loop3A_251 = arith.index_cast %parallel_loop3A_214 : i32 to index
        %parallel_loop3A_252 = arith.constant 48 : index
        %parallel_loop3A_253 = tpu.vector_load %arg10[%parallel_loop3A_251, %parallel_loop3A_252] {strides = array<i32>} : memref<16x64xf32, #tpu.memory_space<vmem>>, vector<1x16xf32>,
        %parallel_loop3A_254 = vector.shape_cast %parallel_loop3A_253 : vector<1x16xf32> to vector<16xf32>
        %parallel_loop3A_255 = arith.addf %parallel_loop3A_220, %parallel_loop3A_242 : vector<16xf32>
        %parallel_loop3A_256 = arith.addf %parallel_loop3A_226, %parallel_loop3A_246 : vector<16xf32>
        %parallel_loop3A_257 = arith.addf %parallel_loop3A_232, %parallel_loop3A_250 : vector<16xf32>
        %parallel_loop3A_258 = arith.addf %parallel_loop3A_238, %parallel_loop3A_254 : vector<16xf32>
        %parallel_loop3A_259 = arith.constant 2 : i32
        %parallel_loop3A_260 = arith.addi %parallel_loop3A_61, %parallel_loop3A_259 : i32
        %parallel_loop3A_261 = arith.index_cast %parallel_loop3A_260 : i32 to index
        %parallel_loop3A_262 = arith.constant 0 : index
        %parallel_loop3A_263 = tpu.vector_load %arg6[%parallel_loop3A_261, %parallel_loop3A_262] {strides = array<i32>} : memref<400x64xf32, #tpu.memory_space<vmem>>, vector<1x16xf32>,
        %parallel_loop3A_264 = vector.shape_cast %parallel_loop3A_263 : vector<1x16xf32> to vector<16xf32>
        %parallel_loop3A_265 = vector.shape_cast %parallel_loop3A_255 : vector<16xf32> to vector<1x16xf32>
        tpu.vector_store %arg6[%parallel_loop3A_261, %parallel_loop3A_262], %parallel_loop3A_265 {strides = array<i32>} : memref<400x64xf32, #tpu.memory_space<vmem>>, vector<1x16xf32>,
        %parallel_loop3A_266 = arith.constant 2 : i32
        %parallel_loop3A_267 = arith.addi %parallel_loop3A_61, %parallel_loop3A_266 : i32
        %parallel_loop3A_268 = arith.index_cast %parallel_loop3A_267 : i32 to index
        %parallel_loop3A_269 = arith.constant 16 : index
        %parallel_loop3A_270 = tpu.vector_load %arg6[%parallel_loop3A_268, %parallel_loop3A_269] {strides = array<i32>} : memref<400x64xf32, #tpu.memory_space<vmem>>, vector<1x16xf32>,
        %parallel_loop3A_271 = vector.shape_cast %parallel_loop3A_270 : vector<1x16xf32> to vector<16xf32>
        %parallel_loop3A_272 = vector.shape_cast %parallel_loop3A_256 : vector<16xf32> to vector<1x16xf32>
        tpu.vector_store %arg6[%parallel_loop3A_268, %parallel_loop3A_269], %parallel_loop3A_272 {strides = array<i32>} : memref<400x64xf32, #tpu.memory_space<vmem>>, vector<1x16xf32>,
        %parallel_loop3A_273 = arith.constant 2 : i32
        %parallel_loop3A_274 = arith.addi %parallel_loop3A_61, %parallel_loop3A_273 : i32
        %parallel_loop3A_275 = arith.index_cast %parallel_loop3A_274 : i32 to index
        %parallel_loop3A_276 = arith.constant 32 : index
        %parallel_loop3A_277 = tpu.vector_load %arg6[%parallel_loop3A_275, %parallel_loop3A_276] {strides = array<i32>} : memref<400x64xf32, #tpu.memory_space<vmem>>, vector<1x16xf32>,
        %parallel_loop3A_278 = vector.shape_cast %parallel_loop3A_277 : vector<1x16xf32> to vector<16xf32>
        %parallel_loop3A_279 = vector.shape_cast %parallel_loop3A_257 : vector<16xf32> to vector<1x16xf32>
        tpu.vector_store %arg6[%parallel_loop3A_275, %parallel_loop3A_276], %parallel_loop3A_279 {strides = array<i32>} : memref<400x64xf32, #tpu.memory_space<vmem>>, vector<1x16xf32>,
        %parallel_loop3A_280 = arith.constant 2 : i32
        %parallel_loop3A_281 = arith.addi %parallel_loop3A_61, %parallel_loop3A_280 : i32
        %parallel_loop3A_282 = arith.index_cast %parallel_loop3A_281 : i32 to index
        %parallel_loop3A_283 = arith.constant 48 : index
        %parallel_loop3A_284 = tpu.vector_load %arg6[%parallel_loop3A_282, %parallel_loop3A_283] {strides = array<i32>} : memref<400x64xf32, #tpu.memory_space<vmem>>, vector<1x16xf32>,
        %parallel_loop3A_285 = vector.shape_cast %parallel_loop3A_284 : vector<1x16xf32> to vector<16xf32>
        %parallel_loop3A_286 = vector.shape_cast %parallel_loop3A_258 : vector<16xf32> to vector<1x16xf32>
        tpu.vector_store %arg6[%parallel_loop3A_282, %parallel_loop3A_283], %parallel_loop3A_286 {strides = array<i32>} : memref<400x64xf32, #tpu.memory_space<vmem>>, vector<1x16xf32>,
        %parallel_loop3A_287 = vector.extract_strided_slice %parallel_loop3A_64 {offsets = [3], sizes = [1], strides = [1]} : vector<16xi32> to vector<1xi32>
        %parallel_loop3A_288 = vector.extract %parallel_loop3A_287[0] : i32 from vector<1xi32>
        %parallel_loop3A_289 = arith.constant 3 : i32
        %parallel_loop3A_290 = arith.addi %parallel_loop3A_61, %parallel_loop3A_289 : i32
        %parallel_loop3A_291 = arith.index_cast %parallel_loop3A_290 : i32 to index
        %parallel_loop3A_292 = arith.constant 0 : index
        %parallel_loop3A_293 = tpu.vector_load %arg6[%parallel_loop3A_291, %parallel_loop3A_292] {strides = array<i32>} : memref<400x64xf32, #tpu.memory_space<vmem>>, vector<1x16xf32>,
        %parallel_loop3A_294 = vector.shape_cast %parallel_loop3A_293 : vector<1x16xf32> to vector<16xf32>
        %parallel_loop3A_295 = arith.constant 3 : i32
        %parallel_loop3A_296 = arith.addi %parallel_loop3A_61, %parallel_loop3A_295 : i32
        %parallel_loop3A_297 = arith.index_cast %parallel_loop3A_296 : i32 to index
        %parallel_loop3A_298 = arith.constant 16 : index
        %parallel_loop3A_299 = tpu.vector_load %arg6[%parallel_loop3A_297, %parallel_loop3A_298] {strides = array<i32>} : memref<400x64xf32, #tpu.memory_space<vmem>>, vector<1x16xf32>,
        %parallel_loop3A_300 = vector.shape_cast %parallel_loop3A_299 : vector<1x16xf32> to vector<16xf32>
        %parallel_loop3A_301 = arith.constant 3 : i32
        %parallel_loop3A_302 = arith.addi %parallel_loop3A_61, %parallel_loop3A_301 : i32
        %parallel_loop3A_303 = arith.index_cast %parallel_loop3A_302 : i32 to index
        %parallel_loop3A_304 = arith.constant 32 : index
        %parallel_loop3A_305 = tpu.vector_load %arg6[%parallel_loop3A_303, %parallel_loop3A_304] {strides = array<i32>} : memref<400x64xf32, #tpu.memory_space<vmem>>, vector<1x16xf32>,
        %parallel_loop3A_306 = vector.shape_cast %parallel_loop3A_305 : vector<1x16xf32> to vector<16xf32>
        %parallel_loop3A_307 = arith.constant 3 : i32
        %parallel_loop3A_308 = arith.addi %parallel_loop3A_61, %parallel_loop3A_307 : i32
        %parallel_loop3A_309 = arith.index_cast %parallel_loop3A_308 : i32 to index
        %parallel_loop3A_310 = arith.constant 48 : index
        %parallel_loop3A_311 = tpu.vector_load %arg6[%parallel_loop3A_309, %parallel_loop3A_310] {strides = array<i32>} : memref<400x64xf32, #tpu.memory_space<vmem>>, vector<1x16xf32>,
        %parallel_loop3A_312 = vector.shape_cast %parallel_loop3A_311 : vector<1x16xf32> to vector<16xf32>
        %parallel_loop3A_313 = arith.index_cast %parallel_loop3A_288 : i32 to index
        %parallel_loop3A_314 = arith.constant 0 : index
        %parallel_loop3A_315 = tpu.vector_load %arg10[%parallel_loop3A_313, %parallel_loop3A_314] {strides = array<i32>} : memref<16x64xf32, #tpu.memory_space<vmem>>, vector<1x16xf32>,
        %parallel_loop3A_316 = vector.shape_cast %parallel_loop3A_315 : vector<1x16xf32> to vector<16xf32>
        %parallel_loop3A_317 = arith.index_cast %parallel_loop3A_288 : i32 to index
        %parallel_loop3A_318 = arith.constant 16 : index
        %parallel_loop3A_319 = tpu.vector_load %arg10[%parallel_loop3A_317, %parallel_loop3A_318] {strides = array<i32>} : memref<16x64xf32, #tpu.memory_space<vmem>>, vector<1x16xf32>,
        %parallel_loop3A_320 = vector.shape_cast %parallel_loop3A_319 : vector<1x16xf32> to vector<16xf32>
        %parallel_loop3A_321 = arith.index_cast %parallel_loop3A_288 : i32 to index
        %parallel_loop3A_322 = arith.constant 32 : index
        %parallel_loop3A_323 = tpu.vector_load %arg10[%parallel_loop3A_321, %parallel_loop3A_322] {strides = array<i32>} : memref<16x64xf32, #tpu.memory_space<vmem>>, vector<1x16xf32>,
        %parallel_loop3A_324 = vector.shape_cast %parallel_loop3A_323 : vector<1x16xf32> to vector<16xf32>
        %parallel_loop3A_325 = arith.index_cast %parallel_loop3A_288 : i32 to index
        %parallel_loop3A_326 = arith.constant 48 : index
        %parallel_loop3A_327 = tpu.vector_load %arg10[%parallel_loop3A_325, %parallel_loop3A_326] {strides = array<i32>} : memref<16x64xf32, #tpu.memory_space<vmem>>, vector<1x16xf32>,
        %parallel_loop3A_328 = vector.shape_cast %parallel_loop3A_327 : vector<1x16xf32> to vector<16xf32>
        %parallel_loop3A_329 = arith.addf %parallel_loop3A_294, %parallel_loop3A_316 : vector<16xf32>
        %parallel_loop3A_330 = arith.addf %parallel_loop3A_300, %parallel_loop3A_320 : vector<16xf32>
        %parallel_loop3A_331 = arith.addf %parallel_loop3A_306, %parallel_loop3A_324 : vector<16xf32>
        %parallel_loop3A_332 = arith.addf %parallel_loop3A_312, %parallel_loop3A_328 : vector<16xf32>
        %parallel_loop3A_333 = arith.constant 3 : i32
        %parallel_loop3A_334 = arith.addi %parallel_loop3A_61, %parallel_loop3A_333 : i32
        %parallel_loop3A_335 = arith.index_cast %parallel_loop3A_334 : i32 to index
        %parallel_loop3A_336 = arith.constant 0 : index
        %parallel_loop3A_337 = tpu.vector_load %arg6[%parallel_loop3A_335, %parallel_loop3A_336] {strides = array<i32>} : memref<400x64xf32, #tpu.memory_space<vmem>>, vector<1x16xf32>,
        %parallel_loop3A_338 = vector.shape_cast %parallel_loop3A_337 : vector<1x16xf32> to vector<16xf32>
        %parallel_loop3A_339 = vector.shape_cast %parallel_loop3A_329 : vector<16xf32> to vector<1x16xf32>
        tpu.vector_store %arg6[%parallel_loop3A_335, %parallel_loop3A_336], %parallel_loop3A_339 {strides = array<i32>} : memref<400x64xf32, #tpu.memory_space<vmem>>, vector<1x16xf32>,
        %parallel_loop3A_340 = arith.constant 3 : i32
        %parallel_loop3A_341 = arith.addi %parallel_loop3A_61, %parallel_loop3A_340 : i32
        %parallel_loop3A_342 = arith.index_cast %parallel_loop3A_341 : i32 to index
        %parallel_loop3A_343 = arith.constant 16 : index
        %parallel_loop3A_344 = tpu.vector_load %arg6[%parallel_loop3A_342, %parallel_loop3A_343] {strides = array<i32>} : memref<400x64xf32, #tpu.memory_space<vmem>>, vector<1x16xf32>,
        %parallel_loop3A_345 = vector.shape_cast %parallel_loop3A_344 : vector<1x16xf32> to vector<16xf32>
        %parallel_loop3A_346 = vector.shape_cast %parallel_loop3A_330 : vector<16xf32> to vector<1x16xf32>
        tpu.vector_store %arg6[%parallel_loop3A_342, %parallel_loop3A_343], %parallel_loop3A_346 {strides = array<i32>} : memref<400x64xf32, #tpu.memory_space<vmem>>, vector<1x16xf32>,
        %parallel_loop3A_347 = arith.constant 3 : i32
        %parallel_loop3A_348 = arith.addi %parallel_loop3A_61, %parallel_loop3A_347 : i32
        %parallel_loop3A_349 = arith.index_cast %parallel_loop3A_348 : i32 to index
        %parallel_loop3A_350 = arith.constant 32 : index
        %parallel_loop3A_351 = tpu.vector_load %arg6[%parallel_loop3A_349, %parallel_loop3A_350] {strides = array<i32>} : memref<400x64xf32, #tpu.memory_space<vmem>>, vector<1x16xf32>,
        %parallel_loop3A_352 = vector.shape_cast %parallel_loop3A_351 : vector<1x16xf32> to vector<16xf32>
        %parallel_loop3A_353 = vector.shape_cast %parallel_loop3A_331 : vector<16xf32> to vector<1x16xf32>
        tpu.vector_store %arg6[%parallel_loop3A_349, %parallel_loop3A_350], %parallel_loop3A_353 {strides = array<i32>} : memref<400x64xf32, #tpu.memory_space<vmem>>, vector<1x16xf32>,
        %parallel_loop3A_354 = arith.constant 3 : i32
        %parallel_loop3A_355 = arith.addi %parallel_loop3A_61, %parallel_loop3A_354 : i32
        %parallel_loop3A_356 = arith.index_cast %parallel_loop3A_355 : i32 to index
        %parallel_loop3A_357 = arith.constant 48 : index
        %parallel_loop3A_358 = tpu.vector_load %arg6[%parallel_loop3A_356, %parallel_loop3A_357] {strides = array<i32>} : memref<400x64xf32, #tpu.memory_space<vmem>>, vector<1x16xf32>,
        %parallel_loop3A_359 = vector.shape_cast %parallel_loop3A_358 : vector<1x16xf32> to vector<16xf32>
        %parallel_loop3A_360 = vector.shape_cast %parallel_loop3A_332 : vector<16xf32> to vector<1x16xf32>
        tpu.vector_store %arg6[%parallel_loop3A_356, %parallel_loop3A_357], %parallel_loop3A_360 {strides = array<i32>} : memref<400x64xf32, #tpu.memory_space<vmem>>, vector<1x16xf32>,
        %parallel_loop3A_361 = vector.extract_strided_slice %parallel_loop3A_64 {offsets = [4], sizes = [1], strides = [1]} : vector<16xi32> to vector<1xi32>
        %parallel_loop3A_362 = vector.extract %parallel_loop3A_361[0] : i32 from vector<1xi32>
        %parallel_loop3A_363 = arith.constant 4 : i32
        %parallel_loop3A_364 = arith.addi %parallel_loop3A_61, %parallel_loop3A_363 : i32
        %parallel_loop3A_365 = arith.index_cast %parallel_loop3A_364 : i32 to index
        %parallel_loop3A_366 = arith.constant 0 : index
        %parallel_loop3A_367 = tpu.vector_load %arg6[%parallel_loop3A_365, %parallel_loop3A_366] {strides = array<i32>} : memref<400x64xf32, #tpu.memory_space<vmem>>, vector<1x16xf32>,
        %parallel_loop3A_368 = vector.shape_cast %parallel_loop3A_367 : vector<1x16xf32> to vector<16xf32>
        %parallel_loop3A_369 = arith.constant 4 : i32
        %parallel_loop3A_370 = arith.addi %parallel_loop3A_61, %parallel_loop3A_369 : i32
        %parallel_loop3A_371 = arith.index_cast %parallel_loop3A_370 : i32 to index
        %parallel_loop3A_372 = arith.constant 16 : index
        %parallel_loop3A_373 = tpu.vector_load %arg6[%parallel_loop3A_371, %parallel_loop3A_372] {strides = array<i32>} : memref<400x64xf32, #tpu.memory_space<vmem>>, vector<1x16xf32>,
        %parallel_loop3A_374 = vector.shape_cast %parallel_loop3A_373 : vector<1x16xf32> to vector<16xf32>
        %parallel_loop3A_375 = arith.constant 4 : i32
        %parallel_loop3A_376 = arith.addi %parallel_loop3A_61, %parallel_loop3A_375 : i32
        %parallel_loop3A_377 = arith.index_cast %parallel_loop3A_376 : i32 to index
        %parallel_loop3A_378 = arith.constant 32 : index
        %parallel_loop3A_379 = tpu.vector_load %arg6[%parallel_loop3A_377, %parallel_loop3A_378] {strides = array<i32>} : memref<400x64xf32, #tpu.memory_space<vmem>>, vector<1x16xf32>,
        %parallel_loop3A_380 = vector.shape_cast %parallel_loop3A_379 : vector<1x16xf32> to vector<16xf32>
        %parallel_loop3A_381 = arith.constant 4 : i32
        %parallel_loop3A_382 = arith.addi %parallel_loop3A_61, %parallel_loop3A_381 : i32
        %parallel_loop3A_383 = arith.index_cast %parallel_loop3A_382 : i32 to index
        %parallel_loop3A_384 = arith.constant 48 : index
        %parallel_loop3A_385 = tpu.vector_load %arg6[%parallel_loop3A_383, %parallel_loop3A_384] {strides = array<i32>} : memref<400x64xf32, #tpu.memory_space<vmem>>, vector<1x16xf32>,
        %parallel_loop3A_386 = vector.shape_cast %parallel_loop3A_385 : vector<1x16xf32> to vector<16xf32>
        %parallel_loop3A_387 = arith.index_cast %parallel_loop3A_362 : i32 to index
        %parallel_loop3A_388 = arith.constant 0 : index
        %parallel_loop3A_389 = tpu.vector_load %arg10[%parallel_loop3A_387, %parallel_loop3A_388] {strides = array<i32>} : memref<16x64xf32, #tpu.memory_space<vmem>>, vector<1x16xf32>,
        %parallel_loop3A_390 = vector.shape_cast %parallel_loop3A_389 : vector<1x16xf32> to vector<16xf32>
        %parallel_loop3A_391 = arith.index_cast %parallel_loop3A_362 : i32 to index
        %parallel_loop3A_392 = arith.constant 16 : index
        %parallel_loop3A_393 = tpu.vector_load %arg10[%parallel_loop3A_391, %parallel_loop3A_392] {strides = array<i32>} : memref<16x64xf32, #tpu.memory_space<vmem>>, vector<1x16xf32>,
        %parallel_loop3A_394 = vector.shape_cast %parallel_loop3A_393 : vector<1x16xf32> to vector<16xf32>
        %parallel_loop3A_395 = arith.index_cast %parallel_loop3A_362 : i32 to index
        %parallel_loop3A_396 = arith.constant 32 : index
        %parallel_loop3A_397 = tpu.vector_load %arg10[%parallel_loop3A_395, %parallel_loop3A_396] {strides = array<i32>} : memref<16x64xf32, #tpu.memory_space<vmem>>, vector<1x16xf32>,
        %parallel_loop3A_398 = vector.shape_cast %parallel_loop3A_397 : vector<1x16xf32> to vector<16xf32>
        %parallel_loop3A_399 = arith.index_cast %parallel_loop3A_362 : i32 to index
        %parallel_loop3A_400 = arith.constant 48 : index
        %parallel_loop3A_401 = tpu.vector_load %arg10[%parallel_loop3A_399, %parallel_loop3A_400] {strides = array<i32>} : memref<16x64xf32, #tpu.memory_space<vmem>>, vector<1x16xf32>,
        %parallel_loop3A_402 = vector.shape_cast %parallel_loop3A_401 : vector<1x16xf32> to vector<16xf32>
        %parallel_loop3A_403 = arith.addf %parallel_loop3A_368, %parallel_loop3A_390 : vector<16xf32>
        %parallel_loop3A_404 = arith.addf %parallel_loop3A_374, %parallel_loop3A_394 : vector<16xf32>
        %parallel_loop3A_405 = arith.addf %parallel_loop3A_380, %parallel_loop3A_398 : vector<16xf32>
        %parallel_loop3A_406 = arith.addf %parallel_loop3A_386, %parallel_loop3A_402 : vector<16xf32>
        %parallel_loop3A_407 = arith.constant 4 : i32
        %parallel_loop3A_408 = arith.addi %parallel_loop3A_61, %parallel_loop3A_407 : i32
        %parallel_loop3A_409 = arith.index_cast %parallel_loop3A_408 : i32 to index
        %parallel_loop3A_410 = arith.constant 0 : index
        %parallel_loop3A_411 = tpu.vector_load %arg6[%parallel_loop3A_409, %parallel_loop3A_410] {strides = array<i32>} : memref<400x64xf32, #tpu.memory_space<vmem>>, vector<1x16xf32>,
        %parallel_loop3A_412 = vector.shape_cast %parallel_loop3A_411 : vector<1x16xf32> to vector<16xf32>
        %parallel_loop3A_413 = vector.shape_cast %parallel_loop3A_403 : vector<16xf32> to vector<1x16xf32>
        tpu.vector_store %arg6[%parallel_loop3A_409, %parallel_loop3A_410], %parallel_loop3A_413 {strides = array<i32>} : memref<400x64xf32, #tpu.memory_space<vmem>>, vector<1x16xf32>,
        %parallel_loop3A_414 = arith.constant 4 : i32
        %parallel_loop3A_415 = arith.addi %parallel_loop3A_61, %parallel_loop3A_414 : i32
        %parallel_loop3A_416 = arith.index_cast %parallel_loop3A_415 : i32 to index
        %parallel_loop3A_417 = arith.constant 16 : index
        %parallel_loop3A_418 = tpu.vector_load %arg6[%parallel_loop3A_416, %parallel_loop3A_417] {strides = array<i32>} : memref<400x64xf32, #tpu.memory_space<vmem>>, vector<1x16xf32>,
        %parallel_loop3A_419 = vector.shape_cast %parallel_loop3A_418 : vector<1x16xf32> to vector<16xf32>
        %parallel_loop3A_420 = vector.shape_cast %parallel_loop3A_404 : vector<16xf32> to vector<1x16xf32>
        tpu.vector_store %arg6[%parallel_loop3A_416, %parallel_loop3A_417], %parallel_loop3A_420 {strides = array<i32>} : memref<400x64xf32, #tpu.memory_space<vmem>>, vector<1x16xf32>,
        %parallel_loop3A_421 = arith.constant 4 : i32
        %parallel_loop3A_422 = arith.addi %parallel_loop3A_61, %parallel_loop3A_421 : i32
        %parallel_loop3A_423 = arith.index_cast %parallel_loop3A_422 : i32 to index
        %parallel_loop3A_424 = arith.constant 32 : index
        %parallel_loop3A_425 = tpu.vector_load %arg6[%parallel_loop3A_423, %parallel_loop3A_424] {strides = array<i32>} : memref<400x64xf32, #tpu.memory_space<vmem>>, vector<1x16xf32>,
        %parallel_loop3A_426 = vector.shape_cast %parallel_loop3A_425 : vector<1x16xf32> to vector<16xf32>
        %parallel_loop3A_427 = vector.shape_cast %parallel_loop3A_405 : vector<16xf32> to vector<1x16xf32>
        tpu.vector_store %arg6[%parallel_loop3A_423, %parallel_loop3A_424], %parallel_loop3A_427 {strides = array<i32>} : memref<400x64xf32, #tpu.memory_space<vmem>>, vector<1x16xf32>,
        %parallel_loop3A_428 = arith.constant 4 : i32
        %parallel_loop3A_429 = arith.addi %parallel_loop3A_61, %parallel_loop3A_428 : i32
        %parallel_loop3A_430 = arith.index_cast %parallel_loop3A_429 : i32 to index
        %parallel_loop3A_431 = arith.constant 48 : index
        %parallel_loop3A_432 = tpu.vector_load %arg6[%parallel_loop3A_430, %parallel_loop3A_431] {strides = array<i32>} : memref<400x64xf32, #tpu.memory_space<vmem>>, vector<1x16xf32>,
        %parallel_loop3A_433 = vector.shape_cast %parallel_loop3A_432 : vector<1x16xf32> to vector<16xf32>
        %parallel_loop3A_434 = vector.shape_cast %parallel_loop3A_406 : vector<16xf32> to vector<1x16xf32>
        tpu.vector_store %arg6[%parallel_loop3A_430, %parallel_loop3A_431], %parallel_loop3A_434 {strides = array<i32>} : memref<400x64xf32, #tpu.memory_space<vmem>>, vector<1x16xf32>,
        %parallel_loop3A_435 = vector.extract_strided_slice %parallel_loop3A_64 {offsets = [5], sizes = [1], strides = [1]} : vector<16xi32> to vector<1xi32>
        %parallel_loop3A_436 = vector.extract %parallel_loop3A_435[0] : i32 from vector<1xi32>
        %parallel_loop3A_437 = arith.constant 5 : i32
        %parallel_loop3A_438 = arith.addi %parallel_loop3A_61, %parallel_loop3A_437 : i32
        %parallel_loop3A_439 = arith.index_cast %parallel_loop3A_438 : i32 to index
        %parallel_loop3A_440 = arith.constant 0 : index
        %parallel_loop3A_441 = tpu.vector_load %arg6[%parallel_loop3A_439, %parallel_loop3A_440] {strides = array<i32>} : memref<400x64xf32, #tpu.memory_space<vmem>>, vector<1x16xf32>,
        %parallel_loop3A_442 = vector.shape_cast %parallel_loop3A_441 : vector<1x16xf32> to vector<16xf32>
        %parallel_loop3A_443 = arith.constant 5 : i32
        %parallel_loop3A_444 = arith.addi %parallel_loop3A_61, %parallel_loop3A_443 : i32
        %parallel_loop3A_445 = arith.index_cast %parallel_loop3A_444 : i32 to index
        %parallel_loop3A_446 = arith.constant 16 : index
        %parallel_loop3A_447 = tpu.vector_load %arg6[%parallel_loop3A_445, %parallel_loop3A_446] {strides = array<i32>} : memref<400x64xf32, #tpu.memory_space<vmem>>, vector<1x16xf32>,
        %parallel_loop3A_448 = vector.shape_cast %parallel_loop3A_447 : vector<1x16xf32> to vector<16xf32>
        %parallel_loop3A_449 = arith.constant 5 : i32
        %parallel_loop3A_450 = arith.addi %parallel_loop3A_61, %parallel_loop3A_449 : i32
        %parallel_loop3A_451 = arith.index_cast %parallel_loop3A_450 : i32 to index
        %parallel_loop3A_452 = arith.constant 32 : index
        %parallel_loop3A_453 = tpu.vector_load %arg6[%parallel_loop3A_451, %parallel_loop3A_452] {strides = array<i32>} : memref<400x64xf32, #tpu.memory_space<vmem>>, vector<1x16xf32>,
        %parallel_loop3A_454 = vector.shape_cast %parallel_loop3A_453 : vector<1x16xf32> to vector<16xf32>
        %parallel_loop3A_455 = arith.constant 5 : i32
        %parallel_loop3A_456 = arith.addi %parallel_loop3A_61, %parallel_loop3A_455 : i32
        %parallel_loop3A_457 = arith.index_cast %parallel_loop3A_456 : i32 to index
        %parallel_loop3A_458 = arith.constant 48 : index
        %parallel_loop3A_459 = tpu.vector_load %arg6[%parallel_loop3A_457, %parallel_loop3A_458] {strides = array<i32>} : memref<400x64xf32, #tpu.memory_space<vmem>>, vector<1x16xf32>,
        %parallel_loop3A_460 = vector.shape_cast %parallel_loop3A_459 : vector<1x16xf32> to vector<16xf32>
        %parallel_loop3A_461 = arith.index_cast %parallel_loop3A_436 : i32 to index
        %parallel_loop3A_462 = arith.constant 0 : index
        %parallel_loop3A_463 = tpu.vector_load %arg10[%parallel_loop3A_461, %parallel_loop3A_462] {strides = array<i32>} : memref<16x64xf32, #tpu.memory_space<vmem>>, vector<1x16xf32>,
        %parallel_loop3A_464 = vector.shape_cast %parallel_loop3A_463 : vector<1x16xf32> to vector<16xf32>
        %parallel_loop3A_465 = arith.index_cast %parallel_loop3A_436 : i32 to index
        %parallel_loop3A_466 = arith.constant 16 : index
        %parallel_loop3A_467 = tpu.vector_load %arg10[%parallel_loop3A_465, %parallel_loop3A_466] {strides = array<i32>} : memref<16x64xf32, #tpu.memory_space<vmem>>, vector<1x16xf32>,
        %parallel_loop3A_468 = vector.shape_cast %parallel_loop3A_467 : vector<1x16xf32> to vector<16xf32>
        %parallel_loop3A_469 = arith.index_cast %parallel_loop3A_436 : i32 to index
        %parallel_loop3A_470 = arith.constant 32 : index
        %parallel_loop3A_471 = tpu.vector_load %arg10[%parallel_loop3A_469, %parallel_loop3A_470] {strides = array<i32>} : memref<16x64xf32, #tpu.memory_space<vmem>>, vector<1x16xf32>,
        %parallel_loop3A_472 = vector.shape_cast %parallel_loop3A_471 : vector<1x16xf32> to vector<16xf32>
        %parallel_loop3A_473 = arith.index_cast %parallel_loop3A_436 : i32 to index
        %parallel_loop3A_474 = arith.constant 48 : index
        %parallel_loop3A_475 = tpu.vector_load %arg10[%parallel_loop3A_473, %parallel_loop3A_474] {strides = array<i32>} : memref<16x64xf32, #tpu.memory_space<vmem>>, vector<1x16xf32>,
        %parallel_loop3A_476 = vector.shape_cast %parallel_loop3A_475 : vector<1x16xf32> to vector<16xf32>
        %parallel_loop3A_477 = arith.addf %parallel_loop3A_442, %parallel_loop3A_464 : vector<16xf32>
        %parallel_loop3A_478 = arith.addf %parallel_loop3A_448, %parallel_loop3A_468 : vector<16xf32>
        %parallel_loop3A_479 = arith.addf %parallel_loop3A_454, %parallel_loop3A_472 : vector<16xf32>
        %parallel_loop3A_480 = arith.addf %parallel_loop3A_460, %parallel_loop3A_476 : vector<16xf32>
        %parallel_loop3A_481 = arith.constant 5 : i32
        %parallel_loop3A_482 = arith.addi %parallel_loop3A_61, %parallel_loop3A_481 : i32
        %parallel_loop3A_483 = arith.index_cast %parallel_loop3A_482 : i32 to index
        %parallel_loop3A_484 = arith.constant 0 : index
        %parallel_loop3A_485 = tpu.vector_load %arg6[%parallel_loop3A_483, %parallel_loop3A_484] {strides = array<i32>} : memref<400x64xf32, #tpu.memory_space<vmem>>, vector<1x16xf32>,
        %parallel_loop3A_486 = vector.shape_cast %parallel_loop3A_485 : vector<1x16xf32> to vector<16xf32>
        %parallel_loop3A_487 = vector.shape_cast %parallel_loop3A_477 : vector<16xf32> to vector<1x16xf32>
        tpu.vector_store %arg6[%parallel_loop3A_483, %parallel_loop3A_484], %parallel_loop3A_487 {strides = array<i32>} : memref<400x64xf32, #tpu.memory_space<vmem>>, vector<1x16xf32>,
        %parallel_loop3A_488 = arith.constant 5 : i32
        %parallel_loop3A_489 = arith.addi %parallel_loop3A_61, %parallel_loop3A_488 : i32
        %parallel_loop3A_490 = arith.index_cast %parallel_loop3A_489 : i32 to index
        %parallel_loop3A_491 = arith.constant 16 : index
        %parallel_loop3A_492 = tpu.vector_load %arg6[%parallel_loop3A_490, %parallel_loop3A_491] {strides = array<i32>} : memref<400x64xf32, #tpu.memory_space<vmem>>, vector<1x16xf32>,
        %parallel_loop3A_493 = vector.shape_cast %parallel_loop3A_492 : vector<1x16xf32> to vector<16xf32>
        %parallel_loop3A_494 = vector.shape_cast %parallel_loop3A_478 : vector<16xf32> to vector<1x16xf32>
        tpu.vector_store %arg6[%parallel_loop3A_490, %parallel_loop3A_491], %parallel_loop3A_494 {strides = array<i32>} : memref<400x64xf32, #tpu.memory_space<vmem>>, vector<1x16xf32>,
        %parallel_loop3A_495 = arith.constant 5 : i32
        %parallel_loop3A_496 = arith.addi %parallel_loop3A_61, %parallel_loop3A_495 : i32
        %parallel_loop3A_497 = arith.index_cast %parallel_loop3A_496 : i32 to index
        %parallel_loop3A_498 = arith.constant 32 : index
        %parallel_loop3A_499 = tpu.vector_load %arg6[%parallel_loop3A_497, %parallel_loop3A_498] {strides = array<i32>} : memref<400x64xf32, #tpu.memory_space<vmem>>, vector<1x16xf32>,
        %parallel_loop3A_500 = vector.shape_cast %parallel_loop3A_499 : vector<1x16xf32> to vector<16xf32>
        %parallel_loop3A_501 = vector.shape_cast %parallel_loop3A_479 : vector<16xf32> to vector<1x16xf32>
        tpu.vector_store %arg6[%parallel_loop3A_497, %parallel_loop3A_498], %parallel_loop3A_501 {strides = array<i32>} : memref<400x64xf32, #tpu.memory_space<vmem>>, vector<1x16xf32>,
        %parallel_loop3A_502 = arith.constant 5 : i32
        %parallel_loop3A_503 = arith.addi %parallel_loop3A_61, %parallel_loop3A_502 : i32
        %parallel_loop3A_504 = arith.index_cast %parallel_loop3A_503 : i32 to index
        %parallel_loop3A_505 = arith.constant 48 : index
        %parallel_loop3A_506 = tpu.vector_load %arg6[%parallel_loop3A_504, %parallel_loop3A_505] {strides = array<i32>} : memref<400x64xf32, #tpu.memory_space<vmem>>, vector<1x16xf32>,
        %parallel_loop3A_507 = vector.shape_cast %parallel_loop3A_506 : vector<1x16xf32> to vector<16xf32>
        %parallel_loop3A_508 = vector.shape_cast %parallel_loop3A_480 : vector<16xf32> to vector<1x16xf32>
        tpu.vector_store %arg6[%parallel_loop3A_504, %parallel_loop3A_505], %parallel_loop3A_508 {strides = array<i32>} : memref<400x64xf32, #tpu.memory_space<vmem>>, vector<1x16xf32>,
        %parallel_loop3A_509 = vector.extract_strided_slice %parallel_loop3A_64 {offsets = [6], sizes = [1], strides = [1]} : vector<16xi32> to vector<1xi32>
        %parallel_loop3A_510 = vector.extract %parallel_loop3A_509[0] : i32 from vector<1xi32>
        %parallel_loop3A_511 = arith.constant 6 : i32
        %parallel_loop3A_512 = arith.addi %parallel_loop3A_61, %parallel_loop3A_511 : i32
        %parallel_loop3A_513 = arith.index_cast %parallel_loop3A_512 : i32 to index
        %parallel_loop3A_514 = arith.constant 0 : index
        %parallel_loop3A_515 = tpu.vector_load %arg6[%parallel_loop3A_513, %parallel_loop3A_514] {strides = array<i32>} : memref<400x64xf32, #tpu.memory_space<vmem>>, vector<1x16xf32>,
        %parallel_loop3A_516 = vector.shape_cast %parallel_loop3A_515 : vector<1x16xf32> to vector<16xf32>
        %parallel_loop3A_517 = arith.constant 6 : i32
        %parallel_loop3A_518 = arith.addi %parallel_loop3A_61, %parallel_loop3A_517 : i32
        %parallel_loop3A_519 = arith.index_cast %parallel_loop3A_518 : i32 to index
        %parallel_loop3A_520 = arith.constant 16 : index
        %parallel_loop3A_521 = tpu.vector_load %arg6[%parallel_loop3A_519, %parallel_loop3A_520] {strides = array<i32>} : memref<400x64xf32, #tpu.memory_space<vmem>>, vector<1x16xf32>,
        %parallel_loop3A_522 = vector.shape_cast %parallel_loop3A_521 : vector<1x16xf32> to vector<16xf32>
        %parallel_loop3A_523 = arith.constant 6 : i32
        %parallel_loop3A_524 = arith.addi %parallel_loop3A_61, %parallel_loop3A_523 : i32
        %parallel_loop3A_525 = arith.index_cast %parallel_loop3A_524 : i32 to index
        %parallel_loop3A_526 = arith.constant 32 : index
        %parallel_loop3A_527 = tpu.vector_load %arg6[%parallel_loop3A_525, %parallel_loop3A_526] {strides = array<i32>} : memref<400x64xf32, #tpu.memory_space<vmem>>, vector<1x16xf32>,
        %parallel_loop3A_528 = vector.shape_cast %parallel_loop3A_527 : vector<1x16xf32> to vector<16xf32>
        %parallel_loop3A_529 = arith.constant 6 : i32
        %parallel_loop3A_530 = arith.addi %parallel_loop3A_61, %parallel_loop3A_529 : i32
        %parallel_loop3A_531 = arith.index_cast %parallel_loop3A_530 : i32 to index
        %parallel_loop3A_532 = arith.constant 48 : index
        %parallel_loop3A_533 = tpu.vector_load %arg6[%parallel_loop3A_531, %parallel_loop3A_532] {strides = array<i32>} : memref<400x64xf32, #tpu.memory_space<vmem>>, vector<1x16xf32>,
        %parallel_loop3A_534 = vector.shape_cast %parallel_loop3A_533 : vector<1x16xf32> to vector<16xf32>
        %parallel_loop3A_535 = arith.index_cast %parallel_loop3A_510 : i32 to index
        %parallel_loop3A_536 = arith.constant 0 : index
        %parallel_loop3A_537 = tpu.vector_load %arg10[%parallel_loop3A_535, %parallel_loop3A_536] {strides = array<i32>} : memref<16x64xf32, #tpu.memory_space<vmem>>, vector<1x16xf32>,
        %parallel_loop3A_538 = vector.shape_cast %parallel_loop3A_537 : vector<1x16xf32> to vector<16xf32>
        %parallel_loop3A_539 = arith.index_cast %parallel_loop3A_510 : i32 to index
        %parallel_loop3A_540 = arith.constant 16 : index
        %parallel_loop3A_541 = tpu.vector_load %arg10[%parallel_loop3A_539, %parallel_loop3A_540] {strides = array<i32>} : memref<16x64xf32, #tpu.memory_space<vmem>>, vector<1x16xf32>,
        %parallel_loop3A_542 = vector.shape_cast %parallel_loop3A_541 : vector<1x16xf32> to vector<16xf32>
        %parallel_loop3A_543 = arith.index_cast %parallel_loop3A_510 : i32 to index
        %parallel_loop3A_544 = arith.constant 32 : index
        %parallel_loop3A_545 = tpu.vector_load %arg10[%parallel_loop3A_543, %parallel_loop3A_544] {strides = array<i32>} : memref<16x64xf32, #tpu.memory_space<vmem>>, vector<1x16xf32>,
        %parallel_loop3A_546 = vector.shape_cast %parallel_loop3A_545 : vector<1x16xf32> to vector<16xf32>
        %parallel_loop3A_547 = arith.index_cast %parallel_loop3A_510 : i32 to index
        %parallel_loop3A_548 = arith.constant 48 : index
        %parallel_loop3A_549 = tpu.vector_load %arg10[%parallel_loop3A_547, %parallel_loop3A_548] {strides = array<i32>} : memref<16x64xf32, #tpu.memory_space<vmem>>, vector<1x16xf32>,
        %parallel_loop3A_550 = vector.shape_cast %parallel_loop3A_549 : vector<1x16xf32> to vector<16xf32>
        %parallel_loop3A_551 = arith.addf %parallel_loop3A_516, %parallel_loop3A_538 : vector<16xf32>
        %parallel_loop3A_552 = arith.addf %parallel_loop3A_522, %parallel_loop3A_542 : vector<16xf32>
        %parallel_loop3A_553 = arith.addf %parallel_loop3A_528, %parallel_loop3A_546 : vector<16xf32>
        %parallel_loop3A_554 = arith.addf %parallel_loop3A_534, %parallel_loop3A_550 : vector<16xf32>
        %parallel_loop3A_555 = arith.constant 6 : i32
        %parallel_loop3A_556 = arith.addi %parallel_loop3A_61, %parallel_loop3A_555 : i32
        %parallel_loop3A_557 = arith.index_cast %parallel_loop3A_556 : i32 to index
        %parallel_loop3A_558 = arith.constant 0 : index
        %parallel_loop3A_559 = tpu.vector_load %arg6[%parallel_loop3A_557, %parallel_loop3A_558] {strides = array<i32>} : memref<400x64xf32, #tpu.memory_space<vmem>>, vector<1x16xf32>,
        %parallel_loop3A_560 = vector.shape_cast %parallel_loop3A_559 : vector<1x16xf32> to vector<16xf32>
        %parallel_loop3A_561 = vector.shape_cast %parallel_loop3A_551 : vector<16xf32> to vector<1x16xf32>
        tpu.vector_store %arg6[%parallel_loop3A_557, %parallel_loop3A_558], %parallel_loop3A_561 {strides = array<i32>} : memref<400x64xf32, #tpu.memory_space<vmem>>, vector<1x16xf32>,
        %parallel_loop3A_562 = arith.constant 6 : i32
        %parallel_loop3A_563 = arith.addi %parallel_loop3A_61, %parallel_loop3A_562 : i32
        %parallel_loop3A_564 = arith.index_cast %parallel_loop3A_563 : i32 to index
        %parallel_loop3A_565 = arith.constant 16 : index
        %parallel_loop3A_566 = tpu.vector_load %arg6[%parallel_loop3A_564, %parallel_loop3A_565] {strides = array<i32>} : memref<400x64xf32, #tpu.memory_space<vmem>>, vector<1x16xf32>,
        %parallel_loop3A_567 = vector.shape_cast %parallel_loop3A_566 : vector<1x16xf32> to vector<16xf32>
        %parallel_loop3A_568 = vector.shape_cast %parallel_loop3A_552 : vector<16xf32> to vector<1x16xf32>
        tpu.vector_store %arg6[%parallel_loop3A_564, %parallel_loop3A_565], %parallel_loop3A_568 {strides = array<i32>} : memref<400x64xf32, #tpu.memory_space<vmem>>, vector<1x16xf32>,
        %parallel_loop3A_569 = arith.constant 6 : i32
        %parallel_loop3A_570 = arith.addi %parallel_loop3A_61, %parallel_loop3A_569 : i32
        %parallel_loop3A_571 = arith.index_cast %parallel_loop3A_570 : i32 to index
        %parallel_loop3A_572 = arith.constant 32 : index
        %parallel_loop3A_573 = tpu.vector_load %arg6[%parallel_loop3A_571, %parallel_loop3A_572] {strides = array<i32>} : memref<400x64xf32, #tpu.memory_space<vmem>>, vector<1x16xf32>,
        %parallel_loop3A_574 = vector.shape_cast %parallel_loop3A_573 : vector<1x16xf32> to vector<16xf32>
        %parallel_loop3A_575 = vector.shape_cast %parallel_loop3A_553 : vector<16xf32> to vector<1x16xf32>
        tpu.vector_store %arg6[%parallel_loop3A_571, %parallel_loop3A_572], %parallel_loop3A_575 {strides = array<i32>} : memref<400x64xf32, #tpu.memory_space<vmem>>, vector<1x16xf32>,
        %parallel_loop3A_576 = arith.constant 6 : i32
        %parallel_loop3A_577 = arith.addi %parallel_loop3A_61, %parallel_loop3A_576 : i32
        %parallel_loop3A_578 = arith.index_cast %parallel_loop3A_577 : i32 to index
        %parallel_loop3A_579 = arith.constant 48 : index
        %parallel_loop3A_580 = tpu.vector_load %arg6[%parallel_loop3A_578, %parallel_loop3A_579] {strides = array<i32>} : memref<400x64xf32, #tpu.memory_space<vmem>>, vector<1x16xf32>,
        %parallel_loop3A_581 = vector.shape_cast %parallel_loop3A_580 : vector<1x16xf32> to vector<16xf32>
        %parallel_loop3A_582 = vector.shape_cast %parallel_loop3A_554 : vector<16xf32> to vector<1x16xf32>
        tpu.vector_store %arg6[%parallel_loop3A_578, %parallel_loop3A_579], %parallel_loop3A_582 {strides = array<i32>} : memref<400x64xf32, #tpu.memory_space<vmem>>, vector<1x16xf32>,
        %parallel_loop3A_583 = vector.extract_strided_slice %parallel_loop3A_64 {offsets = [7], sizes = [1], strides = [1]} : vector<16xi32> to vector<1xi32>
        %parallel_loop3A_584 = vector.extract %parallel_loop3A_583[0] : i32 from vector<1xi32>
        %parallel_loop3A_585 = arith.constant 7 : i32
        %parallel_loop3A_586 = arith.addi %parallel_loop3A_61, %parallel_loop3A_585 : i32
        %parallel_loop3A_587 = arith.index_cast %parallel_loop3A_586 : i32 to index
        %parallel_loop3A_588 = arith.constant 0 : index
        %parallel_loop3A_589 = tpu.vector_load %arg6[%parallel_loop3A_587, %parallel_loop3A_588] {strides = array<i32>} : memref<400x64xf32, #tpu.memory_space<vmem>>, vector<1x16xf32>,
        %parallel_loop3A_590 = vector.shape_cast %parallel_loop3A_589 : vector<1x16xf32> to vector<16xf32>
        %parallel_loop3A_591 = arith.constant 7 : i32
        %parallel_loop3A_592 = arith.addi %parallel_loop3A_61, %parallel_loop3A_591 : i32
        %parallel_loop3A_593 = arith.index_cast %parallel_loop3A_592 : i32 to index
        %parallel_loop3A_594 = arith.constant 16 : index
        %parallel_loop3A_595 = tpu.vector_load %arg6[%parallel_loop3A_593, %parallel_loop3A_594] {strides = array<i32>} : memref<400x64xf32, #tpu.memory_space<vmem>>, vector<1x16xf32>,
        %parallel_loop3A_596 = vector.shape_cast %parallel_loop3A_595 : vector<1x16xf32> to vector<16xf32>
        %parallel_loop3A_597 = arith.constant 7 : i32
        %parallel_loop3A_598 = arith.addi %parallel_loop3A_61, %parallel_loop3A_597 : i32
        %parallel_loop3A_599 = arith.index_cast %parallel_loop3A_598 : i32 to index
        %parallel_loop3A_600 = arith.constant 32 : index
        %parallel_loop3A_601 = tpu.vector_load %arg6[%parallel_loop3A_599, %parallel_loop3A_600] {strides = array<i32>} : memref<400x64xf32, #tpu.memory_space<vmem>>, vector<1x16xf32>,
        %parallel_loop3A_602 = vector.shape_cast %parallel_loop3A_601 : vector<1x16xf32> to vector<16xf32>
        %parallel_loop3A_603 = arith.constant 7 : i32
        %parallel_loop3A_604 = arith.addi %parallel_loop3A_61, %parallel_loop3A_603 : i32
        %parallel_loop3A_605 = arith.index_cast %parallel_loop3A_604 : i32 to index
        %parallel_loop3A_606 = arith.constant 48 : index
        %parallel_loop3A_607 = tpu.vector_load %arg6[%parallel_loop3A_605, %parallel_loop3A_606] {strides = array<i32>} : memref<400x64xf32, #tpu.memory_space<vmem>>, vector<1x16xf32>,
        %parallel_loop3A_608 = vector.shape_cast %parallel_loop3A_607 : vector<1x16xf32> to vector<16xf32>
        %parallel_loop3A_609 = arith.index_cast %parallel_loop3A_584 : i32 to index
        %parallel_loop3A_610 = arith.constant 0 : index
        %parallel_loop3A_611 = tpu.vector_load %arg10[%parallel_loop3A_609, %parallel_loop3A_610] {strides = array<i32>} : memref<16x64xf32, #tpu.memory_space<vmem>>, vector<1x16xf32>,
        %parallel_loop3A_612 = vector.shape_cast %parallel_loop3A_611 : vector<1x16xf32> to vector<16xf32>
        %parallel_loop3A_613 = arith.index_cast %parallel_loop3A_584 : i32 to index
        %parallel_loop3A_614 = arith.constant 16 : index
        %parallel_loop3A_615 = tpu.vector_load %arg10[%parallel_loop3A_613, %parallel_loop3A_614] {strides = array<i32>} : memref<16x64xf32, #tpu.memory_space<vmem>>, vector<1x16xf32>,
        %parallel_loop3A_616 = vector.shape_cast %parallel_loop3A_615 : vector<1x16xf32> to vector<16xf32>
        %parallel_loop3A_617 = arith.index_cast %parallel_loop3A_584 : i32 to index
        %parallel_loop3A_618 = arith.constant 32 : index
        %parallel_loop3A_619 = tpu.vector_load %arg10[%parallel_loop3A_617, %parallel_loop3A_618] {strides = array<i32>} : memref<16x64xf32, #tpu.memory_space<vmem>>, vector<1x16xf32>,
        %parallel_loop3A_620 = vector.shape_cast %parallel_loop3A_619 : vector<1x16xf32> to vector<16xf32>
        %parallel_loop3A_621 = arith.index_cast %parallel_loop3A_584 : i32 to index
        %parallel_loop3A_622 = arith.constant 48 : index
        %parallel_loop3A_623 = tpu.vector_load %arg10[%parallel_loop3A_621, %parallel_loop3A_622] {strides = array<i32>} : memref<16x64xf32, #tpu.memory_space<vmem>>, vector<1x16xf32>,
        %parallel_loop3A_624 = vector.shape_cast %parallel_loop3A_623 : vector<1x16xf32> to vector<16xf32>
        %parallel_loop3A_625 = arith.addf %parallel_loop3A_590, %parallel_loop3A_612 : vector<16xf32>
        %parallel_loop3A_626 = arith.addf %parallel_loop3A_596, %parallel_loop3A_616 : vector<16xf32>
        %parallel_loop3A_627 = arith.addf %parallel_loop3A_602, %parallel_loop3A_620 : vector<16xf32>
        %parallel_loop3A_628 = arith.addf %parallel_loop3A_608, %parallel_loop3A_624 : vector<16xf32>
        %parallel_loop3A_629 = arith.constant 7 : i32
        %parallel_loop3A_630 = arith.addi %parallel_loop3A_61, %parallel_loop3A_629 : i32
        %parallel_loop3A_631 = arith.index_cast %parallel_loop3A_630 : i32 to index
        %parallel_loop3A_632 = arith.constant 0 : index
        %parallel_loop3A_633 = tpu.vector_load %arg6[%parallel_loop3A_631, %parallel_loop3A_632] {strides = array<i32>} : memref<400x64xf32, #tpu.memory_space<vmem>>, vector<1x16xf32>,
        %parallel_loop3A_634 = vector.shape_cast %parallel_loop3A_633 : vector<1x16xf32> to vector<16xf32>
        %parallel_loop3A_635 = vector.shape_cast %parallel_loop3A_625 : vector<16xf32> to vector<1x16xf32>
        tpu.vector_store %arg6[%parallel_loop3A_631, %parallel_loop3A_632], %parallel_loop3A_635 {strides = array<i32>} : memref<400x64xf32, #tpu.memory_space<vmem>>, vector<1x16xf32>,
        %parallel_loop3A_636 = arith.constant 7 : i32
        %parallel_loop3A_637 = arith.addi %parallel_loop3A_61, %parallel_loop3A_636 : i32
        %parallel_loop3A_638 = arith.index_cast %parallel_loop3A_637 : i32 to index
        %parallel_loop3A_639 = arith.constant 16 : index
        %parallel_loop3A_640 = tpu.vector_load %arg6[%parallel_loop3A_638, %parallel_loop3A_639] {strides = array<i32>} : memref<400x64xf32, #tpu.memory_space<vmem>>, vector<1x16xf32>,
        %parallel_loop3A_641 = vector.shape_cast %parallel_loop3A_640 : vector<1x16xf32> to vector<16xf32>
        %parallel_loop3A_642 = vector.shape_cast %parallel_loop3A_626 : vector<16xf32> to vector<1x16xf32>
        tpu.vector_store %arg6[%parallel_loop3A_638, %parallel_loop3A_639], %parallel_loop3A_642 {strides = array<i32>} : memref<400x64xf32, #tpu.memory_space<vmem>>, vector<1x16xf32>,
        %parallel_loop3A_643 = arith.constant 7 : i32
        %parallel_loop3A_644 = arith.addi %parallel_loop3A_61, %parallel_loop3A_643 : i32
        %parallel_loop3A_645 = arith.index_cast %parallel_loop3A_644 : i32 to index
        %parallel_loop3A_646 = arith.constant 32 : index
        %parallel_loop3A_647 = tpu.vector_load %arg6[%parallel_loop3A_645, %parallel_loop3A_646] {strides = array<i32>} : memref<400x64xf32, #tpu.memory_space<vmem>>, vector<1x16xf32>,
        %parallel_loop3A_648 = vector.shape_cast %parallel_loop3A_647 : vector<1x16xf32> to vector<16xf32>
        %parallel_loop3A_649 = vector.shape_cast %parallel_loop3A_627 : vector<16xf32> to vector<1x16xf32>
        tpu.vector_store %arg6[%parallel_loop3A_645, %parallel_loop3A_646], %parallel_loop3A_649 {strides = array<i32>} : memref<400x64xf32, #tpu.memory_space<vmem>>, vector<1x16xf32>,
        %parallel_loop3A_650 = arith.constant 7 : i32
        %parallel_loop3A_651 = arith.addi %parallel_loop3A_61, %parallel_loop3A_650 : i32
        %parallel_loop3A_652 = arith.index_cast %parallel_loop3A_651 : i32 to index
        %parallel_loop3A_653 = arith.constant 48 : index
        %parallel_loop3A_654 = tpu.vector_load %arg6[%parallel_loop3A_652, %parallel_loop3A_653] {strides = array<i32>} : memref<400x64xf32, #tpu.memory_space<vmem>>, vector<1x16xf32>,
        %parallel_loop3A_655 = vector.shape_cast %parallel_loop3A_654 : vector<1x16xf32> to vector<16xf32>
        %parallel_loop3A_656 = vector.shape_cast %parallel_loop3A_628 : vector<16xf32> to vector<1x16xf32>
        tpu.vector_store %arg6[%parallel_loop3A_652, %parallel_loop3A_653], %parallel_loop3A_656 {strides = array<i32>} : memref<400x64xf32, #tpu.memory_space<vmem>>, vector<1x16xf32>,
        %parallel_loop3A_657 = vector.extract_strided_slice %parallel_loop3A_64 {offsets = [8], sizes = [1], strides = [1]} : vector<16xi32> to vector<1xi32>
        %parallel_loop3A_658 = vector.extract %parallel_loop3A_657[0] : i32 from vector<1xi32>
        %parallel_loop3A_659 = arith.constant 8 : i32
        %parallel_loop3A_660 = arith.addi %parallel_loop3A_61, %parallel_loop3A_659 : i32
        %parallel_loop3A_661 = arith.index_cast %parallel_loop3A_660 : i32 to index
        %parallel_loop3A_662 = arith.constant 0 : index
        %parallel_loop3A_663 = tpu.vector_load %arg6[%parallel_loop3A_661, %parallel_loop3A_662] {strides = array<i32>} : memref<400x64xf32, #tpu.memory_space<vmem>>, vector<1x16xf32>,
        %parallel_loop3A_664 = vector.shape_cast %parallel_loop3A_663 : vector<1x16xf32> to vector<16xf32>
        %parallel_loop3A_665 = arith.constant 8 : i32
        %parallel_loop3A_666 = arith.addi %parallel_loop3A_61, %parallel_loop3A_665 : i32
        %parallel_loop3A_667 = arith.index_cast %parallel_loop3A_666 : i32 to index
        %parallel_loop3A_668 = arith.constant 16 : index
        %parallel_loop3A_669 = tpu.vector_load %arg6[%parallel_loop3A_667, %parallel_loop3A_668] {strides = array<i32>} : memref<400x64xf32, #tpu.memory_space<vmem>>, vector<1x16xf32>,
        %parallel_loop3A_670 = vector.shape_cast %parallel_loop3A_669 : vector<1x16xf32> to vector<16xf32>
        %parallel_loop3A_671 = arith.constant 8 : i32
        %parallel_loop3A_672 = arith.addi %parallel_loop3A_61, %parallel_loop3A_671 : i32
        %parallel_loop3A_673 = arith.index_cast %parallel_loop3A_672 : i32 to index
        %parallel_loop3A_674 = arith.constant 32 : index
        %parallel_loop3A_675 = tpu.vector_load %arg6[%parallel_loop3A_673, %parallel_loop3A_674] {strides = array<i32>} : memref<400x64xf32, #tpu.memory_space<vmem>>, vector<1x16xf32>,
        %parallel_loop3A_676 = vector.shape_cast %parallel_loop3A_675 : vector<1x16xf32> to vector<16xf32>
        %parallel_loop3A_677 = arith.constant 8 : i32
        %parallel_loop3A_678 = arith.addi %parallel_loop3A_61, %parallel_loop3A_677 : i32
        %parallel_loop3A_679 = arith.index_cast %parallel_loop3A_678 : i32 to index
        %parallel_loop3A_680 = arith.constant 48 : index
        %parallel_loop3A_681 = tpu.vector_load %arg6[%parallel_loop3A_679, %parallel_loop3A_680] {strides = array<i32>} : memref<400x64xf32, #tpu.memory_space<vmem>>, vector<1x16xf32>,
        %parallel_loop3A_682 = vector.shape_cast %parallel_loop3A_681 : vector<1x16xf32> to vector<16xf32>
        %parallel_loop3A_683 = arith.index_cast %parallel_loop3A_658 : i32 to index
        %parallel_loop3A_684 = arith.constant 0 : index
        %parallel_loop3A_685 = tpu.vector_load %arg10[%parallel_loop3A_683, %parallel_loop3A_684] {strides = array<i32>} : memref<16x64xf32, #tpu.memory_space<vmem>>, vector<1x16xf32>,
        %parallel_loop3A_686 = vector.shape_cast %parallel_loop3A_685 : vector<1x16xf32> to vector<16xf32>
        %parallel_loop3A_687 = arith.index_cast %parallel_loop3A_658 : i32 to index
        %parallel_loop3A_688 = arith.constant 16 : index
        %parallel_loop3A_689 = tpu.vector_load %arg10[%parallel_loop3A_687, %parallel_loop3A_688] {strides = array<i32>} : memref<16x64xf32, #tpu.memory_space<vmem>>, vector<1x16xf32>,
        %parallel_loop3A_690 = vector.shape_cast %parallel_loop3A_689 : vector<1x16xf32> to vector<16xf32>
        %parallel_loop3A_691 = arith.index_cast %parallel_loop3A_658 : i32 to index
        %parallel_loop3A_692 = arith.constant 32 : index
        %parallel_loop3A_693 = tpu.vector_load %arg10[%parallel_loop3A_691, %parallel_loop3A_692] {strides = array<i32>} : memref<16x64xf32, #tpu.memory_space<vmem>>, vector<1x16xf32>,
        %parallel_loop3A_694 = vector.shape_cast %parallel_loop3A_693 : vector<1x16xf32> to vector<16xf32>
        %parallel_loop3A_695 = arith.index_cast %parallel_loop3A_658 : i32 to index
        %parallel_loop3A_696 = arith.constant 48 : index
        %parallel_loop3A_697 = tpu.vector_load %arg10[%parallel_loop3A_695, %parallel_loop3A_696] {strides = array<i32>} : memref<16x64xf32, #tpu.memory_space<vmem>>, vector<1x16xf32>,
        %parallel_loop3A_698 = vector.shape_cast %parallel_loop3A_697 : vector<1x16xf32> to vector<16xf32>
        %parallel_loop3A_699 = arith.addf %parallel_loop3A_664, %parallel_loop3A_686 : vector<16xf32>
        %parallel_loop3A_700 = arith.addf %parallel_loop3A_670, %parallel_loop3A_690 : vector<16xf32>
        %parallel_loop3A_701 = arith.addf %parallel_loop3A_676, %parallel_loop3A_694 : vector<16xf32>
        %parallel_loop3A_702 = arith.addf %parallel_loop3A_682, %parallel_loop3A_698 : vector<16xf32>
        %parallel_loop3A_703 = arith.constant 8 : i32
        %parallel_loop3A_704 = arith.addi %parallel_loop3A_61, %parallel_loop3A_703 : i32
        %parallel_loop3A_705 = arith.index_cast %parallel_loop3A_704 : i32 to index
        %parallel_loop3A_706 = arith.constant 0 : index
        %parallel_loop3A_707 = tpu.vector_load %arg6[%parallel_loop3A_705, %parallel_loop3A_706] {strides = array<i32>} : memref<400x64xf32, #tpu.memory_space<vmem>>, vector<1x16xf32>,
        %parallel_loop3A_708 = vector.shape_cast %parallel_loop3A_707 : vector<1x16xf32> to vector<16xf32>
        %parallel_loop3A_709 = vector.shape_cast %parallel_loop3A_699 : vector<16xf32> to vector<1x16xf32>
        tpu.vector_store %arg6[%parallel_loop3A_705, %parallel_loop3A_706], %parallel_loop3A_709 {strides = array<i32>} : memref<400x64xf32, #tpu.memory_space<vmem>>, vector<1x16xf32>,
        %parallel_loop3A_710 = arith.constant 8 : i32
        %parallel_loop3A_711 = arith.addi %parallel_loop3A_61, %parallel_loop3A_710 : i32
        %parallel_loop3A_712 = arith.index_cast %parallel_loop3A_711 : i32 to index
        %parallel_loop3A_713 = arith.constant 16 : index
        %parallel_loop3A_714 = tpu.vector_load %arg6[%parallel_loop3A_712, %parallel_loop3A_713] {strides = array<i32>} : memref<400x64xf32, #tpu.memory_space<vmem>>, vector<1x16xf32>,
        %parallel_loop3A_715 = vector.shape_cast %parallel_loop3A_714 : vector<1x16xf32> to vector<16xf32>
        %parallel_loop3A_716 = vector.shape_cast %parallel_loop3A_700 : vector<16xf32> to vector<1x16xf32>
        tpu.vector_store %arg6[%parallel_loop3A_712, %parallel_loop3A_713], %parallel_loop3A_716 {strides = array<i32>} : memref<400x64xf32, #tpu.memory_space<vmem>>, vector<1x16xf32>,
        %parallel_loop3A_717 = arith.constant 8 : i32
        %parallel_loop3A_718 = arith.addi %parallel_loop3A_61, %parallel_loop3A_717 : i32
        %parallel_loop3A_719 = arith.index_cast %parallel_loop3A_718 : i32 to index
        %parallel_loop3A_720 = arith.constant 32 : index
        %parallel_loop3A_721 = tpu.vector_load %arg6[%parallel_loop3A_719, %parallel_loop3A_720] {strides = array<i32>} : memref<400x64xf32, #tpu.memory_space<vmem>>, vector<1x16xf32>,
        %parallel_loop3A_722 = vector.shape_cast %parallel_loop3A_721 : vector<1x16xf32> to vector<16xf32>
        %parallel_loop3A_723 = vector.shape_cast %parallel_loop3A_701 : vector<16xf32> to vector<1x16xf32>
        tpu.vector_store %arg6[%parallel_loop3A_719, %parallel_loop3A_720], %parallel_loop3A_723 {strides = array<i32>} : memref<400x64xf32, #tpu.memory_space<vmem>>, vector<1x16xf32>,
        %parallel_loop3A_724 = arith.constant 8 : i32
        %parallel_loop3A_725 = arith.addi %parallel_loop3A_61, %parallel_loop3A_724 : i32
        %parallel_loop3A_726 = arith.index_cast %parallel_loop3A_725 : i32 to index
        %parallel_loop3A_727 = arith.constant 48 : index
        %parallel_loop3A_728 = tpu.vector_load %arg6[%parallel_loop3A_726, %parallel_loop3A_727] {strides = array<i32>} : memref<400x64xf32, #tpu.memory_space<vmem>>, vector<1x16xf32>,
        %parallel_loop3A_729 = vector.shape_cast %parallel_loop3A_728 : vector<1x16xf32> to vector<16xf32>
        %parallel_loop3A_730 = vector.shape_cast %parallel_loop3A_702 : vector<16xf32> to vector<1x16xf32>
        tpu.vector_store %arg6[%parallel_loop3A_726, %parallel_loop3A_727], %parallel_loop3A_730 {strides = array<i32>} : memref<400x64xf32, #tpu.memory_space<vmem>>, vector<1x16xf32>,
        %parallel_loop3A_731 = vector.extract_strided_slice %parallel_loop3A_64 {offsets = [9], sizes = [1], strides = [1]} : vector<16xi32> to vector<1xi32>
        %parallel_loop3A_732 = vector.extract %parallel_loop3A_731[0] : i32 from vector<1xi32>
        %parallel_loop3A_733 = arith.constant 9 : i32
        %parallel_loop3A_734 = arith.addi %parallel_loop3A_61, %parallel_loop3A_733 : i32
        %parallel_loop3A_735 = arith.index_cast %parallel_loop3A_734 : i32 to index
        %parallel_loop3A_736 = arith.constant 0 : index
        %parallel_loop3A_737 = tpu.vector_load %arg6[%parallel_loop3A_735, %parallel_loop3A_736] {strides = array<i32>} : memref<400x64xf32, #tpu.memory_space<vmem>>, vector<1x16xf32>,
        %parallel_loop3A_738 = vector.shape_cast %parallel_loop3A_737 : vector<1x16xf32> to vector<16xf32>
        %parallel_loop3A_739 = arith.constant 9 : i32
        %parallel_loop3A_740 = arith.addi %parallel_loop3A_61, %parallel_loop3A_739 : i32
        %parallel_loop3A_741 = arith.index_cast %parallel_loop3A_740 : i32 to index
        %parallel_loop3A_742 = arith.constant 16 : index
        %parallel_loop3A_743 = tpu.vector_load %arg6[%parallel_loop3A_741, %parallel_loop3A_742] {strides = array<i32>} : memref<400x64xf32, #tpu.memory_space<vmem>>, vector<1x16xf32>,
        %parallel_loop3A_744 = vector.shape_cast %parallel_loop3A_743 : vector<1x16xf32> to vector<16xf32>
        %parallel_loop3A_745 = arith.constant 9 : i32
        %parallel_loop3A_746 = arith.addi %parallel_loop3A_61, %parallel_loop3A_745 : i32
        %parallel_loop3A_747 = arith.index_cast %parallel_loop3A_746 : i32 to index
        %parallel_loop3A_748 = arith.constant 32 : index
        %parallel_loop3A_749 = tpu.vector_load %arg6[%parallel_loop3A_747, %parallel_loop3A_748] {strides = array<i32>} : memref<400x64xf32, #tpu.memory_space<vmem>>, vector<1x16xf32>,
        %parallel_loop3A_750 = vector.shape_cast %parallel_loop3A_749 : vector<1x16xf32> to vector<16xf32>
        %parallel_loop3A_751 = arith.constant 9 : i32
        %parallel_loop3A_752 = arith.addi %parallel_loop3A_61, %parallel_loop3A_751 : i32
        %parallel_loop3A_753 = arith.index_cast %parallel_loop3A_752 : i32 to index
        %parallel_loop3A_754 = arith.constant 48 : index
        %parallel_loop3A_755 = tpu.vector_load %arg6[%parallel_loop3A_753, %parallel_loop3A_754] {strides = array<i32>} : memref<400x64xf32, #tpu.memory_space<vmem>>, vector<1x16xf32>,
        %parallel_loop3A_756 = vector.shape_cast %parallel_loop3A_755 : vector<1x16xf32> to vector<16xf32>
        %parallel_loop3A_757 = arith.index_cast %parallel_loop3A_732 : i32 to index
        %parallel_loop3A_758 = arith.constant 0 : index
        %parallel_loop3A_759 = tpu.vector_load %arg10[%parallel_loop3A_757, %parallel_loop3A_758] {strides = array<i32>} : memref<16x64xf32, #tpu.memory_space<vmem>>, vector<1x16xf32>,
        %parallel_loop3A_760 = vector.shape_cast %parallel_loop3A_759 : vector<1x16xf32> to vector<16xf32>
        %parallel_loop3A_761 = arith.index_cast %parallel_loop3A_732 : i32 to index
        %parallel_loop3A_762 = arith.constant 16 : index
        %parallel_loop3A_763 = tpu.vector_load %arg10[%parallel_loop3A_761, %parallel_loop3A_762] {strides = array<i32>} : memref<16x64xf32, #tpu.memory_space<vmem>>, vector<1x16xf32>,
        %parallel_loop3A_764 = vector.shape_cast %parallel_loop3A_763 : vector<1x16xf32> to vector<16xf32>
        %parallel_loop3A_765 = arith.index_cast %parallel_loop3A_732 : i32 to index
        %parallel_loop3A_766 = arith.constant 32 : index
        %parallel_loop3A_767 = tpu.vector_load %arg10[%parallel_loop3A_765, %parallel_loop3A_766] {strides = array<i32>} : memref<16x64xf32, #tpu.memory_space<vmem>>, vector<1x16xf32>,
        %parallel_loop3A_768 = vector.shape_cast %parallel_loop3A_767 : vector<1x16xf32> to vector<16xf32>
        %parallel_loop3A_769 = arith.index_cast %parallel_loop3A_732 : i32 to index
        %parallel_loop3A_770 = arith.constant 48 : index
        %parallel_loop3A_771 = tpu.vector_load %arg10[%parallel_loop3A_769, %parallel_loop3A_770] {strides = array<i32>} : memref<16x64xf32, #tpu.memory_space<vmem>>, vector<1x16xf32>,
        %parallel_loop3A_772 = vector.shape_cast %parallel_loop3A_771 : vector<1x16xf32> to vector<16xf32>
        %parallel_loop3A_773 = arith.addf %parallel_loop3A_738, %parallel_loop3A_760 : vector<16xf32>
        %parallel_loop3A_774 = arith.addf %parallel_loop3A_744, %parallel_loop3A_764 : vector<16xf32>
        %parallel_loop3A_775 = arith.addf %parallel_loop3A_750, %parallel_loop3A_768 : vector<16xf32>
        %parallel_loop3A_776 = arith.addf %parallel_loop3A_756, %parallel_loop3A_772 : vector<16xf32>
        %parallel_loop3A_777 = arith.constant 9 : i32
        %parallel_loop3A_778 = arith.addi %parallel_loop3A_61, %parallel_loop3A_777 : i32
        %parallel_loop3A_779 = arith.index_cast %parallel_loop3A_778 : i32 to index
        %parallel_loop3A_780 = arith.constant 0 : index
        %parallel_loop3A_781 = tpu.vector_load %arg6[%parallel_loop3A_779, %parallel_loop3A_780] {strides = array<i32>} : memref<400x64xf32, #tpu.memory_space<vmem>>, vector<1x16xf32>,
        %parallel_loop3A_782 = vector.shape_cast %parallel_loop3A_781 : vector<1x16xf32> to vector<16xf32>
        %parallel_loop3A_783 = vector.shape_cast %parallel_loop3A_773 : vector<16xf32> to vector<1x16xf32>
        tpu.vector_store %arg6[%parallel_loop3A_779, %parallel_loop3A_780], %parallel_loop3A_783 {strides = array<i32>} : memref<400x64xf32, #tpu.memory_space<vmem>>, vector<1x16xf32>,
        %parallel_loop3A_784 = arith.constant 9 : i32
        %parallel_loop3A_785 = arith.addi %parallel_loop3A_61, %parallel_loop3A_784 : i32
        %parallel_loop3A_786 = arith.index_cast %parallel_loop3A_785 : i32 to index
        %parallel_loop3A_787 = arith.constant 16 : index
        %parallel_loop3A_788 = tpu.vector_load %arg6[%parallel_loop3A_786, %parallel_loop3A_787] {strides = array<i32>} : memref<400x64xf32, #tpu.memory_space<vmem>>, vector<1x16xf32>,
        %parallel_loop3A_789 = vector.shape_cast %parallel_loop3A_788 : vector<1x16xf32> to vector<16xf32>
        %parallel_loop3A_790 = vector.shape_cast %parallel_loop3A_774 : vector<16xf32> to vector<1x16xf32>
        tpu.vector_store %arg6[%parallel_loop3A_786, %parallel_loop3A_787], %parallel_loop3A_790 {strides = array<i32>} : memref<400x64xf32, #tpu.memory_space<vmem>>, vector<1x16xf32>,
        %parallel_loop3A_791 = arith.constant 9 : i32
        %parallel_loop3A_792 = arith.addi %parallel_loop3A_61, %parallel_loop3A_791 : i32
        %parallel_loop3A_793 = arith.index_cast %parallel_loop3A_792 : i32 to index
        %parallel_loop3A_794 = arith.constant 32 : index
        %parallel_loop3A_795 = tpu.vector_load %arg6[%parallel_loop3A_793, %parallel_loop3A_794] {strides = array<i32>} : memref<400x64xf32, #tpu.memory_space<vmem>>, vector<1x16xf32>,
        %parallel_loop3A_796 = vector.shape_cast %parallel_loop3A_795 : vector<1x16xf32> to vector<16xf32>
        %parallel_loop3A_797 = vector.shape_cast %parallel_loop3A_775 : vector<16xf32> to vector<1x16xf32>
        tpu.vector_store %arg6[%parallel_loop3A_793, %parallel_loop3A_794], %parallel_loop3A_797 {strides = array<i32>} : memref<400x64xf32, #tpu.memory_space<vmem>>, vector<1x16xf32>,
        %parallel_loop3A_798 = arith.constant 9 : i32
        %parallel_loop3A_799 = arith.addi %parallel_loop3A_61, %parallel_loop3A_798 : i32
        %parallel_loop3A_800 = arith.index_cast %parallel_loop3A_799 : i32 to index
        %parallel_loop3A_801 = arith.constant 48 : index
        %parallel_loop3A_802 = tpu.vector_load %arg6[%parallel_loop3A_800, %parallel_loop3A_801] {strides = array<i32>} : memref<400x64xf32, #tpu.memory_space<vmem>>, vector<1x16xf32>,
        %parallel_loop3A_803 = vector.shape_cast %parallel_loop3A_802 : vector<1x16xf32> to vector<16xf32>
        %parallel_loop3A_804 = vector.shape_cast %parallel_loop3A_776 : vector<16xf32> to vector<1x16xf32>
        tpu.vector_store %arg6[%parallel_loop3A_800, %parallel_loop3A_801], %parallel_loop3A_804 {strides = array<i32>} : memref<400x64xf32, #tpu.memory_space<vmem>>, vector<1x16xf32>,
        %parallel_loop3A_805 = vector.extract_strided_slice %parallel_loop3A_64 {offsets = [10], sizes = [1], strides = [1]} : vector<16xi32> to vector<1xi32>
        %parallel_loop3A_806 = vector.extract %parallel_loop3A_805[0] : i32 from vector<1xi32>
        %parallel_loop3A_807 = arith.constant 10 : i32
        %parallel_loop3A_808 = arith.addi %parallel_loop3A_61, %parallel_loop3A_807 : i32
        %parallel_loop3A_809 = arith.index_cast %parallel_loop3A_808 : i32 to index
        %parallel_loop3A_810 = arith.constant 0 : index
        %parallel_loop3A_811 = tpu.vector_load %arg6[%parallel_loop3A_809, %parallel_loop3A_810] {strides = array<i32>} : memref<400x64xf32, #tpu.memory_space<vmem>>, vector<1x16xf32>,
        %parallel_loop3A_812 = vector.shape_cast %parallel_loop3A_811 : vector<1x16xf32> to vector<16xf32>
        %parallel_loop3A_813 = arith.constant 10 : i32
        %parallel_loop3A_814 = arith.addi %parallel_loop3A_61, %parallel_loop3A_813 : i32
        %parallel_loop3A_815 = arith.index_cast %parallel_loop3A_814 : i32 to index
        %parallel_loop3A_816 = arith.constant 16 : index
        %parallel_loop3A_817 = tpu.vector_load %arg6[%parallel_loop3A_815, %parallel_loop3A_816] {strides = array<i32>} : memref<400x64xf32, #tpu.memory_space<vmem>>, vector<1x16xf32>,
        %parallel_loop3A_818 = vector.shape_cast %parallel_loop3A_817 : vector<1x16xf32> to vector<16xf32>
        %parallel_loop3A_819 = arith.constant 10 : i32
        %parallel_loop3A_820 = arith.addi %parallel_loop3A_61, %parallel_loop3A_819 : i32
        %parallel_loop3A_821 = arith.index_cast %parallel_loop3A_820 : i32 to index
        %parallel_loop3A_822 = arith.constant 32 : index
        %parallel_loop3A_823 = tpu.vector_load %arg6[%parallel_loop3A_821, %parallel_loop3A_822] {strides = array<i32>} : memref<400x64xf32, #tpu.memory_space<vmem>>, vector<1x16xf32>,
        %parallel_loop3A_824 = vector.shape_cast %parallel_loop3A_823 : vector<1x16xf32> to vector<16xf32>
        %parallel_loop3A_825 = arith.constant 10 : i32
        %parallel_loop3A_826 = arith.addi %parallel_loop3A_61, %parallel_loop3A_825 : i32
        %parallel_loop3A_827 = arith.index_cast %parallel_loop3A_826 : i32 to index
        %parallel_loop3A_828 = arith.constant 48 : index
        %parallel_loop3A_829 = tpu.vector_load %arg6[%parallel_loop3A_827, %parallel_loop3A_828] {strides = array<i32>} : memref<400x64xf32, #tpu.memory_space<vmem>>, vector<1x16xf32>,
        %parallel_loop3A_830 = vector.shape_cast %parallel_loop3A_829 : vector<1x16xf32> to vector<16xf32>
        %parallel_loop3A_831 = arith.index_cast %parallel_loop3A_806 : i32 to index
        %parallel_loop3A_832 = arith.constant 0 : index
        %parallel_loop3A_833 = tpu.vector_load %arg10[%parallel_loop3A_831, %parallel_loop3A_832] {strides = array<i32>} : memref<16x64xf32, #tpu.memory_space<vmem>>, vector<1x16xf32>,
        %parallel_loop3A_834 = vector.shape_cast %parallel_loop3A_833 : vector<1x16xf32> to vector<16xf32>
        %parallel_loop3A_835 = arith.index_cast %parallel_loop3A_806 : i32 to index
        %parallel_loop3A_836 = arith.constant 16 : index
        %parallel_loop3A_837 = tpu.vector_load %arg10[%parallel_loop3A_835, %parallel_loop3A_836] {strides = array<i32>} : memref<16x64xf32, #tpu.memory_space<vmem>>, vector<1x16xf32>,
        %parallel_loop3A_838 = vector.shape_cast %parallel_loop3A_837 : vector<1x16xf32> to vector<16xf32>
        %parallel_loop3A_839 = arith.index_cast %parallel_loop3A_806 : i32 to index
        %parallel_loop3A_840 = arith.constant 32 : index
        %parallel_loop3A_841 = tpu.vector_load %arg10[%parallel_loop3A_839, %parallel_loop3A_840] {strides = array<i32>} : memref<16x64xf32, #tpu.memory_space<vmem>>, vector<1x16xf32>,
        %parallel_loop3A_842 = vector.shape_cast %parallel_loop3A_841 : vector<1x16xf32> to vector<16xf32>
        %parallel_loop3A_843 = arith.index_cast %parallel_loop3A_806 : i32 to index
        %parallel_loop3A_844 = arith.constant 48 : index
        %parallel_loop3A_845 = tpu.vector_load %arg10[%parallel_loop3A_843, %parallel_loop3A_844] {strides = array<i32>} : memref<16x64xf32, #tpu.memory_space<vmem>>, vector<1x16xf32>,
        %parallel_loop3A_846 = vector.shape_cast %parallel_loop3A_845 : vector<1x16xf32> to vector<16xf32>
        %parallel_loop3A_847 = arith.addf %parallel_loop3A_812, %parallel_loop3A_834 : vector<16xf32>
        %parallel_loop3A_848 = arith.addf %parallel_loop3A_818, %parallel_loop3A_838 : vector<16xf32>
        %parallel_loop3A_849 = arith.addf %parallel_loop3A_824, %parallel_loop3A_842 : vector<16xf32>
        %parallel_loop3A_850 = arith.addf %parallel_loop3A_830, %parallel_loop3A_846 : vector<16xf32>
        %parallel_loop3A_851 = arith.constant 10 : i32
        %parallel_loop3A_852 = arith.addi %parallel_loop3A_61, %parallel_loop3A_851 : i32
        %parallel_loop3A_853 = arith.index_cast %parallel_loop3A_852 : i32 to index
        %parallel_loop3A_854 = arith.constant 0 : index
        %parallel_loop3A_855 = tpu.vector_load %arg6[%parallel_loop3A_853, %parallel_loop3A_854] {strides = array<i32>} : memref<400x64xf32, #tpu.memory_space<vmem>>, vector<1x16xf32>,
        %parallel_loop3A_856 = vector.shape_cast %parallel_loop3A_855 : vector<1x16xf32> to vector<16xf32>
        %parallel_loop3A_857 = vector.shape_cast %parallel_loop3A_847 : vector<16xf32> to vector<1x16xf32>
        tpu.vector_store %arg6[%parallel_loop3A_853, %parallel_loop3A_854], %parallel_loop3A_857 {strides = array<i32>} : memref<400x64xf32, #tpu.memory_space<vmem>>, vector<1x16xf32>,
        %parallel_loop3A_858 = arith.constant 10 : i32
        %parallel_loop3A_859 = arith.addi %parallel_loop3A_61, %parallel_loop3A_858 : i32
        %parallel_loop3A_860 = arith.index_cast %parallel_loop3A_859 : i32 to index
        %parallel_loop3A_861 = arith.constant 16 : index
        %parallel_loop3A_862 = tpu.vector_load %arg6[%parallel_loop3A_860, %parallel_loop3A_861] {strides = array<i32>} : memref<400x64xf32, #tpu.memory_space<vmem>>, vector<1x16xf32>,
        %parallel_loop3A_863 = vector.shape_cast %parallel_loop3A_862 : vector<1x16xf32> to vector<16xf32>
        %parallel_loop3A_864 = vector.shape_cast %parallel_loop3A_848 : vector<16xf32> to vector<1x16xf32>
        tpu.vector_store %arg6[%parallel_loop3A_860, %parallel_loop3A_861], %parallel_loop3A_864 {strides = array<i32>} : memref<400x64xf32, #tpu.memory_space<vmem>>, vector<1x16xf32>,
        %parallel_loop3A_865 = arith.constant 10 : i32
        %parallel_loop3A_866 = arith.addi %parallel_loop3A_61, %parallel_loop3A_865 : i32
        %parallel_loop3A_867 = arith.index_cast %parallel_loop3A_866 : i32 to index
        %parallel_loop3A_868 = arith.constant 32 : index
        %parallel_loop3A_869 = tpu.vector_load %arg6[%parallel_loop3A_867, %parallel_loop3A_868] {strides = array<i32>} : memref<400x64xf32, #tpu.memory_space<vmem>>, vector<1x16xf32>,
        %parallel_loop3A_870 = vector.shape_cast %parallel_loop3A_869 : vector<1x16xf32> to vector<16xf32>
        %parallel_loop3A_871 = vector.shape_cast %parallel_loop3A_849 : vector<16xf32> to vector<1x16xf32>
        tpu.vector_store %arg6[%parallel_loop3A_867, %parallel_loop3A_868], %parallel_loop3A_871 {strides = array<i32>} : memref<400x64xf32, #tpu.memory_space<vmem>>, vector<1x16xf32>,
        %parallel_loop3A_872 = arith.constant 10 : i32
        %parallel_loop3A_873 = arith.addi %parallel_loop3A_61, %parallel_loop3A_872 : i32
        %parallel_loop3A_874 = arith.index_cast %parallel_loop3A_873 : i32 to index
        %parallel_loop3A_875 = arith.constant 48 : index
        %parallel_loop3A_876 = tpu.vector_load %arg6[%parallel_loop3A_874, %parallel_loop3A_875] {strides = array<i32>} : memref<400x64xf32, #tpu.memory_space<vmem>>, vector<1x16xf32>,
        %parallel_loop3A_877 = vector.shape_cast %parallel_loop3A_876 : vector<1x16xf32> to vector<16xf32>
        %parallel_loop3A_878 = vector.shape_cast %parallel_loop3A_850 : vector<16xf32> to vector<1x16xf32>
        tpu.vector_store %arg6[%parallel_loop3A_874, %parallel_loop3A_875], %parallel_loop3A_878 {strides = array<i32>} : memref<400x64xf32, #tpu.memory_space<vmem>>, vector<1x16xf32>,
        %parallel_loop3A_879 = vector.extract_strided_slice %parallel_loop3A_64 {offsets = [11], sizes = [1], strides = [1]} : vector<16xi32> to vector<1xi32>
        %parallel_loop3A_880 = vector.extract %parallel_loop3A_879[0] : i32 from vector<1xi32>
        %parallel_loop3A_881 = arith.constant 11 : i32
        %parallel_loop3A_882 = arith.addi %parallel_loop3A_61, %parallel_loop3A_881 : i32
        %parallel_loop3A_883 = arith.index_cast %parallel_loop3A_882 : i32 to index
        %parallel_loop3A_884 = arith.constant 0 : index
        %parallel_loop3A_885 = tpu.vector_load %arg6[%parallel_loop3A_883, %parallel_loop3A_884] {strides = array<i32>} : memref<400x64xf32, #tpu.memory_space<vmem>>, vector<1x16xf32>,
        %parallel_loop3A_886 = vector.shape_cast %parallel_loop3A_885 : vector<1x16xf32> to vector<16xf32>
        %parallel_loop3A_887 = arith.constant 11 : i32
        %parallel_loop3A_888 = arith.addi %parallel_loop3A_61, %parallel_loop3A_887 : i32
        %parallel_loop3A_889 = arith.index_cast %parallel_loop3A_888 : i32 to index
        %parallel_loop3A_890 = arith.constant 16 : index
        %parallel_loop3A_891 = tpu.vector_load %arg6[%parallel_loop3A_889, %parallel_loop3A_890] {strides = array<i32>} : memref<400x64xf32, #tpu.memory_space<vmem>>, vector<1x16xf32>,
        %parallel_loop3A_892 = vector.shape_cast %parallel_loop3A_891 : vector<1x16xf32> to vector<16xf32>
        %parallel_loop3A_893 = arith.constant 11 : i32
        %parallel_loop3A_894 = arith.addi %parallel_loop3A_61, %parallel_loop3A_893 : i32
        %parallel_loop3A_895 = arith.index_cast %parallel_loop3A_894 : i32 to index
        %parallel_loop3A_896 = arith.constant 32 : index
        %parallel_loop3A_897 = tpu.vector_load %arg6[%parallel_loop3A_895, %parallel_loop3A_896] {strides = array<i32>} : memref<400x64xf32, #tpu.memory_space<vmem>>, vector<1x16xf32>,
        %parallel_loop3A_898 = vector.shape_cast %parallel_loop3A_897 : vector<1x16xf32> to vector<16xf32>
        %parallel_loop3A_899 = arith.constant 11 : i32
        %parallel_loop3A_900 = arith.addi %parallel_loop3A_61, %parallel_loop3A_899 : i32
        %parallel_loop3A_901 = arith.index_cast %parallel_loop3A_900 : i32 to index
        %parallel_loop3A_902 = arith.constant 48 : index
        %parallel_loop3A_903 = tpu.vector_load %arg6[%parallel_loop3A_901, %parallel_loop3A_902] {strides = array<i32>} : memref<400x64xf32, #tpu.memory_space<vmem>>, vector<1x16xf32>,
        %parallel_loop3A_904 = vector.shape_cast %parallel_loop3A_903 : vector<1x16xf32> to vector<16xf32>
        %parallel_loop3A_905 = arith.index_cast %parallel_loop3A_880 : i32 to index
        %parallel_loop3A_906 = arith.constant 0 : index
        %parallel_loop3A_907 = tpu.vector_load %arg10[%parallel_loop3A_905, %parallel_loop3A_906] {strides = array<i32>} : memref<16x64xf32, #tpu.memory_space<vmem>>, vector<1x16xf32>,
        %parallel_loop3A_908 = vector.shape_cast %parallel_loop3A_907 : vector<1x16xf32> to vector<16xf32>
        %parallel_loop3A_909 = arith.index_cast %parallel_loop3A_880 : i32 to index
        %parallel_loop3A_910 = arith.constant 16 : index
        %parallel_loop3A_911 = tpu.vector_load %arg10[%parallel_loop3A_909, %parallel_loop3A_910] {strides = array<i32>} : memref<16x64xf32, #tpu.memory_space<vmem>>, vector<1x16xf32>,
        %parallel_loop3A_912 = vector.shape_cast %parallel_loop3A_911 : vector<1x16xf32> to vector<16xf32>
        %parallel_loop3A_913 = arith.index_cast %parallel_loop3A_880 : i32 to index
        %parallel_loop3A_914 = arith.constant 32 : index
        %parallel_loop3A_915 = tpu.vector_load %arg10[%parallel_loop3A_913, %parallel_loop3A_914] {strides = array<i32>} : memref<16x64xf32, #tpu.memory_space<vmem>>, vector<1x16xf32>,
        %parallel_loop3A_916 = vector.shape_cast %parallel_loop3A_915 : vector<1x16xf32> to vector<16xf32>
        %parallel_loop3A_917 = arith.index_cast %parallel_loop3A_880 : i32 to index
        %parallel_loop3A_918 = arith.constant 48 : index
        %parallel_loop3A_919 = tpu.vector_load %arg10[%parallel_loop3A_917, %parallel_loop3A_918] {strides = array<i32>} : memref<16x64xf32, #tpu.memory_space<vmem>>, vector<1x16xf32>,
        %parallel_loop3A_920 = vector.shape_cast %parallel_loop3A_919 : vector<1x16xf32> to vector<16xf32>
        %parallel_loop3A_921 = arith.addf %parallel_loop3A_886, %parallel_loop3A_908 : vector<16xf32>
        %parallel_loop3A_922 = arith.addf %parallel_loop3A_892, %parallel_loop3A_912 : vector<16xf32>
        %parallel_loop3A_923 = arith.addf %parallel_loop3A_898, %parallel_loop3A_916 : vector<16xf32>
        %parallel_loop3A_924 = arith.addf %parallel_loop3A_904, %parallel_loop3A_920 : vector<16xf32>
        %parallel_loop3A_925 = arith.constant 11 : i32
        %parallel_loop3A_926 = arith.addi %parallel_loop3A_61, %parallel_loop3A_925 : i32
        %parallel_loop3A_927 = arith.index_cast %parallel_loop3A_926 : i32 to index
        %parallel_loop3A_928 = arith.constant 0 : index
        %parallel_loop3A_929 = tpu.vector_load %arg6[%parallel_loop3A_927, %parallel_loop3A_928] {strides = array<i32>} : memref<400x64xf32, #tpu.memory_space<vmem>>, vector<1x16xf32>,
        %parallel_loop3A_930 = vector.shape_cast %parallel_loop3A_929 : vector<1x16xf32> to vector<16xf32>
        %parallel_loop3A_931 = vector.shape_cast %parallel_loop3A_921 : vector<16xf32> to vector<1x16xf32>
        tpu.vector_store %arg6[%parallel_loop3A_927, %parallel_loop3A_928], %parallel_loop3A_931 {strides = array<i32>} : memref<400x64xf32, #tpu.memory_space<vmem>>, vector<1x16xf32>,
        %parallel_loop3A_932 = arith.constant 11 : i32
        %parallel_loop3A_933 = arith.addi %parallel_loop3A_61, %parallel_loop3A_932 : i32
        %parallel_loop3A_934 = arith.index_cast %parallel_loop3A_933 : i32 to index
        %parallel_loop3A_935 = arith.constant 16 : index
        %parallel_loop3A_936 = tpu.vector_load %arg6[%parallel_loop3A_934, %parallel_loop3A_935] {strides = array<i32>} : memref<400x64xf32, #tpu.memory_space<vmem>>, vector<1x16xf32>,
        %parallel_loop3A_937 = vector.shape_cast %parallel_loop3A_936 : vector<1x16xf32> to vector<16xf32>
        %parallel_loop3A_938 = vector.shape_cast %parallel_loop3A_922 : vector<16xf32> to vector<1x16xf32>
        tpu.vector_store %arg6[%parallel_loop3A_934, %parallel_loop3A_935], %parallel_loop3A_938 {strides = array<i32>} : memref<400x64xf32, #tpu.memory_space<vmem>>, vector<1x16xf32>,
        %parallel_loop3A_939 = arith.constant 11 : i32
        %parallel_loop3A_940 = arith.addi %parallel_loop3A_61, %parallel_loop3A_939 : i32
        %parallel_loop3A_941 = arith.index_cast %parallel_loop3A_940 : i32 to index
        %parallel_loop3A_942 = arith.constant 32 : index
        %parallel_loop3A_943 = tpu.vector_load %arg6[%parallel_loop3A_941, %parallel_loop3A_942] {strides = array<i32>} : memref<400x64xf32, #tpu.memory_space<vmem>>, vector<1x16xf32>,
        %parallel_loop3A_944 = vector.shape_cast %parallel_loop3A_943 : vector<1x16xf32> to vector<16xf32>
        %parallel_loop3A_945 = vector.shape_cast %parallel_loop3A_923 : vector<16xf32> to vector<1x16xf32>
        tpu.vector_store %arg6[%parallel_loop3A_941, %parallel_loop3A_942], %parallel_loop3A_945 {strides = array<i32>} : memref<400x64xf32, #tpu.memory_space<vmem>>, vector<1x16xf32>,
        %parallel_loop3A_946 = arith.constant 11 : i32
        %parallel_loop3A_947 = arith.addi %parallel_loop3A_61, %parallel_loop3A_946 : i32
        %parallel_loop3A_948 = arith.index_cast %parallel_loop3A_947 : i32 to index
        %parallel_loop3A_949 = arith.constant 48 : index
        %parallel_loop3A_950 = tpu.vector_load %arg6[%parallel_loop3A_948, %parallel_loop3A_949] {strides = array<i32>} : memref<400x64xf32, #tpu.memory_space<vmem>>, vector<1x16xf32>,
        %parallel_loop3A_951 = vector.shape_cast %parallel_loop3A_950 : vector<1x16xf32> to vector<16xf32>
        %parallel_loop3A_952 = vector.shape_cast %parallel_loop3A_924 : vector<16xf32> to vector<1x16xf32>
        tpu.vector_store %arg6[%parallel_loop3A_948, %parallel_loop3A_949], %parallel_loop3A_952 {strides = array<i32>} : memref<400x64xf32, #tpu.memory_space<vmem>>, vector<1x16xf32>,
        %parallel_loop3A_953 = vector.extract_strided_slice %parallel_loop3A_64 {offsets = [12], sizes = [1], strides = [1]} : vector<16xi32> to vector<1xi32>
        %parallel_loop3A_954 = vector.extract %parallel_loop3A_953[0] : i32 from vector<1xi32>
        %parallel_loop3A_955 = arith.constant 12 : i32
        %parallel_loop3A_956 = arith.addi %parallel_loop3A_61, %parallel_loop3A_955 : i32
        %parallel_loop3A_957 = arith.index_cast %parallel_loop3A_956 : i32 to index
        %parallel_loop3A_958 = arith.constant 0 : index
        %parallel_loop3A_959 = tpu.vector_load %arg6[%parallel_loop3A_957, %parallel_loop3A_958] {strides = array<i32>} : memref<400x64xf32, #tpu.memory_space<vmem>>, vector<1x16xf32>,
        %parallel_loop3A_960 = vector.shape_cast %parallel_loop3A_959 : vector<1x16xf32> to vector<16xf32>
        %parallel_loop3A_961 = arith.constant 12 : i32
        %parallel_loop3A_962 = arith.addi %parallel_loop3A_61, %parallel_loop3A_961 : i32
        %parallel_loop3A_963 = arith.index_cast %parallel_loop3A_962 : i32 to index
        %parallel_loop3A_964 = arith.constant 16 : index
        %parallel_loop3A_965 = tpu.vector_load %arg6[%parallel_loop3A_963, %parallel_loop3A_964] {strides = array<i32>} : memref<400x64xf32, #tpu.memory_space<vmem>>, vector<1x16xf32>,
        %parallel_loop3A_966 = vector.shape_cast %parallel_loop3A_965 : vector<1x16xf32> to vector<16xf32>
        %parallel_loop3A_967 = arith.constant 12 : i32
        %parallel_loop3A_968 = arith.addi %parallel_loop3A_61, %parallel_loop3A_967 : i32
        %parallel_loop3A_969 = arith.index_cast %parallel_loop3A_968 : i32 to index
        %parallel_loop3A_970 = arith.constant 32 : index
        %parallel_loop3A_971 = tpu.vector_load %arg6[%parallel_loop3A_969, %parallel_loop3A_970] {strides = array<i32>} : memref<400x64xf32, #tpu.memory_space<vmem>>, vector<1x16xf32>,
        %parallel_loop3A_972 = vector.shape_cast %parallel_loop3A_971 : vector<1x16xf32> to vector<16xf32>
        %parallel_loop3A_973 = arith.constant 12 : i32
        %parallel_loop3A_974 = arith.addi %parallel_loop3A_61, %parallel_loop3A_973 : i32
        %parallel_loop3A_975 = arith.index_cast %parallel_loop3A_974 : i32 to index
        %parallel_loop3A_976 = arith.constant 48 : index
        %parallel_loop3A_977 = tpu.vector_load %arg6[%parallel_loop3A_975, %parallel_loop3A_976] {strides = array<i32>} : memref<400x64xf32, #tpu.memory_space<vmem>>, vector<1x16xf32>,
        %parallel_loop3A_978 = vector.shape_cast %parallel_loop3A_977 : vector<1x16xf32> to vector<16xf32>
        %parallel_loop3A_979 = arith.index_cast %parallel_loop3A_954 : i32 to index
        %parallel_loop3A_980 = arith.constant 0 : index
        %parallel_loop3A_981 = tpu.vector_load %arg10[%parallel_loop3A_979, %parallel_loop3A_980] {strides = array<i32>} : memref<16x64xf32, #tpu.memory_space<vmem>>, vector<1x16xf32>,
        %parallel_loop3A_982 = vector.shape_cast %parallel_loop3A_981 : vector<1x16xf32> to vector<16xf32>
        %parallel_loop3A_983 = arith.index_cast %parallel_loop3A_954 : i32 to index
        %parallel_loop3A_984 = arith.constant 16 : index
        %parallel_loop3A_985 = tpu.vector_load %arg10[%parallel_loop3A_983, %parallel_loop3A_984] {strides = array<i32>} : memref<16x64xf32, #tpu.memory_space<vmem>>, vector<1x16xf32>,
        %parallel_loop3A_986 = vector.shape_cast %parallel_loop3A_985 : vector<1x16xf32> to vector<16xf32>
        %parallel_loop3A_987 = arith.index_cast %parallel_loop3A_954 : i32 to index
        %parallel_loop3A_988 = arith.constant 32 : index
        %parallel_loop3A_989 = tpu.vector_load %arg10[%parallel_loop3A_987, %parallel_loop3A_988] {strides = array<i32>} : memref<16x64xf32, #tpu.memory_space<vmem>>, vector<1x16xf32>,
        %parallel_loop3A_990 = vector.shape_cast %parallel_loop3A_989 : vector<1x16xf32> to vector<16xf32>
        %parallel_loop3A_991 = arith.index_cast %parallel_loop3A_954 : i32 to index
        %parallel_loop3A_992 = arith.constant 48 : index
        %parallel_loop3A_993 = tpu.vector_load %arg10[%parallel_loop3A_991, %parallel_loop3A_992] {strides = array<i32>} : memref<16x64xf32, #tpu.memory_space<vmem>>, vector<1x16xf32>,
        %parallel_loop3A_994 = vector.shape_cast %parallel_loop3A_993 : vector<1x16xf32> to vector<16xf32>
        %parallel_loop3A_995 = arith.addf %parallel_loop3A_960, %parallel_loop3A_982 : vector<16xf32>
        %parallel_loop3A_996 = arith.addf %parallel_loop3A_966, %parallel_loop3A_986 : vector<16xf32>
        %parallel_loop3A_997 = arith.addf %parallel_loop3A_972, %parallel_loop3A_990 : vector<16xf32>
        %parallel_loop3A_998 = arith.addf %parallel_loop3A_978, %parallel_loop3A_994 : vector<16xf32>
        %parallel_loop3A_999 = arith.constant 12 : i32
        %parallel_loop3A_1000 = arith.addi %parallel_loop3A_61, %parallel_loop3A_999 : i32
        %parallel_loop3A_1001 = arith.index_cast %parallel_loop3A_1000 : i32 to index
        %parallel_loop3A_1002 = arith.constant 0 : index
        %parallel_loop3A_1003 = tpu.vector_load %arg6[%parallel_loop3A_1001, %parallel_loop3A_1002] {strides = array<i32>} : memref<400x64xf32, #tpu.memory_space<vmem>>, vector<1x16xf32>,
        %parallel_loop3A_1004 = vector.shape_cast %parallel_loop3A_1003 : vector<1x16xf32> to vector<16xf32>
        %parallel_loop3A_1005 = vector.shape_cast %parallel_loop3A_995 : vector<16xf32> to vector<1x16xf32>
        tpu.vector_store %arg6[%parallel_loop3A_1001, %parallel_loop3A_1002], %parallel_loop3A_1005 {strides = array<i32>} : memref<400x64xf32, #tpu.memory_space<vmem>>, vector<1x16xf32>,
        %parallel_loop3A_1006 = arith.constant 12 : i32
        %parallel_loop3A_1007 = arith.addi %parallel_loop3A_61, %parallel_loop3A_1006 : i32
        %parallel_loop3A_1008 = arith.index_cast %parallel_loop3A_1007 : i32 to index
        %parallel_loop3A_1009 = arith.constant 16 : index
        %parallel_loop3A_1010 = tpu.vector_load %arg6[%parallel_loop3A_1008, %parallel_loop3A_1009] {strides = array<i32>} : memref<400x64xf32, #tpu.memory_space<vmem>>, vector<1x16xf32>,
        %parallel_loop3A_1011 = vector.shape_cast %parallel_loop3A_1010 : vector<1x16xf32> to vector<16xf32>
        %parallel_loop3A_1012 = vector.shape_cast %parallel_loop3A_996 : vector<16xf32> to vector<1x16xf32>
        tpu.vector_store %arg6[%parallel_loop3A_1008, %parallel_loop3A_1009], %parallel_loop3A_1012 {strides = array<i32>} : memref<400x64xf32, #tpu.memory_space<vmem>>, vector<1x16xf32>,
        %parallel_loop3A_1013 = arith.constant 12 : i32
        %parallel_loop3A_1014 = arith.addi %parallel_loop3A_61, %parallel_loop3A_1013 : i32
        %parallel_loop3A_1015 = arith.index_cast %parallel_loop3A_1014 : i32 to index
        %parallel_loop3A_1016 = arith.constant 32 : index
        %parallel_loop3A_1017 = tpu.vector_load %arg6[%parallel_loop3A_1015, %parallel_loop3A_1016] {strides = array<i32>} : memref<400x64xf32, #tpu.memory_space<vmem>>, vector<1x16xf32>,
        %parallel_loop3A_1018 = vector.shape_cast %parallel_loop3A_1017 : vector<1x16xf32> to vector<16xf32>
        %parallel_loop3A_1019 = vector.shape_cast %parallel_loop3A_997 : vector<16xf32> to vector<1x16xf32>
        tpu.vector_store %arg6[%parallel_loop3A_1015, %parallel_loop3A_1016], %parallel_loop3A_1019 {strides = array<i32>} : memref<400x64xf32, #tpu.memory_space<vmem>>, vector<1x16xf32>,
        %parallel_loop3A_1020 = arith.constant 12 : i32
        %parallel_loop3A_1021 = arith.addi %parallel_loop3A_61, %parallel_loop3A_1020 : i32
        %parallel_loop3A_1022 = arith.index_cast %parallel_loop3A_1021 : i32 to index
        %parallel_loop3A_1023 = arith.constant 48 : index
        %parallel_loop3A_1024 = tpu.vector_load %arg6[%parallel_loop3A_1022, %parallel_loop3A_1023] {strides = array<i32>} : memref<400x64xf32, #tpu.memory_space<vmem>>, vector<1x16xf32>,
        %parallel_loop3A_1025 = vector.shape_cast %parallel_loop3A_1024 : vector<1x16xf32> to vector<16xf32>
        %parallel_loop3A_1026 = vector.shape_cast %parallel_loop3A_998 : vector<16xf32> to vector<1x16xf32>
        tpu.vector_store %arg6[%parallel_loop3A_1022, %parallel_loop3A_1023], %parallel_loop3A_1026 {strides = array<i32>} : memref<400x64xf32, #tpu.memory_space<vmem>>, vector<1x16xf32>,
        %parallel_loop3A_1027 = vector.extract_strided_slice %parallel_loop3A_64 {offsets = [13], sizes = [1], strides = [1]} : vector<16xi32> to vector<1xi32>
        %parallel_loop3A_1028 = vector.extract %parallel_loop3A_1027[0] : i32 from vector<1xi32>
        %parallel_loop3A_1029 = arith.constant 13 : i32
        %parallel_loop3A_1030 = arith.addi %parallel_loop3A_61, %parallel_loop3A_1029 : i32
        %parallel_loop3A_1031 = arith.index_cast %parallel_loop3A_1030 : i32 to index
        %parallel_loop3A_1032 = arith.constant 0 : index
        %parallel_loop3A_1033 = tpu.vector_load %arg6[%parallel_loop3A_1031, %parallel_loop3A_1032] {strides = array<i32>} : memref<400x64xf32, #tpu.memory_space<vmem>>, vector<1x16xf32>,
        %parallel_loop3A_1034 = vector.shape_cast %parallel_loop3A_1033 : vector<1x16xf32> to vector<16xf32>
        %parallel_loop3A_1035 = arith.constant 13 : i32
        %parallel_loop3A_1036 = arith.addi %parallel_loop3A_61, %parallel_loop3A_1035 : i32
        %parallel_loop3A_1037 = arith.index_cast %parallel_loop3A_1036 : i32 to index
        %parallel_loop3A_1038 = arith.constant 16 : index
        %parallel_loop3A_1039 = tpu.vector_load %arg6[%parallel_loop3A_1037, %parallel_loop3A_1038] {strides = array<i32>} : memref<400x64xf32, #tpu.memory_space<vmem>>, vector<1x16xf32>,
        %parallel_loop3A_1040 = vector.shape_cast %parallel_loop3A_1039 : vector<1x16xf32> to vector<16xf32>
        %parallel_loop3A_1041 = arith.constant 13 : i32
        %parallel_loop3A_1042 = arith.addi %parallel_loop3A_61, %parallel_loop3A_1041 : i32
        %parallel_loop3A_1043 = arith.index_cast %parallel_loop3A_1042 : i32 to index
        %parallel_loop3A_1044 = arith.constant 32 : index
        %parallel_loop3A_1045 = tpu.vector_load %arg6[%parallel_loop3A_1043, %parallel_loop3A_1044] {strides = array<i32>} : memref<400x64xf32, #tpu.memory_space<vmem>>, vector<1x16xf32>,
        %parallel_loop3A_1046 = vector.shape_cast %parallel_loop3A_1045 : vector<1x16xf32> to vector<16xf32>
        %parallel_loop3A_1047 = arith.constant 13 : i32
        %parallel_loop3A_1048 = arith.addi %parallel_loop3A_61, %parallel_loop3A_1047 : i32
        %parallel_loop3A_1049 = arith.index_cast %parallel_loop3A_1048 : i32 to index
        %parallel_loop3A_1050 = arith.constant 48 : index
        %parallel_loop3A_1051 = tpu.vector_load %arg6[%parallel_loop3A_1049, %parallel_loop3A_1050] {strides = array<i32>} : memref<400x64xf32, #tpu.memory_space<vmem>>, vector<1x16xf32>,
        %parallel_loop3A_1052 = vector.shape_cast %parallel_loop3A_1051 : vector<1x16xf32> to vector<16xf32>
        %parallel_loop3A_1053 = arith.index_cast %parallel_loop3A_1028 : i32 to index
        %parallel_loop3A_1054 = arith.constant 0 : index
        %parallel_loop3A_1055 = tpu.vector_load %arg10[%parallel_loop3A_1053, %parallel_loop3A_1054] {strides = array<i32>} : memref<16x64xf32, #tpu.memory_space<vmem>>, vector<1x16xf32>,
        %parallel_loop3A_1056 = vector.shape_cast %parallel_loop3A_1055 : vector<1x16xf32> to vector<16xf32>
        %parallel_loop3A_1057 = arith.index_cast %parallel_loop3A_1028 : i32 to index
        %parallel_loop3A_1058 = arith.constant 16 : index
        %parallel_loop3A_1059 = tpu.vector_load %arg10[%parallel_loop3A_1057, %parallel_loop3A_1058] {strides = array<i32>} : memref<16x64xf32, #tpu.memory_space<vmem>>, vector<1x16xf32>,
        %parallel_loop3A_1060 = vector.shape_cast %parallel_loop3A_1059 : vector<1x16xf32> to vector<16xf32>
        %parallel_loop3A_1061 = arith.index_cast %parallel_loop3A_1028 : i32 to index
        %parallel_loop3A_1062 = arith.constant 32 : index
        %parallel_loop3A_1063 = tpu.vector_load %arg10[%parallel_loop3A_1061, %parallel_loop3A_1062] {strides = array<i32>} : memref<16x64xf32, #tpu.memory_space<vmem>>, vector<1x16xf32>,
        %parallel_loop3A_1064 = vector.shape_cast %parallel_loop3A_1063 : vector<1x16xf32> to vector<16xf32>
        %parallel_loop3A_1065 = arith.index_cast %parallel_loop3A_1028 : i32 to index
        %parallel_loop3A_1066 = arith.constant 48 : index
        %parallel_loop3A_1067 = tpu.vector_load %arg10[%parallel_loop3A_1065, %parallel_loop3A_1066] {strides = array<i32>} : memref<16x64xf32, #tpu.memory_space<vmem>>, vector<1x16xf32>,
        %parallel_loop3A_1068 = vector.shape_cast %parallel_loop3A_1067 : vector<1x16xf32> to vector<16xf32>
        %parallel_loop3A_1069 = arith.addf %parallel_loop3A_1034, %parallel_loop3A_1056 : vector<16xf32>
        %parallel_loop3A_1070 = arith.addf %parallel_loop3A_1040, %parallel_loop3A_1060 : vector<16xf32>
        %parallel_loop3A_1071 = arith.addf %parallel_loop3A_1046, %parallel_loop3A_1064 : vector<16xf32>
        %parallel_loop3A_1072 = arith.addf %parallel_loop3A_1052, %parallel_loop3A_1068 : vector<16xf32>
        %parallel_loop3A_1073 = arith.constant 13 : i32
        %parallel_loop3A_1074 = arith.addi %parallel_loop3A_61, %parallel_loop3A_1073 : i32
        %parallel_loop3A_1075 = arith.index_cast %parallel_loop3A_1074 : i32 to index
        %parallel_loop3A_1076 = arith.constant 0 : index
        %parallel_loop3A_1077 = tpu.vector_load %arg6[%parallel_loop3A_1075, %parallel_loop3A_1076] {strides = array<i32>} : memref<400x64xf32, #tpu.memory_space<vmem>>, vector<1x16xf32>,
        %parallel_loop3A_1078 = vector.shape_cast %parallel_loop3A_1077 : vector<1x16xf32> to vector<16xf32>
        %parallel_loop3A_1079 = vector.shape_cast %parallel_loop3A_1069 : vector<16xf32> to vector<1x16xf32>
        tpu.vector_store %arg6[%parallel_loop3A_1075, %parallel_loop3A_1076], %parallel_loop3A_1079 {strides = array<i32>} : memref<400x64xf32, #tpu.memory_space<vmem>>, vector<1x16xf32>,
        %parallel_loop3A_1080 = arith.constant 13 : i32
        %parallel_loop3A_1081 = arith.addi %parallel_loop3A_61, %parallel_loop3A_1080 : i32
        %parallel_loop3A_1082 = arith.index_cast %parallel_loop3A_1081 : i32 to index
        %parallel_loop3A_1083 = arith.constant 16 : index
        %parallel_loop3A_1084 = tpu.vector_load %arg6[%parallel_loop3A_1082, %parallel_loop3A_1083] {strides = array<i32>} : memref<400x64xf32, #tpu.memory_space<vmem>>, vector<1x16xf32>,
        %parallel_loop3A_1085 = vector.shape_cast %parallel_loop3A_1084 : vector<1x16xf32> to vector<16xf32>
        %parallel_loop3A_1086 = vector.shape_cast %parallel_loop3A_1070 : vector<16xf32> to vector<1x16xf32>
        tpu.vector_store %arg6[%parallel_loop3A_1082, %parallel_loop3A_1083], %parallel_loop3A_1086 {strides = array<i32>} : memref<400x64xf32, #tpu.memory_space<vmem>>, vector<1x16xf32>,
        %parallel_loop3A_1087 = arith.constant 13 : i32
        %parallel_loop3A_1088 = arith.addi %parallel_loop3A_61, %parallel_loop3A_1087 : i32
        %parallel_loop3A_1089 = arith.index_cast %parallel_loop3A_1088 : i32 to index
        %parallel_loop3A_1090 = arith.constant 32 : index
        %parallel_loop3A_1091 = tpu.vector_load %arg6[%parallel_loop3A_1089, %parallel_loop3A_1090] {strides = array<i32>} : memref<400x64xf32, #tpu.memory_space<vmem>>, vector<1x16xf32>,
        %parallel_loop3A_1092 = vector.shape_cast %parallel_loop3A_1091 : vector<1x16xf32> to vector<16xf32>
        %parallel_loop3A_1093 = vector.shape_cast %parallel_loop3A_1071 : vector<16xf32> to vector<1x16xf32>
        tpu.vector_store %arg6[%parallel_loop3A_1089, %parallel_loop3A_1090], %parallel_loop3A_1093 {strides = array<i32>} : memref<400x64xf32, #tpu.memory_space<vmem>>, vector<1x16xf32>,
        %parallel_loop3A_1094 = arith.constant 13 : i32
        %parallel_loop3A_1095 = arith.addi %parallel_loop3A_61, %parallel_loop3A_1094 : i32
        %parallel_loop3A_1096 = arith.index_cast %parallel_loop3A_1095 : i32 to index
        %parallel_loop3A_1097 = arith.constant 48 : index
        %parallel_loop3A_1098 = tpu.vector_load %arg6[%parallel_loop3A_1096, %parallel_loop3A_1097] {strides = array<i32>} : memref<400x64xf32, #tpu.memory_space<vmem>>, vector<1x16xf32>,
        %parallel_loop3A_1099 = vector.shape_cast %parallel_loop3A_1098 : vector<1x16xf32> to vector<16xf32>
        %parallel_loop3A_1100 = vector.shape_cast %parallel_loop3A_1072 : vector<16xf32> to vector<1x16xf32>
        tpu.vector_store %arg6[%parallel_loop3A_1096, %parallel_loop3A_1097], %parallel_loop3A_1100 {strides = array<i32>} : memref<400x64xf32, #tpu.memory_space<vmem>>, vector<1x16xf32>,
        %parallel_loop3A_1101 = vector.extract_strided_slice %parallel_loop3A_64 {offsets = [14], sizes = [1], strides = [1]} : vector<16xi32> to vector<1xi32>
        %parallel_loop3A_1102 = vector.extract %parallel_loop3A_1101[0] : i32 from vector<1xi32>
        %parallel_loop3A_1103 = arith.constant 14 : i32
        %parallel_loop3A_1104 = arith.addi %parallel_loop3A_61, %parallel_loop3A_1103 : i32
        %parallel_loop3A_1105 = arith.index_cast %parallel_loop3A_1104 : i32 to index
        %parallel_loop3A_1106 = arith.constant 0 : index
        %parallel_loop3A_1107 = tpu.vector_load %arg6[%parallel_loop3A_1105, %parallel_loop3A_1106] {strides = array<i32>} : memref<400x64xf32, #tpu.memory_space<vmem>>, vector<1x16xf32>,
        %parallel_loop3A_1108 = vector.shape_cast %parallel_loop3A_1107 : vector<1x16xf32> to vector<16xf32>
        %parallel_loop3A_1109 = arith.constant 14 : i32
        %parallel_loop3A_1110 = arith.addi %parallel_loop3A_61, %parallel_loop3A_1109 : i32
        %parallel_loop3A_1111 = arith.index_cast %parallel_loop3A_1110 : i32 to index
        %parallel_loop3A_1112 = arith.constant 16 : index
        %parallel_loop3A_1113 = tpu.vector_load %arg6[%parallel_loop3A_1111, %parallel_loop3A_1112] {strides = array<i32>} : memref<400x64xf32, #tpu.memory_space<vmem>>, vector<1x16xf32>,
        %parallel_loop3A_1114 = vector.shape_cast %parallel_loop3A_1113 : vector<1x16xf32> to vector<16xf32>
        %parallel_loop3A_1115 = arith.constant 14 : i32
        %parallel_loop3A_1116 = arith.addi %parallel_loop3A_61, %parallel_loop3A_1115 : i32
        %parallel_loop3A_1117 = arith.index_cast %parallel_loop3A_1116 : i32 to index
        %parallel_loop3A_1118 = arith.constant 32 : index
        %parallel_loop3A_1119 = tpu.vector_load %arg6[%parallel_loop3A_1117, %parallel_loop3A_1118] {strides = array<i32>} : memref<400x64xf32, #tpu.memory_space<vmem>>, vector<1x16xf32>,
        %parallel_loop3A_1120 = vector.shape_cast %parallel_loop3A_1119 : vector<1x16xf32> to vector<16xf32>
        %parallel_loop3A_1121 = arith.constant 14 : i32
        %parallel_loop3A_1122 = arith.addi %parallel_loop3A_61, %parallel_loop3A_1121 : i32
        %parallel_loop3A_1123 = arith.index_cast %parallel_loop3A_1122 : i32 to index
        %parallel_loop3A_1124 = arith.constant 48 : index
        %parallel_loop3A_1125 = tpu.vector_load %arg6[%parallel_loop3A_1123, %parallel_loop3A_1124] {strides = array<i32>} : memref<400x64xf32, #tpu.memory_space<vmem>>, vector<1x16xf32>,
        %parallel_loop3A_1126 = vector.shape_cast %parallel_loop3A_1125 : vector<1x16xf32> to vector<16xf32>
        %parallel_loop3A_1127 = arith.index_cast %parallel_loop3A_1102 : i32 to index
        %parallel_loop3A_1128 = arith.constant 0 : index
        %parallel_loop3A_1129 = tpu.vector_load %arg10[%parallel_loop3A_1127, %parallel_loop3A_1128] {strides = array<i32>} : memref<16x64xf32, #tpu.memory_space<vmem>>, vector<1x16xf32>,
        %parallel_loop3A_1130 = vector.shape_cast %parallel_loop3A_1129 : vector<1x16xf32> to vector<16xf32>
        %parallel_loop3A_1131 = arith.index_cast %parallel_loop3A_1102 : i32 to index
        %parallel_loop3A_1132 = arith.constant 16 : index
        %parallel_loop3A_1133 = tpu.vector_load %arg10[%parallel_loop3A_1131, %parallel_loop3A_1132] {strides = array<i32>} : memref<16x64xf32, #tpu.memory_space<vmem>>, vector<1x16xf32>,
        %parallel_loop3A_1134 = vector.shape_cast %parallel_loop3A_1133 : vector<1x16xf32> to vector<16xf32>
        %parallel_loop3A_1135 = arith.index_cast %parallel_loop3A_1102 : i32 to index
        %parallel_loop3A_1136 = arith.constant 32 : index
        %parallel_loop3A_1137 = tpu.vector_load %arg10[%parallel_loop3A_1135, %parallel_loop3A_1136] {strides = array<i32>} : memref<16x64xf32, #tpu.memory_space<vmem>>, vector<1x16xf32>,
        %parallel_loop3A_1138 = vector.shape_cast %parallel_loop3A_1137 : vector<1x16xf32> to vector<16xf32>
        %parallel_loop3A_1139 = arith.index_cast %parallel_loop3A_1102 : i32 to index
        %parallel_loop3A_1140 = arith.constant 48 : index
        %parallel_loop3A_1141 = tpu.vector_load %arg10[%parallel_loop3A_1139, %parallel_loop3A_1140] {strides = array<i32>} : memref<16x64xf32, #tpu.memory_space<vmem>>, vector<1x16xf32>,
        %parallel_loop3A_1142 = vector.shape_cast %parallel_loop3A_1141 : vector<1x16xf32> to vector<16xf32>
        %parallel_loop3A_1143 = arith.addf %parallel_loop3A_1108, %parallel_loop3A_1130 : vector<16xf32>
        %parallel_loop3A_1144 = arith.addf %parallel_loop3A_1114, %parallel_loop3A_1134 : vector<16xf32>
        %parallel_loop3A_1145 = arith.addf %parallel_loop3A_1120, %parallel_loop3A_1138 : vector<16xf32>
        %parallel_loop3A_1146 = arith.addf %parallel_loop3A_1126, %parallel_loop3A_1142 : vector<16xf32>
        %parallel_loop3A_1147 = arith.constant 14 : i32
        %parallel_loop3A_1148 = arith.addi %parallel_loop3A_61, %parallel_loop3A_1147 : i32
        %parallel_loop3A_1149 = arith.index_cast %parallel_loop3A_1148 : i32 to index
        %parallel_loop3A_1150 = arith.constant 0 : index
        %parallel_loop3A_1151 = tpu.vector_load %arg6[%parallel_loop3A_1149, %parallel_loop3A_1150] {strides = array<i32>} : memref<400x64xf32, #tpu.memory_space<vmem>>, vector<1x16xf32>,
        %parallel_loop3A_1152 = vector.shape_cast %parallel_loop3A_1151 : vector<1x16xf32> to vector<16xf32>
        %parallel_loop3A_1153 = vector.shape_cast %parallel_loop3A_1143 : vector<16xf32> to vector<1x16xf32>
        tpu.vector_store %arg6[%parallel_loop3A_1149, %parallel_loop3A_1150], %parallel_loop3A_1153 {strides = array<i32>} : memref<400x64xf32, #tpu.memory_space<vmem>>, vector<1x16xf32>,
        %parallel_loop3A_1154 = arith.constant 14 : i32
        %parallel_loop3A_1155 = arith.addi %parallel_loop3A_61, %parallel_loop3A_1154 : i32
        %parallel_loop3A_1156 = arith.index_cast %parallel_loop3A_1155 : i32 to index
        %parallel_loop3A_1157 = arith.constant 16 : index
        %parallel_loop3A_1158 = tpu.vector_load %arg6[%parallel_loop3A_1156, %parallel_loop3A_1157] {strides = array<i32>} : memref<400x64xf32, #tpu.memory_space<vmem>>, vector<1x16xf32>,
        %parallel_loop3A_1159 = vector.shape_cast %parallel_loop3A_1158 : vector<1x16xf32> to vector<16xf32>
        %parallel_loop3A_1160 = vector.shape_cast %parallel_loop3A_1144 : vector<16xf32> to vector<1x16xf32>
        tpu.vector_store %arg6[%parallel_loop3A_1156, %parallel_loop3A_1157], %parallel_loop3A_1160 {strides = array<i32>} : memref<400x64xf32, #tpu.memory_space<vmem>>, vector<1x16xf32>,
        %parallel_loop3A_1161 = arith.constant 14 : i32
        %parallel_loop3A_1162 = arith.addi %parallel_loop3A_61, %parallel_loop3A_1161 : i32
        %parallel_loop3A_1163 = arith.index_cast %parallel_loop3A_1162 : i32 to index
        %parallel_loop3A_1164 = arith.constant 32 : index
        %parallel_loop3A_1165 = tpu.vector_load %arg6[%parallel_loop3A_1163, %parallel_loop3A_1164] {strides = array<i32>} : memref<400x64xf32, #tpu.memory_space<vmem>>, vector<1x16xf32>,
        %parallel_loop3A_1166 = vector.shape_cast %parallel_loop3A_1165 : vector<1x16xf32> to vector<16xf32>
        %parallel_loop3A_1167 = vector.shape_cast %parallel_loop3A_1145 : vector<16xf32> to vector<1x16xf32>
        tpu.vector_store %arg6[%parallel_loop3A_1163, %parallel_loop3A_1164], %parallel_loop3A_1167 {strides = array<i32>} : memref<400x64xf32, #tpu.memory_space<vmem>>, vector<1x16xf32>,
        %parallel_loop3A_1168 = arith.constant 14 : i32
        %parallel_loop3A_1169 = arith.addi %parallel_loop3A_61, %parallel_loop3A_1168 : i32
        %parallel_loop3A_1170 = arith.index_cast %parallel_loop3A_1169 : i32 to index
        %parallel_loop3A_1171 = arith.constant 48 : index
        %parallel_loop3A_1172 = tpu.vector_load %arg6[%parallel_loop3A_1170, %parallel_loop3A_1171] {strides = array<i32>} : memref<400x64xf32, #tpu.memory_space<vmem>>, vector<1x16xf32>,
        %parallel_loop3A_1173 = vector.shape_cast %parallel_loop3A_1172 : vector<1x16xf32> to vector<16xf32>
        %parallel_loop3A_1174 = vector.shape_cast %parallel_loop3A_1146 : vector<16xf32> to vector<1x16xf32>
        tpu.vector_store %arg6[%parallel_loop3A_1170, %parallel_loop3A_1171], %parallel_loop3A_1174 {strides = array<i32>} : memref<400x64xf32, #tpu.memory_space<vmem>>, vector<1x16xf32>,
        %parallel_loop3A_1175 = vector.extract_strided_slice %parallel_loop3A_64 {offsets = [15], sizes = [1], strides = [1]} : vector<16xi32> to vector<1xi32>
        %parallel_loop3A_1176 = vector.extract %parallel_loop3A_1175[0] : i32 from vector<1xi32>
        %parallel_loop3A_1177 = arith.constant 15 : i32
        %parallel_loop3A_1178 = arith.addi %parallel_loop3A_61, %parallel_loop3A_1177 : i32
        %parallel_loop3A_1179 = arith.index_cast %parallel_loop3A_1178 : i32 to index
        %parallel_loop3A_1180 = arith.constant 0 : index
        %parallel_loop3A_1181 = tpu.vector_load %arg6[%parallel_loop3A_1179, %parallel_loop3A_1180] {strides = array<i32>} : memref<400x64xf32, #tpu.memory_space<vmem>>, vector<1x16xf32>,
        %parallel_loop3A_1182 = vector.shape_cast %parallel_loop3A_1181 : vector<1x16xf32> to vector<16xf32>
        %parallel_loop3A_1183 = arith.constant 15 : i32
        %parallel_loop3A_1184 = arith.addi %parallel_loop3A_61, %parallel_loop3A_1183 : i32
        %parallel_loop3A_1185 = arith.index_cast %parallel_loop3A_1184 : i32 to index
        %parallel_loop3A_1186 = arith.constant 16 : index
        %parallel_loop3A_1187 = tpu.vector_load %arg6[%parallel_loop3A_1185, %parallel_loop3A_1186] {strides = array<i32>} : memref<400x64xf32, #tpu.memory_space<vmem>>, vector<1x16xf32>,
        %parallel_loop3A_1188 = vector.shape_cast %parallel_loop3A_1187 : vector<1x16xf32> to vector<16xf32>
        %parallel_loop3A_1189 = arith.constant 15 : i32
        %parallel_loop3A_1190 = arith.addi %parallel_loop3A_61, %parallel_loop3A_1189 : i32
        %parallel_loop3A_1191 = arith.index_cast %parallel_loop3A_1190 : i32 to index
        %parallel_loop3A_1192 = arith.constant 32 : index
        %parallel_loop3A_1193 = tpu.vector_load %arg6[%parallel_loop3A_1191, %parallel_loop3A_1192] {strides = array<i32>} : memref<400x64xf32, #tpu.memory_space<vmem>>, vector<1x16xf32>,
        %parallel_loop3A_1194 = vector.shape_cast %parallel_loop3A_1193 : vector<1x16xf32> to vector<16xf32>
        %parallel_loop3A_1195 = arith.constant 15 : i32
        %parallel_loop3A_1196 = arith.addi %parallel_loop3A_61, %parallel_loop3A_1195 : i32
        %parallel_loop3A_1197 = arith.index_cast %parallel_loop3A_1196 : i32 to index
        %parallel_loop3A_1198 = arith.constant 48 : index
        %parallel_loop3A_1199 = tpu.vector_load %arg6[%parallel_loop3A_1197, %parallel_loop3A_1198] {strides = array<i32>} : memref<400x64xf32, #tpu.memory_space<vmem>>, vector<1x16xf32>,
        %parallel_loop3A_1200 = vector.shape_cast %parallel_loop3A_1199 : vector<1x16xf32> to vector<16xf32>
        %parallel_loop3A_1201 = arith.index_cast %parallel_loop3A_1176 : i32 to index
        %parallel_loop3A_1202 = arith.constant 0 : index
        %parallel_loop3A_1203 = tpu.vector_load %arg10[%parallel_loop3A_1201, %parallel_loop3A_1202] {strides = array<i32>} : memref<16x64xf32, #tpu.memory_space<vmem>>, vector<1x16xf32>,
        %parallel_loop3A_1204 = vector.shape_cast %parallel_loop3A_1203 : vector<1x16xf32> to vector<16xf32>
        %parallel_loop3A_1205 = arith.index_cast %parallel_loop3A_1176 : i32 to index
        %parallel_loop3A_1206 = arith.constant 16 : index
        %parallel_loop3A_1207 = tpu.vector_load %arg10[%parallel_loop3A_1205, %parallel_loop3A_1206] {strides = array<i32>} : memref<16x64xf32, #tpu.memory_space<vmem>>, vector<1x16xf32>,
        %parallel_loop3A_1208 = vector.shape_cast %parallel_loop3A_1207 : vector<1x16xf32> to vector<16xf32>
        %parallel_loop3A_1209 = arith.index_cast %parallel_loop3A_1176 : i32 to index
        %parallel_loop3A_1210 = arith.constant 32 : index
        %parallel_loop3A_1211 = tpu.vector_load %arg10[%parallel_loop3A_1209, %parallel_loop3A_1210] {strides = array<i32>} : memref<16x64xf32, #tpu.memory_space<vmem>>, vector<1x16xf32>,
        %parallel_loop3A_1212 = vector.shape_cast %parallel_loop3A_1211 : vector<1x16xf32> to vector<16xf32>
        %parallel_loop3A_1213 = arith.index_cast %parallel_loop3A_1176 : i32 to index
        %parallel_loop3A_1214 = arith.constant 48 : index
        %parallel_loop3A_1215 = tpu.vector_load %arg10[%parallel_loop3A_1213, %parallel_loop3A_1214] {strides = array<i32>} : memref<16x64xf32, #tpu.memory_space<vmem>>, vector<1x16xf32>,
        %parallel_loop3A_1216 = vector.shape_cast %parallel_loop3A_1215 : vector<1x16xf32> to vector<16xf32>
        %parallel_loop3A_1217 = arith.addf %parallel_loop3A_1182, %parallel_loop3A_1204 : vector<16xf32>
        %parallel_loop3A_1218 = arith.addf %parallel_loop3A_1188, %parallel_loop3A_1208 : vector<16xf32>
        %parallel_loop3A_1219 = arith.addf %parallel_loop3A_1194, %parallel_loop3A_1212 : vector<16xf32>
        %parallel_loop3A_1220 = arith.addf %parallel_loop3A_1200, %parallel_loop3A_1216 : vector<16xf32>
        %parallel_loop3A_1221 = arith.constant 15 : i32
        %parallel_loop3A_1222 = arith.addi %parallel_loop3A_61, %parallel_loop3A_1221 : i32
        %parallel_loop3A_1223 = arith.index_cast %parallel_loop3A_1222 : i32 to index
        %parallel_loop3A_1224 = arith.constant 0 : index
        %parallel_loop3A_1225 = tpu.vector_load %arg6[%parallel_loop3A_1223, %parallel_loop3A_1224] {strides = array<i32>} : memref<400x64xf32, #tpu.memory_space<vmem>>, vector<1x16xf32>,
        %parallel_loop3A_1226 = vector.shape_cast %parallel_loop3A_1225 : vector<1x16xf32> to vector<16xf32>
        %parallel_loop3A_1227 = vector.shape_cast %parallel_loop3A_1217 : vector<16xf32> to vector<1x16xf32>
        tpu.vector_store %arg6[%parallel_loop3A_1223, %parallel_loop3A_1224], %parallel_loop3A_1227 {strides = array<i32>} : memref<400x64xf32, #tpu.memory_space<vmem>>, vector<1x16xf32>,
        %parallel_loop3A_1228 = arith.constant 15 : i32
        %parallel_loop3A_1229 = arith.addi %parallel_loop3A_61, %parallel_loop3A_1228 : i32
        %parallel_loop3A_1230 = arith.index_cast %parallel_loop3A_1229 : i32 to index
        %parallel_loop3A_1231 = arith.constant 16 : index
        %parallel_loop3A_1232 = tpu.vector_load %arg6[%parallel_loop3A_1230, %parallel_loop3A_1231] {strides = array<i32>} : memref<400x64xf32, #tpu.memory_space<vmem>>, vector<1x16xf32>,
        %parallel_loop3A_1233 = vector.shape_cast %parallel_loop3A_1232 : vector<1x16xf32> to vector<16xf32>
        %parallel_loop3A_1234 = vector.shape_cast %parallel_loop3A_1218 : vector<16xf32> to vector<1x16xf32>
        tpu.vector_store %arg6[%parallel_loop3A_1230, %parallel_loop3A_1231], %parallel_loop3A_1234 {strides = array<i32>} : memref<400x64xf32, #tpu.memory_space<vmem>>, vector<1x16xf32>,
        %parallel_loop3A_1235 = arith.constant 15 : i32
        %parallel_loop3A_1236 = arith.addi %parallel_loop3A_61, %parallel_loop3A_1235 : i32
        %parallel_loop3A_1237 = arith.index_cast %parallel_loop3A_1236 : i32 to index
        %parallel_loop3A_1238 = arith.constant 32 : index
        %parallel_loop3A_1239 = tpu.vector_load %arg6[%parallel_loop3A_1237, %parallel_loop3A_1238] {strides = array<i32>} : memref<400x64xf32, #tpu.memory_space<vmem>>, vector<1x16xf32>,
        %parallel_loop3A_1240 = vector.shape_cast %parallel_loop3A_1239 : vector<1x16xf32> to vector<16xf32>
        %parallel_loop3A_1241 = vector.shape_cast %parallel_loop3A_1219 : vector<16xf32> to vector<1x16xf32>
        tpu.vector_store %arg6[%parallel_loop3A_1237, %parallel_loop3A_1238], %parallel_loop3A_1241 {strides = array<i32>} : memref<400x64xf32, #tpu.memory_space<vmem>>, vector<1x16xf32>,
        %parallel_loop3A_1242 = arith.constant 15 : i32
        %parallel_loop3A_1243 = arith.addi %parallel_loop3A_61, %parallel_loop3A_1242 : i32
        %parallel_loop3A_1244 = arith.index_cast %parallel_loop3A_1243 : i32 to index
        %parallel_loop3A_1245 = arith.constant 48 : index
        %parallel_loop3A_1246 = tpu.vector_load %arg6[%parallel_loop3A_1244, %parallel_loop3A_1245] {strides = array<i32>} : memref<400x64xf32, #tpu.memory_space<vmem>>, vector<1x16xf32>,
        %parallel_loop3A_1247 = vector.shape_cast %parallel_loop3A_1246 : vector<1x16xf32> to vector<16xf32>
        %parallel_loop3A_1248 = vector.shape_cast %parallel_loop3A_1220 : vector<16xf32> to vector<1x16xf32>
        tpu.vector_store %arg6[%parallel_loop3A_1244, %parallel_loop3A_1245], %parallel_loop3A_1248 {strides = array<i32>} : memref<400x64xf32, #tpu.memory_space<vmem>>, vector<1x16xf32>,
      } {sc.loop_unroll_factor = 1 : i64, sc.parallel_access}
      %mul3A_31 = arith.constant 400 : i32
      %mul3A_32 = arith.muli %add3A_23, %mul3A_31 : i32
      %add3A_33 = arith.addi %mul3A_2, %mul3A_32 : i32
      %dma_start3A = arith.constant 0 : i32
      %dma_start3A_34 = tpu.memref_slice %arg5[%add3A_33, %dma_start3A] : memref<819200x64xf32, #tpu.memory_space<hbm>> -> memref<400x64xf32, #tpu.memory_space<hbm>>
      %dma_start3A_35 = arith.constant 0 : i32
      %dma_start3A_36 = tpu.memref_slice %arg5[%add3A_33, %dma_start3A_35] : memref<819200x64xf32, #tpu.memory_space<hbm>> -> memref<400x64xf32, #tpu.memory_space<hbm>>
      tpu.enqueue_dma source(%arg6 : memref<400x64xf32, #tpu.memory_space<vmem>>) target(%dma_start3A_36 : memref<400x64xf32, #tpu.memory_space<hbm>>) target_semaphore(%arg11 : memref<!tpu.dma_semaphore, #tpu.memory_space<semaphore_mem>>)
      %mul3A_37 = arith.constant 2 : i32
      %mul3A_38 = arith.muli %scan3A_19, %mul3A_37 : i32
      %add3A_39 = arith.constant 1 : i32
      %add3A_40 = arith.addi %mul3A_38, %add3A_39 : i32
      %gt3A_41 = arith.constant 0 : i32
      %gt3A_42 = arith.cmpi sgt, %scan3A_19, %gt3A_41 : i32
      %convert_element_type3A_43 = arith.extui %gt3A_42 : i1 to i32
      %cond3A_44 = arith.constant 0 : i32
      %cond3A_45 = arith.cmpi ne, %convert_element_type3A_43, %cond3A_44 : i32
      scf.if %cond3A_45 {
        %dma_wait3A_59 = arith.constant 0 : i32
        %dma_wait3A_60 = arith.constant 0 : i32
        %dma_wait3A_61 = tpu.memref_slice %arg5[%dma_wait3A_59, %dma_wait3A_60] : memref<819200x64xf32, #tpu.memory_space<hbm>> -> memref<400x64xf32, #tpu.memory_space<hbm>>
        %dma_wait3A_62 = arith.constant 0 : i32
        %dma_wait3A_63 = arith.constant 0 : i32
        %dma_wait3A_64 = tpu.memref_slice %arg5[%dma_wait3A_62, %dma_wait3A_63] : memref<819200x64xf32, #tpu.memory_space<hbm>> -> memref<400x64xf32, #tpu.memory_space<hbm>>
        tpu.wait_dma2 semaphore(%arg12 : memref<!tpu.dma_semaphore, #tpu.memory_space<semaphore_mem>>) src(%arg7 : memref<400x64xf32, #tpu.memory_space<vmem>>) dst(%dma_wait3A_64 : memref<400x64xf32, #tpu.memory_space<hbm>>)
      } else {
      }
      %mul3A_46 = arith.constant 400 : i32
      %mul3A_47 = arith.muli %add3A_40, %mul3A_46 : i32
      %add3A_48 = arith.addi %mul3A_2, %mul3A_47 : i32
      "tpu.region"() ({
        %run_scoped3A = tpu.sem_alloc : memref<!tpu.dma_semaphore, #tpu.memory_space<semaphore_mem>>
        %dma_start3A_59 = arith.constant 0 : i32
        %dma_start3A_60 = tpu.memref_slice %arg2[%add3A_48, %dma_start3A_59] : memref<819200x64xf32, #tpu.memory_space<hbm>> -> memref<400x64xf32, #tpu.memory_space<hbm>>
        %dma_start3A_61 = arith.constant 0 : i32
        %dma_start3A_62 = tpu.memref_slice %arg2[%add3A_48, %dma_start3A_61] : memref<819200x64xf32, #tpu.memory_space<hbm>> -> memref<400x64xf32, #tpu.memory_space<hbm>>
        tpu.enqueue_dma source(%dma_start3A_62 : memref<400x64xf32, #tpu.memory_space<hbm>>) target(%arg7 : memref<400x64xf32, #tpu.memory_space<vmem>>) target_semaphore(%run_scoped3A : memref<!tpu.dma_semaphore, #tpu.memory_space<semaphore_mem>>)
        %dma_wait3A_63 = arith.constant 0 : i32
        %dma_wait3A_64 = tpu.memref_slice %arg2[%add3A_48, %dma_wait3A_63] : memref<819200x64xf32, #tpu.memory_space<hbm>> -> memref<400x64xf32, #tpu.memory_space<hbm>>
        %dma_wait3A_65 = arith.constant 0 : i32
        %dma_wait3A_66 = tpu.memref_slice %arg2[%add3A_48, %dma_wait3A_65] : memref<819200x64xf32, #tpu.memory_space<hbm>> -> memref<400x64xf32, #tpu.memory_space<hbm>>
        tpu.wait_dma2 semaphore(%run_scoped3A : memref<!tpu.dma_semaphore, #tpu.memory_space<semaphore_mem>>) src(%dma_wait3A_66 : memref<400x64xf32, #tpu.memory_space<hbm>>) dst(%arg7 : memref<400x64xf32, #tpu.memory_space<vmem>>)
        tpu.yield
      }) : () -> ()
      "tpu.region"() ({
        %run_scoped3A = tpu.sem_alloc : memref<!tpu.dma_semaphore, #tpu.memory_space<semaphore_mem>>
        %dma_start3A_59 = tpu.memref_slice %arg3[%add3A_48] : memref<819200xi32, #tpu.memory_space<hbm>> -> memref<400xi32, #tpu.memory_space<hbm>>
        %dma_start3A_60 = tpu.memref_slice %arg3[%add3A_48] : memref<819200xi32, #tpu.memory_space<hbm>> -> memref<400xi32, #tpu.memory_space<hbm>>
        tpu.enqueue_dma source(%dma_start3A_60 : memref<400xi32, #tpu.memory_space<hbm>>) target(%arg9 : memref<400xi32, #tpu.memory_space<vmem>>) target_semaphore(%run_scoped3A : memref<!tpu.dma_semaphore, #tpu.memory_space<semaphore_mem>>)
        %dma_wait3A_61 = tpu.memref_slice %arg3[%add3A_48] : memref<819200xi32, #tpu.memory_space<hbm>> -> memref<400xi32, #tpu.memory_space<hbm>>
        %dma_wait3A_62 = tpu.memref_slice %arg3[%add3A_48] : memref<819200xi32, #tpu.memory_space<hbm>> -> memref<400xi32, #tpu.memory_space<hbm>>
        tpu.wait_dma2 semaphore(%run_scoped3A : memref<!tpu.dma_semaphore, #tpu.memory_space<semaphore_mem>>) src(%dma_wait3A_62 : memref<400xi32, #tpu.memory_space<hbm>>) dst(%arg9 : memref<400xi32, #tpu.memory_space<vmem>>)
        tpu.yield
      }) : () -> ()
      %parallel_loop3A_49 = arith.constant 0 : i32
      %parallel_loop3A_50 = arith.constant 25 : i32
      %parallel_loop3A_51 = arith.constant 1 : i32
      scf.for %parallel_loop3A_59 = %parallel_loop3A_49 to %parallel_loop3A_50 step %parallel_loop3A_51  : i32 {
        %parallel_loop3A_60 = arith.constant 16 : i32
        %parallel_loop3A_61 = arith.muli %parallel_loop3A_59, %parallel_loop3A_60 : i32
        %parallel_loop3A_62 = arith.index_cast %parallel_loop3A_61 : i32 to index
        %parallel_loop3A_63 = tpu.vector_load %arg9[%parallel_loop3A_62] {strides = array<i32>} : memref<400xi32, #tpu.memory_space<vmem>>, vector<16xi32>,
        %parallel_loop3A_64 = vector.shape_cast %parallel_loop3A_63 : vector<16xi32> to vector<16xi32>
        %parallel_loop3A_65 = vector.extract_strided_slice %parallel_loop3A_64 {offsets = [0], sizes = [1], strides = [1]} : vector<16xi32> to vector<1xi32>
        %parallel_loop3A_66 = vector.extract %parallel_loop3A_65[0] : i32 from vector<1xi32>
        %parallel_loop3A_67 = arith.constant 0 : i32
        %parallel_loop3A_68 = arith.addi %parallel_loop3A_61, %parallel_loop3A_67 : i32
        %parallel_loop3A_69 = arith.index_cast %parallel_loop3A_68 : i32 to index
        %parallel_loop3A_70 = arith.constant 0 : index
        %parallel_loop3A_71 = tpu.vector_load %arg7[%parallel_loop3A_69, %parallel_loop3A_70] {strides = array<i32>} : memref<400x64xf32, #tpu.memory_space<vmem>>, vector<1x16xf32>,
        %parallel_loop3A_72 = vector.shape_cast %parallel_loop3A_71 : vector<1x16xf32> to vector<16xf32>
        %parallel_loop3A_73 = arith.constant 0 : i32
        %parallel_loop3A_74 = arith.addi %parallel_loop3A_61, %parallel_loop3A_73 : i32
        %parallel_loop3A_75 = arith.index_cast %parallel_loop3A_74 : i32 to index
        %parallel_loop3A_76 = arith.constant 16 : index
        %parallel_loop3A_77 = tpu.vector_load %arg7[%parallel_loop3A_75, %parallel_loop3A_76] {strides = array<i32>} : memref<400x64xf32, #tpu.memory_space<vmem>>, vector<1x16xf32>,
        %parallel_loop3A_78 = vector.shape_cast %parallel_loop3A_77 : vector<1x16xf32> to vector<16xf32>
        %parallel_loop3A_79 = arith.constant 0 : i32
        %parallel_loop3A_80 = arith.addi %parallel_loop3A_61, %parallel_loop3A_79 : i32
        %parallel_loop3A_81 = arith.index_cast %parallel_loop3A_80 : i32 to index
        %parallel_loop3A_82 = arith.constant 32 : index
        %parallel_loop3A_83 = tpu.vector_load %arg7[%parallel_loop3A_81, %parallel_loop3A_82] {strides = array<i32>} : memref<400x64xf32, #tpu.memory_space<vmem>>, vector<1x16xf32>,
        %parallel_loop3A_84 = vector.shape_cast %parallel_loop3A_83 : vector<1x16xf32> to vector<16xf32>
        %parallel_loop3A_85 = arith.constant 0 : i32
        %parallel_loop3A_86 = arith.addi %parallel_loop3A_61, %parallel_loop3A_85 : i32
        %parallel_loop3A_87 = arith.index_cast %parallel_loop3A_86 : i32 to index
        %parallel_loop3A_88 = arith.constant 48 : index
        %parallel_loop3A_89 = tpu.vector_load %arg7[%parallel_loop3A_87, %parallel_loop3A_88] {strides = array<i32>} : memref<400x64xf32, #tpu.memory_space<vmem>>, vector<1x16xf32>,
        %parallel_loop3A_90 = vector.shape_cast %parallel_loop3A_89 : vector<1x16xf32> to vector<16xf32>
        %parallel_loop3A_91 = arith.index_cast %parallel_loop3A_66 : i32 to index
        %parallel_loop3A_92 = arith.constant 0 : index
        %parallel_loop3A_93 = tpu.vector_load %arg10[%parallel_loop3A_91, %parallel_loop3A_92] {strides = array<i32>} : memref<16x64xf32, #tpu.memory_space<vmem>>, vector<1x16xf32>,
        %parallel_loop3A_94 = vector.shape_cast %parallel_loop3A_93 : vector<1x16xf32> to vector<16xf32>
        %parallel_loop3A_95 = arith.index_cast %parallel_loop3A_66 : i32 to index
        %parallel_loop3A_96 = arith.constant 16 : index
        %parallel_loop3A_97 = tpu.vector_load %arg10[%parallel_loop3A_95, %parallel_loop3A_96] {strides = array<i32>} : memref<16x64xf32, #tpu.memory_space<vmem>>, vector<1x16xf32>,
        %parallel_loop3A_98 = vector.shape_cast %parallel_loop3A_97 : vector<1x16xf32> to vector<16xf32>
        %parallel_loop3A_99 = arith.index_cast %parallel_loop3A_66 : i32 to index
        %parallel_loop3A_100 = arith.constant 32 : index
        %parallel_loop3A_101 = tpu.vector_load %arg10[%parallel_loop3A_99, %parallel_loop3A_100] {strides = array<i32>} : memref<16x64xf32, #tpu.memory_space<vmem>>, vector<1x16xf32>,
        %parallel_loop3A_102 = vector.shape_cast %parallel_loop3A_101 : vector<1x16xf32> to vector<16xf32>
        %parallel_loop3A_103 = arith.index_cast %parallel_loop3A_66 : i32 to index
        %parallel_loop3A_104 = arith.constant 48 : index
        %parallel_loop3A_105 = tpu.vector_load %arg10[%parallel_loop3A_103, %parallel_loop3A_104] {strides = array<i32>} : memref<16x64xf32, #tpu.memory_space<vmem>>, vector<1x16xf32>,
        %parallel_loop3A_106 = vector.shape_cast %parallel_loop3A_105 : vector<1x16xf32> to vector<16xf32>
        %parallel_loop3A_107 = arith.addf %parallel_loop3A_72, %parallel_loop3A_94 : vector<16xf32>
        %parallel_loop3A_108 = arith.addf %parallel_loop3A_78, %parallel_loop3A_98 : vector<16xf32>
        %parallel_loop3A_109 = arith.addf %parallel_loop3A_84, %parallel_loop3A_102 : vector<16xf32>
        %parallel_loop3A_110 = arith.addf %parallel_loop3A_90, %parallel_loop3A_106 : vector<16xf32>
        %parallel_loop3A_111 = arith.constant 0 : i32
        %parallel_loop3A_112 = arith.addi %parallel_loop3A_61, %parallel_loop3A_111 : i32
        %parallel_loop3A_113 = arith.index_cast %parallel_loop3A_112 : i32 to index
        %parallel_loop3A_114 = arith.constant 0 : index
        %parallel_loop3A_115 = tpu.vector_load %arg7[%parallel_loop3A_113, %parallel_loop3A_114] {strides = array<i32>} : memref<400x64xf32, #tpu.memory_space<vmem>>, vector<1x16xf32>,
        %parallel_loop3A_116 = vector.shape_cast %parallel_loop3A_115 : vector<1x16xf32> to vector<16xf32>
        %parallel_loop3A_117 = vector.shape_cast %parallel_loop3A_107 : vector<16xf32> to vector<1x16xf32>
        tpu.vector_store %arg7[%parallel_loop3A_113, %parallel_loop3A_114], %parallel_loop3A_117 {strides = array<i32>} : memref<400x64xf32, #tpu.memory_space<vmem>>, vector<1x16xf32>,
        %parallel_loop3A_118 = arith.constant 0 : i32
        %parallel_loop3A_119 = arith.addi %parallel_loop3A_61, %parallel_loop3A_118 : i32
        %parallel_loop3A_120 = arith.index_cast %parallel_loop3A_119 : i32 to index
        %parallel_loop3A_121 = arith.constant 16 : index
        %parallel_loop3A_122 = tpu.vector_load %arg7[%parallel_loop3A_120, %parallel_loop3A_121] {strides = array<i32>} : memref<400x64xf32, #tpu.memory_space<vmem>>, vector<1x16xf32>,
        %parallel_loop3A_123 = vector.shape_cast %parallel_loop3A_122 : vector<1x16xf32> to vector<16xf32>
        %parallel_loop3A_124 = vector.shape_cast %parallel_loop3A_108 : vector<16xf32> to vector<1x16xf32>
        tpu.vector_store %arg7[%parallel_loop3A_120, %parallel_loop3A_121], %parallel_loop3A_124 {strides = array<i32>} : memref<400x64xf32, #tpu.memory_space<vmem>>, vector<1x16xf32>,
        %parallel_loop3A_125 = arith.constant 0 : i32
        %parallel_loop3A_126 = arith.addi %parallel_loop3A_61, %parallel_loop3A_125 : i32
        %parallel_loop3A_127 = arith.index_cast %parallel_loop3A_126 : i32 to index
        %parallel_loop3A_128 = arith.constant 32 : index
        %parallel_loop3A_129 = tpu.vector_load %arg7[%parallel_loop3A_127, %parallel_loop3A_128] {strides = array<i32>} : memref<400x64xf32, #tpu.memory_space<vmem>>, vector<1x16xf32>,
        %parallel_loop3A_130 = vector.shape_cast %parallel_loop3A_129 : vector<1x16xf32> to vector<16xf32>
        %parallel_loop3A_131 = vector.shape_cast %parallel_loop3A_109 : vector<16xf32> to vector<1x16xf32>
        tpu.vector_store %arg7[%parallel_loop3A_127, %parallel_loop3A_128], %parallel_loop3A_131 {strides = array<i32>} : memref<400x64xf32, #tpu.memory_space<vmem>>, vector<1x16xf32>,
        %parallel_loop3A_132 = arith.constant 0 : i32
        %parallel_loop3A_133 = arith.addi %parallel_loop3A_61, %parallel_loop3A_132 : i32
        %parallel_loop3A_134 = arith.index_cast %parallel_loop3A_133 : i32 to index
        %parallel_loop3A_135 = arith.constant 48 : index
        %parallel_loop3A_136 = tpu.vector_load %arg7[%parallel_loop3A_134, %parallel_loop3A_135] {strides = array<i32>} : memref<400x64xf32, #tpu.memory_space<vmem>>, vector<1x16xf32>,
        %parallel_loop3A_137 = vector.shape_cast %parallel_loop3A_136 : vector<1x16xf32> to vector<16xf32>
        %parallel_loop3A_138 = vector.shape_cast %parallel_loop3A_110 : vector<16xf32> to vector<1x16xf32>
        tpu.vector_store %arg7[%parallel_loop3A_134, %parallel_loop3A_135], %parallel_loop3A_138 {strides = array<i32>} : memref<400x64xf32, #tpu.memory_space<vmem>>, vector<1x16xf32>,
        %parallel_loop3A_139 = vector.extract_strided_slice %parallel_loop3A_64 {offsets = [1], sizes = [1], strides = [1]} : vector<16xi32> to vector<1xi32>
        %parallel_loop3A_140 = vector.extract %parallel_loop3A_139[0] : i32 from vector<1xi32>
        %parallel_loop3A_141 = arith.constant 1 : i32
        %parallel_loop3A_142 = arith.addi %parallel_loop3A_61, %parallel_loop3A_141 : i32
        %parallel_loop3A_143 = arith.index_cast %parallel_loop3A_142 : i32 to index
        %parallel_loop3A_144 = arith.constant 0 : index
        %parallel_loop3A_145 = tpu.vector_load %arg7[%parallel_loop3A_143, %parallel_loop3A_144] {strides = array<i32>} : memref<400x64xf32, #tpu.memory_space<vmem>>, vector<1x16xf32>,
        %parallel_loop3A_146 = vector.shape_cast %parallel_loop3A_145 : vector<1x16xf32> to vector<16xf32>
        %parallel_loop3A_147 = arith.constant 1 : i32
        %parallel_loop3A_148 = arith.addi %parallel_loop3A_61, %parallel_loop3A_147 : i32
        %parallel_loop3A_149 = arith.index_cast %parallel_loop3A_148 : i32 to index
        %parallel_loop3A_150 = arith.constant 16 : index
        %parallel_loop3A_151 = tpu.vector_load %arg7[%parallel_loop3A_149, %parallel_loop3A_150] {strides = array<i32>} : memref<400x64xf32, #tpu.memory_space<vmem>>, vector<1x16xf32>,
        %parallel_loop3A_152 = vector.shape_cast %parallel_loop3A_151 : vector<1x16xf32> to vector<16xf32>
        %parallel_loop3A_153 = arith.constant 1 : i32
        %parallel_loop3A_154 = arith.addi %parallel_loop3A_61, %parallel_loop3A_153 : i32
        %parallel_loop3A_155 = arith.index_cast %parallel_loop3A_154 : i32 to index
        %parallel_loop3A_156 = arith.constant 32 : index
        %parallel_loop3A_157 = tpu.vector_load %arg7[%parallel_loop3A_155, %parallel_loop3A_156] {strides = array<i32>} : memref<400x64xf32, #tpu.memory_space<vmem>>, vector<1x16xf32>,
        %parallel_loop3A_158 = vector.shape_cast %parallel_loop3A_157 : vector<1x16xf32> to vector<16xf32>
        %parallel_loop3A_159 = arith.constant 1 : i32
        %parallel_loop3A_160 = arith.addi %parallel_loop3A_61, %parallel_loop3A_159 : i32
        %parallel_loop3A_161 = arith.index_cast %parallel_loop3A_160 : i32 to index
        %parallel_loop3A_162 = arith.constant 48 : index
        %parallel_loop3A_163 = tpu.vector_load %arg7[%parallel_loop3A_161, %parallel_loop3A_162] {strides = array<i32>} : memref<400x64xf32, #tpu.memory_space<vmem>>, vector<1x16xf32>,
        %parallel_loop3A_164 = vector.shape_cast %parallel_loop3A_163 : vector<1x16xf32> to vector<16xf32>
        %parallel_loop3A_165 = arith.index_cast %parallel_loop3A_140 : i32 to index
        %parallel_loop3A_166 = arith.constant 0 : index
        %parallel_loop3A_167 = tpu.vector_load %arg10[%parallel_loop3A_165, %parallel_loop3A_166] {strides = array<i32>} : memref<16x64xf32, #tpu.memory_space<vmem>>, vector<1x16xf32>,
        %parallel_loop3A_168 = vector.shape_cast %parallel_loop3A_167 : vector<1x16xf32> to vector<16xf32>
        %parallel_loop3A_169 = arith.index_cast %parallel_loop3A_140 : i32 to index
        %parallel_loop3A_170 = arith.constant 16 : index
        %parallel_loop3A_171 = tpu.vector_load %arg10[%parallel_loop3A_169, %parallel_loop3A_170] {strides = array<i32>} : memref<16x64xf32, #tpu.memory_space<vmem>>, vector<1x16xf32>,
        %parallel_loop3A_172 = vector.shape_cast %parallel_loop3A_171 : vector<1x16xf32> to vector<16xf32>
        %parallel_loop3A_173 = arith.index_cast %parallel_loop3A_140 : i32 to index
        %parallel_loop3A_174 = arith.constant 32 : index
        %parallel_loop3A_175 = tpu.vector_load %arg10[%parallel_loop3A_173, %parallel_loop3A_174] {strides = array<i32>} : memref<16x64xf32, #tpu.memory_space<vmem>>, vector<1x16xf32>,
        %parallel_loop3A_176 = vector.shape_cast %parallel_loop3A_175 : vector<1x16xf32> to vector<16xf32>
        %parallel_loop3A_177 = arith.index_cast %parallel_loop3A_140 : i32 to index
        %parallel_loop3A_178 = arith.constant 48 : index
        %parallel_loop3A_179 = tpu.vector_load %arg10[%parallel_loop3A_177, %parallel_loop3A_178] {strides = array<i32>} : memref<16x64xf32, #tpu.memory_space<vmem>>, vector<1x16xf32>,
        %parallel_loop3A_180 = vector.shape_cast %parallel_loop3A_179 : vector<1x16xf32> to vector<16xf32>
        %parallel_loop3A_181 = arith.addf %parallel_loop3A_146, %parallel_loop3A_168 : vector<16xf32>
        %parallel_loop3A_182 = arith.addf %parallel_loop3A_152, %parallel_loop3A_172 : vector<16xf32>
        %parallel_loop3A_183 = arith.addf %parallel_loop3A_158, %parallel_loop3A_176 : vector<16xf32>
        %parallel_loop3A_184 = arith.addf %parallel_loop3A_164, %parallel_loop3A_180 : vector<16xf32>
        %parallel_loop3A_185 = arith.constant 1 : i32
        %parallel_loop3A_186 = arith.addi %parallel_loop3A_61, %parallel_loop3A_185 : i32
        %parallel_loop3A_187 = arith.index_cast %parallel_loop3A_186 : i32 to index
        %parallel_loop3A_188 = arith.constant 0 : index
        %parallel_loop3A_189 = tpu.vector_load %arg7[%parallel_loop3A_187, %parallel_loop3A_188] {strides = array<i32>} : memref<400x64xf32, #tpu.memory_space<vmem>>, vector<1x16xf32>,
        %parallel_loop3A_190 = vector.shape_cast %parallel_loop3A_189 : vector<1x16xf32> to vector<16xf32>
        %parallel_loop3A_191 = vector.shape_cast %parallel_loop3A_181 : vector<16xf32> to vector<1x16xf32>
        tpu.vector_store %arg7[%parallel_loop3A_187, %parallel_loop3A_188], %parallel_loop3A_191 {strides = array<i32>} : memref<400x64xf32, #tpu.memory_space<vmem>>, vector<1x16xf32>,
        %parallel_loop3A_192 = arith.constant 1 : i32
        %parallel_loop3A_193 = arith.addi %parallel_loop3A_61, %parallel_loop3A_192 : i32
        %parallel_loop3A_194 = arith.index_cast %parallel_loop3A_193 : i32 to index
        %parallel_loop3A_195 = arith.constant 16 : index
        %parallel_loop3A_196 = tpu.vector_load %arg7[%parallel_loop3A_194, %parallel_loop3A_195] {strides = array<i32>} : memref<400x64xf32, #tpu.memory_space<vmem>>, vector<1x16xf32>,
        %parallel_loop3A_197 = vector.shape_cast %parallel_loop3A_196 : vector<1x16xf32> to vector<16xf32>
        %parallel_loop3A_198 = vector.shape_cast %parallel_loop3A_182 : vector<16xf32> to vector<1x16xf32>
        tpu.vector_store %arg7[%parallel_loop3A_194, %parallel_loop3A_195], %parallel_loop3A_198 {strides = array<i32>} : memref<400x64xf32, #tpu.memory_space<vmem>>, vector<1x16xf32>,
        %parallel_loop3A_199 = arith.constant 1 : i32
        %parallel_loop3A_200 = arith.addi %parallel_loop3A_61, %parallel_loop3A_199 : i32
        %parallel_loop3A_201 = arith.index_cast %parallel_loop3A_200 : i32 to index
        %parallel_loop3A_202 = arith.constant 32 : index
        %parallel_loop3A_203 = tpu.vector_load %arg7[%parallel_loop3A_201, %parallel_loop3A_202] {strides = array<i32>} : memref<400x64xf32, #tpu.memory_space<vmem>>, vector<1x16xf32>,
        %parallel_loop3A_204 = vector.shape_cast %parallel_loop3A_203 : vector<1x16xf32> to vector<16xf32>
        %parallel_loop3A_205 = vector.shape_cast %parallel_loop3A_183 : vector<16xf32> to vector<1x16xf32>
        tpu.vector_store %arg7[%parallel_loop3A_201, %parallel_loop3A_202], %parallel_loop3A_205 {strides = array<i32>} : memref<400x64xf32, #tpu.memory_space<vmem>>, vector<1x16xf32>,
        %parallel_loop3A_206 = arith.constant 1 : i32
        %parallel_loop3A_207 = arith.addi %parallel_loop3A_61, %parallel_loop3A_206 : i32
        %parallel_loop3A_208 = arith.index_cast %parallel_loop3A_207 : i32 to index
        %parallel_loop3A_209 = arith.constant 48 : index
        %parallel_loop3A_210 = tpu.vector_load %arg7[%parallel_loop3A_208, %parallel_loop3A_209] {strides = array<i32>} : memref<400x64xf32, #tpu.memory_space<vmem>>, vector<1x16xf32>,
        %parallel_loop3A_211 = vector.shape_cast %parallel_loop3A_210 : vector<1x16xf32> to vector<16xf32>
        %parallel_loop3A_212 = vector.shape_cast %parallel_loop3A_184 : vector<16xf32> to vector<1x16xf32>
        tpu.vector_store %arg7[%parallel_loop3A_208, %parallel_loop3A_209], %parallel_loop3A_212 {strides = array<i32>} : memref<400x64xf32, #tpu.memory_space<vmem>>, vector<1x16xf32>,
        %parallel_loop3A_213 = vector.extract_strided_slice %parallel_loop3A_64 {offsets = [2], sizes = [1], strides = [1]} : vector<16xi32> to vector<1xi32>
        %parallel_loop3A_214 = vector.extract %parallel_loop3A_213[0] : i32 from vector<1xi32>
        %parallel_loop3A_215 = arith.constant 2 : i32
        %parallel_loop3A_216 = arith.addi %parallel_loop3A_61, %parallel_loop3A_215 : i32
        %parallel_loop3A_217 = arith.index_cast %parallel_loop3A_216 : i32 to index
        %parallel_loop3A_218 = arith.constant 0 : index
        %parallel_loop3A_219 = tpu.vector_load %arg7[%parallel_loop3A_217, %parallel_loop3A_218] {strides = array<i32>} : memref<400x64xf32, #tpu.memory_space<vmem>>, vector<1x16xf32>,
        %parallel_loop3A_220 = vector.shape_cast %parallel_loop3A_219 : vector<1x16xf32> to vector<16xf32>
        %parallel_loop3A_221 = arith.constant 2 : i32
        %parallel_loop3A_222 = arith.addi %parallel_loop3A_61, %parallel_loop3A_221 : i32
        %parallel_loop3A_223 = arith.index_cast %parallel_loop3A_222 : i32 to index
        %parallel_loop3A_224 = arith.constant 16 : index
        %parallel_loop3A_225 = tpu.vector_load %arg7[%parallel_loop3A_223, %parallel_loop3A_224] {strides = array<i32>} : memref<400x64xf32, #tpu.memory_space<vmem>>, vector<1x16xf32>,
        %parallel_loop3A_226 = vector.shape_cast %parallel_loop3A_225 : vector<1x16xf32> to vector<16xf32>
        %parallel_loop3A_227 = arith.constant 2 : i32
        %parallel_loop3A_228 = arith.addi %parallel_loop3A_61, %parallel_loop3A_227 : i32
        %parallel_loop3A_229 = arith.index_cast %parallel_loop3A_228 : i32 to index
        %parallel_loop3A_230 = arith.constant 32 : index
        %parallel_loop3A_231 = tpu.vector_load %arg7[%parallel_loop3A_229, %parallel_loop3A_230] {strides = array<i32>} : memref<400x64xf32, #tpu.memory_space<vmem>>, vector<1x16xf32>,
        %parallel_loop3A_232 = vector.shape_cast %parallel_loop3A_231 : vector<1x16xf32> to vector<16xf32>
        %parallel_loop3A_233 = arith.constant 2 : i32
        %parallel_loop3A_234 = arith.addi %parallel_loop3A_61, %parallel_loop3A_233 : i32
        %parallel_loop3A_235 = arith.index_cast %parallel_loop3A_234 : i32 to index
        %parallel_loop3A_236 = arith.constant 48 : index
        %parallel_loop3A_237 = tpu.vector_load %arg7[%parallel_loop3A_235, %parallel_loop3A_236] {strides = array<i32>} : memref<400x64xf32, #tpu.memory_space<vmem>>, vector<1x16xf32>,
        %parallel_loop3A_238 = vector.shape_cast %parallel_loop3A_237 : vector<1x16xf32> to vector<16xf32>
        %parallel_loop3A_239 = arith.index_cast %parallel_loop3A_214 : i32 to index
        %parallel_loop3A_240 = arith.constant 0 : index
        %parallel_loop3A_241 = tpu.vector_load %arg10[%parallel_loop3A_239, %parallel_loop3A_240] {strides = array<i32>} : memref<16x64xf32, #tpu.memory_space<vmem>>, vector<1x16xf32>,
        %parallel_loop3A_242 = vector.shape_cast %parallel_loop3A_241 : vector<1x16xf32> to vector<16xf32>
        %parallel_loop3A_243 = arith.index_cast %parallel_loop3A_214 : i32 to index
        %parallel_loop3A_244 = arith.constant 16 : index
        %parallel_loop3A_245 = tpu.vector_load %arg10[%parallel_loop3A_243, %parallel_loop3A_244] {strides = array<i32>} : memref<16x64xf32, #tpu.memory_space<vmem>>, vector<1x16xf32>,
        %parallel_loop3A_246 = vector.shape_cast %parallel_loop3A_245 : vector<1x16xf32> to vector<16xf32>
        %parallel_loop3A_247 = arith.index_cast %parallel_loop3A_214 : i32 to index
        %parallel_loop3A_248 = arith.constant 32 : index
        %parallel_loop3A_249 = tpu.vector_load %arg10[%parallel_loop3A_247, %parallel_loop3A_248] {strides = array<i32>} : memref<16x64xf32, #tpu.memory_space<vmem>>, vector<1x16xf32>,
        %parallel_loop3A_250 = vector.shape_cast %parallel_loop3A_249 : vector<1x16xf32> to vector<16xf32>
        %parallel_loop3A_251 = arith.index_cast %parallel_loop3A_214 : i32 to index
        %parallel_loop3A_252 = arith.constant 48 : index
        %parallel_loop3A_253 = tpu.vector_load %arg10[%parallel_loop3A_251, %parallel_loop3A_252] {strides = array<i32>} : memref<16x64xf32, #tpu.memory_space<vmem>>, vector<1x16xf32>,
        %parallel_loop3A_254 = vector.shape_cast %parallel_loop3A_253 : vector<1x16xf32> to vector<16xf32>
        %parallel_loop3A_255 = arith.addf %parallel_loop3A_220, %parallel_loop3A_242 : vector<16xf32>
        %parallel_loop3A_256 = arith.addf %parallel_loop3A_226, %parallel_loop3A_246 : vector<16xf32>
        %parallel_loop3A_257 = arith.addf %parallel_loop3A_232, %parallel_loop3A_250 : vector<16xf32>
        %parallel_loop3A_258 = arith.addf %parallel_loop3A_238, %parallel_loop3A_254 : vector<16xf32>
        %parallel_loop3A_259 = arith.constant 2 : i32
        %parallel_loop3A_260 = arith.addi %parallel_loop3A_61, %parallel_loop3A_259 : i32
        %parallel_loop3A_261 = arith.index_cast %parallel_loop3A_260 : i32 to index
        %parallel_loop3A_262 = arith.constant 0 : index
        %parallel_loop3A_263 = tpu.vector_load %arg7[%parallel_loop3A_261, %parallel_loop3A_262] {strides = array<i32>} : memref<400x64xf32, #tpu.memory_space<vmem>>, vector<1x16xf32>,
        %parallel_loop3A_264 = vector.shape_cast %parallel_loop3A_263 : vector<1x16xf32> to vector<16xf32>
        %parallel_loop3A_265 = vector.shape_cast %parallel_loop3A_255 : vector<16xf32> to vector<1x16xf32>
        tpu.vector_store %arg7[%parallel_loop3A_261, %parallel_loop3A_262], %parallel_loop3A_265 {strides = array<i32>} : memref<400x64xf32, #tpu.memory_space<vmem>>, vector<1x16xf32>,
        %parallel_loop3A_266 = arith.constant 2 : i32
        %parallel_loop3A_267 = arith.addi %parallel_loop3A_61, %parallel_loop3A_266 : i32
        %parallel_loop3A_268 = arith.index_cast %parallel_loop3A_267 : i32 to index
        %parallel_loop3A_269 = arith.constant 16 : index
        %parallel_loop3A_270 = tpu.vector_load %arg7[%parallel_loop3A_268, %parallel_loop3A_269] {strides = array<i32>} : memref<400x64xf32, #tpu.memory_space<vmem>>, vector<1x16xf32>,
        %parallel_loop3A_271 = vector.shape_cast %parallel_loop3A_270 : vector<1x16xf32> to vector<16xf32>
        %parallel_loop3A_272 = vector.shape_cast %parallel_loop3A_256 : vector<16xf32> to vector<1x16xf32>
        tpu.vector_store %arg7[%parallel_loop3A_268, %parallel_loop3A_269], %parallel_loop3A_272 {strides = array<i32>} : memref<400x64xf32, #tpu.memory_space<vmem>>, vector<1x16xf32>,
        %parallel_loop3A_273 = arith.constant 2 : i32
        %parallel_loop3A_274 = arith.addi %parallel_loop3A_61, %parallel_loop3A_273 : i32
        %parallel_loop3A_275 = arith.index_cast %parallel_loop3A_274 : i32 to index
        %parallel_loop3A_276 = arith.constant 32 : index
        %parallel_loop3A_277 = tpu.vector_load %arg7[%parallel_loop3A_275, %parallel_loop3A_276] {strides = array<i32>} : memref<400x64xf32, #tpu.memory_space<vmem>>, vector<1x16xf32>,
        %parallel_loop3A_278 = vector.shape_cast %parallel_loop3A_277 : vector<1x16xf32> to vector<16xf32>
        %parallel_loop3A_279 = vector.shape_cast %parallel_loop3A_257 : vector<16xf32> to vector<1x16xf32>
        tpu.vector_store %arg7[%parallel_loop3A_275, %parallel_loop3A_276], %parallel_loop3A_279 {strides = array<i32>} : memref<400x64xf32, #tpu.memory_space<vmem>>, vector<1x16xf32>,
        %parallel_loop3A_280 = arith.constant 2 : i32
        %parallel_loop3A_281 = arith.addi %parallel_loop3A_61, %parallel_loop3A_280 : i32
        %parallel_loop3A_282 = arith.index_cast %parallel_loop3A_281 : i32 to index
        %parallel_loop3A_283 = arith.constant 48 : index
        %parallel_loop3A_284 = tpu.vector_load %arg7[%parallel_loop3A_282, %parallel_loop3A_283] {strides = array<i32>} : memref<400x64xf32, #tpu.memory_space<vmem>>, vector<1x16xf32>,
        %parallel_loop3A_285 = vector.shape_cast %parallel_loop3A_284 : vector<1x16xf32> to vector<16xf32>
        %parallel_loop3A_286 = vector.shape_cast %parallel_loop3A_258 : vector<16xf32> to vector<1x16xf32>
        tpu.vector_store %arg7[%parallel_loop3A_282, %parallel_loop3A_283], %parallel_loop3A_286 {strides = array<i32>} : memref<400x64xf32, #tpu.memory_space<vmem>>, vector<1x16xf32>,
        %parallel_loop3A_287 = vector.extract_strided_slice %parallel_loop3A_64 {offsets = [3], sizes = [1], strides = [1]} : vector<16xi32> to vector<1xi32>
        %parallel_loop3A_288 = vector.extract %parallel_loop3A_287[0] : i32 from vector<1xi32>
        %parallel_loop3A_289 = arith.constant 3 : i32
        %parallel_loop3A_290 = arith.addi %parallel_loop3A_61, %parallel_loop3A_289 : i32
        %parallel_loop3A_291 = arith.index_cast %parallel_loop3A_290 : i32 to index
        %parallel_loop3A_292 = arith.constant 0 : index
        %parallel_loop3A_293 = tpu.vector_load %arg7[%parallel_loop3A_291, %parallel_loop3A_292] {strides = array<i32>} : memref<400x64xf32, #tpu.memory_space<vmem>>, vector<1x16xf32>,
        %parallel_loop3A_294 = vector.shape_cast %parallel_loop3A_293 : vector<1x16xf32> to vector<16xf32>
        %parallel_loop3A_295 = arith.constant 3 : i32
        %parallel_loop3A_296 = arith.addi %parallel_loop3A_61, %parallel_loop3A_295 : i32
        %parallel_loop3A_297 = arith.index_cast %parallel_loop3A_296 : i32 to index
        %parallel_loop3A_298 = arith.constant 16 : index
        %parallel_loop3A_299 = tpu.vector_load %arg7[%parallel_loop3A_297, %parallel_loop3A_298] {strides = array<i32>} : memref<400x64xf32, #tpu.memory_space<vmem>>, vector<1x16xf32>,
        %parallel_loop3A_300 = vector.shape_cast %parallel_loop3A_299 : vector<1x16xf32> to vector<16xf32>
        %parallel_loop3A_301 = arith.constant 3 : i32
        %parallel_loop3A_302 = arith.addi %parallel_loop3A_61, %parallel_loop3A_301 : i32
        %parallel_loop3A_303 = arith.index_cast %parallel_loop3A_302 : i32 to index
        %parallel_loop3A_304 = arith.constant 32 : index
        %parallel_loop3A_305 = tpu.vector_load %arg7[%parallel_loop3A_303, %parallel_loop3A_304] {strides = array<i32>} : memref<400x64xf32, #tpu.memory_space<vmem>>, vector<1x16xf32>,
        %parallel_loop3A_306 = vector.shape_cast %parallel_loop3A_305 : vector<1x16xf32> to vector<16xf32>
        %parallel_loop3A_307 = arith.constant 3 : i32
        %parallel_loop3A_308 = arith.addi %parallel_loop3A_61, %parallel_loop3A_307 : i32
        %parallel_loop3A_309 = arith.index_cast %parallel_loop3A_308 : i32 to index
        %parallel_loop3A_310 = arith.constant 48 : index
        %parallel_loop3A_311 = tpu.vector_load %arg7[%parallel_loop3A_309, %parallel_loop3A_310] {strides = array<i32>} : memref<400x64xf32, #tpu.memory_space<vmem>>, vector<1x16xf32>,
        %parallel_loop3A_312 = vector.shape_cast %parallel_loop3A_311 : vector<1x16xf32> to vector<16xf32>
        %parallel_loop3A_313 = arith.index_cast %parallel_loop3A_288 : i32 to index
        %parallel_loop3A_314 = arith.constant 0 : index
        %parallel_loop3A_315 = tpu.vector_load %arg10[%parallel_loop3A_313, %parallel_loop3A_314] {strides = array<i32>} : memref<16x64xf32, #tpu.memory_space<vmem>>, vector<1x16xf32>,
        %parallel_loop3A_316 = vector.shape_cast %parallel_loop3A_315 : vector<1x16xf32> to vector<16xf32>
        %parallel_loop3A_317 = arith.index_cast %parallel_loop3A_288 : i32 to index
        %parallel_loop3A_318 = arith.constant 16 : index
        %parallel_loop3A_319 = tpu.vector_load %arg10[%parallel_loop3A_317, %parallel_loop3A_318] {strides = array<i32>} : memref<16x64xf32, #tpu.memory_space<vmem>>, vector<1x16xf32>,
        %parallel_loop3A_320 = vector.shape_cast %parallel_loop3A_319 : vector<1x16xf32> to vector<16xf32>
        %parallel_loop3A_321 = arith.index_cast %parallel_loop3A_288 : i32 to index
        %parallel_loop3A_322 = arith.constant 32 : index
        %parallel_loop3A_323 = tpu.vector_load %arg10[%parallel_loop3A_321, %parallel_loop3A_322] {strides = array<i32>} : memref<16x64xf32, #tpu.memory_space<vmem>>, vector<1x16xf32>,
        %parallel_loop3A_324 = vector.shape_cast %parallel_loop3A_323 : vector<1x16xf32> to vector<16xf32>
        %parallel_loop3A_325 = arith.index_cast %parallel_loop3A_288 : i32 to index
        %parallel_loop3A_326 = arith.constant 48 : index
        %parallel_loop3A_327 = tpu.vector_load %arg10[%parallel_loop3A_325, %parallel_loop3A_326] {strides = array<i32>} : memref<16x64xf32, #tpu.memory_space<vmem>>, vector<1x16xf32>,
        %parallel_loop3A_328 = vector.shape_cast %parallel_loop3A_327 : vector<1x16xf32> to vector<16xf32>
        %parallel_loop3A_329 = arith.addf %parallel_loop3A_294, %parallel_loop3A_316 : vector<16xf32>
        %parallel_loop3A_330 = arith.addf %parallel_loop3A_300, %parallel_loop3A_320 : vector<16xf32>
        %parallel_loop3A_331 = arith.addf %parallel_loop3A_306, %parallel_loop3A_324 : vector<16xf32>
        %parallel_loop3A_332 = arith.addf %parallel_loop3A_312, %parallel_loop3A_328 : vector<16xf32>
        %parallel_loop3A_333 = arith.constant 3 : i32
        %parallel_loop3A_334 = arith.addi %parallel_loop3A_61, %parallel_loop3A_333 : i32
        %parallel_loop3A_335 = arith.index_cast %parallel_loop3A_334 : i32 to index
        %parallel_loop3A_336 = arith.constant 0 : index
        %parallel_loop3A_337 = tpu.vector_load %arg7[%parallel_loop3A_335, %parallel_loop3A_336] {strides = array<i32>} : memref<400x64xf32, #tpu.memory_space<vmem>>, vector<1x16xf32>,
        %parallel_loop3A_338 = vector.shape_cast %parallel_loop3A_337 : vector<1x16xf32> to vector<16xf32>
        %parallel_loop3A_339 = vector.shape_cast %parallel_loop3A_329 : vector<16xf32> to vector<1x16xf32>
        tpu.vector_store %arg7[%parallel_loop3A_335, %parallel_loop3A_336], %parallel_loop3A_339 {strides = array<i32>} : memref<400x64xf32, #tpu.memory_space<vmem>>, vector<1x16xf32>,
        %parallel_loop3A_340 = arith.constant 3 : i32
        %parallel_loop3A_341 = arith.addi %parallel_loop3A_61, %parallel_loop3A_340 : i32
        %parallel_loop3A_342 = arith.index_cast %parallel_loop3A_341 : i32 to index
        %parallel_loop3A_343 = arith.constant 16 : index
        %parallel_loop3A_344 = tpu.vector_load %arg7[%parallel_loop3A_342, %parallel_loop3A_343] {strides = array<i32>} : memref<400x64xf32, #tpu.memory_space<vmem>>, vector<1x16xf32>,
        %parallel_loop3A_345 = vector.shape_cast %parallel_loop3A_344 : vector<1x16xf32> to vector<16xf32>
        %parallel_loop3A_346 = vector.shape_cast %parallel_loop3A_330 : vector<16xf32> to vector<1x16xf32>
        tpu.vector_store %arg7[%parallel_loop3A_342, %parallel_loop3A_343], %parallel_loop3A_346 {strides = array<i32>} : memref<400x64xf32, #tpu.memory_space<vmem>>, vector<1x16xf32>,
        %parallel_loop3A_347 = arith.constant 3 : i32
        %parallel_loop3A_348 = arith.addi %parallel_loop3A_61, %parallel_loop3A_347 : i32
        %parallel_loop3A_349 = arith.index_cast %parallel_loop3A_348 : i32 to index
        %parallel_loop3A_350 = arith.constant 32 : index
        %parallel_loop3A_351 = tpu.vector_load %arg7[%parallel_loop3A_349, %parallel_loop3A_350] {strides = array<i32>} : memref<400x64xf32, #tpu.memory_space<vmem>>, vector<1x16xf32>,
        %parallel_loop3A_352 = vector.shape_cast %parallel_loop3A_351 : vector<1x16xf32> to vector<16xf32>
        %parallel_loop3A_353 = vector.shape_cast %parallel_loop3A_331 : vector<16xf32> to vector<1x16xf32>
        tpu.vector_store %arg7[%parallel_loop3A_349, %parallel_loop3A_350], %parallel_loop3A_353 {strides = array<i32>} : memref<400x64xf32, #tpu.memory_space<vmem>>, vector<1x16xf32>,
        %parallel_loop3A_354 = arith.constant 3 : i32
        %parallel_loop3A_355 = arith.addi %parallel_loop3A_61, %parallel_loop3A_354 : i32
        %parallel_loop3A_356 = arith.index_cast %parallel_loop3A_355 : i32 to index
        %parallel_loop3A_357 = arith.constant 48 : index
        %parallel_loop3A_358 = tpu.vector_load %arg7[%parallel_loop3A_356, %parallel_loop3A_357] {strides = array<i32>} : memref<400x64xf32, #tpu.memory_space<vmem>>, vector<1x16xf32>,
        %parallel_loop3A_359 = vector.shape_cast %parallel_loop3A_358 : vector<1x16xf32> to vector<16xf32>
        %parallel_loop3A_360 = vector.shape_cast %parallel_loop3A_332 : vector<16xf32> to vector<1x16xf32>
        tpu.vector_store %arg7[%parallel_loop3A_356, %parallel_loop3A_357], %parallel_loop3A_360 {strides = array<i32>} : memref<400x64xf32, #tpu.memory_space<vmem>>, vector<1x16xf32>,
        %parallel_loop3A_361 = vector.extract_strided_slice %parallel_loop3A_64 {offsets = [4], sizes = [1], strides = [1]} : vector<16xi32> to vector<1xi32>
        %parallel_loop3A_362 = vector.extract %parallel_loop3A_361[0] : i32 from vector<1xi32>
        %parallel_loop3A_363 = arith.constant 4 : i32
        %parallel_loop3A_364 = arith.addi %parallel_loop3A_61, %parallel_loop3A_363 : i32
        %parallel_loop3A_365 = arith.index_cast %parallel_loop3A_364 : i32 to index
        %parallel_loop3A_366 = arith.constant 0 : index
        %parallel_loop3A_367 = tpu.vector_load %arg7[%parallel_loop3A_365, %parallel_loop3A_366] {strides = array<i32>} : memref<400x64xf32, #tpu.memory_space<vmem>>, vector<1x16xf32>,
        %parallel_loop3A_368 = vector.shape_cast %parallel_loop3A_367 : vector<1x16xf32> to vector<16xf32>
        %parallel_loop3A_369 = arith.constant 4 : i32
        %parallel_loop3A_370 = arith.addi %parallel_loop3A_61, %parallel_loop3A_369 : i32
        %parallel_loop3A_371 = arith.index_cast %parallel_loop3A_370 : i32 to index
        %parallel_loop3A_372 = arith.constant 16 : index
        %parallel_loop3A_373 = tpu.vector_load %arg7[%parallel_loop3A_371, %parallel_loop3A_372] {strides = array<i32>} : memref<400x64xf32, #tpu.memory_space<vmem>>, vector<1x16xf32>,
        %parallel_loop3A_374 = vector.shape_cast %parallel_loop3A_373 : vector<1x16xf32> to vector<16xf32>
        %parallel_loop3A_375 = arith.constant 4 : i32
        %parallel_loop3A_376 = arith.addi %parallel_loop3A_61, %parallel_loop3A_375 : i32
        %parallel_loop3A_377 = arith.index_cast %parallel_loop3A_376 : i32 to index
        %parallel_loop3A_378 = arith.constant 32 : index
        %parallel_loop3A_379 = tpu.vector_load %arg7[%parallel_loop3A_377, %parallel_loop3A_378] {strides = array<i32>} : memref<400x64xf32, #tpu.memory_space<vmem>>, vector<1x16xf32>,
        %parallel_loop3A_380 = vector.shape_cast %parallel_loop3A_379 : vector<1x16xf32> to vector<16xf32>
        %parallel_loop3A_381 = arith.constant 4 : i32
        %parallel_loop3A_382 = arith.addi %parallel_loop3A_61, %parallel_loop3A_381 : i32
        %parallel_loop3A_383 = arith.index_cast %parallel_loop3A_382 : i32 to index
        %parallel_loop3A_384 = arith.constant 48 : index
        %parallel_loop3A_385 = tpu.vector_load %arg7[%parallel_loop3A_383, %parallel_loop3A_384] {strides = array<i32>} : memref<400x64xf32, #tpu.memory_space<vmem>>, vector<1x16xf32>,
        %parallel_loop3A_386 = vector.shape_cast %parallel_loop3A_385 : vector<1x16xf32> to vector<16xf32>
        %parallel_loop3A_387 = arith.index_cast %parallel_loop3A_362 : i32 to index
        %parallel_loop3A_388 = arith.constant 0 : index
        %parallel_loop3A_389 = tpu.vector_load %arg10[%parallel_loop3A_387, %parallel_loop3A_388] {strides = array<i32>} : memref<16x64xf32, #tpu.memory_space<vmem>>, vector<1x16xf32>,
        %parallel_loop3A_390 = vector.shape_cast %parallel_loop3A_389 : vector<1x16xf32> to vector<16xf32>
        %parallel_loop3A_391 = arith.index_cast %parallel_loop3A_362 : i32 to index
        %parallel_loop3A_392 = arith.constant 16 : index
        %parallel_loop3A_393 = tpu.vector_load %arg10[%parallel_loop3A_391, %parallel_loop3A_392] {strides = array<i32>} : memref<16x64xf32, #tpu.memory_space<vmem>>, vector<1x16xf32>,
        %parallel_loop3A_394 = vector.shape_cast %parallel_loop3A_393 : vector<1x16xf32> to vector<16xf32>
        %parallel_loop3A_395 = arith.index_cast %parallel_loop3A_362 : i32 to index
        %parallel_loop3A_396 = arith.constant 32 : index
        %parallel_loop3A_397 = tpu.vector_load %arg10[%parallel_loop3A_395, %parallel_loop3A_396] {strides = array<i32>} : memref<16x64xf32, #tpu.memory_space<vmem>>, vector<1x16xf32>,
        %parallel_loop3A_398 = vector.shape_cast %parallel_loop3A_397 : vector<1x16xf32> to vector<16xf32>
        %parallel_loop3A_399 = arith.index_cast %parallel_loop3A_362 : i32 to index
        %parallel_loop3A_400 = arith.constant 48 : index
        %parallel_loop3A_401 = tpu.vector_load %arg10[%parallel_loop3A_399, %parallel_loop3A_400] {strides = array<i32>} : memref<16x64xf32, #tpu.memory_space<vmem>>, vector<1x16xf32>,
        %parallel_loop3A_402 = vector.shape_cast %parallel_loop3A_401 : vector<1x16xf32> to vector<16xf32>
        %parallel_loop3A_403 = arith.addf %parallel_loop3A_368, %parallel_loop3A_390 : vector<16xf32>
        %parallel_loop3A_404 = arith.addf %parallel_loop3A_374, %parallel_loop3A_394 : vector<16xf32>
        %parallel_loop3A_405 = arith.addf %parallel_loop3A_380, %parallel_loop3A_398 : vector<16xf32>
        %parallel_loop3A_406 = arith.addf %parallel_loop3A_386, %parallel_loop3A_402 : vector<16xf32>
        %parallel_loop3A_407 = arith.constant 4 : i32
        %parallel_loop3A_408 = arith.addi %parallel_loop3A_61, %parallel_loop3A_407 : i32
        %parallel_loop3A_409 = arith.index_cast %parallel_loop3A_408 : i32 to index
        %parallel_loop3A_410 = arith.constant 0 : index
        %parallel_loop3A_411 = tpu.vector_load %arg7[%parallel_loop3A_409, %parallel_loop3A_410] {strides = array<i32>} : memref<400x64xf32, #tpu.memory_space<vmem>>, vector<1x16xf32>,
        %parallel_loop3A_412 = vector.shape_cast %parallel_loop3A_411 : vector<1x16xf32> to vector<16xf32>
        %parallel_loop3A_413 = vector.shape_cast %parallel_loop3A_403 : vector<16xf32> to vector<1x16xf32>
        tpu.vector_store %arg7[%parallel_loop3A_409, %parallel_loop3A_410], %parallel_loop3A_413 {strides = array<i32>} : memref<400x64xf32, #tpu.memory_space<vmem>>, vector<1x16xf32>,
        %parallel_loop3A_414 = arith.constant 4 : i32
        %parallel_loop3A_415 = arith.addi %parallel_loop3A_61, %parallel_loop3A_414 : i32
        %parallel_loop3A_416 = arith.index_cast %parallel_loop3A_415 : i32 to index
        %parallel_loop3A_417 = arith.constant 16 : index
        %parallel_loop3A_418 = tpu.vector_load %arg7[%parallel_loop3A_416, %parallel_loop3A_417] {strides = array<i32>} : memref<400x64xf32, #tpu.memory_space<vmem>>, vector<1x16xf32>,
        %parallel_loop3A_419 = vector.shape_cast %parallel_loop3A_418 : vector<1x16xf32> to vector<16xf32>
        %parallel_loop3A_420 = vector.shape_cast %parallel_loop3A_404 : vector<16xf32> to vector<1x16xf32>
        tpu.vector_store %arg7[%parallel_loop3A_416, %parallel_loop3A_417], %parallel_loop3A_420 {strides = array<i32>} : memref<400x64xf32, #tpu.memory_space<vmem>>, vector<1x16xf32>,
        %parallel_loop3A_421 = arith.constant 4 : i32
        %parallel_loop3A_422 = arith.addi %parallel_loop3A_61, %parallel_loop3A_421 : i32
        %parallel_loop3A_423 = arith.index_cast %parallel_loop3A_422 : i32 to index
        %parallel_loop3A_424 = arith.constant 32 : index
        %parallel_loop3A_425 = tpu.vector_load %arg7[%parallel_loop3A_423, %parallel_loop3A_424] {strides = array<i32>} : memref<400x64xf32, #tpu.memory_space<vmem>>, vector<1x16xf32>,
        %parallel_loop3A_426 = vector.shape_cast %parallel_loop3A_425 : vector<1x16xf32> to vector<16xf32>
        %parallel_loop3A_427 = vector.shape_cast %parallel_loop3A_405 : vector<16xf32> to vector<1x16xf32>
        tpu.vector_store %arg7[%parallel_loop3A_423, %parallel_loop3A_424], %parallel_loop3A_427 {strides = array<i32>} : memref<400x64xf32, #tpu.memory_space<vmem>>, vector<1x16xf32>,
        %parallel_loop3A_428 = arith.constant 4 : i32
        %parallel_loop3A_429 = arith.addi %parallel_loop3A_61, %parallel_loop3A_428 : i32
        %parallel_loop3A_430 = arith.index_cast %parallel_loop3A_429 : i32 to index
        %parallel_loop3A_431 = arith.constant 48 : index
        %parallel_loop3A_432 = tpu.vector_load %arg7[%parallel_loop3A_430, %parallel_loop3A_431] {strides = array<i32>} : memref<400x64xf32, #tpu.memory_space<vmem>>, vector<1x16xf32>,
        %parallel_loop3A_433 = vector.shape_cast %parallel_loop3A_432 : vector<1x16xf32> to vector<16xf32>
        %parallel_loop3A_434 = vector.shape_cast %parallel_loop3A_406 : vector<16xf32> to vector<1x16xf32>
        tpu.vector_store %arg7[%parallel_loop3A_430, %parallel_loop3A_431], %parallel_loop3A_434 {strides = array<i32>} : memref<400x64xf32, #tpu.memory_space<vmem>>, vector<1x16xf32>,
        %parallel_loop3A_435 = vector.extract_strided_slice %parallel_loop3A_64 {offsets = [5], sizes = [1], strides = [1]} : vector<16xi32> to vector<1xi32>
        %parallel_loop3A_436 = vector.extract %parallel_loop3A_435[0] : i32 from vector<1xi32>
        %parallel_loop3A_437 = arith.constant 5 : i32
        %parallel_loop3A_438 = arith.addi %parallel_loop3A_61, %parallel_loop3A_437 : i32
        %parallel_loop3A_439 = arith.index_cast %parallel_loop3A_438 : i32 to index
        %parallel_loop3A_440 = arith.constant 0 : index
        %parallel_loop3A_441 = tpu.vector_load %arg7[%parallel_loop3A_439, %parallel_loop3A_440] {strides = array<i32>} : memref<400x64xf32, #tpu.memory_space<vmem>>, vector<1x16xf32>,
        %parallel_loop3A_442 = vector.shape_cast %parallel_loop3A_441 : vector<1x16xf32> to vector<16xf32>
        %parallel_loop3A_443 = arith.constant 5 : i32
        %parallel_loop3A_444 = arith.addi %parallel_loop3A_61, %parallel_loop3A_443 : i32
        %parallel_loop3A_445 = arith.index_cast %parallel_loop3A_444 : i32 to index
        %parallel_loop3A_446 = arith.constant 16 : index
        %parallel_loop3A_447 = tpu.vector_load %arg7[%parallel_loop3A_445, %parallel_loop3A_446] {strides = array<i32>} : memref<400x64xf32, #tpu.memory_space<vmem>>, vector<1x16xf32>,
        %parallel_loop3A_448 = vector.shape_cast %parallel_loop3A_447 : vector<1x16xf32> to vector<16xf32>
        %parallel_loop3A_449 = arith.constant 5 : i32
        %parallel_loop3A_450 = arith.addi %parallel_loop3A_61, %parallel_loop3A_449 : i32
        %parallel_loop3A_451 = arith.index_cast %parallel_loop3A_450 : i32 to index
        %parallel_loop3A_452 = arith.constant 32 : index
        %parallel_loop3A_453 = tpu.vector_load %arg7[%parallel_loop3A_451, %parallel_loop3A_452] {strides = array<i32>} : memref<400x64xf32, #tpu.memory_space<vmem>>, vector<1x16xf32>,
        %parallel_loop3A_454 = vector.shape_cast %parallel_loop3A_453 : vector<1x16xf32> to vector<16xf32>
        %parallel_loop3A_455 = arith.constant 5 : i32
        %parallel_loop3A_456 = arith.addi %parallel_loop3A_61, %parallel_loop3A_455 : i32
        %parallel_loop3A_457 = arith.index_cast %parallel_loop3A_456 : i32 to index
        %parallel_loop3A_458 = arith.constant 48 : index
        %parallel_loop3A_459 = tpu.vector_load %arg7[%parallel_loop3A_457, %parallel_loop3A_458] {strides = array<i32>} : memref<400x64xf32, #tpu.memory_space<vmem>>, vector<1x16xf32>,
        %parallel_loop3A_460 = vector.shape_cast %parallel_loop3A_459 : vector<1x16xf32> to vector<16xf32>
        %parallel_loop3A_461 = arith.index_cast %parallel_loop3A_436 : i32 to index
        %parallel_loop3A_462 = arith.constant 0 : index
        %parallel_loop3A_463 = tpu.vector_load %arg10[%parallel_loop3A_461, %parallel_loop3A_462] {strides = array<i32>} : memref<16x64xf32, #tpu.memory_space<vmem>>, vector<1x16xf32>,
        %parallel_loop3A_464 = vector.shape_cast %parallel_loop3A_463 : vector<1x16xf32> to vector<16xf32>
        %parallel_loop3A_465 = arith.index_cast %parallel_loop3A_436 : i32 to index
        %parallel_loop3A_466 = arith.constant 16 : index
        %parallel_loop3A_467 = tpu.vector_load %arg10[%parallel_loop3A_465, %parallel_loop3A_466] {strides = array<i32>} : memref<16x64xf32, #tpu.memory_space<vmem>>, vector<1x16xf32>,
        %parallel_loop3A_468 = vector.shape_cast %parallel_loop3A_467 : vector<1x16xf32> to vector<16xf32>
        %parallel_loop3A_469 = arith.index_cast %parallel_loop3A_436 : i32 to index
        %parallel_loop3A_470 = arith.constant 32 : index
        %parallel_loop3A_471 = tpu.vector_load %arg10[%parallel_loop3A_469, %parallel_loop3A_470] {strides = array<i32>} : memref<16x64xf32, #tpu.memory_space<vmem>>, vector<1x16xf32>,
        %parallel_loop3A_472 = vector.shape_cast %parallel_loop3A_471 : vector<1x16xf32> to vector<16xf32>
        %parallel_loop3A_473 = arith.index_cast %parallel_loop3A_436 : i32 to index
        %parallel_loop3A_474 = arith.constant 48 : index
        %parallel_loop3A_475 = tpu.vector_load %arg10[%parallel_loop3A_473, %parallel_loop3A_474] {strides = array<i32>} : memref<16x64xf32, #tpu.memory_space<vmem>>, vector<1x16xf32>,
        %parallel_loop3A_476 = vector.shape_cast %parallel_loop3A_475 : vector<1x16xf32> to vector<16xf32>
        %parallel_loop3A_477 = arith.addf %parallel_loop3A_442, %parallel_loop3A_464 : vector<16xf32>
        %parallel_loop3A_478 = arith.addf %parallel_loop3A_448, %parallel_loop3A_468 : vector<16xf32>
        %parallel_loop3A_479 = arith.addf %parallel_loop3A_454, %parallel_loop3A_472 : vector<16xf32>
        %parallel_loop3A_480 = arith.addf %parallel_loop3A_460, %parallel_loop3A_476 : vector<16xf32>
        %parallel_loop3A_481 = arith.constant 5 : i32
        %parallel_loop3A_482 = arith.addi %parallel_loop3A_61, %parallel_loop3A_481 : i32
        %parallel_loop3A_483 = arith.index_cast %parallel_loop3A_482 : i32 to index
        %parallel_loop3A_484 = arith.constant 0 : index
        %parallel_loop3A_485 = tpu.vector_load %arg7[%parallel_loop3A_483, %parallel_loop3A_484] {strides = array<i32>} : memref<400x64xf32, #tpu.memory_space<vmem>>, vector<1x16xf32>,
        %parallel_loop3A_486 = vector.shape_cast %parallel_loop3A_485 : vector<1x16xf32> to vector<16xf32>
        %parallel_loop3A_487 = vector.shape_cast %parallel_loop3A_477 : vector<16xf32> to vector<1x16xf32>
        tpu.vector_store %arg7[%parallel_loop3A_483, %parallel_loop3A_484], %parallel_loop3A_487 {strides = array<i32>} : memref<400x64xf32, #tpu.memory_space<vmem>>, vector<1x16xf32>,
        %parallel_loop3A_488 = arith.constant 5 : i32
        %parallel_loop3A_489 = arith.addi %parallel_loop3A_61, %parallel_loop3A_488 : i32
        %parallel_loop3A_490 = arith.index_cast %parallel_loop3A_489 : i32 to index
        %parallel_loop3A_491 = arith.constant 16 : index
        %parallel_loop3A_492 = tpu.vector_load %arg7[%parallel_loop3A_490, %parallel_loop3A_491] {strides = array<i32>} : memref<400x64xf32, #tpu.memory_space<vmem>>, vector<1x16xf32>,
        %parallel_loop3A_493 = vector.shape_cast %parallel_loop3A_492 : vector<1x16xf32> to vector<16xf32>
        %parallel_loop3A_494 = vector.shape_cast %parallel_loop3A_478 : vector<16xf32> to vector<1x16xf32>
        tpu.vector_store %arg7[%parallel_loop3A_490, %parallel_loop3A_491], %parallel_loop3A_494 {strides = array<i32>} : memref<400x64xf32, #tpu.memory_space<vmem>>, vector<1x16xf32>,
        %parallel_loop3A_495 = arith.constant 5 : i32
        %parallel_loop3A_496 = arith.addi %parallel_loop3A_61, %parallel_loop3A_495 : i32
        %parallel_loop3A_497 = arith.index_cast %parallel_loop3A_496 : i32 to index
        %parallel_loop3A_498 = arith.constant 32 : index
        %parallel_loop3A_499 = tpu.vector_load %arg7[%parallel_loop3A_497, %parallel_loop3A_498] {strides = array<i32>} : memref<400x64xf32, #tpu.memory_space<vmem>>, vector<1x16xf32>,
        %parallel_loop3A_500 = vector.shape_cast %parallel_loop3A_499 : vector<1x16xf32> to vector<16xf32>
        %parallel_loop3A_501 = vector.shape_cast %parallel_loop3A_479 : vector<16xf32> to vector<1x16xf32>
        tpu.vector_store %arg7[%parallel_loop3A_497, %parallel_loop3A_498], %parallel_loop3A_501 {strides = array<i32>} : memref<400x64xf32, #tpu.memory_space<vmem>>, vector<1x16xf32>,
        %parallel_loop3A_502 = arith.constant 5 : i32
        %parallel_loop3A_503 = arith.addi %parallel_loop3A_61, %parallel_loop3A_502 : i32
        %parallel_loop3A_504 = arith.index_cast %parallel_loop3A_503 : i32 to index
        %parallel_loop3A_505 = arith.constant 48 : index
        %parallel_loop3A_506 = tpu.vector_load %arg7[%parallel_loop3A_504, %parallel_loop3A_505] {strides = array<i32>} : memref<400x64xf32, #tpu.memory_space<vmem>>, vector<1x16xf32>,
        %parallel_loop3A_507 = vector.shape_cast %parallel_loop3A_506 : vector<1x16xf32> to vector<16xf32>
        %parallel_loop3A_508 = vector.shape_cast %parallel_loop3A_480 : vector<16xf32> to vector<1x16xf32>
        tpu.vector_store %arg7[%parallel_loop3A_504, %parallel_loop3A_505], %parallel_loop3A_508 {strides = array<i32>} : memref<400x64xf32, #tpu.memory_space<vmem>>, vector<1x16xf32>,
        %parallel_loop3A_509 = vector.extract_strided_slice %parallel_loop3A_64 {offsets = [6], sizes = [1], strides = [1]} : vector<16xi32> to vector<1xi32>
        %parallel_loop3A_510 = vector.extract %parallel_loop3A_509[0] : i32 from vector<1xi32>
        %parallel_loop3A_511 = arith.constant 6 : i32
        %parallel_loop3A_512 = arith.addi %parallel_loop3A_61, %parallel_loop3A_511 : i32
        %parallel_loop3A_513 = arith.index_cast %parallel_loop3A_512 : i32 to index
        %parallel_loop3A_514 = arith.constant 0 : index
        %parallel_loop3A_515 = tpu.vector_load %arg7[%parallel_loop3A_513, %parallel_loop3A_514] {strides = array<i32>} : memref<400x64xf32, #tpu.memory_space<vmem>>, vector<1x16xf32>,
        %parallel_loop3A_516 = vector.shape_cast %parallel_loop3A_515 : vector<1x16xf32> to vector<16xf32>
        %parallel_loop3A_517 = arith.constant 6 : i32
        %parallel_loop3A_518 = arith.addi %parallel_loop3A_61, %parallel_loop3A_517 : i32
        %parallel_loop3A_519 = arith.index_cast %parallel_loop3A_518 : i32 to index
        %parallel_loop3A_520 = arith.constant 16 : index
        %parallel_loop3A_521 = tpu.vector_load %arg7[%parallel_loop3A_519, %parallel_loop3A_520] {strides = array<i32>} : memref<400x64xf32, #tpu.memory_space<vmem>>, vector<1x16xf32>,
        %parallel_loop3A_522 = vector.shape_cast %parallel_loop3A_521 : vector<1x16xf32> to vector<16xf32>
        %parallel_loop3A_523 = arith.constant 6 : i32
        %parallel_loop3A_524 = arith.addi %parallel_loop3A_61, %parallel_loop3A_523 : i32
        %parallel_loop3A_525 = arith.index_cast %parallel_loop3A_524 : i32 to index
        %parallel_loop3A_526 = arith.constant 32 : index
        %parallel_loop3A_527 = tpu.vector_load %arg7[%parallel_loop3A_525, %parallel_loop3A_526] {strides = array<i32>} : memref<400x64xf32, #tpu.memory_space<vmem>>, vector<1x16xf32>,
        %parallel_loop3A_528 = vector.shape_cast %parallel_loop3A_527 : vector<1x16xf32> to vector<16xf32>
        %parallel_loop3A_529 = arith.constant 6 : i32
        %parallel_loop3A_530 = arith.addi %parallel_loop3A_61, %parallel_loop3A_529 : i32
        %parallel_loop3A_531 = arith.index_cast %parallel_loop3A_530 : i32 to index
        %parallel_loop3A_532 = arith.constant 48 : index
        %parallel_loop3A_533 = tpu.vector_load %arg7[%parallel_loop3A_531, %parallel_loop3A_532] {strides = array<i32>} : memref<400x64xf32, #tpu.memory_space<vmem>>, vector<1x16xf32>,
        %parallel_loop3A_534 = vector.shape_cast %parallel_loop3A_533 : vector<1x16xf32> to vector<16xf32>
        %parallel_loop3A_535 = arith.index_cast %parallel_loop3A_510 : i32 to index
        %parallel_loop3A_536 = arith.constant 0 : index
        %parallel_loop3A_537 = tpu.vector_load %arg10[%parallel_loop3A_535, %parallel_loop3A_536] {strides = array<i32>} : memref<16x64xf32, #tpu.memory_space<vmem>>, vector<1x16xf32>,
        %parallel_loop3A_538 = vector.shape_cast %parallel_loop3A_537 : vector<1x16xf32> to vector<16xf32>
        %parallel_loop3A_539 = arith.index_cast %parallel_loop3A_510 : i32 to index
        %parallel_loop3A_540 = arith.constant 16 : index
        %parallel_loop3A_541 = tpu.vector_load %arg10[%parallel_loop3A_539, %parallel_loop3A_540] {strides = array<i32>} : memref<16x64xf32, #tpu.memory_space<vmem>>, vector<1x16xf32>,
        %parallel_loop3A_542 = vector.shape_cast %parallel_loop3A_541 : vector<1x16xf32> to vector<16xf32>
        %parallel_loop3A_543 = arith.index_cast %parallel_loop3A_510 : i32 to index
        %parallel_loop3A_544 = arith.constant 32 : index
        %parallel_loop3A_545 = tpu.vector_load %arg10[%parallel_loop3A_543, %parallel_loop3A_544] {strides = array<i32>} : memref<16x64xf32, #tpu.memory_space<vmem>>, vector<1x16xf32>,
        %parallel_loop3A_546 = vector.shape_cast %parallel_loop3A_545 : vector<1x16xf32> to vector<16xf32>
        %parallel_loop3A_547 = arith.index_cast %parallel_loop3A_510 : i32 to index
        %parallel_loop3A_548 = arith.constant 48 : index
        %parallel_loop3A_549 = tpu.vector_load %arg10[%parallel_loop3A_547, %parallel_loop3A_548] {strides = array<i32>} : memref<16x64xf32, #tpu.memory_space<vmem>>, vector<1x16xf32>,
        %parallel_loop3A_550 = vector.shape_cast %parallel_loop3A_549 : vector<1x16xf32> to vector<16xf32>
        %parallel_loop3A_551 = arith.addf %parallel_loop3A_516, %parallel_loop3A_538 : vector<16xf32>
        %parallel_loop3A_552 = arith.addf %parallel_loop3A_522, %parallel_loop3A_542 : vector<16xf32>
        %parallel_loop3A_553 = arith.addf %parallel_loop3A_528, %parallel_loop3A_546 : vector<16xf32>
        %parallel_loop3A_554 = arith.addf %parallel_loop3A_534, %parallel_loop3A_550 : vector<16xf32>
        %parallel_loop3A_555 = arith.constant 6 : i32
        %parallel_loop3A_556 = arith.addi %parallel_loop3A_61, %parallel_loop3A_555 : i32
        %parallel_loop3A_557 = arith.index_cast %parallel_loop3A_556 : i32 to index
        %parallel_loop3A_558 = arith.constant 0 : index
        %parallel_loop3A_559 = tpu.vector_load %arg7[%parallel_loop3A_557, %parallel_loop3A_558] {strides = array<i32>} : memref<400x64xf32, #tpu.memory_space<vmem>>, vector<1x16xf32>,
        %parallel_loop3A_560 = vector.shape_cast %parallel_loop3A_559 : vector<1x16xf32> to vector<16xf32>
        %parallel_loop3A_561 = vector.shape_cast %parallel_loop3A_551 : vector<16xf32> to vector<1x16xf32>
        tpu.vector_store %arg7[%parallel_loop3A_557, %parallel_loop3A_558], %parallel_loop3A_561 {strides = array<i32>} : memref<400x64xf32, #tpu.memory_space<vmem>>, vector<1x16xf32>,
        %parallel_loop3A_562 = arith.constant 6 : i32
        %parallel_loop3A_563 = arith.addi %parallel_loop3A_61, %parallel_loop3A_562 : i32
        %parallel_loop3A_564 = arith.index_cast %parallel_loop3A_563 : i32 to index
        %parallel_loop3A_565 = arith.constant 16 : index
        %parallel_loop3A_566 = tpu.vector_load %arg7[%parallel_loop3A_564, %parallel_loop3A_565] {strides = array<i32>} : memref<400x64xf32, #tpu.memory_space<vmem>>, vector<1x16xf32>,
        %parallel_loop3A_567 = vector.shape_cast %parallel_loop3A_566 : vector<1x16xf32> to vector<16xf32>
        %parallel_loop3A_568 = vector.shape_cast %parallel_loop3A_552 : vector<16xf32> to vector<1x16xf32>
        tpu.vector_store %arg7[%parallel_loop3A_564, %parallel_loop3A_565], %parallel_loop3A_568 {strides = array<i32>} : memref<400x64xf32, #tpu.memory_space<vmem>>, vector<1x16xf32>,
        %parallel_loop3A_569 = arith.constant 6 : i32
        %parallel_loop3A_570 = arith.addi %parallel_loop3A_61, %parallel_loop3A_569 : i32
        %parallel_loop3A_571 = arith.index_cast %parallel_loop3A_570 : i32 to index
        %parallel_loop3A_572 = arith.constant 32 : index
        %parallel_loop3A_573 = tpu.vector_load %arg7[%parallel_loop3A_571, %parallel_loop3A_572] {strides = array<i32>} : memref<400x64xf32, #tpu.memory_space<vmem>>, vector<1x16xf32>,
        %parallel_loop3A_574 = vector.shape_cast %parallel_loop3A_573 : vector<1x16xf32> to vector<16xf32>
        %parallel_loop3A_575 = vector.shape_cast %parallel_loop3A_553 : vector<16xf32> to vector<1x16xf32>
        tpu.vector_store %arg7[%parallel_loop3A_571, %parallel_loop3A_572], %parallel_loop3A_575 {strides = array<i32>} : memref<400x64xf32, #tpu.memory_space<vmem>>, vector<1x16xf32>,
        %parallel_loop3A_576 = arith.constant 6 : i32
        %parallel_loop3A_577 = arith.addi %parallel_loop3A_61, %parallel_loop3A_576 : i32
        %parallel_loop3A_578 = arith.index_cast %parallel_loop3A_577 : i32 to index
        %parallel_loop3A_579 = arith.constant 48 : index
        %parallel_loop3A_580 = tpu.vector_load %arg7[%parallel_loop3A_578, %parallel_loop3A_579] {strides = array<i32>} : memref<400x64xf32, #tpu.memory_space<vmem>>, vector<1x16xf32>,
        %parallel_loop3A_581 = vector.shape_cast %parallel_loop3A_580 : vector<1x16xf32> to vector<16xf32>
        %parallel_loop3A_582 = vector.shape_cast %parallel_loop3A_554 : vector<16xf32> to vector<1x16xf32>
        tpu.vector_store %arg7[%parallel_loop3A_578, %parallel_loop3A_579], %parallel_loop3A_582 {strides = array<i32>} : memref<400x64xf32, #tpu.memory_space<vmem>>, vector<1x16xf32>,
        %parallel_loop3A_583 = vector.extract_strided_slice %parallel_loop3A_64 {offsets = [7], sizes = [1], strides = [1]} : vector<16xi32> to vector<1xi32>
        %parallel_loop3A_584 = vector.extract %parallel_loop3A_583[0] : i32 from vector<1xi32>
        %parallel_loop3A_585 = arith.constant 7 : i32
        %parallel_loop3A_586 = arith.addi %parallel_loop3A_61, %parallel_loop3A_585 : i32
        %parallel_loop3A_587 = arith.index_cast %parallel_loop3A_586 : i32 to index
        %parallel_loop3A_588 = arith.constant 0 : index
        %parallel_loop3A_589 = tpu.vector_load %arg7[%parallel_loop3A_587, %parallel_loop3A_588] {strides = array<i32>} : memref<400x64xf32, #tpu.memory_space<vmem>>, vector<1x16xf32>,
        %parallel_loop3A_590 = vector.shape_cast %parallel_loop3A_589 : vector<1x16xf32> to vector<16xf32>
        %parallel_loop3A_591 = arith.constant 7 : i32
        %parallel_loop3A_592 = arith.addi %parallel_loop3A_61, %parallel_loop3A_591 : i32
        %parallel_loop3A_593 = arith.index_cast %parallel_loop3A_592 : i32 to index
        %parallel_loop3A_594 = arith.constant 16 : index
        %parallel_loop3A_595 = tpu.vector_load %arg7[%parallel_loop3A_593, %parallel_loop3A_594] {strides = array<i32>} : memref<400x64xf32, #tpu.memory_space<vmem>>, vector<1x16xf32>,
        %parallel_loop3A_596 = vector.shape_cast %parallel_loop3A_595 : vector<1x16xf32> to vector<16xf32>
        %parallel_loop3A_597 = arith.constant 7 : i32
        %parallel_loop3A_598 = arith.addi %parallel_loop3A_61, %parallel_loop3A_597 : i32
        %parallel_loop3A_599 = arith.index_cast %parallel_loop3A_598 : i32 to index
        %parallel_loop3A_600 = arith.constant 32 : index
        %parallel_loop3A_601 = tpu.vector_load %arg7[%parallel_loop3A_599, %parallel_loop3A_600] {strides = array<i32>} : memref<400x64xf32, #tpu.memory_space<vmem>>, vector<1x16xf32>,
        %parallel_loop3A_602 = vector.shape_cast %parallel_loop3A_601 : vector<1x16xf32> to vector<16xf32>
        %parallel_loop3A_603 = arith.constant 7 : i32
        %parallel_loop3A_604 = arith.addi %parallel_loop3A_61, %parallel_loop3A_603 : i32
        %parallel_loop3A_605 = arith.index_cast %parallel_loop3A_604 : i32 to index
        %parallel_loop3A_606 = arith.constant 48 : index
        %parallel_loop3A_607 = tpu.vector_load %arg7[%parallel_loop3A_605, %parallel_loop3A_606] {strides = array<i32>} : memref<400x64xf32, #tpu.memory_space<vmem>>, vector<1x16xf32>,
        %parallel_loop3A_608 = vector.shape_cast %parallel_loop3A_607 : vector<1x16xf32> to vector<16xf32>
        %parallel_loop3A_609 = arith.index_cast %parallel_loop3A_584 : i32 to index
        %parallel_loop3A_610 = arith.constant 0 : index
        %parallel_loop3A_611 = tpu.vector_load %arg10[%parallel_loop3A_609, %parallel_loop3A_610] {strides = array<i32>} : memref<16x64xf32, #tpu.memory_space<vmem>>, vector<1x16xf32>,
        %parallel_loop3A_612 = vector.shape_cast %parallel_loop3A_611 : vector<1x16xf32> to vector<16xf32>
        %parallel_loop3A_613 = arith.index_cast %parallel_loop3A_584 : i32 to index
        %parallel_loop3A_614 = arith.constant 16 : index
        %parallel_loop3A_615 = tpu.vector_load %arg10[%parallel_loop3A_613, %parallel_loop3A_614] {strides = array<i32>} : memref<16x64xf32, #tpu.memory_space<vmem>>, vector<1x16xf32>,
        %parallel_loop3A_616 = vector.shape_cast %parallel_loop3A_615 : vector<1x16xf32> to vector<16xf32>
        %parallel_loop3A_617 = arith.index_cast %parallel_loop3A_584 : i32 to index
        %parallel_loop3A_618 = arith.constant 32 : index
        %parallel_loop3A_619 = tpu.vector_load %arg10[%parallel_loop3A_617, %parallel_loop3A_618] {strides = array<i32>} : memref<16x64xf32, #tpu.memory_space<vmem>>, vector<1x16xf32>,
        %parallel_loop3A_620 = vector.shape_cast %parallel_loop3A_619 : vector<1x16xf32> to vector<16xf32>
        %parallel_loop3A_621 = arith.index_cast %parallel_loop3A_584 : i32 to index
        %parallel_loop3A_622 = arith.constant 48 : index
        %parallel_loop3A_623 = tpu.vector_load %arg10[%parallel_loop3A_621, %parallel_loop3A_622] {strides = array<i32>} : memref<16x64xf32, #tpu.memory_space<vmem>>, vector<1x16xf32>,
        %parallel_loop3A_624 = vector.shape_cast %parallel_loop3A_623 : vector<1x16xf32> to vector<16xf32>
        %parallel_loop3A_625 = arith.addf %parallel_loop3A_590, %parallel_loop3A_612 : vector<16xf32>
        %parallel_loop3A_626 = arith.addf %parallel_loop3A_596, %parallel_loop3A_616 : vector<16xf32>
        %parallel_loop3A_627 = arith.addf %parallel_loop3A_602, %parallel_loop3A_620 : vector<16xf32>
        %parallel_loop3A_628 = arith.addf %parallel_loop3A_608, %parallel_loop3A_624 : vector<16xf32>
        %parallel_loop3A_629 = arith.constant 7 : i32
        %parallel_loop3A_630 = arith.addi %parallel_loop3A_61, %parallel_loop3A_629 : i32
        %parallel_loop3A_631 = arith.index_cast %parallel_loop3A_630 : i32 to index
        %parallel_loop3A_632 = arith.constant 0 : index
        %parallel_loop3A_633 = tpu.vector_load %arg7[%parallel_loop3A_631, %parallel_loop3A_632] {strides = array<i32>} : memref<400x64xf32, #tpu.memory_space<vmem>>, vector<1x16xf32>,
        %parallel_loop3A_634 = vector.shape_cast %parallel_loop3A_633 : vector<1x16xf32> to vector<16xf32>
        %parallel_loop3A_635 = vector.shape_cast %parallel_loop3A_625 : vector<16xf32> to vector<1x16xf32>
        tpu.vector_store %arg7[%parallel_loop3A_631, %parallel_loop3A_632], %parallel_loop3A_635 {strides = array<i32>} : memref<400x64xf32, #tpu.memory_space<vmem>>, vector<1x16xf32>,
        %parallel_loop3A_636 = arith.constant 7 : i32
        %parallel_loop3A_637 = arith.addi %parallel_loop3A_61, %parallel_loop3A_636 : i32
        %parallel_loop3A_638 = arith.index_cast %parallel_loop3A_637 : i32 to index
        %parallel_loop3A_639 = arith.constant 16 : index
        %parallel_loop3A_640 = tpu.vector_load %arg7[%parallel_loop3A_638, %parallel_loop3A_639] {strides = array<i32>} : memref<400x64xf32, #tpu.memory_space<vmem>>, vector<1x16xf32>,
        %parallel_loop3A_641 = vector.shape_cast %parallel_loop3A_640 : vector<1x16xf32> to vector<16xf32>
        %parallel_loop3A_642 = vector.shape_cast %parallel_loop3A_626 : vector<16xf32> to vector<1x16xf32>
        tpu.vector_store %arg7[%parallel_loop3A_638, %parallel_loop3A_639], %parallel_loop3A_642 {strides = array<i32>} : memref<400x64xf32, #tpu.memory_space<vmem>>, vector<1x16xf32>,
        %parallel_loop3A_643 = arith.constant 7 : i32
        %parallel_loop3A_644 = arith.addi %parallel_loop3A_61, %parallel_loop3A_643 : i32
        %parallel_loop3A_645 = arith.index_cast %parallel_loop3A_644 : i32 to index
        %parallel_loop3A_646 = arith.constant 32 : index
        %parallel_loop3A_647 = tpu.vector_load %arg7[%parallel_loop3A_645, %parallel_loop3A_646] {strides = array<i32>} : memref<400x64xf32, #tpu.memory_space<vmem>>, vector<1x16xf32>,
        %parallel_loop3A_648 = vector.shape_cast %parallel_loop3A_647 : vector<1x16xf32> to vector<16xf32>
        %parallel_loop3A_649 = vector.shape_cast %parallel_loop3A_627 : vector<16xf32> to vector<1x16xf32>
        tpu.vector_store %arg7[%parallel_loop3A_645, %parallel_loop3A_646], %parallel_loop3A_649 {strides = array<i32>} : memref<400x64xf32, #tpu.memory_space<vmem>>, vector<1x16xf32>,
        %parallel_loop3A_650 = arith.constant 7 : i32
        %parallel_loop3A_651 = arith.addi %parallel_loop3A_61, %parallel_loop3A_650 : i32
        %parallel_loop3A_652 = arith.index_cast %parallel_loop3A_651 : i32 to index
        %parallel_loop3A_653 = arith.constant 48 : index
        %parallel_loop3A_654 = tpu.vector_load %arg7[%parallel_loop3A_652, %parallel_loop3A_653] {strides = array<i32>} : memref<400x64xf32, #tpu.memory_space<vmem>>, vector<1x16xf32>,
        %parallel_loop3A_655 = vector.shape_cast %parallel_loop3A_654 : vector<1x16xf32> to vector<16xf32>
        %parallel_loop3A_656 = vector.shape_cast %parallel_loop3A_628 : vector<16xf32> to vector<1x16xf32>
        tpu.vector_store %arg7[%parallel_loop3A_652, %parallel_loop3A_653], %parallel_loop3A_656 {strides = array<i32>} : memref<400x64xf32, #tpu.memory_space<vmem>>, vector<1x16xf32>,
        %parallel_loop3A_657 = vector.extract_strided_slice %parallel_loop3A_64 {offsets = [8], sizes = [1], strides = [1]} : vector<16xi32> to vector<1xi32>
        %parallel_loop3A_658 = vector.extract %parallel_loop3A_657[0] : i32 from vector<1xi32>
        %parallel_loop3A_659 = arith.constant 8 : i32
        %parallel_loop3A_660 = arith.addi %parallel_loop3A_61, %parallel_loop3A_659 : i32
        %parallel_loop3A_661 = arith.index_cast %parallel_loop3A_660 : i32 to index
        %parallel_loop3A_662 = arith.constant 0 : index
        %parallel_loop3A_663 = tpu.vector_load %arg7[%parallel_loop3A_661, %parallel_loop3A_662] {strides = array<i32>} : memref<400x64xf32, #tpu.memory_space<vmem>>, vector<1x16xf32>,
        %parallel_loop3A_664 = vector.shape_cast %parallel_loop3A_663 : vector<1x16xf32> to vector<16xf32>
        %parallel_loop3A_665 = arith.constant 8 : i32
        %parallel_loop3A_666 = arith.addi %parallel_loop3A_61, %parallel_loop3A_665 : i32
        %parallel_loop3A_667 = arith.index_cast %parallel_loop3A_666 : i32 to index
        %parallel_loop3A_668 = arith.constant 16 : index
        %parallel_loop3A_669 = tpu.vector_load %arg7[%parallel_loop3A_667, %parallel_loop3A_668] {strides = array<i32>} : memref<400x64xf32, #tpu.memory_space<vmem>>, vector<1x16xf32>,
        %parallel_loop3A_670 = vector.shape_cast %parallel_loop3A_669 : vector<1x16xf32> to vector<16xf32>
        %parallel_loop3A_671 = arith.constant 8 : i32
        %parallel_loop3A_672 = arith.addi %parallel_loop3A_61, %parallel_loop3A_671 : i32
        %parallel_loop3A_673 = arith.index_cast %parallel_loop3A_672 : i32 to index
        %parallel_loop3A_674 = arith.constant 32 : index
        %parallel_loop3A_675 = tpu.vector_load %arg7[%parallel_loop3A_673, %parallel_loop3A_674] {strides = array<i32>} : memref<400x64xf32, #tpu.memory_space<vmem>>, vector<1x16xf32>,
        %parallel_loop3A_676 = vector.shape_cast %parallel_loop3A_675 : vector<1x16xf32> to vector<16xf32>
        %parallel_loop3A_677 = arith.constant 8 : i32
        %parallel_loop3A_678 = arith.addi %parallel_loop3A_61, %parallel_loop3A_677 : i32
        %parallel_loop3A_679 = arith.index_cast %parallel_loop3A_678 : i32 to index
        %parallel_loop3A_680 = arith.constant 48 : index
        %parallel_loop3A_681 = tpu.vector_load %arg7[%parallel_loop3A_679, %parallel_loop3A_680] {strides = array<i32>} : memref<400x64xf32, #tpu.memory_space<vmem>>, vector<1x16xf32>,
        %parallel_loop3A_682 = vector.shape_cast %parallel_loop3A_681 : vector<1x16xf32> to vector<16xf32>
        %parallel_loop3A_683 = arith.index_cast %parallel_loop3A_658 : i32 to index
        %parallel_loop3A_684 = arith.constant 0 : index
        %parallel_loop3A_685 = tpu.vector_load %arg10[%parallel_loop3A_683, %parallel_loop3A_684] {strides = array<i32>} : memref<16x64xf32, #tpu.memory_space<vmem>>, vector<1x16xf32>,
        %parallel_loop3A_686 = vector.shape_cast %parallel_loop3A_685 : vector<1x16xf32> to vector<16xf32>
        %parallel_loop3A_687 = arith.index_cast %parallel_loop3A_658 : i32 to index
        %parallel_loop3A_688 = arith.constant 16 : index
        %parallel_loop3A_689 = tpu.vector_load %arg10[%parallel_loop3A_687, %parallel_loop3A_688] {strides = array<i32>} : memref<16x64xf32, #tpu.memory_space<vmem>>, vector<1x16xf32>,
        %parallel_loop3A_690 = vector.shape_cast %parallel_loop3A_689 : vector<1x16xf32> to vector<16xf32>
        %parallel_loop3A_691 = arith.index_cast %parallel_loop3A_658 : i32 to index
        %parallel_loop3A_692 = arith.constant 32 : index
        %parallel_loop3A_693 = tpu.vector_load %arg10[%parallel_loop3A_691, %parallel_loop3A_692] {strides = array<i32>} : memref<16x64xf32, #tpu.memory_space<vmem>>, vector<1x16xf32>,
        %parallel_loop3A_694 = vector.shape_cast %parallel_loop3A_693 : vector<1x16xf32> to vector<16xf32>
        %parallel_loop3A_695 = arith.index_cast %parallel_loop3A_658 : i32 to index
        %parallel_loop3A_696 = arith.constant 48 : index
        %parallel_loop3A_697 = tpu.vector_load %arg10[%parallel_loop3A_695, %parallel_loop3A_696] {strides = array<i32>} : memref<16x64xf32, #tpu.memory_space<vmem>>, vector<1x16xf32>,
        %parallel_loop3A_698 = vector.shape_cast %parallel_loop3A_697 : vector<1x16xf32> to vector<16xf32>
        %parallel_loop3A_699 = arith.addf %parallel_loop3A_664, %parallel_loop3A_686 : vector<16xf32>
        %parallel_loop3A_700 = arith.addf %parallel_loop3A_670, %parallel_loop3A_690 : vector<16xf32>
        %parallel_loop3A_701 = arith.addf %parallel_loop3A_676, %parallel_loop3A_694 : vector<16xf32>
        %parallel_loop3A_702 = arith.addf %parallel_loop3A_682, %parallel_loop3A_698 : vector<16xf32>
        %parallel_loop3A_703 = arith.constant 8 : i32
        %parallel_loop3A_704 = arith.addi %parallel_loop3A_61, %parallel_loop3A_703 : i32
        %parallel_loop3A_705 = arith.index_cast %parallel_loop3A_704 : i32 to index
        %parallel_loop3A_706 = arith.constant 0 : index
        %parallel_loop3A_707 = tpu.vector_load %arg7[%parallel_loop3A_705, %parallel_loop3A_706] {strides = array<i32>} : memref<400x64xf32, #tpu.memory_space<vmem>>, vector<1x16xf32>,
        %parallel_loop3A_708 = vector.shape_cast %parallel_loop3A_707 : vector<1x16xf32> to vector<16xf32>
        %parallel_loop3A_709 = vector.shape_cast %parallel_loop3A_699 : vector<16xf32> to vector<1x16xf32>
        tpu.vector_store %arg7[%parallel_loop3A_705, %parallel_loop3A_706], %parallel_loop3A_709 {strides = array<i32>} : memref<400x64xf32, #tpu.memory_space<vmem>>, vector<1x16xf32>,
        %parallel_loop3A_710 = arith.constant 8 : i32
        %parallel_loop3A_711 = arith.addi %parallel_loop3A_61, %parallel_loop3A_710 : i32
        %parallel_loop3A_712 = arith.index_cast %parallel_loop3A_711 : i32 to index
        %parallel_loop3A_713 = arith.constant 16 : index
        %parallel_loop3A_714 = tpu.vector_load %arg7[%parallel_loop3A_712, %parallel_loop3A_713] {strides = array<i32>} : memref<400x64xf32, #tpu.memory_space<vmem>>, vector<1x16xf32>,
        %parallel_loop3A_715 = vector.shape_cast %parallel_loop3A_714 : vector<1x16xf32> to vector<16xf32>
        %parallel_loop3A_716 = vector.shape_cast %parallel_loop3A_700 : vector<16xf32> to vector<1x16xf32>
        tpu.vector_store %arg7[%parallel_loop3A_712, %parallel_loop3A_713], %parallel_loop3A_716 {strides = array<i32>} : memref<400x64xf32, #tpu.memory_space<vmem>>, vector<1x16xf32>,
        %parallel_loop3A_717 = arith.constant 8 : i32
        %parallel_loop3A_718 = arith.addi %parallel_loop3A_61, %parallel_loop3A_717 : i32
        %parallel_loop3A_719 = arith.index_cast %parallel_loop3A_718 : i32 to index
        %parallel_loop3A_720 = arith.constant 32 : index
        %parallel_loop3A_721 = tpu.vector_load %arg7[%parallel_loop3A_719, %parallel_loop3A_720] {strides = array<i32>} : memref<400x64xf32, #tpu.memory_space<vmem>>, vector<1x16xf32>,
        %parallel_loop3A_722 = vector.shape_cast %parallel_loop3A_721 : vector<1x16xf32> to vector<16xf32>
        %parallel_loop3A_723 = vector.shape_cast %parallel_loop3A_701 : vector<16xf32> to vector<1x16xf32>
        tpu.vector_store %arg7[%parallel_loop3A_719, %parallel_loop3A_720], %parallel_loop3A_723 {strides = array<i32>} : memref<400x64xf32, #tpu.memory_space<vmem>>, vector<1x16xf32>,
        %parallel_loop3A_724 = arith.constant 8 : i32
        %parallel_loop3A_725 = arith.addi %parallel_loop3A_61, %parallel_loop3A_724 : i32
        %parallel_loop3A_726 = arith.index_cast %parallel_loop3A_725 : i32 to index
        %parallel_loop3A_727 = arith.constant 48 : index
        %parallel_loop3A_728 = tpu.vector_load %arg7[%parallel_loop3A_726, %parallel_loop3A_727] {strides = array<i32>} : memref<400x64xf32, #tpu.memory_space<vmem>>, vector<1x16xf32>,
        %parallel_loop3A_729 = vector.shape_cast %parallel_loop3A_728 : vector<1x16xf32> to vector<16xf32>
        %parallel_loop3A_730 = vector.shape_cast %parallel_loop3A_702 : vector<16xf32> to vector<1x16xf32>
        tpu.vector_store %arg7[%parallel_loop3A_726, %parallel_loop3A_727], %parallel_loop3A_730 {strides = array<i32>} : memref<400x64xf32, #tpu.memory_space<vmem>>, vector<1x16xf32>,
        %parallel_loop3A_731 = vector.extract_strided_slice %parallel_loop3A_64 {offsets = [9], sizes = [1], strides = [1]} : vector<16xi32> to vector<1xi32>
        %parallel_loop3A_732 = vector.extract %parallel_loop3A_731[0] : i32 from vector<1xi32>
        %parallel_loop3A_733 = arith.constant 9 : i32
        %parallel_loop3A_734 = arith.addi %parallel_loop3A_61, %parallel_loop3A_733 : i32
        %parallel_loop3A_735 = arith.index_cast %parallel_loop3A_734 : i32 to index
        %parallel_loop3A_736 = arith.constant 0 : index
        %parallel_loop3A_737 = tpu.vector_load %arg7[%parallel_loop3A_735, %parallel_loop3A_736] {strides = array<i32>} : memref<400x64xf32, #tpu.memory_space<vmem>>, vector<1x16xf32>,
        %parallel_loop3A_738 = vector.shape_cast %parallel_loop3A_737 : vector<1x16xf32> to vector<16xf32>
        %parallel_loop3A_739 = arith.constant 9 : i32
        %parallel_loop3A_740 = arith.addi %parallel_loop3A_61, %parallel_loop3A_739 : i32
        %parallel_loop3A_741 = arith.index_cast %parallel_loop3A_740 : i32 to index
        %parallel_loop3A_742 = arith.constant 16 : index
        %parallel_loop3A_743 = tpu.vector_load %arg7[%parallel_loop3A_741, %parallel_loop3A_742] {strides = array<i32>} : memref<400x64xf32, #tpu.memory_space<vmem>>, vector<1x16xf32>,
        %parallel_loop3A_744 = vector.shape_cast %parallel_loop3A_743 : vector<1x16xf32> to vector<16xf32>
        %parallel_loop3A_745 = arith.constant 9 : i32
        %parallel_loop3A_746 = arith.addi %parallel_loop3A_61, %parallel_loop3A_745 : i32
        %parallel_loop3A_747 = arith.index_cast %parallel_loop3A_746 : i32 to index
        %parallel_loop3A_748 = arith.constant 32 : index
        %parallel_loop3A_749 = tpu.vector_load %arg7[%parallel_loop3A_747, %parallel_loop3A_748] {strides = array<i32>} : memref<400x64xf32, #tpu.memory_space<vmem>>, vector<1x16xf32>,
        %parallel_loop3A_750 = vector.shape_cast %parallel_loop3A_749 : vector<1x16xf32> to vector<16xf32>
        %parallel_loop3A_751 = arith.constant 9 : i32
        %parallel_loop3A_752 = arith.addi %parallel_loop3A_61, %parallel_loop3A_751 : i32
        %parallel_loop3A_753 = arith.index_cast %parallel_loop3A_752 : i32 to index
        %parallel_loop3A_754 = arith.constant 48 : index
        %parallel_loop3A_755 = tpu.vector_load %arg7[%parallel_loop3A_753, %parallel_loop3A_754] {strides = array<i32>} : memref<400x64xf32, #tpu.memory_space<vmem>>, vector<1x16xf32>,
        %parallel_loop3A_756 = vector.shape_cast %parallel_loop3A_755 : vector<1x16xf32> to vector<16xf32>
        %parallel_loop3A_757 = arith.index_cast %parallel_loop3A_732 : i32 to index
        %parallel_loop3A_758 = arith.constant 0 : index
        %parallel_loop3A_759 = tpu.vector_load %arg10[%parallel_loop3A_757, %parallel_loop3A_758] {strides = array<i32>} : memref<16x64xf32, #tpu.memory_space<vmem>>, vector<1x16xf32>,
        %parallel_loop3A_760 = vector.shape_cast %parallel_loop3A_759 : vector<1x16xf32> to vector<16xf32>
        %parallel_loop3A_761 = arith.index_cast %parallel_loop3A_732 : i32 to index
        %parallel_loop3A_762 = arith.constant 16 : index
        %parallel_loop3A_763 = tpu.vector_load %arg10[%parallel_loop3A_761, %parallel_loop3A_762] {strides = array<i32>} : memref<16x64xf32, #tpu.memory_space<vmem>>, vector<1x16xf32>,
        %parallel_loop3A_764 = vector.shape_cast %parallel_loop3A_763 : vector<1x16xf32> to vector<16xf32>
        %parallel_loop3A_765 = arith.index_cast %parallel_loop3A_732 : i32 to index
        %parallel_loop3A_766 = arith.constant 32 : index
        %parallel_loop3A_767 = tpu.vector_load %arg10[%parallel_loop3A_765, %parallel_loop3A_766] {strides = array<i32>} : memref<16x64xf32, #tpu.memory_space<vmem>>, vector<1x16xf32>,
        %parallel_loop3A_768 = vector.shape_cast %parallel_loop3A_767 : vector<1x16xf32> to vector<16xf32>
        %parallel_loop3A_769 = arith.index_cast %parallel_loop3A_732 : i32 to index
        %parallel_loop3A_770 = arith.constant 48 : index
        %parallel_loop3A_771 = tpu.vector_load %arg10[%parallel_loop3A_769, %parallel_loop3A_770] {strides = array<i32>} : memref<16x64xf32, #tpu.memory_space<vmem>>, vector<1x16xf32>,
        %parallel_loop3A_772 = vector.shape_cast %parallel_loop3A_771 : vector<1x16xf32> to vector<16xf32>
        %parallel_loop3A_773 = arith.addf %parallel_loop3A_738, %parallel_loop3A_760 : vector<16xf32>
        %parallel_loop3A_774 = arith.addf %parallel_loop3A_744, %parallel_loop3A_764 : vector<16xf32>
        %parallel_loop3A_775 = arith.addf %parallel_loop3A_750, %parallel_loop3A_768 : vector<16xf32>
        %parallel_loop3A_776 = arith.addf %parallel_loop3A_756, %parallel_loop3A_772 : vector<16xf32>
        %parallel_loop3A_777 = arith.constant 9 : i32
        %parallel_loop3A_778 = arith.addi %parallel_loop3A_61, %parallel_loop3A_777 : i32
        %parallel_loop3A_779 = arith.index_cast %parallel_loop3A_778 : i32 to index
        %parallel_loop3A_780 = arith.constant 0 : index
        %parallel_loop3A_781 = tpu.vector_load %arg7[%parallel_loop3A_779, %parallel_loop3A_780] {strides = array<i32>} : memref<400x64xf32, #tpu.memory_space<vmem>>, vector<1x16xf32>,
        %parallel_loop3A_782 = vector.shape_cast %parallel_loop3A_781 : vector<1x16xf32> to vector<16xf32>
        %parallel_loop3A_783 = vector.shape_cast %parallel_loop3A_773 : vector<16xf32> to vector<1x16xf32>
        tpu.vector_store %arg7[%parallel_loop3A_779, %parallel_loop3A_780], %parallel_loop3A_783 {strides = array<i32>} : memref<400x64xf32, #tpu.memory_space<vmem>>, vector<1x16xf32>,
        %parallel_loop3A_784 = arith.constant 9 : i32
        %parallel_loop3A_785 = arith.addi %parallel_loop3A_61, %parallel_loop3A_784 : i32
        %parallel_loop3A_786 = arith.index_cast %parallel_loop3A_785 : i32 to index
        %parallel_loop3A_787 = arith.constant 16 : index
        %parallel_loop3A_788 = tpu.vector_load %arg7[%parallel_loop3A_786, %parallel_loop3A_787] {strides = array<i32>} : memref<400x64xf32, #tpu.memory_space<vmem>>, vector<1x16xf32>,
        %parallel_loop3A_789 = vector.shape_cast %parallel_loop3A_788 : vector<1x16xf32> to vector<16xf32>
        %parallel_loop3A_790 = vector.shape_cast %parallel_loop3A_774 : vector<16xf32> to vector<1x16xf32>
        tpu.vector_store %arg7[%parallel_loop3A_786, %parallel_loop3A_787], %parallel_loop3A_790 {strides = array<i32>} : memref<400x64xf32, #tpu.memory_space<vmem>>, vector<1x16xf32>,
        %parallel_loop3A_791 = arith.constant 9 : i32
        %parallel_loop3A_792 = arith.addi %parallel_loop3A_61, %parallel_loop3A_791 : i32
        %parallel_loop3A_793 = arith.index_cast %parallel_loop3A_792 : i32 to index
        %parallel_loop3A_794 = arith.constant 32 : index
        %parallel_loop3A_795 = tpu.vector_load %arg7[%parallel_loop3A_793, %parallel_loop3A_794] {strides = array<i32>} : memref<400x64xf32, #tpu.memory_space<vmem>>, vector<1x16xf32>,
        %parallel_loop3A_796 = vector.shape_cast %parallel_loop3A_795 : vector<1x16xf32> to vector<16xf32>
        %parallel_loop3A_797 = vector.shape_cast %parallel_loop3A_775 : vector<16xf32> to vector<1x16xf32>
        tpu.vector_store %arg7[%parallel_loop3A_793, %parallel_loop3A_794], %parallel_loop3A_797 {strides = array<i32>} : memref<400x64xf32, #tpu.memory_space<vmem>>, vector<1x16xf32>,
        %parallel_loop3A_798 = arith.constant 9 : i32
        %parallel_loop3A_799 = arith.addi %parallel_loop3A_61, %parallel_loop3A_798 : i32
        %parallel_loop3A_800 = arith.index_cast %parallel_loop3A_799 : i32 to index
        %parallel_loop3A_801 = arith.constant 48 : index
        %parallel_loop3A_802 = tpu.vector_load %arg7[%parallel_loop3A_800, %parallel_loop3A_801] {strides = array<i32>} : memref<400x64xf32, #tpu.memory_space<vmem>>, vector<1x16xf32>,
        %parallel_loop3A_803 = vector.shape_cast %parallel_loop3A_802 : vector<1x16xf32> to vector<16xf32>
        %parallel_loop3A_804 = vector.shape_cast %parallel_loop3A_776 : vector<16xf32> to vector<1x16xf32>
        tpu.vector_store %arg7[%parallel_loop3A_800, %parallel_loop3A_801], %parallel_loop3A_804 {strides = array<i32>} : memref<400x64xf32, #tpu.memory_space<vmem>>, vector<1x16xf32>,
        %parallel_loop3A_805 = vector.extract_strided_slice %parallel_loop3A_64 {offsets = [10], sizes = [1], strides = [1]} : vector<16xi32> to vector<1xi32>
        %parallel_loop3A_806 = vector.extract %parallel_loop3A_805[0] : i32 from vector<1xi32>
        %parallel_loop3A_807 = arith.constant 10 : i32
        %parallel_loop3A_808 = arith.addi %parallel_loop3A_61, %parallel_loop3A_807 : i32
        %parallel_loop3A_809 = arith.index_cast %parallel_loop3A_808 : i32 to index
        %parallel_loop3A_810 = arith.constant 0 : index
        %parallel_loop3A_811 = tpu.vector_load %arg7[%parallel_loop3A_809, %parallel_loop3A_810] {strides = array<i32>} : memref<400x64xf32, #tpu.memory_space<vmem>>, vector<1x16xf32>,
        %parallel_loop3A_812 = vector.shape_cast %parallel_loop3A_811 : vector<1x16xf32> to vector<16xf32>
        %parallel_loop3A_813 = arith.constant 10 : i32
        %parallel_loop3A_814 = arith.addi %parallel_loop3A_61, %parallel_loop3A_813 : i32
        %parallel_loop3A_815 = arith.index_cast %parallel_loop3A_814 : i32 to index
        %parallel_loop3A_816 = arith.constant 16 : index
        %parallel_loop3A_817 = tpu.vector_load %arg7[%parallel_loop3A_815, %parallel_loop3A_816] {strides = array<i32>} : memref<400x64xf32, #tpu.memory_space<vmem>>, vector<1x16xf32>,
        %parallel_loop3A_818 = vector.shape_cast %parallel_loop3A_817 : vector<1x16xf32> to vector<16xf32>
        %parallel_loop3A_819 = arith.constant 10 : i32
        %parallel_loop3A_820 = arith.addi %parallel_loop3A_61, %parallel_loop3A_819 : i32
        %parallel_loop3A_821 = arith.index_cast %parallel_loop3A_820 : i32 to index
        %parallel_loop3A_822 = arith.constant 32 : index
        %parallel_loop3A_823 = tpu.vector_load %arg7[%parallel_loop3A_821, %parallel_loop3A_822] {strides = array<i32>} : memref<400x64xf32, #tpu.memory_space<vmem>>, vector<1x16xf32>,
        %parallel_loop3A_824 = vector.shape_cast %parallel_loop3A_823 : vector<1x16xf32> to vector<16xf32>
        %parallel_loop3A_825 = arith.constant 10 : i32
        %parallel_loop3A_826 = arith.addi %parallel_loop3A_61, %parallel_loop3A_825 : i32
        %parallel_loop3A_827 = arith.index_cast %parallel_loop3A_826 : i32 to index
        %parallel_loop3A_828 = arith.constant 48 : index
        %parallel_loop3A_829 = tpu.vector_load %arg7[%parallel_loop3A_827, %parallel_loop3A_828] {strides = array<i32>} : memref<400x64xf32, #tpu.memory_space<vmem>>, vector<1x16xf32>,
        %parallel_loop3A_830 = vector.shape_cast %parallel_loop3A_829 : vector<1x16xf32> to vector<16xf32>
        %parallel_loop3A_831 = arith.index_cast %parallel_loop3A_806 : i32 to index
        %parallel_loop3A_832 = arith.constant 0 : index
        %parallel_loop3A_833 = tpu.vector_load %arg10[%parallel_loop3A_831, %parallel_loop3A_832] {strides = array<i32>} : memref<16x64xf32, #tpu.memory_space<vmem>>, vector<1x16xf32>,
        %parallel_loop3A_834 = vector.shape_cast %parallel_loop3A_833 : vector<1x16xf32> to vector<16xf32>
        %parallel_loop3A_835 = arith.index_cast %parallel_loop3A_806 : i32 to index
        %parallel_loop3A_836 = arith.constant 16 : index
        %parallel_loop3A_837 = tpu.vector_load %arg10[%parallel_loop3A_835, %parallel_loop3A_836] {strides = array<i32>} : memref<16x64xf32, #tpu.memory_space<vmem>>, vector<1x16xf32>,
        %parallel_loop3A_838 = vector.shape_cast %parallel_loop3A_837 : vector<1x16xf32> to vector<16xf32>
        %parallel_loop3A_839 = arith.index_cast %parallel_loop3A_806 : i32 to index
        %parallel_loop3A_840 = arith.constant 32 : index
        %parallel_loop3A_841 = tpu.vector_load %arg10[%parallel_loop3A_839, %parallel_loop3A_840] {strides = array<i32>} : memref<16x64xf32, #tpu.memory_space<vmem>>, vector<1x16xf32>,
        %parallel_loop3A_842 = vector.shape_cast %parallel_loop3A_841 : vector<1x16xf32> to vector<16xf32>
        %parallel_loop3A_843 = arith.index_cast %parallel_loop3A_806 : i32 to index
        %parallel_loop3A_844 = arith.constant 48 : index
        %parallel_loop3A_845 = tpu.vector_load %arg10[%parallel_loop3A_843, %parallel_loop3A_844] {strides = array<i32>} : memref<16x64xf32, #tpu.memory_space<vmem>>, vector<1x16xf32>,
        %parallel_loop3A_846 = vector.shape_cast %parallel_loop3A_845 : vector<1x16xf32> to vector<16xf32>
        %parallel_loop3A_847 = arith.addf %parallel_loop3A_812, %parallel_loop3A_834 : vector<16xf32>
        %parallel_loop3A_848 = arith.addf %parallel_loop3A_818, %parallel_loop3A_838 : vector<16xf32>
        %parallel_loop3A_849 = arith.addf %parallel_loop3A_824, %parallel_loop3A_842 : vector<16xf32>
        %parallel_loop3A_850 = arith.addf %parallel_loop3A_830, %parallel_loop3A_846 : vector<16xf32>
        %parallel_loop3A_851 = arith.constant 10 : i32
        %parallel_loop3A_852 = arith.addi %parallel_loop3A_61, %parallel_loop3A_851 : i32
        %parallel_loop3A_853 = arith.index_cast %parallel_loop3A_852 : i32 to index
        %parallel_loop3A_854 = arith.constant 0 : index
        %parallel_loop3A_855 = tpu.vector_load %arg7[%parallel_loop3A_853, %parallel_loop3A_854] {strides = array<i32>} : memref<400x64xf32, #tpu.memory_space<vmem>>, vector<1x16xf32>,
        %parallel_loop3A_856 = vector.shape_cast %parallel_loop3A_855 : vector<1x16xf32> to vector<16xf32>
        %parallel_loop3A_857 = vector.shape_cast %parallel_loop3A_847 : vector<16xf32> to vector<1x16xf32>
        tpu.vector_store %arg7[%parallel_loop3A_853, %parallel_loop3A_854], %parallel_loop3A_857 {strides = array<i32>} : memref<400x64xf32, #tpu.memory_space<vmem>>, vector<1x16xf32>,
        %parallel_loop3A_858 = arith.constant 10 : i32
        %parallel_loop3A_859 = arith.addi %parallel_loop3A_61, %parallel_loop3A_858 : i32
        %parallel_loop3A_860 = arith.index_cast %parallel_loop3A_859 : i32 to index
        %parallel_loop3A_861 = arith.constant 16 : index
        %parallel_loop3A_862 = tpu.vector_load %arg7[%parallel_loop3A_860, %parallel_loop3A_861] {strides = array<i32>} : memref<400x64xf32, #tpu.memory_space<vmem>>, vector<1x16xf32>,
        %parallel_loop3A_863 = vector.shape_cast %parallel_loop3A_862 : vector<1x16xf32> to vector<16xf32>
        %parallel_loop3A_864 = vector.shape_cast %parallel_loop3A_848 : vector<16xf32> to vector<1x16xf32>
        tpu.vector_store %arg7[%parallel_loop3A_860, %parallel_loop3A_861], %parallel_loop3A_864 {strides = array<i32>} : memref<400x64xf32, #tpu.memory_space<vmem>>, vector<1x16xf32>,
        %parallel_loop3A_865 = arith.constant 10 : i32
        %parallel_loop3A_866 = arith.addi %parallel_loop3A_61, %parallel_loop3A_865 : i32
        %parallel_loop3A_867 = arith.index_cast %parallel_loop3A_866 : i32 to index
        %parallel_loop3A_868 = arith.constant 32 : index
        %parallel_loop3A_869 = tpu.vector_load %arg7[%parallel_loop3A_867, %parallel_loop3A_868] {strides = array<i32>} : memref<400x64xf32, #tpu.memory_space<vmem>>, vector<1x16xf32>,
        %parallel_loop3A_870 = vector.shape_cast %parallel_loop3A_869 : vector<1x16xf32> to vector<16xf32>
        %parallel_loop3A_871 = vector.shape_cast %parallel_loop3A_849 : vector<16xf32> to vector<1x16xf32>
        tpu.vector_store %arg7[%parallel_loop3A_867, %parallel_loop3A_868], %parallel_loop3A_871 {strides = array<i32>} : memref<400x64xf32, #tpu.memory_space<vmem>>, vector<1x16xf32>,
        %parallel_loop3A_872 = arith.constant 10 : i32
        %parallel_loop3A_873 = arith.addi %parallel_loop3A_61, %parallel_loop3A_872 : i32
        %parallel_loop3A_874 = arith.index_cast %parallel_loop3A_873 : i32 to index
        %parallel_loop3A_875 = arith.constant 48 : index
        %parallel_loop3A_876 = tpu.vector_load %arg7[%parallel_loop3A_874, %parallel_loop3A_875] {strides = array<i32>} : memref<400x64xf32, #tpu.memory_space<vmem>>, vector<1x16xf32>,
        %parallel_loop3A_877 = vector.shape_cast %parallel_loop3A_876 : vector<1x16xf32> to vector<16xf32>
        %parallel_loop3A_878 = vector.shape_cast %parallel_loop3A_850 : vector<16xf32> to vector<1x16xf32>
        tpu.vector_store %arg7[%parallel_loop3A_874, %parallel_loop3A_875], %parallel_loop3A_878 {strides = array<i32>} : memref<400x64xf32, #tpu.memory_space<vmem>>, vector<1x16xf32>,
        %parallel_loop3A_879 = vector.extract_strided_slice %parallel_loop3A_64 {offsets = [11], sizes = [1], strides = [1]} : vector<16xi32> to vector<1xi32>
        %parallel_loop3A_880 = vector.extract %parallel_loop3A_879[0] : i32 from vector<1xi32>
        %parallel_loop3A_881 = arith.constant 11 : i32
        %parallel_loop3A_882 = arith.addi %parallel_loop3A_61, %parallel_loop3A_881 : i32
        %parallel_loop3A_883 = arith.index_cast %parallel_loop3A_882 : i32 to index
        %parallel_loop3A_884 = arith.constant 0 : index
        %parallel_loop3A_885 = tpu.vector_load %arg7[%parallel_loop3A_883, %parallel_loop3A_884] {strides = array<i32>} : memref<400x64xf32, #tpu.memory_space<vmem>>, vector<1x16xf32>,
        %parallel_loop3A_886 = vector.shape_cast %parallel_loop3A_885 : vector<1x16xf32> to vector<16xf32>
        %parallel_loop3A_887 = arith.constant 11 : i32
        %parallel_loop3A_888 = arith.addi %parallel_loop3A_61, %parallel_loop3A_887 : i32
        %parallel_loop3A_889 = arith.index_cast %parallel_loop3A_888 : i32 to index
        %parallel_loop3A_890 = arith.constant 16 : index
        %parallel_loop3A_891 = tpu.vector_load %arg7[%parallel_loop3A_889, %parallel_loop3A_890] {strides = array<i32>} : memref<400x64xf32, #tpu.memory_space<vmem>>, vector<1x16xf32>,
        %parallel_loop3A_892 = vector.shape_cast %parallel_loop3A_891 : vector<1x16xf32> to vector<16xf32>
        %parallel_loop3A_893 = arith.constant 11 : i32
        %parallel_loop3A_894 = arith.addi %parallel_loop3A_61, %parallel_loop3A_893 : i32
        %parallel_loop3A_895 = arith.index_cast %parallel_loop3A_894 : i32 to index
        %parallel_loop3A_896 = arith.constant 32 : index
        %parallel_loop3A_897 = tpu.vector_load %arg7[%parallel_loop3A_895, %parallel_loop3A_896] {strides = array<i32>} : memref<400x64xf32, #tpu.memory_space<vmem>>, vector<1x16xf32>,
        %parallel_loop3A_898 = vector.shape_cast %parallel_loop3A_897 : vector<1x16xf32> to vector<16xf32>
        %parallel_loop3A_899 = arith.constant 11 : i32
        %parallel_loop3A_900 = arith.addi %parallel_loop3A_61, %parallel_loop3A_899 : i32
        %parallel_loop3A_901 = arith.index_cast %parallel_loop3A_900 : i32 to index
        %parallel_loop3A_902 = arith.constant 48 : index
        %parallel_loop3A_903 = tpu.vector_load %arg7[%parallel_loop3A_901, %parallel_loop3A_902] {strides = array<i32>} : memref<400x64xf32, #tpu.memory_space<vmem>>, vector<1x16xf32>,
        %parallel_loop3A_904 = vector.shape_cast %parallel_loop3A_903 : vector<1x16xf32> to vector<16xf32>
        %parallel_loop3A_905 = arith.index_cast %parallel_loop3A_880 : i32 to index
        %parallel_loop3A_906 = arith.constant 0 : index
        %parallel_loop3A_907 = tpu.vector_load %arg10[%parallel_loop3A_905, %parallel_loop3A_906] {strides = array<i32>} : memref<16x64xf32, #tpu.memory_space<vmem>>, vector<1x16xf32>,
        %parallel_loop3A_908 = vector.shape_cast %parallel_loop3A_907 : vector<1x16xf32> to vector<16xf32>
        %parallel_loop3A_909 = arith.index_cast %parallel_loop3A_880 : i32 to index
        %parallel_loop3A_910 = arith.constant 16 : index
        %parallel_loop3A_911 = tpu.vector_load %arg10[%parallel_loop3A_909, %parallel_loop3A_910] {strides = array<i32>} : memref<16x64xf32, #tpu.memory_space<vmem>>, vector<1x16xf32>,
        %parallel_loop3A_912 = vector.shape_cast %parallel_loop3A_911 : vector<1x16xf32> to vector<16xf32>
        %parallel_loop3A_913 = arith.index_cast %parallel_loop3A_880 : i32 to index
        %parallel_loop3A_914 = arith.constant 32 : index
        %parallel_loop3A_915 = tpu.vector_load %arg10[%parallel_loop3A_913, %parallel_loop3A_914] {strides = array<i32>} : memref<16x64xf32, #tpu.memory_space<vmem>>, vector<1x16xf32>,
        %parallel_loop3A_916 = vector.shape_cast %parallel_loop3A_915 : vector<1x16xf32> to vector<16xf32>
        %parallel_loop3A_917 = arith.index_cast %parallel_loop3A_880 : i32 to index
        %parallel_loop3A_918 = arith.constant 48 : index
        %parallel_loop3A_919 = tpu.vector_load %arg10[%parallel_loop3A_917, %parallel_loop3A_918] {strides = array<i32>} : memref<16x64xf32, #tpu.memory_space<vmem>>, vector<1x16xf32>,
        %parallel_loop3A_920 = vector.shape_cast %parallel_loop3A_919 : vector<1x16xf32> to vector<16xf32>
        %parallel_loop3A_921 = arith.addf %parallel_loop3A_886, %parallel_loop3A_908 : vector<16xf32>
        %parallel_loop3A_922 = arith.addf %parallel_loop3A_892, %parallel_loop3A_912 : vector<16xf32>
        %parallel_loop3A_923 = arith.addf %parallel_loop3A_898, %parallel_loop3A_916 : vector<16xf32>
        %parallel_loop3A_924 = arith.addf %parallel_loop3A_904, %parallel_loop3A_920 : vector<16xf32>
        %parallel_loop3A_925 = arith.constant 11 : i32
        %parallel_loop3A_926 = arith.addi %parallel_loop3A_61, %parallel_loop3A_925 : i32
        %parallel_loop3A_927 = arith.index_cast %parallel_loop3A_926 : i32 to index
        %parallel_loop3A_928 = arith.constant 0 : index
        %parallel_loop3A_929 = tpu.vector_load %arg7[%parallel_loop3A_927, %parallel_loop3A_928] {strides = array<i32>} : memref<400x64xf32, #tpu.memory_space<vmem>>, vector<1x16xf32>,
        %parallel_loop3A_930 = vector.shape_cast %parallel_loop3A_929 : vector<1x16xf32> to vector<16xf32>
        %parallel_loop3A_931 = vector.shape_cast %parallel_loop3A_921 : vector<16xf32> to vector<1x16xf32>
        tpu.vector_store %arg7[%parallel_loop3A_927, %parallel_loop3A_928], %parallel_loop3A_931 {strides = array<i32>} : memref<400x64xf32, #tpu.memory_space<vmem>>, vector<1x16xf32>,
        %parallel_loop3A_932 = arith.constant 11 : i32
        %parallel_loop3A_933 = arith.addi %parallel_loop3A_61, %parallel_loop3A_932 : i32
        %parallel_loop3A_934 = arith.index_cast %parallel_loop3A_933 : i32 to index
        %parallel_loop3A_935 = arith.constant 16 : index
        %parallel_loop3A_936 = tpu.vector_load %arg7[%parallel_loop3A_934, %parallel_loop3A_935] {strides = array<i32>} : memref<400x64xf32, #tpu.memory_space<vmem>>, vector<1x16xf32>,
        %parallel_loop3A_937 = vector.shape_cast %parallel_loop3A_936 : vector<1x16xf32> to vector<16xf32>
        %parallel_loop3A_938 = vector.shape_cast %parallel_loop3A_922 : vector<16xf32> to vector<1x16xf32>
        tpu.vector_store %arg7[%parallel_loop3A_934, %parallel_loop3A_935], %parallel_loop3A_938 {strides = array<i32>} : memref<400x64xf32, #tpu.memory_space<vmem>>, vector<1x16xf32>,
        %parallel_loop3A_939 = arith.constant 11 : i32
        %parallel_loop3A_940 = arith.addi %parallel_loop3A_61, %parallel_loop3A_939 : i32
        %parallel_loop3A_941 = arith.index_cast %parallel_loop3A_940 : i32 to index
        %parallel_loop3A_942 = arith.constant 32 : index
        %parallel_loop3A_943 = tpu.vector_load %arg7[%parallel_loop3A_941, %parallel_loop3A_942] {strides = array<i32>} : memref<400x64xf32, #tpu.memory_space<vmem>>, vector<1x16xf32>,
        %parallel_loop3A_944 = vector.shape_cast %parallel_loop3A_943 : vector<1x16xf32> to vector<16xf32>
        %parallel_loop3A_945 = vector.shape_cast %parallel_loop3A_923 : vector<16xf32> to vector<1x16xf32>
        tpu.vector_store %arg7[%parallel_loop3A_941, %parallel_loop3A_942], %parallel_loop3A_945 {strides = array<i32>} : memref<400x64xf32, #tpu.memory_space<vmem>>, vector<1x16xf32>,
        %parallel_loop3A_946 = arith.constant 11 : i32
        %parallel_loop3A_947 = arith.addi %parallel_loop3A_61, %parallel_loop3A_946 : i32
        %parallel_loop3A_948 = arith.index_cast %parallel_loop3A_947 : i32 to index
        %parallel_loop3A_949 = arith.constant 48 : index
        %parallel_loop3A_950 = tpu.vector_load %arg7[%parallel_loop3A_948, %parallel_loop3A_949] {strides = array<i32>} : memref<400x64xf32, #tpu.memory_space<vmem>>, vector<1x16xf32>,
        %parallel_loop3A_951 = vector.shape_cast %parallel_loop3A_950 : vector<1x16xf32> to vector<16xf32>
        %parallel_loop3A_952 = vector.shape_cast %parallel_loop3A_924 : vector<16xf32> to vector<1x16xf32>
        tpu.vector_store %arg7[%parallel_loop3A_948, %parallel_loop3A_949], %parallel_loop3A_952 {strides = array<i32>} : memref<400x64xf32, #tpu.memory_space<vmem>>, vector<1x16xf32>,
        %parallel_loop3A_953 = vector.extract_strided_slice %parallel_loop3A_64 {offsets = [12], sizes = [1], strides = [1]} : vector<16xi32> to vector<1xi32>
        %parallel_loop3A_954 = vector.extract %parallel_loop3A_953[0] : i32 from vector<1xi32>
        %parallel_loop3A_955 = arith.constant 12 : i32
        %parallel_loop3A_956 = arith.addi %parallel_loop3A_61, %parallel_loop3A_955 : i32
        %parallel_loop3A_957 = arith.index_cast %parallel_loop3A_956 : i32 to index
        %parallel_loop3A_958 = arith.constant 0 : index
        %parallel_loop3A_959 = tpu.vector_load %arg7[%parallel_loop3A_957, %parallel_loop3A_958] {strides = array<i32>} : memref<400x64xf32, #tpu.memory_space<vmem>>, vector<1x16xf32>,
        %parallel_loop3A_960 = vector.shape_cast %parallel_loop3A_959 : vector<1x16xf32> to vector<16xf32>
        %parallel_loop3A_961 = arith.constant 12 : i32
        %parallel_loop3A_962 = arith.addi %parallel_loop3A_61, %parallel_loop3A_961 : i32
        %parallel_loop3A_963 = arith.index_cast %parallel_loop3A_962 : i32 to index
        %parallel_loop3A_964 = arith.constant 16 : index
        %parallel_loop3A_965 = tpu.vector_load %arg7[%parallel_loop3A_963, %parallel_loop3A_964] {strides = array<i32>} : memref<400x64xf32, #tpu.memory_space<vmem>>, vector<1x16xf32>,
        %parallel_loop3A_966 = vector.shape_cast %parallel_loop3A_965 : vector<1x16xf32> to vector<16xf32>
        %parallel_loop3A_967 = arith.constant 12 : i32
        %parallel_loop3A_968 = arith.addi %parallel_loop3A_61, %parallel_loop3A_967 : i32
        %parallel_loop3A_969 = arith.index_cast %parallel_loop3A_968 : i32 to index
        %parallel_loop3A_970 = arith.constant 32 : index
        %parallel_loop3A_971 = tpu.vector_load %arg7[%parallel_loop3A_969, %parallel_loop3A_970] {strides = array<i32>} : memref<400x64xf32, #tpu.memory_space<vmem>>, vector<1x16xf32>,
        %parallel_loop3A_972 = vector.shape_cast %parallel_loop3A_971 : vector<1x16xf32> to vector<16xf32>
        %parallel_loop3A_973 = arith.constant 12 : i32
        %parallel_loop3A_974 = arith.addi %parallel_loop3A_61, %parallel_loop3A_973 : i32
        %parallel_loop3A_975 = arith.index_cast %parallel_loop3A_974 : i32 to index
        %parallel_loop3A_976 = arith.constant 48 : index
        %parallel_loop3A_977 = tpu.vector_load %arg7[%parallel_loop3A_975, %parallel_loop3A_976] {strides = array<i32>} : memref<400x64xf32, #tpu.memory_space<vmem>>, vector<1x16xf32>,
        %parallel_loop3A_978 = vector.shape_cast %parallel_loop3A_977 : vector<1x16xf32> to vector<16xf32>
        %parallel_loop3A_979 = arith.index_cast %parallel_loop3A_954 : i32 to index
        %parallel_loop3A_980 = arith.constant 0 : index
        %parallel_loop3A_981 = tpu.vector_load %arg10[%parallel_loop3A_979, %parallel_loop3A_980] {strides = array<i32>} : memref<16x64xf32, #tpu.memory_space<vmem>>, vector<1x16xf32>,
        %parallel_loop3A_982 = vector.shape_cast %parallel_loop3A_981 : vector<1x16xf32> to vector<16xf32>
        %parallel_loop3A_983 = arith.index_cast %parallel_loop3A_954 : i32 to index
        %parallel_loop3A_984 = arith.constant 16 : index
        %parallel_loop3A_985 = tpu.vector_load %arg10[%parallel_loop3A_983, %parallel_loop3A_984] {strides = array<i32>} : memref<16x64xf32, #tpu.memory_space<vmem>>, vector<1x16xf32>,
        %parallel_loop3A_986 = vector.shape_cast %parallel_loop3A_985 : vector<1x16xf32> to vector<16xf32>
        %parallel_loop3A_987 = arith.index_cast %parallel_loop3A_954 : i32 to index
        %parallel_loop3A_988 = arith.constant 32 : index
        %parallel_loop3A_989 = tpu.vector_load %arg10[%parallel_loop3A_987, %parallel_loop3A_988] {strides = array<i32>} : memref<16x64xf32, #tpu.memory_space<vmem>>, vector<1x16xf32>,
        %parallel_loop3A_990 = vector.shape_cast %parallel_loop3A_989 : vector<1x16xf32> to vector<16xf32>
        %parallel_loop3A_991 = arith.index_cast %parallel_loop3A_954 : i32 to index
        %parallel_loop3A_992 = arith.constant 48 : index
        %parallel_loop3A_993 = tpu.vector_load %arg10[%parallel_loop3A_991, %parallel_loop3A_992] {strides = array<i32>} : memref<16x64xf32, #tpu.memory_space<vmem>>, vector<1x16xf32>,
        %parallel_loop3A_994 = vector.shape_cast %parallel_loop3A_993 : vector<1x16xf32> to vector<16xf32>
        %parallel_loop3A_995 = arith.addf %parallel_loop3A_960, %parallel_loop3A_982 : vector<16xf32>
        %parallel_loop3A_996 = arith.addf %parallel_loop3A_966, %parallel_loop3A_986 : vector<16xf32>
        %parallel_loop3A_997 = arith.addf %parallel_loop3A_972, %parallel_loop3A_990 : vector<16xf32>
        %parallel_loop3A_998 = arith.addf %parallel_loop3A_978, %parallel_loop3A_994 : vector<16xf32>
        %parallel_loop3A_999 = arith.constant 12 : i32
        %parallel_loop3A_1000 = arith.addi %parallel_loop3A_61, %parallel_loop3A_999 : i32
        %parallel_loop3A_1001 = arith.index_cast %parallel_loop3A_1000 : i32 to index
        %parallel_loop3A_1002 = arith.constant 0 : index
        %parallel_loop3A_1003 = tpu.vector_load %arg7[%parallel_loop3A_1001, %parallel_loop3A_1002] {strides = array<i32>} : memref<400x64xf32, #tpu.memory_space<vmem>>, vector<1x16xf32>,
        %parallel_loop3A_1004 = vector.shape_cast %parallel_loop3A_1003 : vector<1x16xf32> to vector<16xf32>
        %parallel_loop3A_1005 = vector.shape_cast %parallel_loop3A_995 : vector<16xf32> to vector<1x16xf32>
        tpu.vector_store %arg7[%parallel_loop3A_1001, %parallel_loop3A_1002], %parallel_loop3A_1005 {strides = array<i32>} : memref<400x64xf32, #tpu.memory_space<vmem>>, vector<1x16xf32>,
        %parallel_loop3A_1006 = arith.constant 12 : i32
        %parallel_loop3A_1007 = arith.addi %parallel_loop3A_61, %parallel_loop3A_1006 : i32
        %parallel_loop3A_1008 = arith.index_cast %parallel_loop3A_1007 : i32 to index
        %parallel_loop3A_1009 = arith.constant 16 : index
        %parallel_loop3A_1010 = tpu.vector_load %arg7[%parallel_loop3A_1008, %parallel_loop3A_1009] {strides = array<i32>} : memref<400x64xf32, #tpu.memory_space<vmem>>, vector<1x16xf32>,
        %parallel_loop3A_1011 = vector.shape_cast %parallel_loop3A_1010 : vector<1x16xf32> to vector<16xf32>
        %parallel_loop3A_1012 = vector.shape_cast %parallel_loop3A_996 : vector<16xf32> to vector<1x16xf32>
        tpu.vector_store %arg7[%parallel_loop3A_1008, %parallel_loop3A_1009], %parallel_loop3A_1012 {strides = array<i32>} : memref<400x64xf32, #tpu.memory_space<vmem>>, vector<1x16xf32>,
        %parallel_loop3A_1013 = arith.constant 12 : i32
        %parallel_loop3A_1014 = arith.addi %parallel_loop3A_61, %parallel_loop3A_1013 : i32
        %parallel_loop3A_1015 = arith.index_cast %parallel_loop3A_1014 : i32 to index
        %parallel_loop3A_1016 = arith.constant 32 : index
        %parallel_loop3A_1017 = tpu.vector_load %arg7[%parallel_loop3A_1015, %parallel_loop3A_1016] {strides = array<i32>} : memref<400x64xf32, #tpu.memory_space<vmem>>, vector<1x16xf32>,
        %parallel_loop3A_1018 = vector.shape_cast %parallel_loop3A_1017 : vector<1x16xf32> to vector<16xf32>
        %parallel_loop3A_1019 = vector.shape_cast %parallel_loop3A_997 : vector<16xf32> to vector<1x16xf32>
        tpu.vector_store %arg7[%parallel_loop3A_1015, %parallel_loop3A_1016], %parallel_loop3A_1019 {strides = array<i32>} : memref<400x64xf32, #tpu.memory_space<vmem>>, vector<1x16xf32>,
        %parallel_loop3A_1020 = arith.constant 12 : i32
        %parallel_loop3A_1021 = arith.addi %parallel_loop3A_61, %parallel_loop3A_1020 : i32
        %parallel_loop3A_1022 = arith.index_cast %parallel_loop3A_1021 : i32 to index
        %parallel_loop3A_1023 = arith.constant 48 : index
        %parallel_loop3A_1024 = tpu.vector_load %arg7[%parallel_loop3A_1022, %parallel_loop3A_1023] {strides = array<i32>} : memref<400x64xf32, #tpu.memory_space<vmem>>, vector<1x16xf32>,
        %parallel_loop3A_1025 = vector.shape_cast %parallel_loop3A_1024 : vector<1x16xf32> to vector<16xf32>
        %parallel_loop3A_1026 = vector.shape_cast %parallel_loop3A_998 : vector<16xf32> to vector<1x16xf32>
        tpu.vector_store %arg7[%parallel_loop3A_1022, %parallel_loop3A_1023], %parallel_loop3A_1026 {strides = array<i32>} : memref<400x64xf32, #tpu.memory_space<vmem>>, vector<1x16xf32>,
        %parallel_loop3A_1027 = vector.extract_strided_slice %parallel_loop3A_64 {offsets = [13], sizes = [1], strides = [1]} : vector<16xi32> to vector<1xi32>
        %parallel_loop3A_1028 = vector.extract %parallel_loop3A_1027[0] : i32 from vector<1xi32>
        %parallel_loop3A_1029 = arith.constant 13 : i32
        %parallel_loop3A_1030 = arith.addi %parallel_loop3A_61, %parallel_loop3A_1029 : i32
        %parallel_loop3A_1031 = arith.index_cast %parallel_loop3A_1030 : i32 to index
        %parallel_loop3A_1032 = arith.constant 0 : index
        %parallel_loop3A_1033 = tpu.vector_load %arg7[%parallel_loop3A_1031, %parallel_loop3A_1032] {strides = array<i32>} : memref<400x64xf32, #tpu.memory_space<vmem>>, vector<1x16xf32>,
        %parallel_loop3A_1034 = vector.shape_cast %parallel_loop3A_1033 : vector<1x16xf32> to vector<16xf32>
        %parallel_loop3A_1035 = arith.constant 13 : i32
        %parallel_loop3A_1036 = arith.addi %parallel_loop3A_61, %parallel_loop3A_1035 : i32
        %parallel_loop3A_1037 = arith.index_cast %parallel_loop3A_1036 : i32 to index
        %parallel_loop3A_1038 = arith.constant 16 : index
        %parallel_loop3A_1039 = tpu.vector_load %arg7[%parallel_loop3A_1037, %parallel_loop3A_1038] {strides = array<i32>} : memref<400x64xf32, #tpu.memory_space<vmem>>, vector<1x16xf32>,
        %parallel_loop3A_1040 = vector.shape_cast %parallel_loop3A_1039 : vector<1x16xf32> to vector<16xf32>
        %parallel_loop3A_1041 = arith.constant 13 : i32
        %parallel_loop3A_1042 = arith.addi %parallel_loop3A_61, %parallel_loop3A_1041 : i32
        %parallel_loop3A_1043 = arith.index_cast %parallel_loop3A_1042 : i32 to index
        %parallel_loop3A_1044 = arith.constant 32 : index
        %parallel_loop3A_1045 = tpu.vector_load %arg7[%parallel_loop3A_1043, %parallel_loop3A_1044] {strides = array<i32>} : memref<400x64xf32, #tpu.memory_space<vmem>>, vector<1x16xf32>,
        %parallel_loop3A_1046 = vector.shape_cast %parallel_loop3A_1045 : vector<1x16xf32> to vector<16xf32>
        %parallel_loop3A_1047 = arith.constant 13 : i32
        %parallel_loop3A_1048 = arith.addi %parallel_loop3A_61, %parallel_loop3A_1047 : i32
        %parallel_loop3A_1049 = arith.index_cast %parallel_loop3A_1048 : i32 to index
        %parallel_loop3A_1050 = arith.constant 48 : index
        %parallel_loop3A_1051 = tpu.vector_load %arg7[%parallel_loop3A_1049, %parallel_loop3A_1050] {strides = array<i32>} : memref<400x64xf32, #tpu.memory_space<vmem>>, vector<1x16xf32>,
        %parallel_loop3A_1052 = vector.shape_cast %parallel_loop3A_1051 : vector<1x16xf32> to vector<16xf32>
        %parallel_loop3A_1053 = arith.index_cast %parallel_loop3A_1028 : i32 to index
        %parallel_loop3A_1054 = arith.constant 0 : index
        %parallel_loop3A_1055 = tpu.vector_load %arg10[%parallel_loop3A_1053, %parallel_loop3A_1054] {strides = array<i32>} : memref<16x64xf32, #tpu.memory_space<vmem>>, vector<1x16xf32>,
        %parallel_loop3A_1056 = vector.shape_cast %parallel_loop3A_1055 : vector<1x16xf32> to vector<16xf32>
        %parallel_loop3A_1057 = arith.index_cast %parallel_loop3A_1028 : i32 to index
        %parallel_loop3A_1058 = arith.constant 16 : index
        %parallel_loop3A_1059 = tpu.vector_load %arg10[%parallel_loop3A_1057, %parallel_loop3A_1058] {strides = array<i32>} : memref<16x64xf32, #tpu.memory_space<vmem>>, vector<1x16xf32>,
        %parallel_loop3A_1060 = vector.shape_cast %parallel_loop3A_1059 : vector<1x16xf32> to vector<16xf32>
        %parallel_loop3A_1061 = arith.index_cast %parallel_loop3A_1028 : i32 to index
        %parallel_loop3A_1062 = arith.constant 32 : index
        %parallel_loop3A_1063 = tpu.vector_load %arg10[%parallel_loop3A_1061, %parallel_loop3A_1062] {strides = array<i32>} : memref<16x64xf32, #tpu.memory_space<vmem>>, vector<1x16xf32>,
        %parallel_loop3A_1064 = vector.shape_cast %parallel_loop3A_1063 : vector<1x16xf32> to vector<16xf32>
        %parallel_loop3A_1065 = arith.index_cast %parallel_loop3A_1028 : i32 to index
        %parallel_loop3A_1066 = arith.constant 48 : index
        %parallel_loop3A_1067 = tpu.vector_load %arg10[%parallel_loop3A_1065, %parallel_loop3A_1066] {strides = array<i32>} : memref<16x64xf32, #tpu.memory_space<vmem>>, vector<1x16xf32>,
        %parallel_loop3A_1068 = vector.shape_cast %parallel_loop3A_1067 : vector<1x16xf32> to vector<16xf32>
        %parallel_loop3A_1069 = arith.addf %parallel_loop3A_1034, %parallel_loop3A_1056 : vector<16xf32>
        %parallel_loop3A_1070 = arith.addf %parallel_loop3A_1040, %parallel_loop3A_1060 : vector<16xf32>
        %parallel_loop3A_1071 = arith.addf %parallel_loop3A_1046, %parallel_loop3A_1064 : vector<16xf32>
        %parallel_loop3A_1072 = arith.addf %parallel_loop3A_1052, %parallel_loop3A_1068 : vector<16xf32>
        %parallel_loop3A_1073 = arith.constant 13 : i32
        %parallel_loop3A_1074 = arith.addi %parallel_loop3A_61, %parallel_loop3A_1073 : i32
        %parallel_loop3A_1075 = arith.index_cast %parallel_loop3A_1074 : i32 to index
        %parallel_loop3A_1076 = arith.constant 0 : index
        %parallel_loop3A_1077 = tpu.vector_load %arg7[%parallel_loop3A_1075, %parallel_loop3A_1076] {strides = array<i32>} : memref<400x64xf32, #tpu.memory_space<vmem>>, vector<1x16xf32>,
        %parallel_loop3A_1078 = vector.shape_cast %parallel_loop3A_1077 : vector<1x16xf32> to vector<16xf32>
        %parallel_loop3A_1079 = vector.shape_cast %parallel_loop3A_1069 : vector<16xf32> to vector<1x16xf32>
        tpu.vector_store %arg7[%parallel_loop3A_1075, %parallel_loop3A_1076], %parallel_loop3A_1079 {strides = array<i32>} : memref<400x64xf32, #tpu.memory_space<vmem>>, vector<1x16xf32>,
        %parallel_loop3A_1080 = arith.constant 13 : i32
        %parallel_loop3A_1081 = arith.addi %parallel_loop3A_61, %parallel_loop3A_1080 : i32
        %parallel_loop3A_1082 = arith.index_cast %parallel_loop3A_1081 : i32 to index
        %parallel_loop3A_1083 = arith.constant 16 : index
        %parallel_loop3A_1084 = tpu.vector_load %arg7[%parallel_loop3A_1082, %parallel_loop3A_1083] {strides = array<i32>} : memref<400x64xf32, #tpu.memory_space<vmem>>, vector<1x16xf32>,
        %parallel_loop3A_1085 = vector.shape_cast %parallel_loop3A_1084 : vector<1x16xf32> to vector<16xf32>
        %parallel_loop3A_1086 = vector.shape_cast %parallel_loop3A_1070 : vector<16xf32> to vector<1x16xf32>
        tpu.vector_store %arg7[%parallel_loop3A_1082, %parallel_loop3A_1083], %parallel_loop3A_1086 {strides = array<i32>} : memref<400x64xf32, #tpu.memory_space<vmem>>, vector<1x16xf32>,
        %parallel_loop3A_1087 = arith.constant 13 : i32
        %parallel_loop3A_1088 = arith.addi %parallel_loop3A_61, %parallel_loop3A_1087 : i32
        %parallel_loop3A_1089 = arith.index_cast %parallel_loop3A_1088 : i32 to index
        %parallel_loop3A_1090 = arith.constant 32 : index
        %parallel_loop3A_1091 = tpu.vector_load %arg7[%parallel_loop3A_1089, %parallel_loop3A_1090] {strides = array<i32>} : memref<400x64xf32, #tpu.memory_space<vmem>>, vector<1x16xf32>,
        %parallel_loop3A_1092 = vector.shape_cast %parallel_loop3A_1091 : vector<1x16xf32> to vector<16xf32>
        %parallel_loop3A_1093 = vector.shape_cast %parallel_loop3A_1071 : vector<16xf32> to vector<1x16xf32>
        tpu.vector_store %arg7[%parallel_loop3A_1089, %parallel_loop3A_1090], %parallel_loop3A_1093 {strides = array<i32>} : memref<400x64xf32, #tpu.memory_space<vmem>>, vector<1x16xf32>,
        %parallel_loop3A_1094 = arith.constant 13 : i32
        %parallel_loop3A_1095 = arith.addi %parallel_loop3A_61, %parallel_loop3A_1094 : i32
        %parallel_loop3A_1096 = arith.index_cast %parallel_loop3A_1095 : i32 to index
        %parallel_loop3A_1097 = arith.constant 48 : index
        %parallel_loop3A_1098 = tpu.vector_load %arg7[%parallel_loop3A_1096, %parallel_loop3A_1097] {strides = array<i32>} : memref<400x64xf32, #tpu.memory_space<vmem>>, vector<1x16xf32>,
        %parallel_loop3A_1099 = vector.shape_cast %parallel_loop3A_1098 : vector<1x16xf32> to vector<16xf32>
        %parallel_loop3A_1100 = vector.shape_cast %parallel_loop3A_1072 : vector<16xf32> to vector<1x16xf32>
        tpu.vector_store %arg7[%parallel_loop3A_1096, %parallel_loop3A_1097], %parallel_loop3A_1100 {strides = array<i32>} : memref<400x64xf32, #tpu.memory_space<vmem>>, vector<1x16xf32>,
        %parallel_loop3A_1101 = vector.extract_strided_slice %parallel_loop3A_64 {offsets = [14], sizes = [1], strides = [1]} : vector<16xi32> to vector<1xi32>
        %parallel_loop3A_1102 = vector.extract %parallel_loop3A_1101[0] : i32 from vector<1xi32>
        %parallel_loop3A_1103 = arith.constant 14 : i32
        %parallel_loop3A_1104 = arith.addi %parallel_loop3A_61, %parallel_loop3A_1103 : i32
        %parallel_loop3A_1105 = arith.index_cast %parallel_loop3A_1104 : i32 to index
        %parallel_loop3A_1106 = arith.constant 0 : index
        %parallel_loop3A_1107 = tpu.vector_load %arg7[%parallel_loop3A_1105, %parallel_loop3A_1106] {strides = array<i32>} : memref<400x64xf32, #tpu.memory_space<vmem>>, vector<1x16xf32>,
        %parallel_loop3A_1108 = vector.shape_cast %parallel_loop3A_1107 : vector<1x16xf32> to vector<16xf32>
        %parallel_loop3A_1109 = arith.constant 14 : i32
        %parallel_loop3A_1110 = arith.addi %parallel_loop3A_61, %parallel_loop3A_1109 : i32
        %parallel_loop3A_1111 = arith.index_cast %parallel_loop3A_1110 : i32 to index
        %parallel_loop3A_1112 = arith.constant 16 : index
        %parallel_loop3A_1113 = tpu.vector_load %arg7[%parallel_loop3A_1111, %parallel_loop3A_1112] {strides = array<i32>} : memref<400x64xf32, #tpu.memory_space<vmem>>, vector<1x16xf32>,
        %parallel_loop3A_1114 = vector.shape_cast %parallel_loop3A_1113 : vector<1x16xf32> to vector<16xf32>
        %parallel_loop3A_1115 = arith.constant 14 : i32
        %parallel_loop3A_1116 = arith.addi %parallel_loop3A_61, %parallel_loop3A_1115 : i32
        %parallel_loop3A_1117 = arith.index_cast %parallel_loop3A_1116 : i32 to index
        %parallel_loop3A_1118 = arith.constant 32 : index
        %parallel_loop3A_1119 = tpu.vector_load %arg7[%parallel_loop3A_1117, %parallel_loop3A_1118] {strides = array<i32>} : memref<400x64xf32, #tpu.memory_space<vmem>>, vector<1x16xf32>,
        %parallel_loop3A_1120 = vector.shape_cast %parallel_loop3A_1119 : vector<1x16xf32> to vector<16xf32>
        %parallel_loop3A_1121 = arith.constant 14 : i32
        %parallel_loop3A_1122 = arith.addi %parallel_loop3A_61, %parallel_loop3A_1121 : i32
        %parallel_loop3A_1123 = arith.index_cast %parallel_loop3A_1122 : i32 to index
        %parallel_loop3A_1124 = arith.constant 48 : index
        %parallel_loop3A_1125 = tpu.vector_load %arg7[%parallel_loop3A_1123, %parallel_loop3A_1124] {strides = array<i32>} : memref<400x64xf32, #tpu.memory_space<vmem>>, vector<1x16xf32>,
        %parallel_loop3A_1126 = vector.shape_cast %parallel_loop3A_1125 : vector<1x16xf32> to vector<16xf32>
        %parallel_loop3A_1127 = arith.index_cast %parallel_loop3A_1102 : i32 to index
        %parallel_loop3A_1128 = arith.constant 0 : index
        %parallel_loop3A_1129 = tpu.vector_load %arg10[%parallel_loop3A_1127, %parallel_loop3A_1128] {strides = array<i32>} : memref<16x64xf32, #tpu.memory_space<vmem>>, vector<1x16xf32>,
        %parallel_loop3A_1130 = vector.shape_cast %parallel_loop3A_1129 : vector<1x16xf32> to vector<16xf32>
        %parallel_loop3A_1131 = arith.index_cast %parallel_loop3A_1102 : i32 to index
        %parallel_loop3A_1132 = arith.constant 16 : index
        %parallel_loop3A_1133 = tpu.vector_load %arg10[%parallel_loop3A_1131, %parallel_loop3A_1132] {strides = array<i32>} : memref<16x64xf32, #tpu.memory_space<vmem>>, vector<1x16xf32>,
        %parallel_loop3A_1134 = vector.shape_cast %parallel_loop3A_1133 : vector<1x16xf32> to vector<16xf32>
        %parallel_loop3A_1135 = arith.index_cast %parallel_loop3A_1102 : i32 to index
        %parallel_loop3A_1136 = arith.constant 32 : index
        %parallel_loop3A_1137 = tpu.vector_load %arg10[%parallel_loop3A_1135, %parallel_loop3A_1136] {strides = array<i32>} : memref<16x64xf32, #tpu.memory_space<vmem>>, vector<1x16xf32>,
        %parallel_loop3A_1138 = vector.shape_cast %parallel_loop3A_1137 : vector<1x16xf32> to vector<16xf32>
        %parallel_loop3A_1139 = arith.index_cast %parallel_loop3A_1102 : i32 to index
        %parallel_loop3A_1140 = arith.constant 48 : index
        %parallel_loop3A_1141 = tpu.vector_load %arg10[%parallel_loop3A_1139, %parallel_loop3A_1140] {strides = array<i32>} : memref<16x64xf32, #tpu.memory_space<vmem>>, vector<1x16xf32>,
        %parallel_loop3A_1142 = vector.shape_cast %parallel_loop3A_1141 : vector<1x16xf32> to vector<16xf32>
        %parallel_loop3A_1143 = arith.addf %parallel_loop3A_1108, %parallel_loop3A_1130 : vector<16xf32>
        %parallel_loop3A_1144 = arith.addf %parallel_loop3A_1114, %parallel_loop3A_1134 : vector<16xf32>
        %parallel_loop3A_1145 = arith.addf %parallel_loop3A_1120, %parallel_loop3A_1138 : vector<16xf32>
        %parallel_loop3A_1146 = arith.addf %parallel_loop3A_1126, %parallel_loop3A_1142 : vector<16xf32>
        %parallel_loop3A_1147 = arith.constant 14 : i32
        %parallel_loop3A_1148 = arith.addi %parallel_loop3A_61, %parallel_loop3A_1147 : i32
        %parallel_loop3A_1149 = arith.index_cast %parallel_loop3A_1148 : i32 to index
        %parallel_loop3A_1150 = arith.constant 0 : index
        %parallel_loop3A_1151 = tpu.vector_load %arg7[%parallel_loop3A_1149, %parallel_loop3A_1150] {strides = array<i32>} : memref<400x64xf32, #tpu.memory_space<vmem>>, vector<1x16xf32>,
        %parallel_loop3A_1152 = vector.shape_cast %parallel_loop3A_1151 : vector<1x16xf32> to vector<16xf32>
        %parallel_loop3A_1153 = vector.shape_cast %parallel_loop3A_1143 : vector<16xf32> to vector<1x16xf32>
        tpu.vector_store %arg7[%parallel_loop3A_1149, %parallel_loop3A_1150], %parallel_loop3A_1153 {strides = array<i32>} : memref<400x64xf32, #tpu.memory_space<vmem>>, vector<1x16xf32>,
        %parallel_loop3A_1154 = arith.constant 14 : i32
        %parallel_loop3A_1155 = arith.addi %parallel_loop3A_61, %parallel_loop3A_1154 : i32
        %parallel_loop3A_1156 = arith.index_cast %parallel_loop3A_1155 : i32 to index
        %parallel_loop3A_1157 = arith.constant 16 : index
        %parallel_loop3A_1158 = tpu.vector_load %arg7[%parallel_loop3A_1156, %parallel_loop3A_1157] {strides = array<i32>} : memref<400x64xf32, #tpu.memory_space<vmem>>, vector<1x16xf32>,
        %parallel_loop3A_1159 = vector.shape_cast %parallel_loop3A_1158 : vector<1x16xf32> to vector<16xf32>
        %parallel_loop3A_1160 = vector.shape_cast %parallel_loop3A_1144 : vector<16xf32> to vector<1x16xf32>
        tpu.vector_store %arg7[%parallel_loop3A_1156, %parallel_loop3A_1157], %parallel_loop3A_1160 {strides = array<i32>} : memref<400x64xf32, #tpu.memory_space<vmem>>, vector<1x16xf32>,
        %parallel_loop3A_1161 = arith.constant 14 : i32
        %parallel_loop3A_1162 = arith.addi %parallel_loop3A_61, %parallel_loop3A_1161 : i32
        %parallel_loop3A_1163 = arith.index_cast %parallel_loop3A_1162 : i32 to index
        %parallel_loop3A_1164 = arith.constant 32 : index
        %parallel_loop3A_1165 = tpu.vector_load %arg7[%parallel_loop3A_1163, %parallel_loop3A_1164] {strides = array<i32>} : memref<400x64xf32, #tpu.memory_space<vmem>>, vector<1x16xf32>,
        %parallel_loop3A_1166 = vector.shape_cast %parallel_loop3A_1165 : vector<1x16xf32> to vector<16xf32>
        %parallel_loop3A_1167 = vector.shape_cast %parallel_loop3A_1145 : vector<16xf32> to vector<1x16xf32>
        tpu.vector_store %arg7[%parallel_loop3A_1163, %parallel_loop3A_1164], %parallel_loop3A_1167 {strides = array<i32>} : memref<400x64xf32, #tpu.memory_space<vmem>>, vector<1x16xf32>,
        %parallel_loop3A_1168 = arith.constant 14 : i32
        %parallel_loop3A_1169 = arith.addi %parallel_loop3A_61, %parallel_loop3A_1168 : i32
        %parallel_loop3A_1170 = arith.index_cast %parallel_loop3A_1169 : i32 to index
        %parallel_loop3A_1171 = arith.constant 48 : index
        %parallel_loop3A_1172 = tpu.vector_load %arg7[%parallel_loop3A_1170, %parallel_loop3A_1171] {strides = array<i32>} : memref<400x64xf32, #tpu.memory_space<vmem>>, vector<1x16xf32>,
        %parallel_loop3A_1173 = vector.shape_cast %parallel_loop3A_1172 : vector<1x16xf32> to vector<16xf32>
        %parallel_loop3A_1174 = vector.shape_cast %parallel_loop3A_1146 : vector<16xf32> to vector<1x16xf32>
        tpu.vector_store %arg7[%parallel_loop3A_1170, %parallel_loop3A_1171], %parallel_loop3A_1174 {strides = array<i32>} : memref<400x64xf32, #tpu.memory_space<vmem>>, vector<1x16xf32>,
        %parallel_loop3A_1175 = vector.extract_strided_slice %parallel_loop3A_64 {offsets = [15], sizes = [1], strides = [1]} : vector<16xi32> to vector<1xi32>
        %parallel_loop3A_1176 = vector.extract %parallel_loop3A_1175[0] : i32 from vector<1xi32>
        %parallel_loop3A_1177 = arith.constant 15 : i32
        %parallel_loop3A_1178 = arith.addi %parallel_loop3A_61, %parallel_loop3A_1177 : i32
        %parallel_loop3A_1179 = arith.index_cast %parallel_loop3A_1178 : i32 to index
        %parallel_loop3A_1180 = arith.constant 0 : index
        %parallel_loop3A_1181 = tpu.vector_load %arg7[%parallel_loop3A_1179, %parallel_loop3A_1180] {strides = array<i32>} : memref<400x64xf32, #tpu.memory_space<vmem>>, vector<1x16xf32>,
        %parallel_loop3A_1182 = vector.shape_cast %parallel_loop3A_1181 : vector<1x16xf32> to vector<16xf32>
        %parallel_loop3A_1183 = arith.constant 15 : i32
        %parallel_loop3A_1184 = arith.addi %parallel_loop3A_61, %parallel_loop3A_1183 : i32
        %parallel_loop3A_1185 = arith.index_cast %parallel_loop3A_1184 : i32 to index
        %parallel_loop3A_1186 = arith.constant 16 : index
        %parallel_loop3A_1187 = tpu.vector_load %arg7[%parallel_loop3A_1185, %parallel_loop3A_1186] {strides = array<i32>} : memref<400x64xf32, #tpu.memory_space<vmem>>, vector<1x16xf32>,
        %parallel_loop3A_1188 = vector.shape_cast %parallel_loop3A_1187 : vector<1x16xf32> to vector<16xf32>
        %parallel_loop3A_1189 = arith.constant 15 : i32
        %parallel_loop3A_1190 = arith.addi %parallel_loop3A_61, %parallel_loop3A_1189 : i32
        %parallel_loop3A_1191 = arith.index_cast %parallel_loop3A_1190 : i32 to index
        %parallel_loop3A_1192 = arith.constant 32 : index
        %parallel_loop3A_1193 = tpu.vector_load %arg7[%parallel_loop3A_1191, %parallel_loop3A_1192] {strides = array<i32>} : memref<400x64xf32, #tpu.memory_space<vmem>>, vector<1x16xf32>,
        %parallel_loop3A_1194 = vector.shape_cast %parallel_loop3A_1193 : vector<1x16xf32> to vector<16xf32>
        %parallel_loop3A_1195 = arith.constant 15 : i32
        %parallel_loop3A_1196 = arith.addi %parallel_loop3A_61, %parallel_loop3A_1195 : i32
        %parallel_loop3A_1197 = arith.index_cast %parallel_loop3A_1196 : i32 to index
        %parallel_loop3A_1198 = arith.constant 48 : index
        %parallel_loop3A_1199 = tpu.vector_load %arg7[%parallel_loop3A_1197, %parallel_loop3A_1198] {strides = array<i32>} : memref<400x64xf32, #tpu.memory_space<vmem>>, vector<1x16xf32>,
        %parallel_loop3A_1200 = vector.shape_cast %parallel_loop3A_1199 : vector<1x16xf32> to vector<16xf32>
        %parallel_loop3A_1201 = arith.index_cast %parallel_loop3A_1176 : i32 to index
        %parallel_loop3A_1202 = arith.constant 0 : index
        %parallel_loop3A_1203 = tpu.vector_load %arg10[%parallel_loop3A_1201, %parallel_loop3A_1202] {strides = array<i32>} : memref<16x64xf32, #tpu.memory_space<vmem>>, vector<1x16xf32>,
        %parallel_loop3A_1204 = vector.shape_cast %parallel_loop3A_1203 : vector<1x16xf32> to vector<16xf32>
        %parallel_loop3A_1205 = arith.index_cast %parallel_loop3A_1176 : i32 to index
        %parallel_loop3A_1206 = arith.constant 16 : index
        %parallel_loop3A_1207 = tpu.vector_load %arg10[%parallel_loop3A_1205, %parallel_loop3A_1206] {strides = array<i32>} : memref<16x64xf32, #tpu.memory_space<vmem>>, vector<1x16xf32>,
        %parallel_loop3A_1208 = vector.shape_cast %parallel_loop3A_1207 : vector<1x16xf32> to vector<16xf32>
        %parallel_loop3A_1209 = arith.index_cast %parallel_loop3A_1176 : i32 to index
        %parallel_loop3A_1210 = arith.constant 32 : index
        %parallel_loop3A_1211 = tpu.vector_load %arg10[%parallel_loop3A_1209, %parallel_loop3A_1210] {strides = array<i32>} : memref<16x64xf32, #tpu.memory_space<vmem>>, vector<1x16xf32>,
        %parallel_loop3A_1212 = vector.shape_cast %parallel_loop3A_1211 : vector<1x16xf32> to vector<16xf32>
        %parallel_loop3A_1213 = arith.index_cast %parallel_loop3A_1176 : i32 to index
        %parallel_loop3A_1214 = arith.constant 48 : index
        %parallel_loop3A_1215 = tpu.vector_load %arg10[%parallel_loop3A_1213, %parallel_loop3A_1214] {strides = array<i32>} : memref<16x64xf32, #tpu.memory_space<vmem>>, vector<1x16xf32>,
        %parallel_loop3A_1216 = vector.shape_cast %parallel_loop3A_1215 : vector<1x16xf32> to vector<16xf32>
        %parallel_loop3A_1217 = arith.addf %parallel_loop3A_1182, %parallel_loop3A_1204 : vector<16xf32>
        %parallel_loop3A_1218 = arith.addf %parallel_loop3A_1188, %parallel_loop3A_1208 : vector<16xf32>
        %parallel_loop3A_1219 = arith.addf %parallel_loop3A_1194, %parallel_loop3A_1212 : vector<16xf32>
        %parallel_loop3A_1220 = arith.addf %parallel_loop3A_1200, %parallel_loop3A_1216 : vector<16xf32>
        %parallel_loop3A_1221 = arith.constant 15 : i32
        %parallel_loop3A_1222 = arith.addi %parallel_loop3A_61, %parallel_loop3A_1221 : i32
        %parallel_loop3A_1223 = arith.index_cast %parallel_loop3A_1222 : i32 to index
        %parallel_loop3A_1224 = arith.constant 0 : index
        %parallel_loop3A_1225 = tpu.vector_load %arg7[%parallel_loop3A_1223, %parallel_loop3A_1224] {strides = array<i32>} : memref<400x64xf32, #tpu.memory_space<vmem>>, vector<1x16xf32>,
        %parallel_loop3A_1226 = vector.shape_cast %parallel_loop3A_1225 : vector<1x16xf32> to vector<16xf32>
        %parallel_loop3A_1227 = vector.shape_cast %parallel_loop3A_1217 : vector<16xf32> to vector<1x16xf32>
        tpu.vector_store %arg7[%parallel_loop3A_1223, %parallel_loop3A_1224], %parallel_loop3A_1227 {strides = array<i32>} : memref<400x64xf32, #tpu.memory_space<vmem>>, vector<1x16xf32>,
        %parallel_loop3A_1228 = arith.constant 15 : i32
        %parallel_loop3A_1229 = arith.addi %parallel_loop3A_61, %parallel_loop3A_1228 : i32
        %parallel_loop3A_1230 = arith.index_cast %parallel_loop3A_1229 : i32 to index
        %parallel_loop3A_1231 = arith.constant 16 : index
        %parallel_loop3A_1232 = tpu.vector_load %arg7[%parallel_loop3A_1230, %parallel_loop3A_1231] {strides = array<i32>} : memref<400x64xf32, #tpu.memory_space<vmem>>, vector<1x16xf32>,
        %parallel_loop3A_1233 = vector.shape_cast %parallel_loop3A_1232 : vector<1x16xf32> to vector<16xf32>
        %parallel_loop3A_1234 = vector.shape_cast %parallel_loop3A_1218 : vector<16xf32> to vector<1x16xf32>
        tpu.vector_store %arg7[%parallel_loop3A_1230, %parallel_loop3A_1231], %parallel_loop3A_1234 {strides = array<i32>} : memref<400x64xf32, #tpu.memory_space<vmem>>, vector<1x16xf32>,
        %parallel_loop3A_1235 = arith.constant 15 : i32
        %parallel_loop3A_1236 = arith.addi %parallel_loop3A_61, %parallel_loop3A_1235 : i32
        %parallel_loop3A_1237 = arith.index_cast %parallel_loop3A_1236 : i32 to index
        %parallel_loop3A_1238 = arith.constant 32 : index
        %parallel_loop3A_1239 = tpu.vector_load %arg7[%parallel_loop3A_1237, %parallel_loop3A_1238] {strides = array<i32>} : memref<400x64xf32, #tpu.memory_space<vmem>>, vector<1x16xf32>,
        %parallel_loop3A_1240 = vector.shape_cast %parallel_loop3A_1239 : vector<1x16xf32> to vector<16xf32>
        %parallel_loop3A_1241 = vector.shape_cast %parallel_loop3A_1219 : vector<16xf32> to vector<1x16xf32>
        tpu.vector_store %arg7[%parallel_loop3A_1237, %parallel_loop3A_1238], %parallel_loop3A_1241 {strides = array<i32>} : memref<400x64xf32, #tpu.memory_space<vmem>>, vector<1x16xf32>,
        %parallel_loop3A_1242 = arith.constant 15 : i32
        %parallel_loop3A_1243 = arith.addi %parallel_loop3A_61, %parallel_loop3A_1242 : i32
        %parallel_loop3A_1244 = arith.index_cast %parallel_loop3A_1243 : i32 to index
        %parallel_loop3A_1245 = arith.constant 48 : index
        %parallel_loop3A_1246 = tpu.vector_load %arg7[%parallel_loop3A_1244, %parallel_loop3A_1245] {strides = array<i32>} : memref<400x64xf32, #tpu.memory_space<vmem>>, vector<1x16xf32>,
        %parallel_loop3A_1247 = vector.shape_cast %parallel_loop3A_1246 : vector<1x16xf32> to vector<16xf32>
        %parallel_loop3A_1248 = vector.shape_cast %parallel_loop3A_1220 : vector<16xf32> to vector<1x16xf32>
        tpu.vector_store %arg7[%parallel_loop3A_1244, %parallel_loop3A_1245], %parallel_loop3A_1248 {strides = array<i32>} : memref<400x64xf32, #tpu.memory_space<vmem>>, vector<1x16xf32>,
      } {sc.loop_unroll_factor = 1 : i64, sc.parallel_access}
      %mul3A_52 = arith.constant 400 : i32
      %mul3A_53 = arith.muli %add3A_40, %mul3A_52 : i32
      %add3A_54 = arith.addi %mul3A_2, %mul3A_53 : i32
      %dma_start3A_55 = arith.constant 0 : i32
      %dma_start3A_56 = tpu.memref_slice %arg5[%add3A_54, %dma_start3A_55] : memref<819200x64xf32, #tpu.memory_space<hbm>> -> memref<400x64xf32, #tpu.memory_space<hbm>>
      %dma_start3A_57 = arith.constant 0 : i32
      %dma_start3A_58 = tpu.memref_slice %arg5[%add3A_54, %dma_start3A_57] : memref<819200x64xf32, #tpu.memory_space<hbm>> -> memref<400x64xf32, #tpu.memory_space<hbm>>
      tpu.enqueue_dma source(%arg7 : memref<400x64xf32, #tpu.memory_space<vmem>>) target(%dma_start3A_58 : memref<400x64xf32, #tpu.memory_space<hbm>>) target_semaphore(%arg12 : memref<!tpu.dma_semaphore, #tpu.memory_space<semaphore_mem>>)
    }
    %scan3A_7 = arith.constant 32 : i32
    %dma_wait3A = arith.constant 0 : i32
    %dma_wait3A_8 = arith.constant 0 : i32
    %dma_wait3A_9 = tpu.memref_slice %arg5[%dma_wait3A, %dma_wait3A_8] : memref<819200x64xf32, #tpu.memory_space<hbm>> -> memref<400x64xf32, #tpu.memory_space<hbm>>
    %dma_wait3A_10 = arith.constant 0 : i32
    %dma_wait3A_11 = arith.constant 0 : i32
    %dma_wait3A_12 = tpu.memref_slice %arg5[%dma_wait3A_10, %dma_wait3A_11] : memref<819200x64xf32, #tpu.memory_space<hbm>> -> memref<400x64xf32, #tpu.memory_space<hbm>>
    tpu.wait_dma2 semaphore(%arg11 : memref<!tpu.dma_semaphore, #tpu.memory_space<semaphore_mem>>) src(%arg6 : memref<400x64xf32, #tpu.memory_space<vmem>>) dst(%dma_wait3A_12 : memref<400x64xf32, #tpu.memory_space<hbm>>)
    %dma_wait3A_13 = arith.constant 0 : i32
    %dma_wait3A_14 = arith.constant 0 : i32
    %dma_wait3A_15 = tpu.memref_slice %arg5[%dma_wait3A_13, %dma_wait3A_14] : memref<819200x64xf32, #tpu.memory_space<hbm>> -> memref<400x64xf32, #tpu.memory_space<hbm>>
    %dma_wait3A_16 = arith.constant 0 : i32
    %dma_wait3A_17 = arith.constant 0 : i32
    %dma_wait3A_18 = tpu.memref_slice %arg5[%dma_wait3A_16, %dma_wait3A_17] : memref<819200x64xf32, #tpu.memory_space<hbm>> -> memref<400x64xf32, #tpu.memory_space<hbm>>
    tpu.wait_dma2 semaphore(%arg12 : memref<!tpu.dma_semaphore, #tpu.memory_space<semaphore_mem>>) src(%arg7 : memref<400x64xf32, #tpu.memory_space<vmem>>) dst(%dma_wait3A_18 : memref<400x64xf32, #tpu.memory_space<hbm>>)
    return
  }
}

</mosaic_0001>

<sc_bundles>
// kernel: kernel.3.cloned.1.call-start
scs
__scs_entry_jumppad:
0x0: {  	(pc) =	sbr.rel $0x88, $3  }
0x1: {  	(tag) =	ssettag $0x0;
	lr =	simm.s32 $0x1  }
0x2: {  	[smem:$0x3F9E] =	sst lr;
	_ =	strace $0xD0000000  }
0x3: {  	_ = 	snop  }
0x4: {  	_ = 	snop  }
0x5: {  	_ = 	snop  }
0x6: {  	_ = 	snop  }
0x7: {  	_ = 	snop  }
__scs_overlays_trampoline_lowered:
0x8: {  	[smem:$0x3FAD] =	sst s0  }
0x9: {  	[smem:$0x3FAE] =	sst s1  }
0xa: {  	[smem:$0x3FAF] =	sst s2  }
0xb: {  	[smem:$0x3FB0] =	sst s3  }
0xc: {  	[smem:$0x3FB1] =	sst s4  }
0xd: {  	[smem:$0x3FB2] =	sst s5  }
0xe: {  	[smem:$0x3FB3] =	sst s6  }
0xf: {  	[smem:$0x3FB4] =	sst s7  }
0x10: {  	[smem:$0x3FB5] =	sst s8  }
0x11: {  	[smem:$0x3FB6] =	sst s9;
	s0 =	simm.s32 @!p0 $0x0  }
0x12: {  	s1 =	sld [smem:$0x3F9C];
	s0 =	simm.s32 @p0 $0x1  }
0x13: {  	[smem:$0x3FB7] =	sst s0;
	s0 =	simm.s32 @!p1 $0x0  }
0x14: {  	s2 =	sld [smem:$0x3F9B];
	s0 =	simm.s32 @p1 $0x1  }
0x15: {  	[smem:$0x3FB8] =	sst s0;
	s0 =	simm.s32 @!p2 $0x0  }
0x16: {  	s3 =	sld [smem:$0x3FDB];
	s0 =	simm.s32 @p2 $0x1  }
0x17: {  	s4 =	simm.s32 $0x1BF5;
	[smem:$0x3FBA] =	sst s0  }
0x18: {  	s0 =	sld [smem:$0x3F9D];
	_ =	swait.ge [sflag:s4], $0x0  }
0x19: {  	s7 =	sld [smem:$0x3F9E]  }
0x1a: {  	s8 =	sadd.s32 $0xFFFFE003, lr  }
0x1b: {  	s9 =	sadd.s32 $0xFFFFFEF7, lr;
	s5 =	simm.s32 $0xFFFFFFFF;
	p2 =	slt.u32 s8, $0xFFFFF086  }
0x1c: {  	p1 =	slt.u32 s9, $0xF7A;
	s5 =	simm.s32 @!p2 $0x0  }
0x1d: {  	s5 =	simm.s32 @p1 $0x1;
	p0 =	seq.s32 s7, s2  }
0x1e: {  	s7 =	smul.u32 @!p0 $0xF7A, s2;
	p2 =	seq.s32 @!p0 s5, $0x0  }
0x1f: {  	s9 =	smul.u32 $0xF7A, s1;
	s8 =	simm.s32 @!p0 $0x1BF5;
	p2 =	por !p2, p0  }
0x20: {  	[sflag:s8] =	ssyncset.s32 @!p0 $0xFFFFF086;
	s6 =	sadd.s32 @!p0 s3, s7;
	s7 =	simm.s32 @!p0 $0x108  }
0x21: {  	s3 =	sadd.s32 s3, s9;
	s6 =	sadd.s32 @!p0 $0x88, s6;
	s7 =	simm.s32 @p2 $0x1082  }
0x22: {  	[simem:s7], [sflag:s8] =	dma.local @!p0 [hbm:s6], $0xF7A  }
0x23: {  	s9 =	sor.u32 $0xD0000000, s2;
	s6 =	simm.s32 $0x108;
	_ =	swait.ge @!p0 [sflag:s8], $0x0  }
0x24: {  	s3 =	sadd.s32 $0x88, s3;
	s6 =	simm.s32 @!p1 $0x1082;
	[sflag:s4] =	ssyncset.s32 $0xFFFFF086  }
0x25: {  	[simem:s6], [sflag:s4] =	dma.local [hbm:s3], $0xF7A  }
0x26: {  	[smem:$0x3F9E] =	sst s1;
	(tag) =	ssettag s2;
	_ =	strace s9  }
0x27: {  	s1 =	sld [smem:$0x3FAE]  }
0x28: {  	s2 =	sld [smem:$0x3FAF]  }
0x29: {  	s4 =	sld [smem:$0x3FB1]  }
0x2a: {  	p0 =	seq.s32 s5, $0x0;
	s5 =	sld [smem:$0x3FB2]  }
0x2b: {  	s6 =	sld [smem:$0x3FB3]  }
0x2c: {  	s7 =	sld [smem:$0x3FB4]  }
0x2d: {  	s3 =	simm.s32 $0x108;
	s8 =	sld [smem:$0x3FB5]  }
0x2e: {  	s3 =	simm.s32 @!p0 $0x1082;
	s9 =	sld [smem:$0x3FB6]  }
0x2f: {  	lr =	sadd.s32 s0, s3;
	s0 =	sld [smem:$0x3FAD]  }
0x30: {  	s3 =	sld [smem:$0x3FB0]  }
0x31: {  	[smem:$0x3FB9] =	sst s10  }
0x32: {  	s10 =	sld [smem:$0x3FB7];
	_ =	sdelay $0x3  }
0x33: {  	p0 =	seq.s32 s10, $0x1;
	s10 =	sld [smem:$0x3FB9];
	_ =	sdelay $0x3  }
0x34: {  	[smem:$0x3FB9] =	sst s10  }
0x35: {  	s10 =	sld [smem:$0x3FB8];
	_ =	sdelay $0x3  }
0x36: {  	p1 =	seq.s32 s10, $0x1;
	s10 =	sld [smem:$0x3FB9];
	_ =	sdelay $0x3  }
0x37: {  	[smem:$0x3FB9] =	sst s10  }
0x38: {  	s10 =	sld [smem:$0x3FBA]  }
0x39: {  	_ = 	snop;
	(pc) =	sbr.ind lr, $3  }
0x3a: {  	_ = 	snop  }
0x3b: {  	_ = 	snop  }
0x3c: {  	p2 =	seq.s32 s10, $0x1;
	s10 =	sld [smem:$0x3FB9]  }
0x3d: {  	_ =	shalt  }
0x3e: {  	_ =	shalt  }
0x3f: {  	_ =	shalt  }
0x40: {  	_ =	shalt  }
0x41: {  	_ =	shalt  }
0x42: {  	_ =	shalt  }
0x43: {  	_ =	shalt  }
0x44: {  	_ =	shalt  }
0x45: {  	_ =	shalt  }
0x46: {  	_ =	shalt  }
0x47: {  	_ =	shalt  }
0x48: {  	_ =	shalt  }
0x49: {  	_ =	shalt  }
0x4a: {  	_ =	shalt  }
0x4b: {  	_ =	shalt  }
0x4c: {  	_ =	shalt  }
0x4d: {  	_ =	shalt  }
0x4e: {  	_ =	shalt  }
0x4f: {  	_ =	shalt  }
0x50: {  	_ =	shalt  }
0x51: {  	_ =	shalt  }
0x52: {  	_ =	shalt  }
0x53: {  	_ =	shalt  }
0x54: {  	_ =	shalt  }
0x55: {  	_ =	shalt  }
0x56: {  	_ =	shalt  }
0x57: {  	_ =	shalt  }
0x58: {  	_ =	shalt  }
0x59: {  	_ =	shalt  }
0x5a: {  	_ =	shalt  }
0x5b: {  	_ =	shalt  }
0x5c: {  	_ =	shalt  }
0x5d: {  	_ =	shalt  }
0x5e: {  	_ =	shalt  }
0x5f: {  	_ =	shalt  }
0x60: {  	_ =	shalt  }
0x61: {  	_ =	shalt  }
0x62: {  	_ =	shalt  }
0x63: {  	_ =	shalt  }
0x64: {  	_ =	shalt  }
0x65: {  	_ =	shalt  }
0x66: {  	_ =	shalt  }
0x67: {  	_ =	shalt  }
0x68: {  	_ =	shalt  }
0x69: {  	_ =	shalt  }
0x6a: {  	_ =	shalt  }
0x6b: {  	_ =	shalt  }
0x6c: {  	_ =	shalt  }
0x6d: {  	_ =	shalt  }
0x6e: {  	_ =	shalt  }
0x6f: {  	_ =	shalt  }
0x70: {  	_ =	shalt  }
0x71: {  	_ =	shalt  }
0x72: {  	_ =	shalt  }
0x73: {  	_ =	shalt  }
0x74: {  	_ =	shalt  }
0x75: {  	_ =	shalt  }
0x76: {  	_ =	shalt  }
0x77: {  	_ =	shalt  }
0x78: {  	_ =	shalt  }
0x79: {  	_ =	shalt  }
0x7a: {  	_ =	shalt  }
0x7b: {  	_ =	shalt  }
0x7c: {  	_ =	shalt  }
0x7d: {  	_ =	shalt  }
0x7e: {  	_ =	shalt  }
0x7f: {  	_ =	shalt  }
0x80: {  	_ =	shalt  }
0x81: {  	_ =	shalt  }
0x82: {  	_ =	shalt  }
0x83: {  	_ =	shalt  }
0x84: {  	_ =	shalt  }
0x85: {  	_ =	shalt  }
0x86: {  	_ =	shalt  }
0x87: {  	_ =	shalt  }
.Lfunc_end0:
.L_simem_size_0:
called_computation.1_lowered:
.L_overlay_start_0:
0x88: {  	s2 =	sld [smem:$0x3FD9]  }
0x89: {  	s3 =	sld [smem:$0x3FFE];
	_ =	sdelay $0x1  }
0x8a: {  	s1 =	srdreg.scid  }
0x8b: {  	s0 =	sand.u32 $0x1, s1  }
0x8c: {  	s17 =	sshll.u32 s0, $0xA;
	s2 =	sadd.s32 s3, s2  }
0x8d: {  	s2 =	sadd.s32 s2, s17  }
0x8e: {  	[smem:$0x3FC5] =	sst s2  }
0x8f: {  	_ = 	snop  }
0x90: {  	s2 =	sld [smem:$0x3FC7]  }
0x91: {  	s18 =	sld [smem:$0x3FD0];
	(tm) =	ssettm $0x1  }
0x92: {  	s4 =	sld [smem:$0x3FFB];
	_ =	sdelay $0x3  }
0x93: {  	_ =	strace s4  }
0x94: {  	s4 =	sld [smem:$0x3FFC];
	_ =	sdelay $0x3  }
0x95: {  	_ =	strace s4  }
0x96: {  	s4 =	sld [smem:$0x3FFD];
	_ =	sdelay $0x3  }
0x97: {  	_ =	strace s4  }
0x98: {  	_ =	strace $0x8FFFFFFF  }
0x99: {  	s19 =	sld [smem:$0x3FDB];
	_ =	sdelay $0x1  }
0x9a: {  	s5 =	simm.s32 $_scs_section_size  }
0x9b: {  	s6 =	simm.s32 $_size__tile_overlayer_lowered;
	s7 =	simm.s32 $_tile_overlayer_lowered  }
0x9c: {  	s22 =	simm.s32 $0x1BFF;
	s21 =	sshll.u32 s7, $0x1;
	s4 =	sadd.s32 s5, s19  }
0x9d: {  	s8 =	simm.s32 $0x0;
	s20 =	sshll.u32 s6, $0x1;
	s6 =	sadd.s32 s21, s4  }
0x9e: {  	[timem:s8], [sflag:s22] =	dma.local [hbm:s6], s20  }
0x9f: {  	_ =	swait.ge [sflag:s22], s20  }
0xa0: {  	s5 =	ssub.s32 $0x0, s20;
	[sflag:s22] =	ssyncset.done $0x0  }
0xa1: {  	[sflag:s22] =	ssyncadd.s32 s5;
	_ =	sdelay $0x1  }
0xa2: {  	s23 =	simm.s32 $0x1B8B  }
0xa3: {  	_ =	swait.ge [sflag:s23], $0x1  }
0xa4: {  	[sflag:s23] =	ssyncset.done $0x0  }
0xa5: {  	s25 =	simm.s32 $0x1B8E;
	s24 =	sld [smem:$0x3FFE];
	[sflag:s23] =	ssyncadd.s32 $0xFFFFFFFF  }
0xa6: {  	s26 =	simm.s32 $execute0_lowered;
	[smem:$0x3FD2] =	sst s25  }
0xa7: {  	s6 =	sshll.u32 s26, $0x1;
	_ =	strace $0x80000046;
	[dreg:$0x1] =	wrdreg $0xFFFFFFFF  }
0xa8: {  	s28 =	simm.s32 $_size_execute0_lowered;
	s4 =	sadd.s32 s4, s6;
	[dreg:$0x0] =	wrdreg $0x0  }
0xa9: {  	s6 =	sshll.u32 s28, $0x1;
	[dreg:$0x2] =	wrdreg s4  }
0xaa: {  	[dreg:$0x3] =	wrdreg s6  }
0xab: {  	[dreg:$0x4] =	wrdreg $0xC0  }
0xac: {  	_ =	task [dreg:s8], $0x5FFFF  }
0xad: {  	[dreg:$0x1] =	wrdreg $0xFFFFFFFF  }
0xae: {  	[dreg:$0x0] =	wrdreg $0x60  }
0xaf: {  	[dreg:$0x2] =	wrdreg s24  }
0xb0: {  	[dreg:$0x3] =	wrdreg s18  }
0xb1: {  	[dreg:$0x4] =	wrdreg s2  }
0xb2: {  	[dreg:$0x5] =	wrdreg $0x9  }
0xb3: {  	_ =	task.clear_ibuf [dreg:s8], $0x6FFFF;
	_ =	strace $0x90000046  }
0xb4: {  	s29 =	simm.s32 $0x9;
	_ =	strace $0x80000048  }
0xb5: {  	_ =	swait.ge [sflag:s29], $0x1  }
0xb6: {  	[sflag:s29] =	ssyncadd.s32 $0xFFFFFFFF  }
0xb7: {  	_ =	strace $0x90000048  }
0xb8: {  	_ =	sfence  }
0xb9: {  	s30 =	sld [smem:$0x0];
	_ =	sdelay $0x2  }
0xba: {  	s31 =	sshll.u32 s1, $0xD;
	s1 =	sshrl.u32 s1, $0x2  }
0xbb: {  	s3 =	sand.u32 $0x4000, s31;
	s1 =	sadd.s32 s1, s30  }
0xbc: {  	s0 =	sor.u32 s3, s0;
	s1 =	sshll.u32 s1, $0x11  }
0xbd: {  	s0 =	sor.u32 s1, s0  }
0xbe: {  	s0 =	sadd.s32 $0x8F2B, s0  }
0xbf: {  	[sflag:s0] =	ssyncadd.remote.s32 $0x1  }
0xc0: {  	_ =	sfence.sel $0xFFFF  }
0xc1: {  	[dreg:$0x0] =	wrdreg $0xFFFFFFFF;
	(pc) =	sbr.abs _section_cstart, $3  }
0xc2: {  	[dreg:$0x1] =	wrdreg $0xFFFFFFFF  }
0xc3: {  	_ =	task.clear_ibuf [dreg:s8], $0x2FFFF;
	_ =	strace $0x9FFFFFFF  }
0xc4: {  	(tm) =	ssettm $0x7FFFFFFF  }
0xc5: {  	_ =	shalt  }
tec
execute0_lowered:
.L_overlay_start_1:
0x0: {  	(tag) =	ssettag $0x1  }
0x1: {  	s7 =	rddreg [dreg:$0x0]  }
0x2: {  	s2 =	rddreg [dreg:$0x1]  }
0x3: {  	s1 =	srdreg.scid;
	s0 =	stileid.u32  }
0x4: {  	s3 =	rddreg [dreg:$0x2];
	s4 =	simm.s32 $0x0;
	s10 =	simm.s32 $0x19400  }
0x5: {  	s11 =	simm.s32 $0x3;
	s12 =	simm.s32 $0x19000;
	s13 =	simm.s32 $0xC800  }
0x6: {  	s14 =	simm.s32 $0x19200;
	s15 =	simm.s32 $0x1;
	s16 =	simm.s32 $0x2  }
0x7: {  	s17 =	simm.s32 $0x0;
	s5 =	sand.u32 $0x1, s1;
	s6 =	sshll.u32 s0, $0x1  }
0x8: {  	s1 =	rddreg [dreg:$0x3];
	s6 =	sor.u32 s5, s6;
	s8 =	ssub.s32 $0x2, s5  }
0x9: {  	[smem:$0x7FF] =	sst s4;
	s5 =	smul.u32 $0x6400, s6;
	s9 =	sshrl.u32 s8, $0x1  }
0xa: {  	_ =	strace $0x80000047;
	s6 =	sadd.s32 $0x800, s7;
	s9 =	ssub.s32 s8, s9  }
0xb: {  	s7 =	sadd.s32 $0xC80800, s7;
	s8 =	sor.u32 $0x190, s5;
	s9 =	smax.u32 s9, $0x1  }
.LBB2_1:
0xc: {  	[tilespmem:s10], [sflag:$0x3] =	stream.linear.gather [hbm4b:s3+s4], $0x800, $0x38;
	[tilespmem:$0x19C00] =	vst v63  }
0xd: {  	_ =	swait.ge [sflag:s11], $0x800  }
0xe: {  	[sflag:s11] =	ssyncset.done $0x0  }
0xf: {  	s18 =	simm.s32 $0x0;
	[sflag:s11] =	ssyncadd.s32 $0xFFFFF800  }
.LBB2_2:
0x10: {  	p0 =	seq.s32 s18, $0x0;
	s19 =	smul.u32 $0x320, s18  }
0x11: {  	s21 =	simm.s32 @!p0 $0x1  }
0x12: {  	_ =	swait.ge @!p0 [sflag:s21], $0xC800;
	s22 =	sadd.s32 s5, s19  }
0x13: {  	[sflag:s21] =	ssyncset.done @!p0 $0x0;
	s20 =	sshll.u32 s22, $0x4  }
0x14: {  	s23 =	simm.s32 $0x0;
	[sflag:s21] =	ssyncadd.s32 @!p0 $0xFFFF3800;
	s28 =	sadd.s32 s6, s20  }
0x15: {  	[tilespmem:s23], [sflag:$0x3] =	stream.linear.gather [hbm4b:s28+s23], $0xC800, $0x38;
	[tilespmem:$0x19C00] =	vst v63  }
0x16: {  	_ =	swait.ge [sflag:s11], $0xC800  }
0x17: {  	s29 =	sshrl.u32 s22, $0x3;
	[sflag:s11] =	ssyncset.done $0x0  }
0x18: {  	s21 =	sadd.s32 s2, s29;
	[sflag:s11] =	ssyncadd.s32 $0xFFFF3800  }
0x19: {  	[tilespmem:s12], [sflag:$0x3] =	stream.linear.gather [hbm4b:s21+s23], $0x190, $0x38;
	[tilespmem:$0x19C00] =	vst v63  }
0x1a: {  	_ =	swait.ge [sflag:s11], $0x190  }
0x1b: {  	[sflag:s11] =	ssyncset.done $0x0  }
0x1c: {  	s30 =	simm.s32 $0x0;
	[sflag:s11] =	ssyncadd.s32 $0xFFFFFE70  }
0x1d: {  	v0 =	vld [tilespmem:s30+$0x19000];
	_ =	sdelay $0x4  }
0x1e: {  	v0 =	vshll.u32 v0, $0x9  }
0x1f: {  	v10 =	vshra.s32 v0, $0x2  }
0x20: {  	(v2sf) =	vpush v10, $0x0;
	_ =	sdelay $0xa  }
0x21: {  	s21 =	simm.s32 $0x400;
	(v2sf) =	vpush v10, $0x1  }
0x22: {  	v2 =	vld [tilespmem:s21+$0xFFFFFC00]  }
0x23: {  	v3 =	vld [tilespmem:s21+$0xFFFFFC10]  }
0x24: {  	v6 =	vld [tilespmem:s21+$0xFFFFFC20]  }
0x25: {  	v8 =	vld [tilespmem:s21+$0xFFFFFC30];
	s31 =	spop (v2sf)  }
0x26: {  	v4 =	vld [tilespmem:s31+$0x19400]  }
0x27: {  	v5 =	vld [tilespmem:s31+$0x19410]  }
0x28: {  	v9 =	vld [tilespmem:s31+$0x19430]  }
0x29: {  	v7 =	vld [tilespmem:s31+$0x19420];
	_ =	sdelay $0x1  }
0x2a: {  	v2 =	vadd.f32 v4, v2  }
0x2b: {  	(v2sf) =	vpush v10, $0x2;
	v3 =	vadd.f32 v5, v3  }
0x2c: {  	v4 =	vld [tilespmem:s21+$0xFFFFFC80];
	v5 =	vadd.f32 v9, v8;
	[tilespmem:s21+$0xFFFFFC00] =	vst v2  }
0x2d: {  	v8 =	vld [tilespmem:s21+$0xFFFFFCB0];
	v2 =	vadd.f32 v7, v6;
	[tilespmem:s21+$0xFFFFFC10] =	vst v3  }
0x2e: {  	v3 =	vld [tilespmem:s21+$0xFFFFFC90];
	[tilespmem:s21+$0xFFFFFC30] =	vst v5  }
0x2f: {  	s23 =	spop (v2sf);
	[tilespmem:s21+$0xFFFFFC20] =	vst v2;
	v2 =	vld [tilespmem:s21+$0xFFFFFCA0]  }
0x30: {  	v5 =	vld [tilespmem:s23+$0x19400]  }
0x31: {  	v6 =	vld [tilespmem:s23+$0x19410]  }
0x32: {  	v7 =	vld [tilespmem:s23+$0x19420]  }
0x33: {  	v9 =	vld [tilespmem:s23+$0x19430];
	_ =	sdelay $0x1  }
0x34: {  	v4 =	vadd.f32 v5, v4  }
0x35: {  	(v2sf) =	vpush v10, $0x3;
	v3 =	vadd.f32 v6, v3  }
0x36: {  	v1 =	vld [tilespmem:s21+$0xFFFFFD00];
	v2 =	vadd.f32 v7, v2;
	[tilespmem:s21+$0xFFFFFC80] =	vst v4  }
0x37: {  	v7 =	vld [tilespmem:s21+$0xFFFFFD30];
	[tilespmem:s21+$0xFFFFFC90] =	vst v3;
	v4 =	vadd.f32 v9, v8  }
0x38: {  	v3 =	vld [tilespmem:s21+$0xFFFFFD10];
	[tilespmem:s21+$0xFFFFFCA0] =	vst v2  }
0x39: {  	s24 =	spop (v2sf);
	v2 =	vld [tilespmem:s21+$0xFFFFFD20];
	[tilespmem:s21+$0xFFFFFCB0] =	vst v4  }
0x3a: {  	v4 =	vld [tilespmem:s24+$0x19400]  }
0x3b: {  	v5 =	vld [tilespmem:s24+$0x19410]  }
0x3c: {  	v6 =	vld [tilespmem:s24+$0x19420]  }
0x3d: {  	v8 =	vld [tilespmem:s24+$0x19430];
	_ =	sdelay $0x1  }
0x3e: {  	v1 =	vadd.f32 v4, v1  }
0x3f: {  	(v2sf) =	vpush v10, $0x4;
	v3 =	vadd.f32 v5, v3  }
0x40: {  	v0 =	vld [tilespmem:s21+$0xFFFFFD80];
	[tilespmem:s21+$0xFFFFFD00] =	vst v1;
	v1 =	vadd.f32 v6, v2  }
0x41: {  	v4 =	vld [tilespmem:s21+$0xFFFFFDB0];
	[tilespmem:s21+$0xFFFFFD10] =	vst v3;
	v3 =	vadd.f32 v8, v7  }
0x42: {  	v2 =	vld [tilespmem:s21+$0xFFFFFD90];
	[tilespmem:s21+$0xFFFFFD20] =	vst v1  }
0x43: {  	s25 =	spop (v2sf);
	v1 =	vld [tilespmem:s21+$0xFFFFFDA0];
	[tilespmem:s21+$0xFFFFFD30] =	vst v3  }
0x44: {  	v3 =	vld [tilespmem:s25+$0x19400]  }
0x45: {  	v5 =	vld [tilespmem:s25+$0x19410]  }
0x46: {  	v6 =	vld [tilespmem:s25+$0x19420]  }
0x47: {  	v7 =	vld [tilespmem:s25+$0x19430];
	_ =	sdelay $0x1  }
0x48: {  	v0 =	vadd.f32 v3, v0  }
0x49: {  	(v2sf) =	vpush v10, $0x5;
	v2 =	vadd.f32 v5, v2  }
0x4a: {  	v8 =	vld [tilespmem:s21+$0xFFFFFE10];
	[tilespmem:s21+$0xFFFFFD80] =	vst v0;
	v0 =	vadd.f32 v6, v1  }
0x4b: {  	v3 =	vld [tilespmem:s21+$0xFFFFFE00];
	[tilespmem:s21+$0xFFFFFD90] =	vst v2;
	v1 =	vadd.f32 v7, v4  }
0x4c: {  	v5 =	vld [tilespmem:s21+$0xFFFFFE20];
	[tilespmem:s21+$0xFFFFFDA0] =	vst v0  }
0x4d: {  	s26 =	spop (v2sf);
	v4 =	vld [tilespmem:s21+$0xFFFFFE30];
	[tilespmem:s21+$0xFFFFFDB0] =	vst v1  }
0x4e: {  	v1 =	vld [tilespmem:s26+$0x19400]  }
0x4f: {  	v6 =	vld [tilespmem:s26+$0x19410]  }
0x50: {  	v9 =	vld [tilespmem:s26+$0x19430]  }
0x51: {  	v7 =	vld [tilespmem:s26+$0x19420];
	_ =	sdelay $0x1  }
0x52: {  	v21 =	vld [tilespmem:s21+$0x200];
	v3 =	vadd.f32 v1, v3  }
0x53: {  	v22 =	vld [tilespmem:s21+$0x220];
	(v2sf) =	vpush v10, $0x6;
	v6 =	vadd.f32 v6, v8  }
0x54: {  	v8 =	vld [tilespmem:s21+$0xFFFFFE80];
	v4 =	vadd.f32 v9, v4;
	[tilespmem:s21+$0xFFFFFE00] =	vst v3  }
0x55: {  	v9 =	vld [tilespmem:s21+$0xFFFFFEB0];
	v3 =	vadd.f32 v7, v5;
	[tilespmem:s21+$0xFFFFFE10] =	vst v6  }
0x56: {  	v6 =	vld [tilespmem:s21+$0xFFFFFE90];
	[tilespmem:s21+$0xFFFFFE30] =	vst v4  }
0x57: {  	s28 =	spop (v2sf);
	v7 =	vld [tilespmem:s21+$0xFFFFFEA0];
	[tilespmem:s21+$0xFFFFFE20] =	vst v3  }
0x58: {  	v4 =	vld [tilespmem:s28+$0x19400]  }
0x59: {  	v11 =	vld [tilespmem:s28+$0x19410]  }
0x5a: {  	v12 =	vld [tilespmem:s28+$0x19420]  }
0x5b: {  	v13 =	vld [tilespmem:s28+$0x19430]  }
0x5c: {  	v24 =	vld [tilespmem:s21+$0x230]  }
0x5d: {  	v27 =	vld [tilespmem:s21+$0x190];
	v8 =	vadd.f32 v4, v8  }
0x5e: {  	v28 =	vld [tilespmem:s21+$0x1A0];
	(v2sf) =	vpush v10, $0x7;
	v6 =	vadd.f32 v11, v6  }
0x5f: {  	v11 =	vld [tilespmem:s21+$0xFFFFFF00];
	v7 =	vadd.f32 v12, v7;
	[tilespmem:s21+$0xFFFFFE80] =	vst v8  }
0x60: {  	v12 =	vld [tilespmem:s21+$0xFFFFFF30];
	[tilespmem:s21+$0xFFFFFE90] =	vst v6;
	v8 =	vadd.f32 v13, v9  }
0x61: {  	v6 =	vld [tilespmem:s21+$0xFFFFFF10];
	[tilespmem:s21+$0xFFFFFEA0] =	vst v7  }
0x62: {  	s29 =	spop (v2sf);
	v9 =	vld [tilespmem:s21+$0xFFFFFF20];
	[tilespmem:s21+$0xFFFFFEB0] =	vst v8  }
0x63: {  	v7 =	vld [tilespmem:s29+$0x19400]  }
0x64: {  	v14 =	vld [tilespmem:s29+$0x19410]  }
0x65: {  	v15 =	vld [tilespmem:s29+$0x19420]  }
0x66: {  	s22 =	simm.s32 $0xC00;
	v16 =	vld [tilespmem:s29+$0x19430]  }
0x67: {  	v30 =	vld [tilespmem:s22+$0xFFFFFC10]  }
0x68: {  	v31 =	vld [tilespmem:s22+$0xFFFFFC20];
	v11 =	vadd.f32 v7, v11  }
0x69: {  	v59 =	vld [tilespmem:s22+$0xFFFFFC30];
	(v2sf) =	vpush v10, $0x8;
	v6 =	vadd.f32 v14, v6  }
0x6a: {  	v9 =	vadd.f32 v15, v9;
	v15 =	vld [tilespmem:s21+$0xFFFFFFA0];
	[tilespmem:s21+$0xFFFFFF00] =	vst v11  }
0x6b: {  	v12 =	vadd.f32 v16, v12;
	v11 =	vld [tilespmem:s21+$0xFFFFFF80];
	[tilespmem:s21+$0xFFFFFF10] =	vst v6  }
0x6c: {  	v6 =	vld [tilespmem:s21+$0xFFFFFF90];
	[tilespmem:s21+$0xFFFFFF20] =	vst v9  }
0x6d: {  	s30 =	spop (v2sf);
	[tilespmem:s21+$0xFFFFFF30] =	vst v12;
	v12 =	vld [tilespmem:s21+$0xFFFFFFB0]  }
0x6e: {  	v9 =	vld [tilespmem:s30+$0x19400]  }
0x6f: {  	v17 =	vld [tilespmem:s30+$0x19410]  }
0x70: {  	v18 =	vld [tilespmem:s30+$0x19420]  }
0x71: {  	s24 =	simm.s32 $0x10;
	v19 =	vld [tilespmem:s30+$0x19430]  }
0x72: {  	v25 =	vld [tilespmem:s24+$0x19000]  }
0x73: {  	v2 =	vld [tilespmem:s21+$0x3A0];
	v11 =	vadd.f32 v9, v11  }
0x74: {  	(v2sf) =	vpush v10, $0x9;
	v0 =	vld [tilespmem:s21+$0x380];
	v6 =	vadd.f32 v17, v6  }
0x75: {  	v15 =	vadd.f32 v18, v15;
	[tilespmem:s21+$0xFFFFFF80] =	vst v11;
	v11 =	vld [tilespmem:s21+$0x0]  }
0x76: {  	v12 =	vadd.f32 v19, v12;
	[tilespmem:s21+$0xFFFFFF90] =	vst v6;
	v6 =	vld [tilespmem:s21+$0x10]  }
0x77: {  	[tilespmem:s21+$0xFFFFFFA0] =	vst v15;
	v15 =	vld [tilespmem:s21+$0x20]  }
0x78: {  	s31 =	spop (v2sf);
	[tilespmem:s21+$0xFFFFFFB0] =	vst v12;
	v12 =	vld [tilespmem:s21+$0x30]  }
0x79: {  	v17 =	vld [tilespmem:s31+$0x19400]  }
0x7a: {  	v18 =	vld [tilespmem:s31+$0x19410]  }
0x7b: {  	v19 =	vld [tilespmem:s31+$0x19420]  }
0x7c: {  	v20 =	vld [tilespmem:s31+$0x19430]  }
0x7d: {  	v1 =	vld [tilespmem:s21+$0x390]  }
0x7e: {  	v5 =	vld [tilespmem:s21+$0x300];
	v11 =	vadd.f32 v17, v11  }
0x7f: {  	(v2sf) =	vpush v10, $0xA;
	v3 =	vld [tilespmem:s21+$0x3B0];
	v6 =	vadd.f32 v18, v6  }
0x80: {  	v15 =	vadd.f32 v19, v15;
	v18 =	vld [tilespmem:s21+$0xB0];
	[tilespmem:s21+$0x0] =	vst v11  }
0x81: {  	v12 =	vadd.f32 v20, v12;
	v11 =	vld [tilespmem:s21+$0x80];
	[tilespmem:s21+$0x10] =	vst v6  }
0x82: {  	v6 =	vld [tilespmem:s21+$0x90];
	[tilespmem:s21+$0x20] =	vst v15  }
0x83: {  	s23 =	spop (v2sf);
	v15 =	vld [tilespmem:s21+$0xA0];
	[tilespmem:s21+$0x30] =	vst v12  }
0x84: {  	v12 =	vld [tilespmem:s23+$0x19400]  }
0x85: {  	v19 =	vld [tilespmem:s23+$0x19410]  }
0x86: {  	v20 =	vld [tilespmem:s23+$0x19420]  }
0x87: {  	v23 =	vld [tilespmem:s23+$0x19430]  }
0x88: {  	v4 =	vld [tilespmem:s21+$0x310]  }
0x89: {  	v13 =	vld [tilespmem:s21+$0x280];
	v11 =	vadd.f32 v12, v11  }
0x8a: {  	(v2sf) =	vpush v10, $0xB;
	v8 =	vld [tilespmem:s21+$0x320];
	v6 =	vadd.f32 v19, v6  }
0x8b: {  	v15 =	vadd.f32 v20, v15;
	v19 =	vld [tilespmem:s21+$0x110];
	[tilespmem:s21+$0x80] =	vst v11  }
0x8c: {  	v11 =	vld [tilespmem:s21+$0x100];
	[tilespmem:s21+$0x90] =	vst v6;
	v6 =	vadd.f32 v23, v18  }
0x8d: {  	[tilespmem:s21+$0xA0] =	vst v15;
	v15 =	vld [tilespmem:s21+$0x120]  }
0x8e: {  	s25 =	spop (v2sf);
	v18 =	vld [tilespmem:s21+$0x130];
	[tilespmem:s21+$0xB0] =	vst v6;
	v6 =	vshll.u32 v25, $0x9  }
0x8f: {  	v6 =	vshra.s32 v6, $0x2;
	v20 =	vld [tilespmem:s25+$0x19400]  }
0x90: {  	v23 =	vld [tilespmem:s25+$0x19410];
	(v2sf) =	vpush v6, $0x0  }
0x91: {  	v56 =	vld [tilespmem:s25+$0x19420]  }
0x92: {  	v26 =	vld [tilespmem:s25+$0x19430]  }
0x93: {  	v7 =	vld [tilespmem:s21+$0x330]  }
0x94: {  	v16 =	vld [tilespmem:s21+$0x290];
	v20 =	vadd.f32 v20, v11  }
0x95: {  	v14 =	vld [tilespmem:s21+$0x2A0];
	(v2sf) =	vpush v10, $0xC;
	v19 =	vadd.f32 v23, v19  }
0x96: {  	v9 =	vld [tilespmem:s21+$0x2B0];
	v25 =	vadd.f32 v56, v15;
	[tilespmem:s21+$0x100] =	vst v20  }
0x97: {  	v17 =	vld [tilespmem:s21+$0x210];
	v18 =	vadd.f32 v26, v18;
	[tilespmem:s21+$0x110] =	vst v19  }
0x98: {  	v12 =	vld [tilespmem:s21+$0x180];
	[tilespmem:s21+$0x120] =	vst v25  }
0x99: {  	s26 =	spop (v2sf);
	v23 =	vld [tilespmem:s21+$0x1B0];
	[tilespmem:s21+$0x130] =	vst v18  }
0x9a: {  	v18 =	vld [tilespmem:s26+$0x19400]  }
0x9b: {  	(v2sf) =	vpush v6, $0x1;
	v25 =	vld [tilespmem:s26+$0x19410]  }
0x9c: {  	v57 =	vld [tilespmem:s26+$0x19420]  }
0x9d: {  	v29 =	vld [tilespmem:s26+$0x19430]  }
0x9e: {  	v11 =	vld [tilespmem:s22+$0xFFFFFD80]  }
0x9f: {  	v20 =	vld [tilespmem:s22+$0xFFFFFC00];
	v12 =	vadd.f32 v18, v12;
	s28 =	spop (v2sf)  }
0xa0: {  	v25 =	vadd.f32 v25, v27;
	v18 =	vld [tilespmem:s28+$0x19400]  }
0xa1: {  	(v2sf) =	vpush v10, $0xD;
	v26 =	vadd.f32 v57, v28;
	[tilespmem:s21+$0x180] =	vst v12;
	v58 =	vld [tilespmem:s28+$0x19410]  }
0xa2: {  	v12 =	vadd.f32 v29, v23;
	[tilespmem:s21+$0x190] =	vst v25;
	v23 =	vld [tilespmem:s28+$0x19420]  }
0xa3: {  	[tilespmem:s21+$0x1A0] =	vst v26;
	v60 =	vld [tilespmem:s28+$0x19430]  }
0xa4: {  	v19 =	vld [tilespmem:s22+$0xFFFFFC80];
	[tilespmem:s21+$0x1B0] =	vst v12;
	s29 =	spop (v2sf)  }
0xa5: {  	v61 =	vld [tilespmem:s29+$0x19410];
	v12 =	vadd.f32 v18, v20  }
0xa6: {  	v62 =	vld [tilespmem:s29+$0x19430];
	v20 =	vadd.f32 v58, v30  }
0xa7: {  	v18 =	vld [tilespmem:s29+$0x19400];
	v23 =	vadd.f32 v23, v31;
	[tilespmem:s22+$0xFFFFFC00] =	vst v12  }
0xa8: {  	(v2sf) =	vpush v6, $0x2;
	v25 =	vadd.f32 v60, v59;
	v12 =	vld [tilespmem:s29+$0x19420];
	[tilespmem:s22+$0xFFFFFC10] =	vst v20  }
0xa9: {  	v20 =	vld [tilespmem:s22+$0xFFFFFC90];
	[tilespmem:s22+$0xFFFFFC20] =	vst v23  }
0xaa: {  	s30 =	spop (v2sf);
	v23 =	vld [tilespmem:s22+$0xFFFFFCA0];
	[tilespmem:s22+$0xFFFFFC30] =	vst v25  }
0xab: {  	v17 =	vadd.f32 v61, v17;
	v25 =	vld [tilespmem:s30+$0x19410]  }
0xac: {  	(v2sf) =	vpush v10, $0xE;
	v18 =	vadd.f32 v18, v21;
	v21 =	vld [tilespmem:s30+$0x19400]  }
0xad: {  	[tilespmem:s21+$0x210] =	vst v17;
	v17 =	vld [tilespmem:s30+$0x19420];
	v12 =	vadd.f32 v12, v22  }
0xae: {  	[tilespmem:s21+$0x200] =	vst v18;
	v18 =	vadd.f32 v62, v24;
	v22 =	vld [tilespmem:s22+$0xFFFFFCB0]  }
0xaf: {  	[tilespmem:s21+$0x220] =	vst v12;
	v12 =	vld [tilespmem:s30+$0x19430]  }
0xb0: {  	v15 =	vld [tilespmem:s22+$0xFFFFFD00];
	s31 =	spop (v2sf);
	[tilespmem:s21+$0x230] =	vst v18  }
0xb1: {  	v18 =	vadd.f32 v21, v19;
	v21 =	vld [tilespmem:s31+$0x19400]  }
0xb2: {  	v63 =	vld [tilespmem:s31+$0x19410]  }
0xb3: {  	(v2sf) =	vpush v6, $0x3;
	v19 =	vadd.f32 v25, v20;
	[tilespmem:s22+$0xFFFFFC80] =	vst v18;
	v18 =	vld [tilespmem:s31+$0x19420]  }
0xb4: {  	v20 =	vadd.f32 v17, v23;
	v22 =	vadd.f32 v12, v22;
	v12 =	vld [tilespmem:s31+$0x19430]  }
0xb5: {  	v17 =	vld [tilespmem:s22+$0xFFFFFD10];
	[tilespmem:s22+$0xFFFFFC90] =	vst v19  }
0xb6: {  	[tilespmem:s22+$0xFFFFFCA0] =	vst v20;
	v19 =	vld [tilespmem:s22+$0xFFFFFD20];
	v21 =	vadd.f32 v21, v13  }
0xb7: {  	(v2sf) =	vpush v10, $0xF;
	s24 =	spop (v2sf);
	v20 =	vld [tilespmem:s22+$0xFFFFFD30];
	v13 =	vadd.f32 v63, v16;
	[tilespmem:s22+$0xFFFFFCB0] =	vst v22  }
0xb8: {  	s23 =	simm.s32 $0x80;
	v16 =	vld [tilespmem:s24+$0x19400];
	v10 =	vadd.f32 v18, v14;
	[tilespmem:s21+$0x280] =	vst v21  }
.LBB2_3:
0xb9: {  	p1 =	sne.s32 s23, $0x600;
	v14 =	vld [tilespmem:s24+$0x19410];
	v9 =	vadd.f32 v12, v9;
	[tilespmem:s21+$0x290] =	vst v13  }
0xba: {  	v12 =	vld [tilespmem:s24+$0x19420];
	[tilespmem:s21+$0x2A0] =	vst v10  }
0xbb: {  	v10 =	vld [tilespmem:s24+$0x19430];
	[tilespmem:s21+$0x2B0] =	vst v9;
	s24 =	spop (v2sf)  }
0xbc: {  	v9 =	vld [tilespmem:s24+$0x19400]  }
0xbd: {  	v13 =	vadd.f32 v16, v15;
	v15 =	vld [tilespmem:s24+$0x19410]  }
0xbe: {  	v14 =	vadd.f32 v14, v17;
	v16 =	vld [tilespmem:s24+$0x19420]  }
0xbf: {  	v12 =	vadd.f32 v12, v19;
	[tilespmem:s22+$0xFFFFFD00] =	vst v13;
	(v2sf) =	vpush v6, $0x4;
	v13 =	vld [tilespmem:s24+$0x19430]  }
0xc0: {  	v10 =	vadd.f32 v10, v20;
	[tilespmem:s22+$0xFFFFFD10] =	vst v14;
	v14 =	vld [tilespmem:s22+$0xFFFFFD90]  }
0xc1: {  	[tilespmem:s22+$0xFFFFFD20] =	vst v12;
	v12 =	vld [tilespmem:s22+$0xFFFFFDA0];
	v5 =	vadd.f32 v9, v5  }
0xc2: {  	[tilespmem:s22+$0xFFFFFD30] =	vst v10;
	v9 =	vld [tilespmem:s22+$0xFFFFFDB0];
	s24 =	spop (v2sf);
	v4 =	vadd.f32 v15, v4  }
0xc3: {  	v10 =	vld [tilespmem:s24+$0x19400];
	v8 =	vadd.f32 v16, v8;
	[tilespmem:s21+$0x300] =	vst v5  }
0xc4: {  	v5 =	vld [tilespmem:s24+$0x19410];
	v7 =	vadd.f32 v13, v7;
	[tilespmem:s21+$0x310] =	vst v4  }
0xc5: {  	v4 =	vld [tilespmem:s24+$0x19420];
	[tilespmem:s21+$0x320] =	vst v8  }
0xc6: {  	v8 =	vld [tilespmem:s24+$0x19430];
	[tilespmem:s21+$0x330] =	vst v7;
	s24 =	spop (v2sf)  }
0xc7: {  	v7 =	vld [tilespmem:s24+$0x19430]  }
0xc8: {  	v10 =	vadd.f32 v10, v11;
	v11 =	vld [tilespmem:s22+$0xFFFFFE00]  }
0xc9: {  	v5 =	vadd.f32 v5, v14;
	v13 =	vld [tilespmem:s22+$0xFFFFFE10]  }
0xca: {  	v4 =	vadd.f32 v4, v12;
	[tilespmem:s22+$0xFFFFFD80] =	vst v10;
	v10 =	vld [tilespmem:s22+$0xFFFFFE20];
	(v2sf) =	vpush v6, $0x5  }
0xcb: {  	v8 =	vadd.f32 v8, v9;
	[tilespmem:s22+$0xFFFFFD90] =	vst v5;
	v5 =	vld [tilespmem:s22+$0xFFFFFE30]  }
0xcc: {  	[tilespmem:s22+$0xFFFFFDA0] =	vst v4;
	v4 =	vld [tilespmem:s24+$0x19400];
	v3 =	vadd.f32 v7, v3  }
0xcd: {  	[tilespmem:s22+$0xFFFFFDB0] =	vst v8;
	v7 =	vld [tilespmem:s24+$0x19410]  }
0xce: {  	s25 =	spop (v2sf);
	v8 =	vld [tilespmem:s24+$0x19420];
	[tilespmem:s21+$0x3B0] =	vst v3  }
0xcf: {  	v3 =	vld [tilespmem:s25+$0x19400]  }
0xd0: {  	v9 =	vld [tilespmem:s25+$0x19410]  }
0xd1: {  	v12 =	vld [tilespmem:s25+$0x19420];
	v4 =	vadd.f32 v4, v0  }
0xd2: {  	v14 =	vld [tilespmem:s25+$0x19430];
	v7 =	vadd.f32 v7, v1  }
0xd3: {  	v0 =	vld [tilespmem:s22+$0x380];
	v8 =	vadd.f32 v8, v2;
	[tilespmem:s21+$0x380] =	vst v4  }
0xd4: {  	v3 =	vadd.f32 v3, v11;
	v1 =	vld [tilespmem:s22+$0x390];
	[tilespmem:s21+$0x390] =	vst v7  }
0xd5: {  	v4 =	vadd.f32 v9, v13;
	v2 =	vld [tilespmem:s22+$0x3A0];
	(v2sf) =	vpush v6, $0x6;
	[tilespmem:s21+$0x3A0] =	vst v8;
	s21 =	smov.u32 s22  }
0xd6: {  	v7 =	vadd.f32 v12, v10;
	[tilespmem:s22+$0xFFFFFE00] =	vst v3;
	v8 =	vld [tilespmem:s22+$0xFFFFFE80]  }
0xd7: {  	v3 =	vadd.f32 v14, v5;
	[tilespmem:s22+$0xFFFFFE10] =	vst v4;
	v4 =	vld [tilespmem:s22+$0xFFFFFE90]  }
0xd8: {  	[tilespmem:s22+$0xFFFFFE20] =	vst v7;
	v7 =	vld [tilespmem:s22+$0xFFFFFEA0]  }
0xd9: {  	[tilespmem:s22+$0xFFFFFE30] =	vst v3;
	v9 =	vld [tilespmem:s22+$0xFFFFFEB0];
	s24 =	spop (v2sf)  }
0xda: {  	v5 =	vld [tilespmem:s24+$0x19400]  }
0xdb: {  	v10 =	vld [tilespmem:s24+$0x19410]  }
0xdc: {  	v11 =	vld [tilespmem:s24+$0x19420]  }
0xdd: {  	v12 =	vld [tilespmem:s24+$0x19430]  }
0xde: {  	v3 =	vld [tilespmem:s22+$0x3B0]  }
0xdf: {  	v8 =	vadd.f32 v5, v8;
	v5 =	vld [tilespmem:s22+$0x300]  }
0xe0: {  	v10 =	vadd.f32 v10, v4;
	v4 =	vld [tilespmem:s22+$0x310];
	(v2sf) =	vpush v6, $0x7  }
0xe1: {  	v7 =	vadd.f32 v11, v7;
	[tilespmem:s22+$0xFFFFFE80] =	vst v8;
	v11 =	vld [tilespmem:s22+$0xFFFFFF00]  }
0xe2: {  	v8 =	vadd.f32 v12, v9;
	[tilespmem:s22+$0xFFFFFE90] =	vst v10;
	v9 =	vld [tilespmem:s22+$0xFFFFFF10]  }
0xe3: {  	[tilespmem:s22+$0xFFFFFEA0] =	vst v7;
	v12 =	vld [tilespmem:s22+$0xFFFFFF20]  }
0xe4: {  	[tilespmem:s22+$0xFFFFFEB0] =	vst v8;
	v13 =	vld [tilespmem:s22+$0xFFFFFF30];
	s24 =	spop (v2sf)  }
0xe5: {  	v7 =	vld [tilespmem:s24+$0x19400]  }
0xe6: {  	v10 =	vld [tilespmem:s24+$0x19410]  }
0xe7: {  	v14 =	vld [tilespmem:s24+$0x19420]  }
0xe8: {  	v15 =	vld [tilespmem:s24+$0x19430]  }
0xe9: {  	v8 =	vld [tilespmem:s22+$0x320]  }
0xea: {  	v11 =	vadd.f32 v7, v11;
	v7 =	vld [tilespmem:s22+$0x330]  }
0xeb: {  	v9 =	vadd.f32 v10, v9;
	v10 =	vld [tilespmem:s22+$0x280];
	(v2sf) =	vpush v6, $0x8  }
0xec: {  	v12 =	vadd.f32 v14, v12;
	[tilespmem:s22+$0xFFFFFF00] =	vst v11;
	v11 =	vld [tilespmem:s22+$0xFFFFFF80]  }
0xed: {  	v13 =	vadd.f32 v15, v13;
	[tilespmem:s22+$0xFFFFFF10] =	vst v9;
	v9 =	vld [tilespmem:s22+$0xFFFFFF90]  }
0xee: {  	[tilespmem:s22+$0xFFFFFF20] =	vst v12;
	v12 =	vld [tilespmem:s22+$0xFFFFFFA0]  }
0xef: {  	[tilespmem:s22+$0xFFFFFF30] =	vst v13;
	v15 =	vld [tilespmem:s22+$0xFFFFFFB0];
	s24 =	spop (v2sf)  }
0xf0: {  	v14 =	vld [tilespmem:s24+$0x19400]  }
0xf1: {  	v16 =	vld [tilespmem:s24+$0x19410]  }
0xf2: {  	v17 =	vld [tilespmem:s24+$0x19420]  }
0xf3: {  	v18 =	vld [tilespmem:s24+$0x19430]  }
0xf4: {  	v13 =	vld [tilespmem:s22+$0x290]  }
0xf5: {  	v11 =	vadd.f32 v14, v11;
	v14 =	vld [tilespmem:s22+$0x2A0]  }
0xf6: {  	v16 =	vadd.f32 v16, v9;
	v9 =	vld [tilespmem:s22+$0x2B0];
	(v2sf) =	vpush v6, $0x9  }
0xf7: {  	v12 =	vadd.f32 v17, v12;
	[tilespmem:s22+$0xFFFFFF80] =	vst v11;
	v11 =	vld [tilespmem:s22+$0x0]  }
0xf8: {  	v15 =	vadd.f32 v18, v15;
	[tilespmem:s22+$0xFFFFFF90] =	vst v16;
	v18 =	vld [tilespmem:s22+$0x10]  }
0xf9: {  	[tilespmem:s22+$0xFFFFFFA0] =	vst v12;
	v19 =	vld [tilespmem:s22+$0x20]  }
0xfa: {  	[tilespmem:s22+$0xFFFFFFB0] =	vst v15;
	v15 =	vld [tilespmem:s22+$0x30];
	s24 =	spop (v2sf)  }
0xfb: {  	v12 =	vld [tilespmem:s24+$0x19400]  }
0xfc: {  	v20 =	vld [tilespmem:s24+$0x19410]  }
0xfd: {  	v21 =	vld [tilespmem:s24+$0x19420]  }
0xfe: {  	v22 =	vld [tilespmem:s24+$0x19430]  }
0xff: {  	v17 =	vld [tilespmem:s22+$0x200]  }
0x100: {  	v11 =	vadd.f32 v12, v11;
	v16 =	vld [tilespmem:s22+$0x210]  }
0x101: {  	v18 =	vadd.f32 v20, v18;
	v12 =	vld [tilespmem:s22+$0x220];
	(v2sf) =	vpush v6, $0xA  }
0x102: {  	v19 =	vadd.f32 v21, v19;
	[tilespmem:s22+$0x0] =	vst v11;
	v11 =	vld [tilespmem:s22+$0x80]  }
0x103: {  	v15 =	vadd.f32 v22, v15;
	[tilespmem:s22+$0x10] =	vst v18;
	v18 =	vld [tilespmem:s22+$0x90]  }
0x104: {  	[tilespmem:s22+$0x20] =	vst v19;
	v19 =	vld [tilespmem:s22+$0xA0]  }
0x105: {  	[tilespmem:s22+$0x30] =	vst v15;
	v15 =	vld [tilespmem:s22+$0xB0];
	s24 =	spop (v2sf)  }
0x106: {  	v20 =	vld [tilespmem:s24+$0x19400]  }
0x107: {  	v21 =	vld [tilespmem:s24+$0x19410]  }
0x108: {  	v22 =	vld [tilespmem:s24+$0x19420]  }
0x109: {  	v23 =	vld [tilespmem:s24+$0x19430]  }
0x10a: {  	v24 =	vld [tilespmem:s22+$0x230]  }
0x10b: {  	s24 =	sshra.s32 s23, $0x2;
	v11 =	vadd.f32 v20, v11;
	v20 =	vld [tilespmem:s22+$0x180]  }
0x10c: {  	v25 =	vld [tilespmem:s24+$0x19000];
	v18 =	vadd.f32 v21, v18;
	(v2sf) =	vpush v6, $0xB  }
0x10d: {  	v19 =	vadd.f32 v22, v19;
	[tilespmem:s22+$0x80] =	vst v11;
	v11 =	vld [tilespmem:s22+$0x100]  }
0x10e: {  	v15 =	vadd.f32 v23, v15;
	[tilespmem:s22+$0x90] =	vst v18;
	v21 =	vld [tilespmem:s22+$0x110]  }
0x10f: {  	[tilespmem:s22+$0xA0] =	vst v19;
	v19 =	vld [tilespmem:s22+$0x120]  }
0x110: {  	[tilespmem:s22+$0xB0] =	vst v15;
	v22 =	vld [tilespmem:s22+$0x130];
	s24 =	spop (v2sf)  }
0x111: {  	v15 =	vshll.u32 v25, $0x9;
	v23 =	vld [tilespmem:s24+$0x19400]  }
0x112: {  	v18 =	vshra.s32 v15, $0x2;
	v15 =	vld [tilespmem:s24+$0x19410]  }
0x113: {  	(v2sf) =	vpush v18, $0x0;
	v25 =	vld [tilespmem:s24+$0x19420]  }
0x114: {  	v26 =	vld [tilespmem:s24+$0x19430]  }
0x115: {  	v27 =	vld [tilespmem:s22+$0x190]  }
0x116: {  	v23 =	vadd.f32 v23, v11;
	v28 =	vld [tilespmem:s22+$0x1A0]  }
0x117: {  	s22 =	sadd.s32 $0x800, s22;
	v21 =	vadd.f32 v15, v21;
	v29 =	vld [tilespmem:s21+$0x1B0];
	(v2sf) =	vpush v6, $0xC  }
0x118: {  	v11 =	vld [tilespmem:s22+$0xFFFFFD80];
	v19 =	vadd.f32 v25, v19;
	[tilespmem:s21+$0x100] =	vst v23  }
0x119: {  	v15 =	vld [tilespmem:s22+$0xFFFFFD00];
	v22 =	vadd.f32 v26, v22;
	[tilespmem:s21+$0x110] =	vst v21  }
0x11a: {  	v21 =	vld [tilespmem:s22+$0xFFFFFC80];
	[tilespmem:s21+$0x120] =	vst v19  }
0x11b: {  	v19 =	vld [tilespmem:s22+$0xFFFFFC00];
	[tilespmem:s21+$0x130] =	vst v22;
	s24 =	spop (v2sf)  }
0x11c: {  	v22 =	vld [tilespmem:s24+$0x19400]  }
0x11d: {  	v23 =	vld [tilespmem:s24+$0x19410]  }
0x11e: {  	(v2sf) =	vpush v18, $0x1;
	v25 =	vld [tilespmem:s24+$0x19420]  }
0x11f: {  	v26 =	vld [tilespmem:s24+$0x19430]  }
0x120: {  	v30 =	vld [tilespmem:s22+$0xFFFFFC10]  }
0x121: {  	v31 =	vld [tilespmem:s22+$0xFFFFFC20];
	v20 =	vadd.f32 v22, v20  }
0x122: {  	v22 =	vld [tilespmem:s22+$0xFFFFFC30];
	s24 =	spop (v2sf);
	v23 =	vadd.f32 v23, v27;
	(v2sf) =	vpush v6, $0xD  }
0x123: {  	v27 =	vld [tilespmem:s24+$0x19400];
	v25 =	vadd.f32 v25, v28;
	[tilespmem:s21+$0x180] =	vst v20  }
0x124: {  	v20 =	vld [tilespmem:s24+$0x19410];
	v26 =	vadd.f32 v26, v29;
	[tilespmem:s21+$0x190] =	vst v23  }
0x125: {  	v23 =	vld [tilespmem:s24+$0x19420];
	[tilespmem:s21+$0x1A0] =	vst v25  }
0x126: {  	v25 =	vld [tilespmem:s24+$0x19430];
	[tilespmem:s21+$0x1B0] =	vst v26;
	s24 =	spop (v2sf)  }
0x127: {  	v26 =	vld [tilespmem:s24+$0x19400]  }
0x128: {  	v19 =	vadd.f32 v27, v19;
	v27 =	vld [tilespmem:s24+$0x19410]  }
0x129: {  	v20 =	vadd.f32 v20, v30;
	(v2sf) =	vpush v18, $0x2;
	v28 =	vld [tilespmem:s24+$0x19420]  }
0x12a: {  	v23 =	vadd.f32 v23, v31;
	[tilespmem:s22+$0xFFFFFC00] =	vst v19;
	v19 =	vld [tilespmem:s24+$0x19430]  }
0x12b: {  	v22 =	vadd.f32 v25, v22;
	[tilespmem:s22+$0xFFFFFC10] =	vst v20;
	v20 =	vld [tilespmem:s22+$0xFFFFFC90]  }
0x12c: {  	[tilespmem:s22+$0xFFFFFC20] =	vst v23;
	v23 =	vld [tilespmem:s22+$0xFFFFFCA0];
	v17 =	vadd.f32 v26, v17  }
0x12d: {  	[tilespmem:s22+$0xFFFFFC30] =	vst v22;
	v22 =	vld [tilespmem:s22+$0xFFFFFCB0];
	s24 =	spop (v2sf);
	v16 =	vadd.f32 v27, v16;
	(v2sf) =	vpush v6, $0xE  }
0x12e: {  	v25 =	vld [tilespmem:s24+$0x19400];
	v12 =	vadd.f32 v28, v12;
	[tilespmem:s21+$0x200] =	vst v17  }
0x12f: {  	v17 =	vld [tilespmem:s24+$0x19410];
	v19 =	vadd.f32 v19, v24;
	[tilespmem:s21+$0x210] =	vst v16  }
0x130: {  	v16 =	vld [tilespmem:s24+$0x19420];
	[tilespmem:s21+$0x220] =	vst v12  }
0x131: {  	v24 =	vld [tilespmem:s24+$0x19430];
	[tilespmem:s21+$0x230] =	vst v19;
	s24 =	spop (v2sf)  }
0x132: {  	v26 =	vld [tilespmem:s24+$0x19400]  }
0x133: {  	v12 =	vadd.f32 v25, v21;
	v21 =	vld [tilespmem:s24+$0x19410]  }
0x134: {  	v17 =	vadd.f32 v17, v20;
	(v2sf) =	vpush v18, $0x3;
	v25 =	vld [tilespmem:s24+$0x19420]  }
.Ltmp0:
0x135: {  	v16 =	vadd.f32 v16, v23;
	[tilespmem:s22+$0xFFFFFC80] =	vst v12;
	v12 =	vld [tilespmem:s24+$0x19430];
	(pc) =	sbr.rel @p1 .LBB2_3-.Ltmp0, $4  }
0x136: {  	v20 =	vadd.f32 v24, v22;
	[tilespmem:s22+$0xFFFFFC90] =	vst v17;
	v17 =	vld [tilespmem:s22+$0xFFFFFD10]  }
0x137: {  	[tilespmem:s22+$0xFFFFFCA0] =	vst v16;
	v19 =	vld [tilespmem:s22+$0xFFFFFD20];
	v22 =	vadd.f32 v26, v10  }
0x138: {  	[tilespmem:s22+$0xFFFFFCB0] =	vst v20;
	v20 =	vld [tilespmem:s22+$0xFFFFFD30];
	s24 =	spop (v2sf);
	v13 =	vadd.f32 v21, v13;
	(v2sf) =	vpush v6, $0xF;
	v6 =	vmov v18  }
0x139: {  	s23 =	sadd.s32 $0x40, s23;
	v16 =	vld [tilespmem:s24+$0x19400];
	v10 =	vadd.f32 v25, v14;
	[tilespmem:s21+$0x280] =	vst v22  }
0x13a: {  	v14 =	vld [tilespmem:s24+$0x19410]  }
0x13b: {  	v21 =	vld [tilespmem:s24+$0x19430]  }
0x13c: {  	v18 =	vld [tilespmem:s24+$0x19420];
	_ =	sdelay $0x1  }
0x13d: {  	v15 =	vadd.f32 v16, v15  }
0x13e: {  	(v2sf) =	vpush v6, $0x4;
	v14 =	vadd.f32 v14, v17  }
0x13f: {  	v16 =	vadd.f32 v21, v20;
	[tilespmem:s22+$0xFFFFFD00] =	vst v15  }
0x140: {  	v17 =	vld [tilespmem:s22+$0xFFFFFDB0];
	v15 =	vadd.f32 v18, v19;
	[tilespmem:s22+$0xFFFFFD10] =	vst v14  }
0x141: {  	s24 =	spop (v2sf);
	v14 =	vld [tilespmem:s22+$0xFFFFFD90];
	[tilespmem:s22+$0xFFFFFD30] =	vst v16  }
0x142: {  	[tilespmem:s22+$0xFFFFFD20] =	vst v15;
	v15 =	vld [tilespmem:s22+$0xFFFFFDA0];
	s23 =	spop (v2sf)  }
0x143: {  	v16 =	vld [tilespmem:s23+$0x19400]  }
0x144: {  	v18 =	vld [tilespmem:s23+$0x19410]  }
0x145: {  	v19 =	vld [tilespmem:s23+$0x19420]  }
0x146: {  	v20 =	vld [tilespmem:s23+$0x19430];
	_ =	sdelay $0x1  }
0x147: {  	v11 =	vadd.f32 v16, v11  }
0x148: {  	(v2sf) =	vpush v6, $0x5;
	v14 =	vadd.f32 v18, v14  }
0x149: {  	v21 =	vld [tilespmem:s22+$0xFFFFFE10];
	[tilespmem:s22+$0xFFFFFD80] =	vst v11;
	v11 =	vadd.f32 v19, v15  }
0x14a: {  	v16 =	vld [tilespmem:s22+$0xFFFFFE00];
	[tilespmem:s22+$0xFFFFFD90] =	vst v14;
	v14 =	vadd.f32 v20, v17  }
0x14b: {  	s23 =	spop (v2sf);
	v18 =	vld [tilespmem:s22+$0xFFFFFE20];
	[tilespmem:s22+$0xFFFFFDA0] =	vst v11  }
0x14c: {  	s25 =	spop (v2sf);
	v17 =	vld [tilespmem:s22+$0xFFFFFE30];
	[tilespmem:s22+$0xFFFFFDB0] =	vst v14  }
0x14d: {  	v14 =	vld [tilespmem:s25+$0x19400]  }
0x14e: {  	v19 =	vld [tilespmem:s25+$0x19410]  }
0x14f: {  	v22 =	vld [tilespmem:s25+$0x19430]  }
0x150: {  	v20 =	vld [tilespmem:s25+$0x19420];
	_ =	sdelay $0x1  }
0x151: {  	v16 =	vadd.f32 v14, v16  }
0x152: {  	(v2sf) =	vpush v6, $0x6;
	v19 =	vadd.f32 v19, v21  }
0x153: {  	v21 =	vld [tilespmem:s22+$0xFFFFFE80];
	v17 =	vadd.f32 v22, v17;
	[tilespmem:s22+$0xFFFFFE00] =	vst v16  }
0x154: {  	v22 =	vld [tilespmem:s22+$0xFFFFFEB0];
	v16 =	vadd.f32 v20, v18;
	[tilespmem:s22+$0xFFFFFE10] =	vst v19  }
0x155: {  	v19 =	vld [tilespmem:s22+$0xFFFFFE90];
	[tilespmem:s22+$0xFFFFFE30] =	vst v17  }
0x156: {  	s28 =	spop (v2sf);
	v20 =	vld [tilespmem:s22+$0xFFFFFEA0];
	[tilespmem:s22+$0xFFFFFE20] =	vst v16  }
0x157: {  	v17 =	vld [tilespmem:s28+$0x19400]  }
0x158: {  	v23 =	vld [tilespmem:s28+$0x19410]  }
0x159: {  	v24 =	vld [tilespmem:s28+$0x19420]  }
0x15a: {  	v25 =	vld [tilespmem:s28+$0x19430];
	_ =	sdelay $0x1  }
0x15b: {  	v21 =	vadd.f32 v17, v21  }
0x15c: {  	(v2sf) =	vpush v6, $0x7;
	v19 =	vadd.f32 v23, v19  }
0x15d: {  	v47 =	vld [tilespmem:s22+$0xFFFFFF30];
	v20 =	vadd.f32 v24, v20;
	[tilespmem:s22+$0xFFFFFE80] =	vst v21  }
0x15e: {  	v23 =	vld [tilespmem:s22+$0xFFFFFF10];
	[tilespmem:s22+$0xFFFFFE90] =	vst v19;
	v19 =	vadd.f32 v25, v22  }
0x15f: {  	v21 =	vld [tilespmem:s22+$0xFFFFFF00];
	[tilespmem:s22+$0xFFFFFEA0] =	vst v20  }
0x160: {  	s29 =	spop (v2sf);
	v22 =	vld [tilespmem:s22+$0xFFFFFF20];
	[tilespmem:s22+$0xFFFFFEB0] =	vst v19  }
0x161: {  	v19 =	vld [tilespmem:s29+$0x19400]  }
0x162: {  	v48 =	vld [tilespmem:s29+$0x19410]  }
0x163: {  	v26 =	vld [tilespmem:s29+$0x19420]  }
0x164: {  	v27 =	vld [tilespmem:s29+$0x19430];
	_ =	sdelay $0x1  }
0x165: {  	v21 =	vadd.f32 v19, v21  }
0x166: {  	(v2sf) =	vpush v6, $0x8;
	v23 =	vadd.f32 v48, v23  }
0x167: {  	v49 =	vld [tilespmem:s22+$0xFFFFFFB0];
	v22 =	vadd.f32 v26, v22;
	[tilespmem:s22+$0xFFFFFF00] =	vst v21  }
0x168: {  	v24 =	vadd.f32 v27, v47;
	v21 =	vld [tilespmem:s22+$0xFFFFFF80];
	[tilespmem:s22+$0xFFFFFF10] =	vst v23  }
0x169: {  	v23 =	vld [tilespmem:s22+$0xFFFFFF90];
	[tilespmem:s22+$0xFFFFFF20] =	vst v22  }
0x16a: {  	s30 =	spop (v2sf);
	v22 =	vld [tilespmem:s22+$0xFFFFFFA0];
	[tilespmem:s22+$0xFFFFFF30] =	vst v24  }
0x16b: {  	v50 =	vld [tilespmem:s30+$0x19400]  }
0x16c: {  	v51 =	vld [tilespmem:s30+$0x19410]  }
0x16d: {  	v52 =	vld [tilespmem:s30+$0x19420]  }
0x16e: {  	v29 =	vld [tilespmem:s30+$0x19430];
	_ =	sdelay $0x1  }
0x16f: {  	v21 =	vadd.f32 v50, v21  }
0x170: {  	(v2sf) =	vpush v6, $0x9;
	v23 =	vadd.f32 v51, v23  }
0x171: {  	v54 =	vld [tilespmem:s22+$0x30];
	v22 =	vadd.f32 v52, v22;
	[tilespmem:s22+$0xFFFFFF80] =	vst v21  }
0x172: {  	v24 =	vadd.f32 v29, v49;
	v21 =	vld [tilespmem:s22+$0x0];
	[tilespmem:s22+$0xFFFFFF90] =	vst v23  }
0x173: {  	v23 =	vld [tilespmem:s22+$0x10];
	[tilespmem:s22+$0xFFFFFFA0] =	vst v22  }
0x174: {  	s31 =	spop (v2sf);
	v22 =	vld [tilespmem:s22+$0x20];
	[tilespmem:s22+$0xFFFFFFB0] =	vst v24  }
0x175: {  	v55 =	vld [tilespmem:s31+$0x19400]  }
0x176: {  	v56 =	vld [tilespmem:s31+$0x19410]  }
0x177: {  	v57 =	vld [tilespmem:s31+$0x19420]  }
0x178: {  	v32 =	vld [tilespmem:s31+$0x19430];
	_ =	sdelay $0x1  }
0x179: {  	v21 =	vadd.f32 v55, v21  }
0x17a: {  	(v2sf) =	vpush v6, $0xA;
	v23 =	vadd.f32 v56, v23  }
0x17b: {  	v59 =	vld [tilespmem:s22+$0xB0];
	v22 =	vadd.f32 v57, v22;
	[tilespmem:s22+$0x0] =	vst v21  }
0x17c: {  	v24 =	vadd.f32 v32, v54;
	v21 =	vld [tilespmem:s22+$0x80];
	[tilespmem:s22+$0x10] =	vst v23  }
0x17d: {  	v23 =	vld [tilespmem:s22+$0x90];
	[tilespmem:s22+$0x20] =	vst v22  }
0x17e: {  	s26 =	spop (v2sf);
	v22 =	vld [tilespmem:s22+$0xA0];
	[tilespmem:s22+$0x30] =	vst v24  }
0x17f: {  	v24 =	vld [tilespmem:s26+$0x19400]  }
0x180: {  	v60 =	vld [tilespmem:s26+$0x19410]  }
0x181: {  	v61 =	vld [tilespmem:s26+$0x19420]  }
0x182: {  	v35 =	vld [tilespmem:s26+$0x19430];
	_ =	sdelay $0x1  }
0x183: {  	v21 =	vadd.f32 v24, v21  }
0x184: {  	(v2sf) =	vpush v6, $0xB;
	v23 =	vadd.f32 v60, v23  }
0x185: {  	v63 =	vld [tilespmem:s22+$0x130];
	v22 =	vadd.f32 v61, v22;
	[tilespmem:s22+$0x80] =	vst v21  }
0x186: {  	v27 =	vadd.f32 v35, v59;
	v21 =	vld [tilespmem:s22+$0x100];
	[tilespmem:s22+$0x90] =	vst v23  }
0x187: {  	v23 =	vld [tilespmem:s22+$0x110];
	[tilespmem:s22+$0xA0] =	vst v22  }
0x188: {  	s28 =	spop (v2sf);
	v22 =	vld [tilespmem:s22+$0x120];
	[tilespmem:s22+$0xB0] =	vst v27  }
0x189: {  	v40 =	vld [tilespmem:s28+$0x19400]  }
0x18a: {  	v41 =	vld [tilespmem:s28+$0x19410]  }
0x18b: {  	v42 =	vld [tilespmem:s28+$0x19420]  }
0x18c: {  	v37 =	vld [tilespmem:s28+$0x19430];
	_ =	sdelay $0x1  }
0x18d: {  	v21 =	vadd.f32 v40, v21  }
0x18e: {  	(v2sf) =	vpush v6, $0xC;
	v23 =	vadd.f32 v41, v23  }
0x18f: {  	v62 =	vld [tilespmem:s22+$0x180];
	v22 =	vadd.f32 v42, v22;
	[tilespmem:s22+$0x100] =	vst v21  }
0x190: {  	v38 =	vld [tilespmem:s22+$0x190];
	v21 =	vadd.f32 v37, v63;
	[tilespmem:s22+$0x110] =	vst v23  }
0x191: {  	v43 =	vld [tilespmem:s22+$0x1A0];
	[tilespmem:s22+$0x120] =	vst v22  }
0x192: {  	v44 =	vld [tilespmem:s22+$0x1B0];
	s29 =	spop (v2sf);
	[tilespmem:s22+$0x130] =	vst v21  }
0x193: {  	v21 =	vld [tilespmem:s29+$0x19400]  }
0x194: {  	v22 =	vld [tilespmem:s29+$0x19410]  }
0x195: {  	v23 =	vld [tilespmem:s29+$0x19420]  }
0x196: {  	v45 =	vld [tilespmem:s29+$0x19430];
	_ =	sdelay $0x1  }
0x197: {  	v21 =	vadd.f32 v21, v62  }
0x198: {  	(v2sf) =	vpush v6, $0xD;
	v22 =	vadd.f32 v22, v38  }
0x199: {  	v33 =	vld [tilespmem:s22+$0x200];
	v23 =	vadd.f32 v23, v43;
	[tilespmem:s22+$0x180] =	vst v21  }
0x19a: {  	v58 =	vld [tilespmem:s22+$0x210];
	v21 =	vadd.f32 v45, v44;
	[tilespmem:s22+$0x190] =	vst v22  }
0x19b: {  	v34 =	vld [tilespmem:s22+$0x220];
	[tilespmem:s22+$0x1A0] =	vst v23  }
0x19c: {  	v36 =	vld [tilespmem:s22+$0x230];
	s30 =	spop (v2sf);
	[tilespmem:s22+$0x1B0] =	vst v21  }
0x19d: {  	v21 =	vld [tilespmem:s30+$0x19400]  }
0x19e: {  	v22 =	vld [tilespmem:s30+$0x19410]  }
0x19f: {  	v23 =	vld [tilespmem:s30+$0x19420]  }
0x1a0: {  	v46 =	vld [tilespmem:s30+$0x19430];
	_ =	sdelay $0x1  }
0x1a1: {  	v28 =	vld [tilespmem:s22+$0x280];
	v21 =	vadd.f32 v21, v33  }
0x1a2: {  	v30 =	vld [tilespmem:s22+$0x290];
	(v2sf) =	vpush v6, $0xE;
	v22 =	vadd.f32 v22, v58  }
0x1a3: {  	v53 =	vld [tilespmem:s22+$0x2A0];
	v23 =	vadd.f32 v23, v34;
	[tilespmem:s22+$0x200] =	vst v21  }
0x1a4: {  	v31 =	vld [tilespmem:s22+$0x2B0];
	v21 =	vadd.f32 v46, v36;
	[tilespmem:s22+$0x210] =	vst v22  }
0x1a5: {  	v15 =	vld [tilespmem:s22+$0x3A0];
	[tilespmem:s22+$0x220] =	vst v23  }
0x1a6: {  	v18 =	vld [tilespmem:s22+$0x300];
	s31 =	spop (v2sf);
	[tilespmem:s22+$0x230] =	vst v21  }
0x1a7: {  	v21 =	vld [tilespmem:s31+$0x19400]  }
0x1a8: {  	v22 =	vld [tilespmem:s31+$0x19410]  }
0x1a9: {  	v23 =	vld [tilespmem:s31+$0x19420]  }
0x1aa: {  	v9 =	vadd.f32 v12, v9;
	[tilespmem:s21+$0x290] =	vst v13;
	v47 =	vld [tilespmem:s31+$0x19430]  }
0x1ab: {  	[tilespmem:s21+$0x2A0] =	vst v10;
	v17 =	vld [tilespmem:s22+$0x310]  }
0x1ac: {  	[tilespmem:s21+$0x2B0] =	vst v9;
	v20 =	vld [tilespmem:s22+$0x320];
	v10 =	vadd.f32 v21, v28  }
0x1ad: {  	(v2sf) =	vpush v6, $0xF;
	v6 =	vld [tilespmem:s24+$0x19400];
	v9 =	vadd.f32 v22, v30  }
0x1ae: {  	v12 =	vadd.f32 v23, v53;
	[tilespmem:s22+$0x280] =	vst v10;
	v10 =	vld [tilespmem:s24+$0x19410]  }
0x1af: {  	v13 =	vadd.f32 v47, v31;
	[tilespmem:s22+$0x290] =	vst v9;
	v9 =	vld [tilespmem:s24+$0x19420]  }
0x1b0: {  	[tilespmem:s22+$0x2A0] =	vst v12;
	v12 =	vld [tilespmem:s24+$0x19430]  }
0x1b1: {  	v19 =	vld [tilespmem:s22+$0x330];
	s26 =	spop (v2sf);
	[tilespmem:s22+$0x2B0] =	vst v13  }
0x1b2: {  	v5 =	vadd.f32 v6, v5;
	v6 =	vld [tilespmem:s26+$0x19410]  }
0x1b3: {  	v13 =	vld [tilespmem:s26+$0x19400];
	v4 =	vadd.f32 v10, v4  }
0x1b4: {  	[tilespmem:s21+$0x300] =	vst v5;
	v5 =	vld [tilespmem:s26+$0x19430];
	v8 =	vadd.f32 v9, v8  }
0x1b5: {  	v10 =	vld [tilespmem:s26+$0x19420];
	v7 =	vadd.f32 v12, v7;
	[tilespmem:s21+$0x310] =	vst v4  }
0x1b6: {  	v11 =	vld [tilespmem:s22+$0x380];
	[tilespmem:s21+$0x320] =	vst v8  }
0x1b7: {  	v14 =	vld [tilespmem:s22+$0x390];
	v6 =	vadd.f32 v6, v17;
	[tilespmem:s21+$0x330] =	vst v7  }
0x1b8: {  	v4 =	vadd.f32 v13, v18;
	v7 =	vld [tilespmem:s23+$0x19430]  }
0x1b9: {  	v5 =	vadd.f32 v5, v19;
	[tilespmem:s22+$0x310] =	vst v6;
	v6 =	vld [tilespmem:s23+$0x19410]  }
0x1ba: {  	[tilespmem:s22+$0x300] =	vst v4;
	v4 =	vld [tilespmem:s23+$0x19400];
	v8 =	vadd.f32 v10, v20  }
0x1bb: {  	v16 =	vld [tilespmem:s22+$0x3B0];
	[tilespmem:s22+$0x330] =	vst v5  }
0x1bc: {  	s28 =	spop (v2sf);
	[tilespmem:s22+$0x320] =	vst v8;
	v8 =	vld [tilespmem:s23+$0x19420]  }
0x1bd: {  	v5 =	vld [tilespmem:s28+$0x19430]  }
0x1be: {  	v3 =	vadd.f32 v7, v3;
	v7 =	vld [tilespmem:s28+$0x19400]  }
0x1bf: {  	v1 =	vadd.f32 v6, v1;
	v0 =	vadd.f32 v4, v0;
	v4 =	vld [tilespmem:s28+$0x19410]  }
0x1c0: {  	[tilespmem:s21+$0x3B0] =	vst v3;
	v3 =	vld [tilespmem:s28+$0x19420]  }
0x1c1: {  	[tilespmem:s21+$0x390] =	vst v1;
	v2 =	vadd.f32 v8, v2  }
0x1c2: {  	[tilespmem:s21+$0x380] =	vst v0;
	v0 =	vadd.f32 v5, v16  }
0x1c3: {  	v1 =	vadd.f32 v7, v11;
	[tilespmem:s21+$0x3A0] =	vst v2  }
0x1c4: {  	[tilespmem:s22+$0x3B0] =	vst v0;
	v0 =	vadd.f32 v4, v14  }
0x1c5: {  	v2 =	vadd.f32 v3, v15;
	[tilespmem:s22+$0x380] =	vst v1  }
0x1c6: {  	[tilespmem:s22+$0x390] =	vst v0  }
0x1c7: {  	s20 =	sadd.s32 s7, s20;
	[tilespmem:s22+$0x3A0] =	vst v2  }
0x1c8: {  	[hbm4b:s20+s4] =	stream.linear.scatter [tilespmem:s4], [sflag:$0x1], $0xC800, $0x38;
	[tilespmem:$0x19C00] =	vst v63  }
0x1c9: {  	s20 =	simm.s32 @!p0 $0x2  }
0x1ca: {  	s29 =	sadd.s32 s19, s8;
	_ =	swait.ge @!p0 [sflag:s20], $0xC800  }
0x1cb: {  	s19 =	sshll.u32 s29, $0x4;
	[sflag:s20] =	ssyncset.done @!p0 $0x0  }
0x1cc: {  	s30 =	sadd.s32 s6, s19;
	s31 =	simm.s32 $0x0;
	[sflag:s20] =	ssyncadd.s32 @!p0 $0xFFFF3800  }
0x1cd: {  	[tilespmem:s13], [sflag:$0x3] =	stream.linear.gather [hbm4b:s30+s31], $0xC800, $0x38;
	[tilespmem:$0x19C00] =	vst v63  }
0x1ce: {  	_ =	swait.ge [sflag:s11], $0xC800  }
0x1cf: {  	s21 =	sshrl.u32 s29, $0x3;
	[sflag:s11] =	ssyncset.done $0x0  }
0x1d0: {  	s20 =	sadd.s32 s2, s21;
	[sflag:s11] =	ssyncadd.s32 $0xFFFF3800  }
0x1d1: {  	[tilespmem:s14], [sflag:$0x3] =	stream.linear.gather [hbm4b:s20+s31], $0x190, $0x38;
	[tilespmem:$0x19C00] =	vst v63  }
0x1d2: {  	_ =	swait.ge [sflag:s11], $0x190  }
0x1d3: {  	[sflag:s11] =	ssyncset.done $0x0  }
0x1d4: {  	s22 =	simm.s32 $0x0;
	[sflag:s11] =	ssyncadd.s32 $0xFFFFFE70  }
0x1d5: {  	v0 =	vld [tilespmem:s22+$0x19200];
	_ =	sdelay $0x4  }
0x1d6: {  	v0 =	vshll.u32 v0, $0x9  }
0x1d7: {  	v10 =	vshra.s32 v0, $0x2  }
0x1d8: {  	(v2sf) =	vpush v10, $0x0;
	_ =	sdelay $0xa  }
0x1d9: {  	s20 =	simm.s32 $0xCC00;
	(v2sf) =	vpush v10, $0x1  }
0x1da: {  	v2 =	vld [tilespmem:s20+$0xFFFFFC00]  }
0x1db: {  	v3 =	vld [tilespmem:s20+$0xFFFFFC10]  }
0x1dc: {  	v6 =	vld [tilespmem:s20+$0xFFFFFC20]  }
0x1dd: {  	v8 =	vld [tilespmem:s20+$0xFFFFFC30];
	s23 =	spop (v2sf)  }
0x1de: {  	v4 =	vld [tilespmem:s23+$0x19400]  }
0x1df: {  	v5 =	vld [tilespmem:s23+$0x19410]  }
0x1e0: {  	v9 =	vld [tilespmem:s23+$0x19430]  }
0x1e1: {  	v7 =	vld [tilespmem:s23+$0x19420];
	_ =	sdelay $0x1  }
0x1e2: {  	v2 =	vadd.f32 v4, v2  }
0x1e3: {  	(v2sf) =	vpush v10, $0x2;
	v3 =	vadd.f32 v5, v3  }
0x1e4: {  	v4 =	vld [tilespmem:s20+$0xFFFFFC80];
	v5 =	vadd.f32 v9, v8;
	[tilespmem:s20+$0xFFFFFC00] =	vst v2  }
0x1e5: {  	v8 =	vld [tilespmem:s20+$0xFFFFFCB0];
	v2 =	vadd.f32 v7, v6;
	[tilespmem:s20+$0xFFFFFC10] =	vst v3  }
0x1e6: {  	v3 =	vld [tilespmem:s20+$0xFFFFFC90];
	[tilespmem:s20+$0xFFFFFC30] =	vst v5  }
0x1e7: {  	s24 =	spop (v2sf);
	[tilespmem:s20+$0xFFFFFC20] =	vst v2;
	v2 =	vld [tilespmem:s20+$0xFFFFFCA0]  }
0x1e8: {  	v5 =	vld [tilespmem:s24+$0x19400]  }
0x1e9: {  	v6 =	vld [tilespmem:s24+$0x19410]  }
0x1ea: {  	v7 =	vld [tilespmem:s24+$0x19420]  }
0x1eb: {  	v9 =	vld [tilespmem:s24+$0x19430];
	_ =	sdelay $0x1  }
0x1ec: {  	v4 =	vadd.f32 v5, v4  }
0x1ed: {  	(v2sf) =	vpush v10, $0x3;
	v3 =	vadd.f32 v6, v3  }
0x1ee: {  	v1 =	vld [tilespmem:s20+$0xFFFFFD00];
	v2 =	vadd.f32 v7, v2;
	[tilespmem:s20+$0xFFFFFC80] =	vst v4  }
0x1ef: {  	v7 =	vld [tilespmem:s20+$0xFFFFFD30];
	[tilespmem:s20+$0xFFFFFC90] =	vst v3;
	v4 =	vadd.f32 v9, v8  }
0x1f0: {  	v3 =	vld [tilespmem:s20+$0xFFFFFD10];
	[tilespmem:s20+$0xFFFFFCA0] =	vst v2  }
0x1f1: {  	s25 =	spop (v2sf);
	v2 =	vld [tilespmem:s20+$0xFFFFFD20];
	[tilespmem:s20+$0xFFFFFCB0] =	vst v4  }
0x1f2: {  	v4 =	vld [tilespmem:s25+$0x19400]  }
0x1f3: {  	v5 =	vld [tilespmem:s25+$0x19410]  }
0x1f4: {  	v6 =	vld [tilespmem:s25+$0x19420]  }
0x1f5: {  	v8 =	vld [tilespmem:s25+$0x19430];
	_ =	sdelay $0x1  }
0x1f6: {  	v1 =	vadd.f32 v4, v1  }
0x1f7: {  	(v2sf) =	vpush v10, $0x4;
	v3 =	vadd.f32 v5, v3  }
0x1f8: {  	v0 =	vld [tilespmem:s20+$0xFFFFFD80];
	[tilespmem:s20+$0xFFFFFD00] =	vst v1;
	v1 =	vadd.f32 v6, v2  }
0x1f9: {  	v4 =	vld [tilespmem:s20+$0xFFFFFDB0];
	[tilespmem:s20+$0xFFFFFD10] =	vst v3;
	v3 =	vadd.f32 v8, v7  }
0x1fa: {  	v2 =	vld [tilespmem:s20+$0xFFFFFD90];
	[tilespmem:s20+$0xFFFFFD20] =	vst v1  }
0x1fb: {  	s26 =	spop (v2sf);
	v1 =	vld [tilespmem:s20+$0xFFFFFDA0];
	[tilespmem:s20+$0xFFFFFD30] =	vst v3  }
0x1fc: {  	v3 =	vld [tilespmem:s26+$0x19400]  }
0x1fd: {  	v5 =	vld [tilespmem:s26+$0x19410]  }
0x1fe: {  	v6 =	vld [tilespmem:s26+$0x19420]  }
0x1ff: {  	v7 =	vld [tilespmem:s26+$0x19430];
	_ =	sdelay $0x1  }
0x200: {  	v0 =	vadd.f32 v3, v0  }
0x201: {  	(v2sf) =	vpush v10, $0x5;
	v2 =	vadd.f32 v5, v2  }
0x202: {  	v8 =	vld [tilespmem:s20+$0xFFFFFE10];
	[tilespmem:s20+$0xFFFFFD80] =	vst v0;
	v0 =	vadd.f32 v6, v1  }
0x203: {  	v3 =	vld [tilespmem:s20+$0xFFFFFE00];
	[tilespmem:s20+$0xFFFFFD90] =	vst v2;
	v1 =	vadd.f32 v7, v4  }
0x204: {  	v5 =	vld [tilespmem:s20+$0xFFFFFE20];
	[tilespmem:s20+$0xFFFFFDA0] =	vst v0  }
0x205: {  	s28 =	spop (v2sf);
	v4 =	vld [tilespmem:s20+$0xFFFFFE30];
	[tilespmem:s20+$0xFFFFFDB0] =	vst v1  }
0x206: {  	v1 =	vld [tilespmem:s28+$0x19400]  }
0x207: {  	v6 =	vld [tilespmem:s28+$0x19410]  }
0x208: {  	v9 =	vld [tilespmem:s28+$0x19430]  }
0x209: {  	v7 =	vld [tilespmem:s28+$0x19420];
	_ =	sdelay $0x1  }
0x20a: {  	v21 =	vld [tilespmem:s20+$0x200];
	v3 =	vadd.f32 v1, v3  }
0x20b: {  	v22 =	vld [tilespmem:s20+$0x220];
	(v2sf) =	vpush v10, $0x6;
	v6 =	vadd.f32 v6, v8  }
0x20c: {  	v8 =	vld [tilespmem:s20+$0xFFFFFE80];
	v4 =	vadd.f32 v9, v4;
	[tilespmem:s20+$0xFFFFFE00] =	vst v3  }
0x20d: {  	v9 =	vld [tilespmem:s20+$0xFFFFFEB0];
	v3 =	vadd.f32 v7, v5;
	[tilespmem:s20+$0xFFFFFE10] =	vst v6  }
0x20e: {  	v6 =	vld [tilespmem:s20+$0xFFFFFE90];
	[tilespmem:s20+$0xFFFFFE30] =	vst v4  }
0x20f: {  	s29 =	spop (v2sf);
	v7 =	vld [tilespmem:s20+$0xFFFFFEA0];
	[tilespmem:s20+$0xFFFFFE20] =	vst v3  }
0x210: {  	v4 =	vld [tilespmem:s29+$0x19400]  }
0x211: {  	v11 =	vld [tilespmem:s29+$0x19410]  }
0x212: {  	v12 =	vld [tilespmem:s29+$0x19420]  }
0x213: {  	v13 =	vld [tilespmem:s29+$0x19430]  }
0x214: {  	v48 =	vld [tilespmem:s20+$0x230]  }
0x215: {  	v52 =	vld [tilespmem:s20+$0x190];
	v8 =	vadd.f32 v4, v8  }
0x216: {  	v53 =	vld [tilespmem:s20+$0x1A0];
	(v2sf) =	vpush v10, $0x7;
	v6 =	vadd.f32 v11, v6  }
0x217: {  	v11 =	vld [tilespmem:s20+$0xFFFFFF00];
	v7 =	vadd.f32 v12, v7;
	[tilespmem:s20+$0xFFFFFE80] =	vst v8  }
0x218: {  	v12 =	vld [tilespmem:s20+$0xFFFFFF30];
	[tilespmem:s20+$0xFFFFFE90] =	vst v6;
	v8 =	vadd.f32 v13, v9  }
0x219: {  	v6 =	vld [tilespmem:s20+$0xFFFFFF10];
	[tilespmem:s20+$0xFFFFFEA0] =	vst v7  }
0x21a: {  	s30 =	spop (v2sf);
	v9 =	vld [tilespmem:s20+$0xFFFFFF20];
	[tilespmem:s20+$0xFFFFFEB0] =	vst v8  }
0x21b: {  	v7 =	vld [tilespmem:s30+$0x19400]  }
0x21c: {  	v14 =	vld [tilespmem:s30+$0x19410]  }
0x21d: {  	v15 =	vld [tilespmem:s30+$0x19420]  }
0x21e: {  	s21 =	simm.s32 $0xD400;
	v16 =	vld [tilespmem:s30+$0x19430]  }
0x21f: {  	v56 =	vld [tilespmem:s21+$0xFFFFFC10]  }
0x220: {  	v58 =	vld [tilespmem:s21+$0xFFFFFC20];
	v11 =	vadd.f32 v7, v11  }
0x221: {  	v59 =	vld [tilespmem:s21+$0xFFFFFC30];
	(v2sf) =	vpush v10, $0x8;
	v6 =	vadd.f32 v14, v6  }
0x222: {  	v9 =	vadd.f32 v15, v9;
	v15 =	vld [tilespmem:s20+$0xFFFFFFA0];
	[tilespmem:s20+$0xFFFFFF00] =	vst v11  }
0x223: {  	v12 =	vadd.f32 v16, v12;
	v11 =	vld [tilespmem:s20+$0xFFFFFF80];
	[tilespmem:s20+$0xFFFFFF10] =	vst v6  }
0x224: {  	v6 =	vld [tilespmem:s20+$0xFFFFFF90];
	[tilespmem:s20+$0xFFFFFF20] =	vst v9  }
0x225: {  	s31 =	spop (v2sf);
	[tilespmem:s20+$0xFFFFFF30] =	vst v12;
	v12 =	vld [tilespmem:s20+$0xFFFFFFB0]  }
0x226: {  	v9 =	vld [tilespmem:s31+$0x19400]  }
0x227: {  	v17 =	vld [tilespmem:s31+$0x19410]  }
0x228: {  	v18 =	vld [tilespmem:s31+$0x19420]  }
0x229: {  	s24 =	simm.s32 $0x10;
	v19 =	vld [tilespmem:s31+$0x19430]  }
0x22a: {  	v49 =	vld [tilespmem:s24+$0x19200]  }
0x22b: {  	v2 =	vld [tilespmem:s20+$0x3A0];
	v11 =	vadd.f32 v9, v11  }
0x22c: {  	v0 =	vld [tilespmem:s20+$0x380];
	(v2sf) =	vpush v10, $0x9;
	v6 =	vadd.f32 v17, v6  }
0x22d: {  	v15 =	vadd.f32 v18, v15;
	[tilespmem:s20+$0xFFFFFF80] =	vst v11;
	v11 =	vld [tilespmem:s20+$0x0]  }
0x22e: {  	v12 =	vadd.f32 v19, v12;
	[tilespmem:s20+$0xFFFFFF90] =	vst v6;
	v6 =	vld [tilespmem:s20+$0x10]  }
0x22f: {  	[tilespmem:s20+$0xFFFFFFA0] =	vst v15;
	v15 =	vld [tilespmem:s20+$0x20]  }
0x230: {  	s22 =	spop (v2sf);
	[tilespmem:s20+$0xFFFFFFB0] =	vst v12;
	v12 =	vld [tilespmem:s20+$0x30]  }
0x231: {  	v17 =	vld [tilespmem:s22+$0x19400]  }
0x232: {  	v18 =	vld [tilespmem:s22+$0x19410]  }
0x233: {  	v19 =	vld [tilespmem:s22+$0x19420]  }
0x234: {  	v20 =	vld [tilespmem:s22+$0x19430]  }
0x235: {  	v1 =	vld [tilespmem:s20+$0x390]  }
0x236: {  	v5 =	vld [tilespmem:s20+$0x300];
	v11 =	vadd.f32 v17, v11  }
0x237: {  	(v2sf) =	vpush v10, $0xA;
	v3 =	vld [tilespmem:s20+$0x3B0];
	v6 =	vadd.f32 v18, v6  }
0x238: {  	v15 =	vadd.f32 v19, v15;
	v18 =	vld [tilespmem:s20+$0xB0];
	[tilespmem:s20+$0x0] =	vst v11  }
0x239: {  	v12 =	vadd.f32 v20, v12;
	v11 =	vld [tilespmem:s20+$0x80];
	[tilespmem:s20+$0x10] =	vst v6  }
0x23a: {  	v6 =	vld [tilespmem:s20+$0x90];
	[tilespmem:s20+$0x20] =	vst v15  }
0x23b: {  	s23 =	spop (v2sf);
	v15 =	vld [tilespmem:s20+$0xA0];
	[tilespmem:s20+$0x30] =	vst v12  }
0x23c: {  	v12 =	vld [tilespmem:s23+$0x19400]  }
0x23d: {  	v19 =	vld [tilespmem:s23+$0x19410]  }
0x23e: {  	v20 =	vld [tilespmem:s23+$0x19420]  }
0x23f: {  	v23 =	vld [tilespmem:s23+$0x19430]  }
0x240: {  	v4 =	vld [tilespmem:s20+$0x310]  }
0x241: {  	v13 =	vld [tilespmem:s20+$0x280];
	v11 =	vadd.f32 v12, v11  }
0x242: {  	(v2sf) =	vpush v10, $0xB;
	v8 =	vld [tilespmem:s20+$0x320];
	v6 =	vadd.f32 v19, v6  }
0x243: {  	v15 =	vadd.f32 v20, v15;
	v19 =	vld [tilespmem:s20+$0x110];
	[tilespmem:s20+$0x80] =	vst v11  }
0x244: {  	v11 =	vld [tilespmem:s20+$0x100];
	[tilespmem:s20+$0x90] =	vst v6;
	v6 =	vadd.f32 v23, v18  }
0x245: {  	[tilespmem:s20+$0xA0] =	vst v15;
	v15 =	vld [tilespmem:s20+$0x120]  }
0x246: {  	s25 =	spop (v2sf);
	v18 =	vld [tilespmem:s20+$0x130];
	[tilespmem:s20+$0xB0] =	vst v6;
	v6 =	vshll.u32 v49, $0x9  }
0x247: {  	v6 =	vshra.s32 v6, $0x2;
	v20 =	vld [tilespmem:s25+$0x19400]  }
0x248: {  	v23 =	vld [tilespmem:s25+$0x19410];
	(v2sf) =	vpush v6, $0x0  }
0x249: {  	v50 =	vld [tilespmem:s25+$0x19420]  }
0x24a: {  	v51 =	vld [tilespmem:s25+$0x19430]  }
0x24b: {  	v7 =	vld [tilespmem:s20+$0x330]  }
0x24c: {  	v16 =	vld [tilespmem:s20+$0x290];
	v20 =	vadd.f32 v20, v11  }
0x24d: {  	v14 =	vld [tilespmem:s20+$0x2A0];
	(v2sf) =	vpush v10, $0xC;
	v19 =	vadd.f32 v23, v19  }
0x24e: {  	v9 =	vld [tilespmem:s20+$0x2B0];
	v25 =	vadd.f32 v50, v15;
	[tilespmem:s20+$0x100] =	vst v20  }
0x24f: {  	v17 =	vld [tilespmem:s20+$0x210];
	v18 =	vadd.f32 v51, v18;
	[tilespmem:s20+$0x110] =	vst v19  }
0x250: {  	v12 =	vld [tilespmem:s20+$0x180];
	[tilespmem:s20+$0x120] =	vst v25  }
0x251: {  	s26 =	spop (v2sf);
	v23 =	vld [tilespmem:s20+$0x1B0];
	[tilespmem:s20+$0x130] =	vst v18  }
0x252: {  	v18 =	vld [tilespmem:s26+$0x19400]  }
0x253: {  	(v2sf) =	vpush v6, $0x1;
	v25 =	vld [tilespmem:s26+$0x19410]  }
0x254: {  	v54 =	vld [tilespmem:s26+$0x19420]  }
0x255: {  	v55 =	vld [tilespmem:s26+$0x19430]  }
0x256: {  	v11 =	vld [tilespmem:s21+$0xFFFFFD80]  }
0x257: {  	v20 =	vld [tilespmem:s21+$0xFFFFFC00];
	v12 =	vadd.f32 v18, v12;
	s28 =	spop (v2sf)  }
0x258: {  	v25 =	vadd.f32 v25, v52;
	v18 =	vld [tilespmem:s28+$0x19400]  }
0x259: {  	(v2sf) =	vpush v10, $0xD;
	v26 =	vadd.f32 v54, v53;
	[tilespmem:s20+$0x180] =	vst v12;
	v57 =	vld [tilespmem:s28+$0x19410]  }
0x25a: {  	v12 =	vadd.f32 v55, v23;
	[tilespmem:s20+$0x190] =	vst v25;
	v23 =	vld [tilespmem:s28+$0x19420]  }
0x25b: {  	[tilespmem:s20+$0x1A0] =	vst v26;
	v60 =	vld [tilespmem:s28+$0x19430]  }
0x25c: {  	v19 =	vld [tilespmem:s21+$0xFFFFFC80];
	[tilespmem:s20+$0x1B0] =	vst v12;
	s29 =	spop (v2sf)  }
0x25d: {  	v61 =	vld [tilespmem:s29+$0x19410];
	v12 =	vadd.f32 v18, v20  }
0x25e: {  	v62 =	vld [tilespmem:s29+$0x19430];
	v20 =	vadd.f32 v57, v56  }
0x25f: {  	v18 =	vld [tilespmem:s29+$0x19400];
	v23 =	vadd.f32 v23, v58;
	[tilespmem:s21+$0xFFFFFC00] =	vst v12  }
0x260: {  	(v2sf) =	vpush v6, $0x2;
	v25 =	vadd.f32 v60, v59;
	v12 =	vld [tilespmem:s29+$0x19420];
	[tilespmem:s21+$0xFFFFFC10] =	vst v20  }
0x261: {  	v20 =	vld [tilespmem:s21+$0xFFFFFC90];
	[tilespmem:s21+$0xFFFFFC20] =	vst v23  }
0x262: {  	s30 =	spop (v2sf);
	v23 =	vld [tilespmem:s21+$0xFFFFFCA0];
	[tilespmem:s21+$0xFFFFFC30] =	vst v25  }
0x263: {  	v17 =	vadd.f32 v61, v17;
	v25 =	vld [tilespmem:s30+$0x19410]  }
0x264: {  	(v2sf) =	vpush v10, $0xE;
	v18 =	vadd.f32 v18, v21;
	v21 =	vld [tilespmem:s30+$0x19400]  }
0x265: {  	[tilespmem:s20+$0x210] =	vst v17;
	v17 =	vld [tilespmem:s30+$0x19420];
	v12 =	vadd.f32 v12, v22  }
0x266: {  	[tilespmem:s20+$0x200] =	vst v18;
	v18 =	vadd.f32 v62, v48;
	v22 =	vld [tilespmem:s21+$0xFFFFFCB0]  }
0x267: {  	[tilespmem:s20+$0x220] =	vst v12;
	v12 =	vld [tilespmem:s30+$0x19430]  }
0x268: {  	v15 =	vld [tilespmem:s21+$0xFFFFFD00];
	s31 =	spop (v2sf);
	[tilespmem:s20+$0x230] =	vst v18  }
0x269: {  	v18 =	vadd.f32 v21, v19;
	v21 =	vld [tilespmem:s31+$0x19400]  }
0x26a: {  	v63 =	vld [tilespmem:s31+$0x19410]  }
0x26b: {  	(v2sf) =	vpush v6, $0x3;
	v19 =	vadd.f32 v25, v20;
	[tilespmem:s21+$0xFFFFFC80] =	vst v18;
	v18 =	vld [tilespmem:s31+$0x19420]  }
0x26c: {  	v20 =	vadd.f32 v17, v23;
	v22 =	vadd.f32 v12, v22;
	v12 =	vld [tilespmem:s31+$0x19430]  }
0x26d: {  	v17 =	vld [tilespmem:s21+$0xFFFFFD10];
	[tilespmem:s21+$0xFFFFFC90] =	vst v19  }
0x26e: {  	[tilespmem:s21+$0xFFFFFCA0] =	vst v20;
	v19 =	vld [tilespmem:s21+$0xFFFFFD20];
	v21 =	vadd.f32 v21, v13  }
0x26f: {  	(v2sf) =	vpush v10, $0xF;
	s23 =	spop (v2sf);
	v20 =	vld [tilespmem:s21+$0xFFFFFD30];
	v13 =	vadd.f32 v63, v16;
	[tilespmem:s21+$0xFFFFFCB0] =	vst v22  }
0x270: {  	s22 =	simm.s32 $0x80;
	v16 =	vld [tilespmem:s23+$0x19400];
	v10 =	vadd.f32 v18, v14;
	[tilespmem:s20+$0x280] =	vst v21  }
.LBB2_5:
0x271: {  	p0 =	sne.s32 s22, $0x600;
	v14 =	vld [tilespmem:s23+$0x19410];
	v9 =	vadd.f32 v12, v9;
	[tilespmem:s20+$0x290] =	vst v13  }
0x272: {  	v12 =	vld [tilespmem:s23+$0x19420];
	[tilespmem:s20+$0x2A0] =	vst v10  }
0x273: {  	v10 =	vld [tilespmem:s23+$0x19430];
	[tilespmem:s20+$0x2B0] =	vst v9;
	s23 =	spop (v2sf)  }
0x274: {  	v9 =	vld [tilespmem:s23+$0x19400]  }
0x275: {  	v13 =	vadd.f32 v16, v15;
	v15 =	vld [tilespmem:s23+$0x19410]  }
0x276: {  	v14 =	vadd.f32 v14, v17;
	v16 =	vld [tilespmem:s23+$0x19420]  }
0x277: {  	v12 =	vadd.f32 v12, v19;
	[tilespmem:s21+$0xFFFFFD00] =	vst v13;
	(v2sf) =	vpush v6, $0x4;
	v13 =	vld [tilespmem:s23+$0x19430]  }
0x278: {  	v10 =	vadd.f32 v10, v20;
	[tilespmem:s21+$0xFFFFFD10] =	vst v14;
	v14 =	vld [tilespmem:s21+$0xFFFFFD90]  }
0x279: {  	[tilespmem:s21+$0xFFFFFD20] =	vst v12;
	v12 =	vld [tilespmem:s21+$0xFFFFFDA0];
	v5 =	vadd.f32 v9, v5  }
0x27a: {  	[tilespmem:s21+$0xFFFFFD30] =	vst v10;
	v9 =	vld [tilespmem:s21+$0xFFFFFDB0];
	s23 =	spop (v2sf);
	v4 =	vadd.f32 v15, v4  }
0x27b: {  	v10 =	vld [tilespmem:s23+$0x19400];
	v8 =	vadd.f32 v16, v8;
	[tilespmem:s20+$0x300] =	vst v5  }
0x27c: {  	v5 =	vld [tilespmem:s23+$0x19410];
	v7 =	vadd.f32 v13, v7;
	[tilespmem:s20+$0x310] =	vst v4  }
0x27d: {  	v4 =	vld [tilespmem:s23+$0x19420];
	[tilespmem:s20+$0x320] =	vst v8  }
0x27e: {  	v8 =	vld [tilespmem:s23+$0x19430];
	[tilespmem:s20+$0x330] =	vst v7;
	s23 =	spop (v2sf)  }
0x27f: {  	v7 =	vld [tilespmem:s23+$0x19430]  }
0x280: {  	v10 =	vadd.f32 v10, v11;
	v11 =	vld [tilespmem:s21+$0xFFFFFE00]  }
0x281: {  	v5 =	vadd.f32 v5, v14;
	v13 =	vld [tilespmem:s21+$0xFFFFFE10]  }
0x282: {  	v4 =	vadd.f32 v4, v12;
	[tilespmem:s21+$0xFFFFFD80] =	vst v10;
	v10 =	vld [tilespmem:s21+$0xFFFFFE20];
	(v2sf) =	vpush v6, $0x5  }
0x283: {  	v8 =	vadd.f32 v8, v9;
	[tilespmem:s21+$0xFFFFFD90] =	vst v5;
	v5 =	vld [tilespmem:s21+$0xFFFFFE30]  }
0x284: {  	[tilespmem:s21+$0xFFFFFDA0] =	vst v4;
	v4 =	vld [tilespmem:s23+$0x19400];
	v3 =	vadd.f32 v7, v3  }
0x285: {  	[tilespmem:s21+$0xFFFFFDB0] =	vst v8;
	v7 =	vld [tilespmem:s23+$0x19410]  }
0x286: {  	s24 =	spop (v2sf);
	v8 =	vld [tilespmem:s23+$0x19420];
	[tilespmem:s20+$0x3B0] =	vst v3  }
0x287: {  	v3 =	vld [tilespmem:s24+$0x19400]  }
0x288: {  	v9 =	vld [tilespmem:s24+$0x19410]  }
0x289: {  	v12 =	vld [tilespmem:s24+$0x19420];
	v4 =	vadd.f32 v4, v0  }
0x28a: {  	v14 =	vld [tilespmem:s24+$0x19430];
	v7 =	vadd.f32 v7, v1  }
0x28b: {  	v0 =	vld [tilespmem:s21+$0x380];
	v8 =	vadd.f32 v8, v2;
	[tilespmem:s20+$0x380] =	vst v4  }
0x28c: {  	v3 =	vadd.f32 v3, v11;
	v1 =	vld [tilespmem:s21+$0x390];
	[tilespmem:s20+$0x390] =	vst v7  }
0x28d: {  	v4 =	vadd.f32 v9, v13;
	v2 =	vld [tilespmem:s21+$0x3A0];
	(v2sf) =	vpush v6, $0x6;
	[tilespmem:s20+$0x3A0] =	vst v8;
	s20 =	smov.u32 s21  }
0x28e: {  	v7 =	vadd.f32 v12, v10;
	[tilespmem:s21+$0xFFFFFE00] =	vst v3;
	v8 =	vld [tilespmem:s21+$0xFFFFFE80]  }
0x28f: {  	v3 =	vadd.f32 v14, v5;
	[tilespmem:s21+$0xFFFFFE10] =	vst v4;
	v4 =	vld [tilespmem:s21+$0xFFFFFE90]  }
0x290: {  	[tilespmem:s21+$0xFFFFFE20] =	vst v7;
	v7 =	vld [tilespmem:s21+$0xFFFFFEA0]  }
0x291: {  	[tilespmem:s21+$0xFFFFFE30] =	vst v3;
	v9 =	vld [tilespmem:s21+$0xFFFFFEB0];
	s23 =	spop (v2sf)  }
0x292: {  	v5 =	vld [tilespmem:s23+$0x19400]  }
0x293: {  	v10 =	vld [tilespmem:s23+$0x19410]  }
0x294: {  	v11 =	vld [tilespmem:s23+$0x19420]  }
0x295: {  	v12 =	vld [tilespmem:s23+$0x19430]  }
0x296: {  	v3 =	vld [tilespmem:s21+$0x3B0]  }
0x297: {  	v8 =	vadd.f32 v5, v8;
	v5 =	vld [tilespmem:s21+$0x300]  }
0x298: {  	v10 =	vadd.f32 v10, v4;
	v4 =	vld [tilespmem:s21+$0x310];
	(v2sf) =	vpush v6, $0x7  }
0x299: {  	v7 =	vadd.f32 v11, v7;
	[tilespmem:s21+$0xFFFFFE80] =	vst v8;
	v11 =	vld [tilespmem:s21+$0xFFFFFF00]  }
0x29a: {  	v8 =	vadd.f32 v12, v9;
	[tilespmem:s21+$0xFFFFFE90] =	vst v10;
	v9 =	vld [tilespmem:s21+$0xFFFFFF10]  }
0x29b: {  	[tilespmem:s21+$0xFFFFFEA0] =	vst v7;
	v12 =	vld [tilespmem:s21+$0xFFFFFF20]  }
0x29c: {  	[tilespmem:s21+$0xFFFFFEB0] =	vst v8;
	v13 =	vld [tilespmem:s21+$0xFFFFFF30];
	s23 =	spop (v2sf)  }
0x29d: {  	v7 =	vld [tilespmem:s23+$0x19400]  }
0x29e: {  	v10 =	vld [tilespmem:s23+$0x19410]  }
0x29f: {  	v14 =	vld [tilespmem:s23+$0x19420]  }
0x2a0: {  	v15 =	vld [tilespmem:s23+$0x19430]  }
0x2a1: {  	v8 =	vld [tilespmem:s21+$0x320]  }
0x2a2: {  	v11 =	vadd.f32 v7, v11;
	v7 =	vld [tilespmem:s21+$0x330]  }
0x2a3: {  	v9 =	vadd.f32 v10, v9;
	v10 =	vld [tilespmem:s21+$0x280];
	(v2sf) =	vpush v6, $0x8  }
0x2a4: {  	v12 =	vadd.f32 v14, v12;
	[tilespmem:s21+$0xFFFFFF00] =	vst v11;
	v11 =	vld [tilespmem:s21+$0xFFFFFF80]  }
0x2a5: {  	v13 =	vadd.f32 v15, v13;
	[tilespmem:s21+$0xFFFFFF10] =	vst v9;
	v9 =	vld [tilespmem:s21+$0xFFFFFF90]  }
0x2a6: {  	[tilespmem:s21+$0xFFFFFF20] =	vst v12;
	v12 =	vld [tilespmem:s21+$0xFFFFFFA0]  }
0x2a7: {  	[tilespmem:s21+$0xFFFFFF30] =	vst v13;
	v15 =	vld [tilespmem:s21+$0xFFFFFFB0];
	s23 =	spop (v2sf)  }
0x2a8: {  	v14 =	vld [tilespmem:s23+$0x19400]  }
0x2a9: {  	v16 =	vld [tilespmem:s23+$0x19410]  }
0x2aa: {  	v17 =	vld [tilespmem:s23+$0x19420]  }
0x2ab: {  	v18 =	vld [tilespmem:s23+$0x19430]  }
0x2ac: {  	v13 =	vld [tilespmem:s21+$0x290]  }
0x2ad: {  	v11 =	vadd.f32 v14, v11;
	v14 =	vld [tilespmem:s21+$0x2A0]  }
0x2ae: {  	v16 =	vadd.f32 v16, v9;
	v9 =	vld [tilespmem:s21+$0x2B0];
	(v2sf) =	vpush v6, $0x9  }
0x2af: {  	v12 =	vadd.f32 v17, v12;
	[tilespmem:s21+$0xFFFFFF80] =	vst v11;
	v11 =	vld [tilespmem:s21+$0x0]  }
0x2b0: {  	v15 =	vadd.f32 v18, v15;
	[tilespmem:s21+$0xFFFFFF90] =	vst v16;
	v18 =	vld [tilespmem:s21+$0x10]  }
0x2b1: {  	[tilespmem:s21+$0xFFFFFFA0] =	vst v12;
	v19 =	vld [tilespmem:s21+$0x20]  }
0x2b2: {  	[tilespmem:s21+$0xFFFFFFB0] =	vst v15;
	v15 =	vld [tilespmem:s21+$0x30];
	s23 =	spop (v2sf)  }
0x2b3: {  	v12 =	vld [tilespmem:s23+$0x19400]  }
0x2b4: {  	v20 =	vld [tilespmem:s23+$0x19410]  }
0x2b5: {  	v21 =	vld [tilespmem:s23+$0x19420]  }
0x2b6: {  	v22 =	vld [tilespmem:s23+$0x19430]  }
0x2b7: {  	v17 =	vld [tilespmem:s21+$0x200]  }
0x2b8: {  	v11 =	vadd.f32 v12, v11;
	v16 =	vld [tilespmem:s21+$0x210]  }
0x2b9: {  	v18 =	vadd.f32 v20, v18;
	v12 =	vld [tilespmem:s21+$0x220];
	(v2sf) =	vpush v6, $0xA  }
0x2ba: {  	v19 =	vadd.f32 v21, v19;
	[tilespmem:s21+$0x0] =	vst v11;
	v11 =	vld [tilespmem:s21+$0x80]  }
0x2bb: {  	v15 =	vadd.f32 v22, v15;
	[tilespmem:s21+$0x10] =	vst v18;
	v18 =	vld [tilespmem:s21+$0x90]  }
0x2bc: {  	[tilespmem:s21+$0x20] =	vst v19;
	v19 =	vld [tilespmem:s21+$0xA0]  }
0x2bd: {  	[tilespmem:s21+$0x30] =	vst v15;
	v15 =	vld [tilespmem:s21+$0xB0];
	s23 =	spop (v2sf)  }
0x2be: {  	v20 =	vld [tilespmem:s23+$0x19400]  }
0x2bf: {  	v21 =	vld [tilespmem:s23+$0x19410]  }
0x2c0: {  	v22 =	vld [tilespmem:s23+$0x19420]  }
0x2c1: {  	v23 =	vld [tilespmem:s23+$0x19430]  }
0x2c2: {  	v24 =	vld [tilespmem:s21+$0x230]  }
0x2c3: {  	s23 =	sshra.s32 s22, $0x2;
	v11 =	vadd.f32 v20, v11;
	v20 =	vld [tilespmem:s21+$0x180]  }
0x2c4: {  	v25 =	vld [tilespmem:s23+$0x19200];
	v18 =	vadd.f32 v21, v18;
	(v2sf) =	vpush v6, $0xB  }
0x2c5: {  	v19 =	vadd.f32 v22, v19;
	[tilespmem:s21+$0x80] =	vst v11;
	v11 =	vld [tilespmem:s21+$0x100]  }
0x2c6: {  	v15 =	vadd.f32 v23, v15;
	[tilespmem:s21+$0x90] =	vst v18;
	v21 =	vld [tilespmem:s21+$0x110]  }
0x2c7: {  	[tilespmem:s21+$0xA0] =	vst v19;
	v19 =	vld [tilespmem:s21+$0x120]  }
0x2c8: {  	[tilespmem:s21+$0xB0] =	vst v15;
	v22 =	vld [tilespmem:s21+$0x130];
	s23 =	spop (v2sf)  }
0x2c9: {  	v15 =	vshll.u32 v25, $0x9;
	v23 =	vld [tilespmem:s23+$0x19400]  }
0x2ca: {  	v18 =	vshra.s32 v15, $0x2;
	v15 =	vld [tilespmem:s23+$0x19410]  }
0x2cb: {  	(v2sf) =	vpush v18, $0x0;
	v25 =	vld [tilespmem:s23+$0x19420]  }
0x2cc: {  	v26 =	vld [tilespmem:s23+$0x19430]  }
0x2cd: {  	v27 =	vld [tilespmem:s21+$0x190]  }
0x2ce: {  	v23 =	vadd.f32 v23, v11;
	v28 =	vld [tilespmem:s21+$0x1A0]  }
0x2cf: {  	s21 =	sadd.s32 $0x800, s21;
	v21 =	vadd.f32 v15, v21;
	v29 =	vld [tilespmem:s20+$0x1B0];
	(v2sf) =	vpush v6, $0xC  }
0x2d0: {  	v11 =	vld [tilespmem:s21+$0xFFFFFD80];
	v19 =	vadd.f32 v25, v19;
	[tilespmem:s20+$0x100] =	vst v23  }
0x2d1: {  	v15 =	vld [tilespmem:s21+$0xFFFFFD00];
	v22 =	vadd.f32 v26, v22;
	[tilespmem:s20+$0x110] =	vst v21  }
0x2d2: {  	v21 =	vld [tilespmem:s21+$0xFFFFFC80];
	[tilespmem:s20+$0x120] =	vst v19  }
0x2d3: {  	v19 =	vld [tilespmem:s21+$0xFFFFFC00];
	[tilespmem:s20+$0x130] =	vst v22;
	s23 =	spop (v2sf)  }
0x2d4: {  	v22 =	vld [tilespmem:s23+$0x19400]  }
0x2d5: {  	v23 =	vld [tilespmem:s23+$0x19410]  }
0x2d6: {  	(v2sf) =	vpush v18, $0x1;
	v25 =	vld [tilespmem:s23+$0x19420]  }
0x2d7: {  	v26 =	vld [tilespmem:s23+$0x19430]  }
0x2d8: {  	v30 =	vld [tilespmem:s21+$0xFFFFFC10]  }
0x2d9: {  	v31 =	vld [tilespmem:s21+$0xFFFFFC20];
	v20 =	vadd.f32 v22, v20  }
0x2da: {  	v22 =	vld [tilespmem:s21+$0xFFFFFC30];
	s23 =	spop (v2sf);
	v23 =	vadd.f32 v23, v27;
	(v2sf) =	vpush v6, $0xD  }
0x2db: {  	v27 =	vld [tilespmem:s23+$0x19400];
	v25 =	vadd.f32 v25, v28;
	[tilespmem:s20+$0x180] =	vst v20  }
0x2dc: {  	v20 =	vld [tilespmem:s23+$0x19410];
	v26 =	vadd.f32 v26, v29;
	[tilespmem:s20+$0x190] =	vst v23  }
0x2dd: {  	v23 =	vld [tilespmem:s23+$0x19420];
	[tilespmem:s20+$0x1A0] =	vst v25  }
0x2de: {  	v25 =	vld [tilespmem:s23+$0x19430];
	[tilespmem:s20+$0x1B0] =	vst v26;
	s23 =	spop (v2sf)  }
0x2df: {  	v26 =	vld [tilespmem:s23+$0x19400]  }
0x2e0: {  	v19 =	vadd.f32 v27, v19;
	v27 =	vld [tilespmem:s23+$0x19410]  }
0x2e1: {  	v20 =	vadd.f32 v20, v30;
	(v2sf) =	vpush v18, $0x2;
	v28 =	vld [tilespmem:s23+$0x19420]  }
0x2e2: {  	v23 =	vadd.f32 v23, v31;
	[tilespmem:s21+$0xFFFFFC00] =	vst v19;
	v19 =	vld [tilespmem:s23+$0x19430]  }
0x2e3: {  	v22 =	vadd.f32 v25, v22;
	[tilespmem:s21+$0xFFFFFC10] =	vst v20;
	v20 =	vld [tilespmem:s21+$0xFFFFFC90]  }
0x2e4: {  	[tilespmem:s21+$0xFFFFFC20] =	vst v23;
	v23 =	vld [tilespmem:s21+$0xFFFFFCA0];
	v17 =	vadd.f32 v26, v17  }
0x2e5: {  	[tilespmem:s21+$0xFFFFFC30] =	vst v22;
	v22 =	vld [tilespmem:s21+$0xFFFFFCB0];
	s23 =	spop (v2sf);
	v16 =	vadd.f32 v27, v16;
	(v2sf) =	vpush v6, $0xE  }
0x2e6: {  	v25 =	vld [tilespmem:s23+$0x19400];
	v12 =	vadd.f32 v28, v12;
	[tilespmem:s20+$0x200] =	vst v17  }
0x2e7: {  	v17 =	vld [tilespmem:s23+$0x19410];
	v19 =	vadd.f32 v19, v24;
	[tilespmem:s20+$0x210] =	vst v16  }
0x2e8: {  	v16 =	vld [tilespmem:s23+$0x19420];
	[tilespmem:s20+$0x220] =	vst v12  }
0x2e9: {  	v24 =	vld [tilespmem:s23+$0x19430];
	[tilespmem:s20+$0x230] =	vst v19;
	s23 =	spop (v2sf)  }
0x2ea: {  	v26 =	vld [tilespmem:s23+$0x19400]  }
0x2eb: {  	v12 =	vadd.f32 v25, v21;
	v21 =	vld [tilespmem:s23+$0x19410]  }
0x2ec: {  	v17 =	vadd.f32 v17, v20;
	(v2sf) =	vpush v18, $0x3;
	v25 =	vld [tilespmem:s23+$0x19420]  }
.Ltmp1:
0x2ed: {  	v16 =	vadd.f32 v16, v23;
	[tilespmem:s21+$0xFFFFFC80] =	vst v12;
	v12 =	vld [tilespmem:s23+$0x19430];
	(pc) =	sbr.rel @p0 .LBB2_5-.Ltmp1, $4  }
0x2ee: {  	v20 =	vadd.f32 v24, v22;
	[tilespmem:s21+$0xFFFFFC90] =	vst v17;
	v17 =	vld [tilespmem:s21+$0xFFFFFD10]  }
0x2ef: {  	[tilespmem:s21+$0xFFFFFCA0] =	vst v16;
	v19 =	vld [tilespmem:s21+$0xFFFFFD20];
	v22 =	vadd.f32 v26, v10  }
0x2f0: {  	[tilespmem:s21+$0xFFFFFCB0] =	vst v20;
	v20 =	vld [tilespmem:s21+$0xFFFFFD30];
	s23 =	spop (v2sf);
	v13 =	vadd.f32 v21, v13;
	(v2sf) =	vpush v6, $0xF;
	v6 =	vmov v18  }
0x2f1: {  	s22 =	sadd.s32 $0x40, s22;
	v16 =	vld [tilespmem:s23+$0x19400];
	v10 =	vadd.f32 v25, v14;
	[tilespmem:s20+$0x280] =	vst v22  }
0x2f2: {  	v14 =	vld [tilespmem:s23+$0x19410]  }
0x2f3: {  	v18 =	vld [tilespmem:s23+$0x19420]  }
0x2f4: {  	v21 =	vld [tilespmem:s23+$0x19430];
	_ =	sdelay $0x1  }
0x2f5: {  	v15 =	vadd.f32 v16, v15  }
0x2f6: {  	(v2sf) =	vpush v6, $0x4;
	v14 =	vadd.f32 v14, v17  }
0x2f7: {  	v38 =	vadd.f32 v18, v19;
	[tilespmem:s21+$0xFFFFFD00] =	vst v15  }
0x2f8: {  	v39 =	vld [tilespmem:s21+$0xFFFFFD90];
	v40 =	vadd.f32 v21, v20;
	[tilespmem:s21+$0xFFFFFD10] =	vst v14  }
0x2f9: {  	v41 =	vld [tilespmem:s21+$0xFFFFFDA0];
	s23 =	spop (v2sf);
	[tilespmem:s21+$0xFFFFFD20] =	vst v38  }
0x2fa: {  	v42 =	vld [tilespmem:s21+$0xFFFFFDB0];
	[tilespmem:s21+$0xFFFFFD30] =	vst v40;
	s22 =	spop (v2sf)  }
0x2fb: {  	v16 =	vld [tilespmem:s22+$0x19400]  }
0x2fc: {  	v43 =	vld [tilespmem:s22+$0x19410]  }
0x2fd: {  	v44 =	vld [tilespmem:s22+$0x19420]  }
0x2fe: {  	v45 =	vld [tilespmem:s22+$0x19430];
	_ =	sdelay $0x1  }
0x2ff: {  	v11 =	vadd.f32 v16, v11  }
0x300: {  	s22 =	spop (v2sf);
	(v2sf) =	vpush v6, $0x5;
	v14 =	vadd.f32 v43, v39  }
0x301: {  	v46 =	vld [tilespmem:s21+$0xFFFFFE00];
	v49 =	vadd.f32 v44, v41;
	[tilespmem:s21+$0xFFFFFD80] =	vst v11  }
0x302: {  	v47 =	vld [tilespmem:s21+$0xFFFFFE10];
	v50 =	vadd.f32 v45, v42;
	[tilespmem:s21+$0xFFFFFD90] =	vst v14  }
0x303: {  	v48 =	vld [tilespmem:s21+$0xFFFFFE20];
	[tilespmem:s21+$0xFFFFFDA0] =	vst v49  }
0x304: {  	v51 =	vld [tilespmem:s21+$0xFFFFFE30];
	s24 =	spop (v2sf);
	[tilespmem:s21+$0xFFFFFDB0] =	vst v50  }
0x305: {  	v14 =	vld [tilespmem:s24+$0x19400]  }
0x306: {  	v52 =	vld [tilespmem:s24+$0x19410]  }
0x307: {  	v53 =	vld [tilespmem:s24+$0x19420]  }
0x308: {  	v22 =	vld [tilespmem:s24+$0x19430];
	_ =	sdelay $0x1  }
0x309: {  	v16 =	vadd.f32 v14, v46  }
0x30a: {  	(v2sf) =	vpush v6, $0x6;
	v19 =	vadd.f32 v52, v47  }
0x30b: {  	v54 =	vld [tilespmem:s21+$0xFFFFFE80];
	v55 =	vadd.f32 v53, v48;
	[tilespmem:s21+$0xFFFFFE00] =	vst v16  }
0x30c: {  	v56 =	vld [tilespmem:s21+$0xFFFFFE90];
	v17 =	vadd.f32 v22, v51;
	[tilespmem:s21+$0xFFFFFE10] =	vst v19  }
0x30d: {  	v57 =	vld [tilespmem:s21+$0xFFFFFEA0];
	[tilespmem:s21+$0xFFFFFE20] =	vst v55  }
0x30e: {  	v58 =	vld [tilespmem:s21+$0xFFFFFEB0];
	[tilespmem:s21+$0xFFFFFE30] =	vst v17;
	s26 =	spop (v2sf)  }
0x30f: {  	v17 =	vld [tilespmem:s26+$0x19400]  }
0x310: {  	v23 =	vld [tilespmem:s26+$0x19410]  }
0x311: {  	v24 =	vld [tilespmem:s26+$0x19420]  }
0x312: {  	v25 =	vld [tilespmem:s26+$0x19430];
	_ =	sdelay $0x1  }
0x313: {  	v21 =	vadd.f32 v17, v54  }
0x314: {  	(v2sf) =	vpush v6, $0x7;
	v19 =	vadd.f32 v23, v56  }
0x315: {  	v59 =	vld [tilespmem:s21+$0xFFFFFF00];
	v20 =	vadd.f32 v24, v57;
	[tilespmem:s21+$0xFFFFFE80] =	vst v21  }
0x316: {  	v60 =	vld [tilespmem:s21+$0xFFFFFF10];
	v61 =	vadd.f32 v25, v58;
	[tilespmem:s21+$0xFFFFFE90] =	vst v19  }
0x317: {  	v62 =	vld [tilespmem:s21+$0xFFFFFF20];
	[tilespmem:s21+$0xFFFFFEA0] =	vst v20  }
0x318: {  	v63 =	vld [tilespmem:s21+$0xFFFFFF30];
	s28 =	spop (v2sf);
	[tilespmem:s21+$0xFFFFFEB0] =	vst v61  }
0x319: {  	v19 =	vld [tilespmem:s28+$0x19400]  }
0x31a: {  	v32 =	vld [tilespmem:s28+$0x19410]  }
0x31b: {  	v26 =	vld [tilespmem:s28+$0x19420]  }
0x31c: {  	v27 =	vld [tilespmem:s28+$0x19430];
	_ =	sdelay $0x1  }
0x31d: {  	v21 =	vadd.f32 v19, v59  }
0x31e: {  	(v2sf) =	vpush v6, $0x8;
	v23 =	vadd.f32 v32, v60  }
0x31f: {  	v33 =	vld [tilespmem:s21+$0xFFFFFF80];
	v22 =	vadd.f32 v26, v62;
	[tilespmem:s21+$0xFFFFFF00] =	vst v21  }
0x320: {  	v34 =	vld [tilespmem:s21+$0xFFFFFF90];
	v24 =	vadd.f32 v27, v63;
	[tilespmem:s21+$0xFFFFFF10] =	vst v23  }
0x321: {  	v35 =	vld [tilespmem:s21+$0xFFFFFFA0];
	[tilespmem:s21+$0xFFFFFF20] =	vst v22  }
0x322: {  	v36 =	vld [tilespmem:s21+$0xFFFFFFB0];
	s29 =	spop (v2sf);
	[tilespmem:s21+$0xFFFFFF30] =	vst v24  }
0x323: {  	v37 =	vld [tilespmem:s29+$0x19400]  }
0x324: {  	v38 =	vld [tilespmem:s29+$0x19410]  }
0x325: {  	v39 =	vld [tilespmem:s29+$0x19420]  }
0x326: {  	v29 =	vld [tilespmem:s29+$0x19430];
	_ =	sdelay $0x1  }
0x327: {  	v21 =	vadd.f32 v37, v33  }
0x328: {  	(v2sf) =	vpush v6, $0x9;
	v23 =	vadd.f32 v38, v34  }
0x329: {  	v40 =	vld [tilespmem:s21+$0x0];
	v22 =	vadd.f32 v39, v35;
	[tilespmem:s21+$0xFFFFFF80] =	vst v21  }
0x32a: {  	v41 =	vld [tilespmem:s21+$0x10];
	v24 =	vadd.f32 v29, v36;
	[tilespmem:s21+$0xFFFFFF90] =	vst v23  }
0x32b: {  	v42 =	vld [tilespmem:s21+$0x20];
	[tilespmem:s21+$0xFFFFFFA0] =	vst v22  }
0x32c: {  	v43 =	vld [tilespmem:s21+$0x30];
	s30 =	spop (v2sf);
	[tilespmem:s21+$0xFFFFFFB0] =	vst v24  }
0x32d: {  	v44 =	vld [tilespmem:s30+$0x19400]  }
0x32e: {  	v45 =	vld [tilespmem:s30+$0x19410]  }
0x32f: {  	v46 =	vld [tilespmem:s30+$0x19420]  }
0x330: {  	v32 =	vld [tilespmem:s30+$0x19430];
	_ =	sdelay $0x1  }
0x331: {  	v21 =	vadd.f32 v44, v40  }
0x332: {  	(v2sf) =	vpush v6, $0xA;
	v23 =	vadd.f32 v45, v41  }
0x333: {  	v49 =	vld [tilespmem:s21+$0x90];
	v22 =	vadd.f32 v46, v42;
	[tilespmem:s21+$0x0] =	vst v21  }
0x334: {  	v50 =	vld [tilespmem:s21+$0xA0];
	v24 =	vadd.f32 v32, v43;
	[tilespmem:s21+$0x10] =	vst v23  }
0x335: {  	v48 =	vld [tilespmem:s21+$0x80];
	[tilespmem:s21+$0x20] =	vst v22  }
0x336: {  	v51 =	vld [tilespmem:s21+$0xB0];
	s31 =	spop (v2sf);
	[tilespmem:s21+$0x30] =	vst v24  }
0x337: {  	v24 =	vld [tilespmem:s31+$0x19400]  }
0x338: {  	v52 =	vld [tilespmem:s31+$0x19410]  }
0x339: {  	v53 =	vld [tilespmem:s31+$0x19420]  }
0x33a: {  	v35 =	vld [tilespmem:s31+$0x19430];
	_ =	sdelay $0x1  }
0x33b: {  	v21 =	vadd.f32 v24, v48  }
0x33c: {  	(v2sf) =	vpush v6, $0xB;
	v23 =	vadd.f32 v52, v49  }
0x33d: {  	v55 =	vld [tilespmem:s21+$0x100];
	v22 =	vadd.f32 v53, v50;
	[tilespmem:s21+$0x80] =	vst v21  }
0x33e: {  	v56 =	vld [tilespmem:s21+$0x110];
	v27 =	vadd.f32 v35, v51;
	[tilespmem:s21+$0x90] =	vst v23  }
0x33f: {  	v57 =	vld [tilespmem:s21+$0x120];
	[tilespmem:s21+$0xA0] =	vst v22  }
0x340: {  	v58 =	vld [tilespmem:s21+$0x130];
	s25 =	spop (v2sf);
	[tilespmem:s21+$0xB0] =	vst v27  }
0x341: {  	v59 =	vld [tilespmem:s25+$0x19400]  }
0x342: {  	v60 =	vld [tilespmem:s25+$0x19410]  }
0x343: {  	v61 =	vld [tilespmem:s25+$0x19420]  }
0x344: {  	v37 =	vld [tilespmem:s25+$0x19430];
	_ =	sdelay $0x1  }
0x345: {  	v21 =	vadd.f32 v59, v55  }
0x346: {  	(v2sf) =	vpush v6, $0xC;
	v23 =	vadd.f32 v60, v56  }
0x347: {  	v54 =	vld [tilespmem:s21+$0x180];
	v22 =	vadd.f32 v61, v57;
	[tilespmem:s21+$0x100] =	vst v21  }
0x348: {  	v62 =	vld [tilespmem:s21+$0x1A0];
	v27 =	vadd.f32 v37, v58;
	[tilespmem:s21+$0x110] =	vst v23  }
0x349: {  	v63 =	vld [tilespmem:s21+$0x1B0];
	[tilespmem:s21+$0x120] =	vst v22  }
0x34a: {  	v38 =	vld [tilespmem:s21+$0x190];
	s26 =	spop (v2sf);
	[tilespmem:s21+$0x130] =	vst v27  }
0x34b: {  	v21 =	vld [tilespmem:s26+$0x19400]  }
0x34c: {  	v22 =	vld [tilespmem:s26+$0x19410]  }
0x34d: {  	v23 =	vld [tilespmem:s26+$0x19420]  }
0x34e: {  	v35 =	vld [tilespmem:s26+$0x19430];
	_ =	sdelay $0x1  }
0x34f: {  	v21 =	vadd.f32 v21, v54  }
0x350: {  	(v2sf) =	vpush v6, $0xD;
	v22 =	vadd.f32 v22, v38  }
0x351: {  	v47 =	vld [tilespmem:s21+$0x210];
	v23 =	vadd.f32 v23, v62;
	[tilespmem:s21+$0x180] =	vst v21  }
0x352: {  	v33 =	vld [tilespmem:s21+$0x200];
	v37 =	vadd.f32 v35, v63;
	[tilespmem:s21+$0x190] =	vst v22  }
0x353: {  	v34 =	vld [tilespmem:s21+$0x220];
	[tilespmem:s21+$0x1A0] =	vst v23  }
0x354: {  	v36 =	vld [tilespmem:s21+$0x230];
	s28 =	spop (v2sf);
	[tilespmem:s21+$0x1B0] =	vst v37  }
0x355: {  	v21 =	vld [tilespmem:s28+$0x19400]  }
0x356: {  	v22 =	vld [tilespmem:s28+$0x19410]  }
0x357: {  	v23 =	vld [tilespmem:s28+$0x19420]  }
0x358: {  	v38 =	vld [tilespmem:s28+$0x19430];
	_ =	sdelay $0x1  }
0x359: {  	v28 =	vld [tilespmem:s21+$0x280];
	v21 =	vadd.f32 v21, v33  }
0x35a: {  	v30 =	vld [tilespmem:s21+$0x290];
	(v2sf) =	vpush v6, $0xE;
	v22 =	vadd.f32 v22, v47  }
0x35b: {  	v31 =	vld [tilespmem:s21+$0x2B0];
	v23 =	vadd.f32 v23, v34;
	[tilespmem:s21+$0x200] =	vst v21  }
0x35c: {  	v18 =	vld [tilespmem:s21+$0x300];
	v39 =	vadd.f32 v38, v36;
	[tilespmem:s21+$0x210] =	vst v22  }
0x35d: {  	v15 =	vld [tilespmem:s21+$0x3A0];
	[tilespmem:s21+$0x220] =	vst v23  }
0x35e: {  	v25 =	vld [tilespmem:s21+$0x2A0];
	s29 =	spop (v2sf);
	[tilespmem:s21+$0x230] =	vst v39  }
0x35f: {  	v21 =	vld [tilespmem:s29+$0x19400]  }
0x360: {  	v22 =	vld [tilespmem:s29+$0x19410]  }
0x361: {  	v23 =	vld [tilespmem:s29+$0x19420]  }
0x362: {  	v40 =	vld [tilespmem:s29+$0x19430]  }
0x363: {  	v9 =	vadd.f32 v12, v9;
	[tilespmem:s20+$0x290] =	vst v13;
	v17 =	vld [tilespmem:s21+$0x310]  }
0x364: {  	[tilespmem:s20+$0x2A0] =	vst v10;
	v20 =	vld [tilespmem:s21+$0x320];
	v41 =	vadd.f32 v21, v28  }
0x365: {  	[tilespmem:s20+$0x2B0] =	vst v9;
	v19 =	vld [tilespmem:s21+$0x330];
	(v2sf) =	vpush v6, $0xF;
	v42 =	vadd.f32 v22, v30  }
0x366: {  	v43 =	vld [tilespmem:s23+$0x19400];
	v44 =	vadd.f32 v23, v25;
	[tilespmem:s21+$0x280] =	vst v41  }
0x367: {  	v45 =	vld [tilespmem:s23+$0x19410];
	v46 =	vadd.f32 v40, v31;
	[tilespmem:s21+$0x290] =	vst v42  }
0x368: {  	v48 =	vld [tilespmem:s23+$0x19430];
	[tilespmem:s21+$0x2A0] =	vst v44  }
0x369: {  	s30 =	spop (v2sf);
	v47 =	vld [tilespmem:s23+$0x19420];
	[tilespmem:s21+$0x2B0] =	vst v46  }
0x36a: {  	v13 =	vld [tilespmem:s30+$0x19400]  }
0x36b: {  	v5 =	vadd.f32 v43, v5;
	v49 =	vld [tilespmem:s30+$0x19410]  }
0x36c: {  	v4 =	vadd.f32 v45, v4;
	v50 =	vld [tilespmem:s30+$0x19420]  }
0x36d: {  	v7 =	vadd.f32 v48, v7;
	[tilespmem:s20+$0x300] =	vst v5;
	v51 =	vld [tilespmem:s30+$0x19430]  }
0x36e: {  	v11 =	vld [tilespmem:s21+$0x380];
	[tilespmem:s20+$0x310] =	vst v4;
	v8 =	vadd.f32 v47, v8  }
0x36f: {  	v14 =	vld [tilespmem:s21+$0x390];
	[tilespmem:s20+$0x330] =	vst v7;
	v52 =	vadd.f32 v13, v18  }
0x370: {  	v16 =	vld [tilespmem:s21+$0x3B0];
	[tilespmem:s20+$0x320] =	vst v8;
	v6 =	vadd.f32 v49, v17  }
0x371: {  	v7 =	vld [tilespmem:s22+$0x19430];
	v53 =	vadd.f32 v50, v20;
	[tilespmem:s21+$0x300] =	vst v52  }
0x372: {  	v54 =	vld [tilespmem:s22+$0x19400];
	v5 =	vadd.f32 v51, v19;
	[tilespmem:s21+$0x310] =	vst v6  }
0x373: {  	v55 =	vld [tilespmem:s22+$0x19410];
	[tilespmem:s21+$0x320] =	vst v53  }
0x374: {  	v56 =	vld [tilespmem:s22+$0x19420];
	s31 =	spop (v2sf);
	[tilespmem:s21+$0x330] =	vst v5  }
0x375: {  	v5 =	vld [tilespmem:s31+$0x19430]  }
0x376: {  	v3 =	vadd.f32 v7, v3;
	v57 =	vld [tilespmem:s31+$0x19400]  }
0x377: {  	v0 =	vadd.f32 v54, v0;
	v58 =	vld [tilespmem:s31+$0x19410]  }
0x378: {  	v1 =	vadd.f32 v55, v1;
	[tilespmem:s20+$0x3B0] =	vst v3;
	v59 =	vld [tilespmem:s31+$0x19420]  }
0x379: {  	v2 =	vadd.f32 v56, v2;
	[tilespmem:s20+$0x380] =	vst v0  }
0x37a: {  	s18 =	sadd.s32 $0x1, s18;
	[tilespmem:s20+$0x390] =	vst v1;
	v60 =	vadd.f32 v5, v16  }
0x37b: {  	p0 =	sne.s32 s18, $0x20;
	[tilespmem:s20+$0x3A0] =	vst v2;
	v61 =	vadd.f32 v57, v11  }
.Ltmp2:
0x37c: {  	v62 =	vadd.f32 v58, v14;
	[tilespmem:s21+$0x3B0] =	vst v60;
	(pc) =	sbr.rel @p0 .LBB2_2-.Ltmp2, $4  }
0x37d: {  	v63 =	vadd.f32 v59, v15;
	[tilespmem:s21+$0x380] =	vst v61  }
0x37e: {  	[tilespmem:s21+$0x390] =	vst v62  }
0x37f: {  	s19 =	sadd.s32 s7, s19;
	[tilespmem:s21+$0x3A0] =	vst v63  }
0x380: {  	[hbm4b:s19+s4] =	stream.linear.scatter [tilespmem:s13], [sflag:$0x2], $0xC800, $0x38;
	[tilespmem:$0x19C00] =	vst v63  }
0x381: {  	s17 =	sadd.s32 $0x1, s17  }
0x382: {  	_ =	swait.ge [sflag:s15], $0xC800;
	p0 =	sne.s32 s17, s9  }
.Ltmp3:
0x383: {  	[sflag:s15] =	ssyncset.done $0x0;
	(pc) =	sbr.rel @p0 .LBB2_1-.Ltmp3, $4  }
0x384: {  	[sflag:s15] =	ssyncadd.s32 $0xFFFF3800  }
0x385: {  	_ =	swait.ge [sflag:s16], $0xC800  }
0x386: {  	[sflag:s16] =	ssyncset.done $0x0  }
0x387: {  	[sflag:s16] =	ssyncadd.s32 $0xFFFF3800  }
0x388: {  	_ =	sfence.sel $0x180000  }
0x389: {  	[bflag:$0x0] =	sbarrier.arrive $0xFFFF  }
0x38a: {  	p0 =	sne.s32 s0, $0x0;
	_ =	strace $0x90000047  }
0x38b: {  	s0 =	sadd.s32 @!p0 $0x100000, s1;
	[bflag:$0x2] =	sbarrier.arrive $0xFFFF  }
0x38c: {  	[sflag:s0] =	ssyncadd.tile.s32 @!p0 $0x1;
	_ =	shalt  }
.Lfunc_end2:
_tile_overlayer_lowered:
.L_overlay_start_2:
0x38d: {  	(tag) =	ssettag $0x2  }
0x38e: {  	s0 =	rddreg [dreg:$0x0];
	s2 =	stileid.u32  }
0x38f: {  	s1 =	rddreg [dreg:$0x1];
	p0 =	sne.s32 s2, $0x0  }
0x390: {  	s3 =	rddreg [dreg:$0x2];
	[bflag:$0x3] =	sbarrier.arrive $0xFFFF;
	s2 =	simm.s32 @!p0 $0x1C03  }
0x391: {  	[timem:s3], [sflag:s2] =	dma.local @!p0 [hbm:s0], s1  }
0x392: {  	s0 =	simm.s32 @!p0 $0x3  }
0x393: {  	_ =	swait.ge @!p0 [sflag:s0], s1  }
0x394: {  	s1 =	ssub.s32 @!p0 $0x0, s1;
	[sflag:s0] =	ssyncset.done @!p0 $0x0  }
0x395: {  	[sflag:s0] =	ssyncadd.s32 @!p0 s1  }
0x396: {  	[bflag:$0x3] =	sbarrier.arrive $0xFFFF  }
0x397: {  	_ =	shalt  }

// kernel: sparse-core-data-format-call.cloned.1.call-start
scs
called_computation_lowered:
.L_overlay_start_0:
0x0: {  	s2 =	sld [smem:$0x3FD9]  }
0x1: {  	s3 =	sld [smem:$0x3FFE];
	_ =	sdelay $0x1  }
0x2: {  	s1 =	srdreg.scid  }
0x3: {  	s0 =	sand.u32 $0x1, s1  }
0x4: {  	s18 =	sshll.u32 s0, $0xA;
	s2 =	sadd.s32 s3, s2  }
0x5: {  	s2 =	sadd.s32 s2, s18  }
0x6: {  	[smem:$0x3FC5] =	sst s2  }
0x7: {  	_ = 	snop  }
0x8: {  	s2 =	sld [smem:$0x3FD0];
	(tm) =	ssettm $0x1  }
0x9: {  	s19 =	sld [smem:$0x3FFB];
	_ =	sdelay $0x3  }
0xa: {  	_ =	strace s19  }
0xb: {  	s3 =	sld [smem:$0x3FFC];
	_ =	sdelay $0x3  }
0xc: {  	_ =	strace s3  }
0xd: {  	s3 =	sld [smem:$0x3FFD];
	_ =	sdelay $0x3  }
0xe: {  	_ =	strace s3  }
0xf: {  	_ =	strace $0x8FFFFFFF  }
0x10: {  	s20 =	sld [smem:$0x3FDB];
	_ =	sdelay $0x1  }
0x11: {  	s4 =	simm.s32 $_scs_section_size  }
0x12: {  	s5 =	simm.s32 $_size__tile_overlayer_lowered;
	s6 =	simm.s32 $_tile_overlayer_lowered  }
0x13: {  	s23 =	simm.s32 $0x1BFF;
	s22 =	sshll.u32 s6, $0x1;
	s3 =	sadd.s32 s4, s20  }
0x14: {  	s7 =	simm.s32 $0x0;
	s21 =	sshll.u32 s5, $0x1;
	s5 =	sadd.s32 s22, s3  }
0x15: {  	[timem:s7], [sflag:s23] =	dma.local [hbm:s5], s21  }
0x16: {  	_ =	swait.ge [sflag:s23], s21  }
0x17: {  	s4 =	ssub.s32 $0x0, s21;
	[sflag:s23] =	ssyncset.done $0x0  }
0x18: {  	[sflag:s23] =	ssyncadd.s32 s4;
	_ =	sdelay $0x1  }
0x19: {  	s24 =	simm.s32 $0x1B8B  }
0x1a: {  	_ =	swait.ge [sflag:s24], $0x1  }
0x1b: {  	[sflag:s24] =	ssyncset.done $0x0  }
0x1c: {  	s26 =	simm.s32 $0x1B8E;
	s25 =	sld [smem:$0x3FFE];
	[sflag:s24] =	ssyncadd.s32 $0xFFFFFFFF  }
0x1d: {  	s27 =	simm.s32 $execute0_lowered;
	[smem:$0x3FD2] =	sst s26  }
0x1e: {  	s5 =	sshll.u32 s27, $0x1;
	_ =	strace $0x80000049;
	[dreg:$0x1] =	wrdreg $0xFFFFFFFF  }
0x1f: {  	s28 =	simm.s32 $_size_execute0_lowered;
	s3 =	sadd.s32 s3, s5;
	[dreg:$0x0] =	wrdreg $0x0  }
0x20: {  	s5 =	sshll.u32 s28, $0x1;
	[dreg:$0x2] =	wrdreg s3  }
0x21: {  	[dreg:$0x3] =	wrdreg s5  }
0x22: {  	[dreg:$0x4] =	wrdreg $0xC0  }
0x23: {  	_ =	task [dreg:s7], $0x5FFFF  }
0x24: {  	[dreg:$0x1] =	wrdreg $0xFFFFFFFF  }
0x25: {  	[dreg:$0x0] =	wrdreg $0x60  }
0x26: {  	[dreg:$0x2] =	wrdreg s25  }
0x27: {  	[dreg:$0x3] =	wrdreg s2  }
0x28: {  	[dreg:$0x4] =	wrdreg $0x9  }
0x29: {  	_ =	task.clear_ibuf [dreg:s7], $0x5FFFF;
	_ =	strace $0x90000049  }
0x2a: {  	s29 =	simm.s32 $0x9;
	_ =	strace $0x8000004B  }
0x2b: {  	_ =	swait.ge [sflag:s29], $0x1  }
0x2c: {  	[sflag:s29] =	ssyncadd.s32 $0xFFFFFFFF  }
0x2d: {  	_ =	strace $0x9000004B  }
0x2e: {  	_ =	sfence  }
0x2f: {  	s30 =	sld [smem:$0x0];
	_ =	sdelay $0x2  }
0x30: {  	s31 =	sshll.u32 s1, $0xD;
	s1 =	sshrl.u32 s1, $0x2  }
0x31: {  	s3 =	sand.u32 $0x4000, s31;
	s1 =	sadd.s32 s1, s30  }
0x32: {  	s0 =	sor.u32 s3, s0;
	s1 =	sshll.u32 s1, $0x11  }
0x33: {  	s0 =	sor.u32 s1, s0  }
0x34: {  	s0 =	sadd.s32 $0x8F2B, s0  }
0x35: {  	[sflag:s0] =	ssyncadd.remote.s32 $0x1  }
0x36: {  	_ =	sfence.sel $0xFFFF  }
0x37: {  	[dreg:$0x0] =	wrdreg $0xFFFFFFFF;
	(pc) =	sbr.abs _section_cstart, $3  }
0x38: {  	[dreg:$0x1] =	wrdreg $0xFFFFFFFF  }
0x39: {  	_ =	task.clear_ibuf [dreg:s7], $0x2FFFF;
	_ =	strace $0x9FFFFFFF  }
0x3a: {  	(tm) =	ssettm $0x7FFFFFFF  }
0x3b: {  	_ =	shalt  }
tec
execute0_lowered:
.L_overlay_start_1:
0x0: {  	(tag) =	ssettag $0x1  }
0x1: {  	s0 =	srdreg.scid  }
0x2: {  	s1 =	sshll.u32 s0, $0x4  }
0x3: {  	s0 =	stileid.u32;
	s1 =	sand.u32 $0x10, s1  }
0x4: {  	s1 =	sor.u32 s0, s1  }
0x5: {  	s6 =	rddreg [dreg:$0x0];
	s4 =	simm.s32 $0x1;
	s2 =	sshll.u32 s1, $0x7  }
0x6: {  	s7 =	simm.s32 $0x2;
	s12 =	simm.s32 $0x0;
	s1 =	ssub.s32 $0x1000, s2  }
0x7: {  	s8 =	simm.s32 $0x8000;
	s13 =	simm.s32 $0x0;
	s3 =	sand.u32 $0xF80, s1  }
0x8: {  	s9 =	simm.s32 $0x0;
	s5 =	sshrl.u32 s1, $0xC;
	p0 =	sne.s32 s3, $0x0  }
.Ltmp0:
0x9: {  	s1 =	rddreg [dreg:$0x2];
	s4 =	simm.s32 @!p0 $0x0;
	(pc) =	sbr.rel .LBB1_1-.Ltmp0, $4  }
0xa: {  	s11 =	simm.s32 $0x0;
	s3 =	rddreg [dreg:$0x1];
	s5 =	sadd.s32 s4, s5  }
0xb: {  	_ =	strace $0x8000004A;
	s4 =	simm.s32 $0x1;
	s5 =	smul.u32 $0xC8, s5  }
0xc: {  	s6 =	sadd.s32 $0xC80800, s6;
	s10 =	smov.u32 s2;
	[sflag:s4] =	ssyncpa.u1 $0x0  }
0xd: {  	p0 =	por $0x0, $0x0;
	[sflag:s7] =	ssyncpa.u1 $0x0;
	s7 =	sor.u32 $0x1, s5  }
.LBB1_4:
0xe: {  	s16 =	sshll.u32 s13, $0x3;
	s17 =	sand.u32 $0x78, s13  }
0xf: {  	s30 =	sand.u32 $0x7E00, s13;
	s12 =	sshll.u32 s12, $0xF;
	s16 =	sand.u32 $0xC00, s16  }
0x10: {  	[tilespmem:s15+$0x810 ss:$0x81] =	vst.msk $0xffff, v2;
	s31 =	sand.u32 $0x7, s13;
	s16 =	sor.u32 s17, s16;
	s17 =	sadd.s32 s3, s30  }
0x11: {  	[tilespmem:s15+$0x1020 ss:$0x81] =	vst.msk $0xffff, v0;
	s13 =	sshll.u32 s31, $0x12;
	s12 =	sadd.s32 s12, s17;
	s16 =	sshrl.u32 s16, $0x3  }
0x12: {  	[tilespmem:s15+$0x0 ss:$0x81] =	vst.msk $0xffff, v1;
	s13 =	sor.u32 $0x400, s13;
	s12 =	sadd.s32 s16, s12  }
0x13: {  	[hbm4b:s12+s13] =	stream.strided.scatter [tilespmem:s14], [sflag:$0x2], $0x2000, s8, s13, $0x20;
	[tilespmem:$0x8080] =	vst v63  }
.LBB1_5:
0x14: {  	s14 =	sadd.s32 $0x1, s9  }
0x15: {  	s12 =	sadd.s32 $0x1000, s10;
	s16 =	smov.u32 s10;
	p2 =	sgt.s32 s14, $0xC7  }
0x16: {  	s16 =	smov.u32 @p2 s12  }
0x17: {  	s14 =	simm.s32 @p2 $0x0;
	p2 =	sgt.s32 s16, $0xFFF  }
0x18: {  	s16 =	smov.u32 @p2 s2;
	p2 =	sne.s32 s11, s7  }
.Ltmp1:
0x19: {  	p1 =	slt.u32 s11, $0x2;
	(pc) =	sbr.rel @!p2 .LBB1_6-.Ltmp1, $4  }
0x1a: {  	s15 =	simm.s32 @!p1 $0x2  }
0x1b: {  	s13 =	smov.u32 s10;
	p0 =	por !p0, !p0;
	_ =	swait.ge @!p1 [sflag:s15], $0x2000  }
0x1c: {  	s12 =	smov.u32 s9;
	[sflag:s15] =	ssyncset.done @!p1 $0x0;
	s9 =	smov.u32 s14  }
0x1d: {  	s11 =	sadd.s32 $0x1, s11;
	[sflag:s15] =	ssyncadd.s32 @!p1 $0xFFFFE000;
	s10 =	smov.u32 s16  }
.LBB1_1:
0x1e: {  	p1 =	sge.u32 s11, s5  }
0x1f: {  	s14 =	sand.u32 @!p1 $0x1FFFFFF, s9  }
0x20: {  	s15 =	smulhi.u32 @!p1 $0x147AE15, s14;
	_ =	sdelay $0x1  }
0x21: {  	s15 =	smul.u32 @!p1 $0xC8, s15  }
0x22: {  	s16 =	sxor.u32 @!p1 $0xFFFFFFFF, s11;
	s17 =	smul.u32 @!p1 $0xC80, s10  }
0x23: {  	s31 =	sadd.s32 $0xFFFFFFFF, s11;
	s16 =	sshll.u32 @!p1 s16, $0xD;
	s14 =	ssub.s32 @!p1 s14, s15  }
0x24: {  	s15 =	sand.u32 @!p1 $0x2000, s16;
	s16 =	sadd.s32 @!p1 s6, s17;
	s14 =	sshll.u32 @!p1 s14, $0x4  }
0x25: {  	s17 =	simm.s32 @!p1 $0x6400;
	s14 =	sadd.s32 @!p1 s14, s16;
	s16 =	simm.s32 @!p1 $0x40  }
0x26: {  	[tilespmem:s15], [sflag:$0x1] =	stream.strided.gather @!p1 [hbm4b:s14+s16], $0x2000, s17, s16, $0x38;
	[tilespmem:$0x8080] =	vst v63  }
0x27: {  	p1 =	sge.u32 s31, s5  }
.Ltmp2:
0x28: {  	_ = 	snop;
	(pc) =	sbr.rel @p1 .LBB1_5-.Ltmp2, $1  }
0x29: {  	_ =	sdelay $0x3  }
0x2a: {  	s14 =	simm.s32 $0x1  }
0x2b: {  	_ =	swait.ge [sflag:s4], $0x2000;
	s14 =	simm.s32 @!p0 $0x0  }
0x2c: {  	[sflag:s4] =	ssyncset.done $0x0;
	s15 =	sshll.u32 s14, $0xD  }
0x2d: {  	[sflag:s4] =	ssyncadd.s32 $0xFFFFE000;
	s18 =	sor.u32 $0x20, s15  }
0x2e: {  	s14 =	smul.u32 $0x8100, s14;
	v3 =	vld [tilespmem:s18+$0x10]  }
0x2f: {  	s30 =	sand.u32 $0x1, s11;
	v2 =	vld [tilespmem:s18+$0xFFFFFFF0]  }
0x30: {  	s15 =	smul.u32 $0x8100, s30;
	s14 =	sshrl.u32 s14, $0x2;
	v0 =	vld [tilespmem:s18+$0x0]  }
0x31: {  	v1 =	vld [tilespmem:s18+$0xFFFFFFE0];
	s16 =	sor.u32 $0x4000, s14  }
0x32: {  	s31 =	sshrl.u32 s15, $0x2;
	s15 =	sadd.s32 $0x0, s16  }
0x33: {  	s17 =	simm.s32 $0x4;
	s18 =	sadd.s32 $0x40, s18;
	s14 =	sor.u32 $0x4000, s31;
	[tilespmem:s15+$0x1830 ss:$0x81] =	vst.msk $0xffff, v3  }
.LBB1_3:
0x34: {  	v3 =	vld [tilespmem:s18+$0x10];
	p1 =	sne.s32 s17, $0x1FC;
	[tilespmem:s15+$0x810 ss:$0x81] =	vst.msk $0xffff, v2;
	s19 =	smov.u32 s17;
	s17 =	sadd.s32 $0x4, s17  }
.Ltmp3:
0x35: {  	v2 =	vld [tilespmem:s18+$0xFFFFFFF0];
	[tilespmem:s15+$0x1020 ss:$0x81] =	vst.msk $0xffff, v0;
	(pc) =	sbr.rel @p1 .LBB1_3-.Ltmp3, $4  }
0x36: {  	v0 =	vld [tilespmem:s18+$0x0];
	[tilespmem:s15+$0x0 ss:$0x81] =	vst.msk $0xffff, v1  }
0x37: {  	s15 =	sshra.s32 s19, $0x2;
	v1 =	vld [tilespmem:s18+$0xFFFFFFE0]  }
0x38: {  	s15 =	sadd.s32 s15, s16  }
0x39: {  	s18 =	sadd.s32 $0x40, s18;
	[tilespmem:s15+$0x1830 ss:$0x81] =	vst.msk $0xffff, v3  }
.Ltmp4:
0x3a: {  	_ = 	snop;
	(pc) =	sbr.rel .LBB1_4-.Ltmp4, $1  }
0x3b: {  	_ =	sdelay $0x3  }
.LBB1_6:
0x3c: {  	_ =	sfence.sel $0x180000  }
0x3d: {  	s2 =	simm.s32 $0x1;
	[bflag:$0x0] =	sbarrier.arrive $0xFFFF  }
0x3e: {  	s31 =	simm.s32 $0x2;
	[sflag:s2] =	ssyncpa.u1 $0x1  }
0x3f: {  	[sflag:s31] =	ssyncpa.u1 $0x1  }
0x40: {  	p0 =	sne.s32 s0, $0x0;
	_ =	strace $0x9000004A  }
0x41: {  	s0 =	sadd.s32 @!p0 $0x100000, s1;
	[bflag:$0x2] =	sbarrier.arrive $0xFFFF  }
0x42: {  	[sflag:s0] =	ssyncadd.tile.s32 @!p0 $0x1;
	_ =	shalt  }
.Lfunc_end1:
_tile_overlayer_lowered:
.L_overlay_start_2:
0x43: {  	(tag) =	ssettag $0x2  }
0x44: {  	s0 =	rddreg [dreg:$0x0];
	s2 =	stileid.u32  }
0x45: {  	s1 =	rddreg [dreg:$0x1];
	p0 =	sne.s32 s2, $0x0  }
0x46: {  	s3 =	rddreg [dreg:$0x2];
	[bflag:$0x3] =	sbarrier.arrive $0xFFFF;
	s2 =	simm.s32 @!p0 $0x1C01  }
0x47: {  	[timem:s3], [sflag:s2] =	dma.local @!p0 [hbm:s0], s1  }
0x48: {  	s0 =	simm.s32 @!p0 $0x1  }
0x49: {  	_ =	swait.ge @!p0 [sflag:s0], s1  }
0x4a: {  	s1 =	ssub.s32 @!p0 $0x0, s1;
	[sflag:s0] =	ssyncset.done @!p0 $0x0  }
0x4b: {  	[sflag:s0] =	ssyncadd.s32 @!p0 s1  }
0x4c: {  	[bflag:$0x3] =	sbarrier.arrive $0xFFFF  }
0x4d: {  	_ =	shalt  }

</sc_bundles>
